<compile_context>
chip_gen: v7x
topology: tpu7x:2x2x1
jax: 0.10.2.dev20260603
libtpu: 0.0.44.dev20260713+nightly
codegen_flags: <defaults>
</compile_context>

<pallas_src>
import jax
import jax.numpy as jnp
from jax import lax
from jax.experimental import pallas as pl
from jax.experimental.pallas import tpu as pltpu
from jax.experimental.pallas import tpu_sc as plsc

LANES = 16
BINS = 256
CHUNK = 16384


def _sc_body(x_hbm, out_hbm, buf0, buf1, hist, merged, pbuf, outbuf0, outbuf1,
             shared, sem0, sem1, osem):
    c = lax.axis_index("c")
    s = lax.axis_index("s")
    row = 8 * c + (s // 2)
    half = s % 2
    n = x_hbm.shape[1]
    half_n = n // 2
    nchunk = half_n // CHUNK
    base = half * half_n

    zeros = jnp.zeros((LANES,), jnp.float32)

    @plsc.parallel_loop(0, BINS, unroll=8)
    def _(i):
        hist[i, :] = zeros

    @plsc.parallel_loop(0, BINS // LANES, unroll=4)
    def _(i):
        merged[pl.ds(i * LANES, LANES)] = zeros

    lane_off = lax.iota(jnp.int32, LANES)
    ones = jnp.ones((LANES,), jnp.float32)

    def chunk_loop(buf):
        @plsc.parallel_loop(0, CHUNK // LANES, unroll=16)
        def _(i):
            v = buf[pl.ds(i * LANES, LANES)]
            plsc.addupdate_scatter(hist, [v.astype(jnp.int32), lane_off], ones)

    cp = pltpu.async_copy(x_hbm.at[row, pl.ds(base, CHUNK)], buf0, sem0)
    for g in range(nchunk):
        buf, nbuf, nsem = (buf0, buf1, sem1) if g % 2 == 0 else (buf1, buf0, sem0)
        ncp = None
        if g + 1 < nchunk:
            ncp = pltpu.async_copy(
                x_hbm.at[row, pl.ds(base + (g + 1) * CHUNK, CHUNK)], nbuf, nsem
            )
        cp.wait()
        chunk_loop(buf)
        cp = ncp

    @plsc.parallel_loop(0, BINS, unroll=4)
    def _(b):
        idx = lax.broadcast(b, (LANES,))
        plsc.addupdate_scatter(merged, [idx], hist[b, :])

    pltpu.sync_copy(merged, shared.at[s])
    plsc.subcore_barrier()
    pltpu.sync_copy(shared.at[s ^ 1], pbuf)

    @plsc.parallel_loop(0, BINS // LANES, unroll=4)
    def _(i):
        sl = pl.ds(i * LANES, LANES)
        merged[sl] = merged[sl] + pbuf[sl]

    gb0 = half * (BINS // 2)
    ocps = []
    for piece, outbuf in enumerate((outbuf0, outbuf1)):
        pb0 = gb0 + piece * (BINS // 4)

        @plsc.parallel_loop(0, BINS // 4, unroll=2)
        def _(b):
            idx = lax.broadcast(pb0 + b, (LANES,))
            tot = plsc.load_gather(merged, [idx])
            for k in range(BINS // LANES):
                outbuf[b, pl.ds(k * LANES, LANES)] = tot

        ocps.append(
            pltpu.async_copy(outbuf, out_hbm.at[row, pl.ds(pb0, BINS // 4)], osem)
        )
    for ocp in ocps:
        ocp.wait()


@jax.jit
def kernel(x):
    b, n = x.shape
    sc_hist = pl.kernel(
        _sc_body,
        out_type=jax.ShapeDtypeStruct((b, BINS, BINS), jnp.float32),
        mesh=plsc.VectorSubcoreMesh(core_axis_name="c", subcore_axis_name="s"),
        scratch_types=[
            pltpu.VMEM((CHUNK,), jnp.float32),
            pltpu.VMEM((CHUNK,), jnp.float32),
            pltpu.VMEM((BINS, LANES), jnp.float32),
            pltpu.VMEM((BINS,), jnp.float32),
            pltpu.VMEM((BINS,), jnp.float32),
            pltpu.VMEM((BINS // 4, BINS), jnp.float32),
            pltpu.VMEM((BINS // 4, BINS), jnp.float32),
            pltpu.VMEM_SHARED((LANES, BINS), jnp.float32),
            pltpu.SemaphoreType.DMA,
            pltpu.SemaphoreType.DMA,
            pltpu.SemaphoreType.DMA,
        ],
        compiler_params=pltpu.CompilerParams(needs_layout_passes=False),
    )
    return sc_hist(x)

# --- scband reference (transcript-rebuilt; emitter-appended) ---
"""Pipeline reference for scband-cooccurrence-matrix-59777354825861 (READ-ONLY COPY).

The authoritative reference and input builder live on the scoring server;
editing this copy changes nothing except your own understanding.
"""

import jax, jax.numpy as jnp
import numpy as np

LEVELS = 256
BATCH = 16
FLAT = 786432  # 3 * 512 * 512 flattened image


def setup_inputs(seed: int = 0) -> dict:
    key = jax.random.key(seed)
    # pixel-like values in [0, 256)
    x = jax.random.uniform(key, (BATCH, FLAT), dtype=jnp.float32, minval=0.0, maxval=float(LEVELS))
    return {"x": x}


def reference(x):
    # Faithful translation of CooccurrenceMatrix.forward:
    # for each batch row, cv2.calcHist([img_uint8], [0], None, [levels], [0, levels])
    # produces a (levels, 1) histogram which numpy-broadcasts into the
    # (levels, levels) slice cooccurrence_matrix[i] (replicated across columns).
    levels = LEVELS
    b = x.shape[0]
    # uint8 cast / binning of pixel values
    idx = jnp.clip(x.astype(jnp.int32), 0, levels - 1)
    row = jnp.arange(b, dtype=jnp.int32)[:, None]
    gidx = (idx + row * levels).ravel()
    ones = jnp.ones(x.shape, dtype=jnp.float32).ravel()
    hist = jax.ops.segment_sum(ones, gidx, num_segments=b * levels)
    hist = hist.reshape(b, levels)
    # broadcast (levels, 1) histogram across columns -> (b, levels, levels)
    cooccurrence_matrix = jnp.broadcast_to(hist[:, :, None], (b, levels, levels))
    return cooccurrence_matrix

if __name__ == "__main__":
    import jax
    _d = setup_inputs()
    print(jax.jit(kernel)(*tuple(_d.values())))

</pallas_src>

<mosaic_0001>
#map = affine_map<(d0, d1) -> (0, 0)>
#map1 = affine_map<(d0, d1) -> (0, 0, 0)>
module attributes {stable_mosaic.version = 14 : i64} {
  func.func @_sc_body(%arg0: i32, %arg1: i32, %arg2: memref<16x786432xf32, #tpu.memory_space<hbm>>, %arg3: memref<16x256x256xf32, #tpu.memory_space<hbm>>, %arg4: memref<16384xf32, #tpu.memory_space<vmem>>, %arg5: memref<16384xf32, #tpu.memory_space<vmem>>, %arg6: memref<256x16xf32, #tpu.memory_space<vmem>>, %arg7: memref<256xf32, #tpu.memory_space<vmem>>, %arg8: memref<256xf32, #tpu.memory_space<vmem>>, %arg9: memref<64x256xf32, #tpu.memory_space<vmem>>, %arg10: memref<64x256xf32, #tpu.memory_space<vmem>>, %arg11: memref<16x256xf32, #tpu.memory_space<vmem_shared>>, %arg12: memref<!tpu.dma_semaphore, #tpu.memory_space<semaphore_mem>>, %arg13: memref<!tpu.dma_semaphore, #tpu.memory_space<semaphore_mem>>, %arg14: memref<!tpu.dma_semaphore, #tpu.memory_space<semaphore_mem>>) attributes {dimension_semantics = [#tpu.dimension_semantics<core_parallel>, #tpu.dimension_semantics<subcore_parallel>], iteration_bounds = array<i64: 2, 16>, scalar_prefetch = 0 : i64, scratch_operands = 11 : i64, tpu.core_type = #tpu.core_type<sc_vector_subcore>, window_params = [{transform_indices = #map}, {transform_indices = #map1}]} {
    %mul3A = arith.constant 8 : i32
    %mul3A_0 = arith.muli %mul3A, %arg0 : i32
    %jit3A = arith.constant 2 : i32
    %div3A = arith.divsi %arg1, %jit3A : i32
    %sign3A = arith.constant 0 : i32
    %sign3A_1 = arith.cmpi sgt, %arg1, %sign3A : i32
    %sign3A_2 = arith.extui %sign3A_1 : i1 to i32
    %sign3A_3 = arith.constant 0 : i32
    %sign3A_4 = arith.cmpi slt, %arg1, %sign3A_3 : i32
    %sign3A_5 = arith.extui %sign3A_4 : i1 to i32
    %sign3A_6 = arith.subi %sign3A_2, %sign3A_5 : i32
    %sign3A_7 = arith.constant 0 : i32
    %sign3A_8 = arith.cmpi sgt, %jit3A, %sign3A_7 : i32
    %sign3A_9 = arith.extui %sign3A_8 : i1 to i32
    %sign3A_10 = arith.constant 0 : i32
    %sign3A_11 = arith.cmpi slt, %jit3A, %sign3A_10 : i32
    %sign3A_12 = arith.extui %sign3A_11 : i1 to i32
    %sign3A_13 = arith.subi %sign3A_9, %sign3A_12 : i32
    %ne3A = arith.cmpi ne, %sign3A_6, %sign3A_13 : i32
    %rem3A = arith.remsi %arg1, %jit3A : i32
    %ne3A_14 = arith.constant 0 : i32
    %ne3A_15 = arith.cmpi ne, %rem3A, %ne3A_14 : i32
    %and3A = arith.andi %ne3A, %ne3A_15 : i1
    %sub3A = arith.constant 1 : i32
    %sub3A_16 = arith.subi %div3A, %sub3A : i32
    %select_n3A = arith.select %and3A, %sub3A_16, %div3A : i32
    %add3A = arith.addi %mul3A_0, %select_n3A : i32
    %jit3A_17 = arith.constant 2 : i32
    %eq3A = arith.constant 0 : i32
    %eq3A_18 = arith.cmpi eq, %jit3A_17, %eq3A : i32
    %jit3A_19 = arith.constant 1 : i32
    %select_n3A_20 = arith.select %eq3A_18, %jit3A_19, %jit3A_17 : i32
    %rem3A_21 = arith.remsi %arg1, %select_n3A_20 : i32
    %ne3A_22 = arith.constant 0 : i32
    %ne3A_23 = arith.cmpi ne, %rem3A_21, %ne3A_22 : i32
    %lt3A = arith.constant 0 : i32
    %lt3A_24 = arith.cmpi slt, %rem3A_21, %lt3A : i32
    %lt3A_25 = arith.constant 0 : i32
    %lt3A_26 = arith.cmpi slt, %select_n3A_20, %lt3A_25 : i32
    %ne3A_27 = arith.xori %lt3A_24, %lt3A_26 : i1
    %and3A_28 = arith.andi %ne3A_27, %ne3A_23 : i1
    %add3A_29 = arith.addi %rem3A_21, %select_n3A_20 : i32
    %select_n3A_30 = arith.select %and3A_28, %add3A_29, %rem3A_21 : i32
    %mul3A_31 = arith.constant 393216 : i32
    %mul3A_32 = arith.muli %select_n3A_30, %mul3A_31 : i32
    %broadcast_in_dim3A = arith.constant 0.000000e+00 : f32
    %broadcast_in_dim3A_33 = vector.broadcast %broadcast_in_dim3A : f32 to vector<16xf32>
    %parallel_loop3A = arith.constant 0 : i32
    %parallel_loop3A_34 = arith.constant 256 : i32
    %parallel_loop3A_35 = arith.constant 1 : i32
    scf.for %parallel_loop3A_392 = %parallel_loop3A to %parallel_loop3A_34 step %parallel_loop3A_35  : i32 {
      %parallel_loop3A_393 = arith.index_cast %parallel_loop3A_392 : i32 to index
      %parallel_loop3A_394 = arith.constant 0 : index
      %parallel_loop3A_395 = tpu.vector_load %arg6[%parallel_loop3A_393, %parallel_loop3A_394] {strides = array<i32>} : memref<256x16xf32, #tpu.memory_space<vmem>>, vector<16xf32>,
      tpu.vector_store %arg6[%parallel_loop3A_393, %parallel_loop3A_394], %broadcast_in_dim3A_33 {strides = array<i32>} : memref<256x16xf32, #tpu.memory_space<vmem>>, vector<16xf32>,
    } {sc.loop_unroll_factor = 8 : i64, sc.parallel_access}
    %parallel_loop3A_36 = arith.constant 0 : i32
    %parallel_loop3A_37 = arith.constant 16 : i32
    %parallel_loop3A_38 = arith.constant 1 : i32
    scf.for %parallel_loop3A_392 = %parallel_loop3A_36 to %parallel_loop3A_37 step %parallel_loop3A_38  : i32 {
      %parallel_loop3A_393 = arith.constant 16 : i32
      %parallel_loop3A_394 = arith.muli %parallel_loop3A_392, %parallel_loop3A_393 : i32
      %parallel_loop3A_395 = arith.index_cast %parallel_loop3A_394 : i32 to index
      %parallel_loop3A_396 = tpu.vector_load %arg7[%parallel_loop3A_395] {strides = array<i32>} : memref<256xf32, #tpu.memory_space<vmem>>, vector<16xf32>,
      tpu.vector_store %arg7[%parallel_loop3A_395], %broadcast_in_dim3A_33 {strides = array<i32>} : memref<256xf32, #tpu.memory_space<vmem>>, vector<16xf32>,
    } {sc.loop_unroll_factor = 4 : i64, sc.parallel_access}
    %iota3A = tpu.iota {dimensions = array<i32: 0>} : vector<16xi32>
    %broadcast_in_dim3A_39 = arith.constant 1.000000e+00 : f32
    %broadcast_in_dim3A_40 = vector.broadcast %broadcast_in_dim3A_39 : f32 to vector<16xf32>
    %dma_start3A = tpu.memref_slice %arg2[%add3A, %mul3A_32] : memref<16x786432xf32, #tpu.memory_space<hbm>> -> memref<1x16384xf32, #tpu.memory_space<hbm>>
    %dma_start3A_41 = tpu.memref_squeeze %dma_start3A : memref<1x16384xf32, #tpu.memory_space<hbm>> -> memref<16384xf32, #tpu.memory_space<hbm>>
    %dma_start3A_42 = tpu.memref_slice %arg2[%add3A, %mul3A_32] : memref<16x786432xf32, #tpu.memory_space<hbm>> -> memref<1x16384xf32, #tpu.memory_space<hbm>>
    %dma_start3A_43 = tpu.memref_squeeze %dma_start3A_42 : memref<1x16384xf32, #tpu.memory_space<hbm>> -> memref<16384xf32, #tpu.memory_space<hbm>>
    tpu.enqueue_dma source(%dma_start3A_43 : memref<16384xf32, #tpu.memory_space<hbm>>) target(%arg4 : memref<16384xf32, #tpu.memory_space<vmem>>) target_semaphore(%arg12 : memref<!tpu.dma_semaphore, #tpu.memory_space<semaphore_mem>>)
    %add3A_44 = arith.constant 16384 : i32
    %add3A_45 = arith.addi %mul3A_32, %add3A_44 : i32
    %dma_start3A_46 = tpu.memref_slice %arg2[%add3A, %add3A_45] : memref<16x786432xf32, #tpu.memory_space<hbm>> -> memref<1x16384xf32, #tpu.memory_space<hbm>>
    %dma_start3A_47 = tpu.memref_squeeze %dma_start3A_46 : memref<1x16384xf32, #tpu.memory_space<hbm>> -> memref<16384xf32, #tpu.memory_space<hbm>>
    %dma_start3A_48 = tpu.memref_slice %arg2[%add3A, %add3A_45] : memref<16x786432xf32, #tpu.memory_space<hbm>> -> memref<1x16384xf32, #tpu.memory_space<hbm>>
    %dma_start3A_49 = tpu.memref_squeeze %dma_start3A_48 : memref<1x16384xf32, #tpu.memory_space<hbm>> -> memref<16384xf32, #tpu.memory_space<hbm>>
    tpu.enqueue_dma source(%dma_start3A_49 : memref<16384xf32, #tpu.memory_space<hbm>>) target(%arg5 : memref<16384xf32, #tpu.memory_space<vmem>>) target_semaphore(%arg13 : memref<!tpu.dma_semaphore, #tpu.memory_space<semaphore_mem>>)
    %dma_wait3A = tpu.memref_slice %arg2[%add3A, %mul3A_32] : memref<16x786432xf32, #tpu.memory_space<hbm>> -> memref<1x16384xf32, #tpu.memory_space<hbm>>
    %dma_wait3A_50 = tpu.memref_squeeze %dma_wait3A : memref<1x16384xf32, #tpu.memory_space<hbm>> -> memref<16384xf32, #tpu.memory_space<hbm>>
    %dma_wait3A_51 = tpu.memref_slice %arg2[%add3A, %mul3A_32] : memref<16x786432xf32, #tpu.memory_space<hbm>> -> memref<1x16384xf32, #tpu.memory_space<hbm>>
    %dma_wait3A_52 = tpu.memref_squeeze %dma_wait3A_51 : memref<1x16384xf32, #tpu.memory_space<hbm>> -> memref<16384xf32, #tpu.memory_space<hbm>>
    tpu.wait_dma2 semaphore(%arg12 : memref<!tpu.dma_semaphore, #tpu.memory_space<semaphore_mem>>) src(%dma_wait3A_52 : memref<16384xf32, #tpu.memory_space<hbm>>) dst(%arg4 : memref<16384xf32, #tpu.memory_space<vmem>>)
    %parallel_loop3A_53 = arith.constant 0 : i32
    %parallel_loop3A_54 = arith.constant 1024 : i32
    %parallel_loop3A_55 = arith.constant 1 : i32
    scf.for %parallel_loop3A_392 = %parallel_loop3A_53 to %parallel_loop3A_54 step %parallel_loop3A_55  : i32 {
      %parallel_loop3A_393 = arith.constant 16 : i32
      %parallel_loop3A_394 = arith.muli %parallel_loop3A_392, %parallel_loop3A_393 : i32
      %parallel_loop3A_395 = arith.index_cast %parallel_loop3A_394 : i32 to index
      %parallel_loop3A_396 = tpu.vector_load %arg4[%parallel_loop3A_395] {strides = array<i32>} : memref<16384xf32, #tpu.memory_space<vmem>>, vector<16xf32>,
      %parallel_loop3A_397 = arith.fptosi %parallel_loop3A_396 : vector<16xf32> to vector<16xi32>
      tpu.vector_store_idx %arg6[%parallel_loop3A_397, %iota3A], %broadcast_in_dim3A_40 {add = true} : memref<256x16xf32, #tpu.memory_space<vmem>>[vector<16xi32>, vector<16xi32>], vector<16xf32>,
    } {sc.loop_unroll_factor = 16 : i64, sc.parallel_access}
    %add3A_56 = arith.constant 32768 : i32
    %add3A_57 = arith.addi %mul3A_32, %add3A_56 : i32
    %dma_start3A_58 = tpu.memref_slice %arg2[%add3A, %add3A_57] : memref<16x786432xf32, #tpu.memory_space<hbm>> -> memref<1x16384xf32, #tpu.memory_space<hbm>>
    %dma_start3A_59 = tpu.memref_squeeze %dma_start3A_58 : memref<1x16384xf32, #tpu.memory_space<hbm>> -> memref<16384xf32, #tpu.memory_space<hbm>>
    %dma_start3A_60 = tpu.memref_slice %arg2[%add3A, %add3A_57] : memref<16x786432xf32, #tpu.memory_space<hbm>> -> memref<1x16384xf32, #tpu.memory_space<hbm>>
    %dma_start3A_61 = tpu.memref_squeeze %dma_start3A_60 : memref<1x16384xf32, #tpu.memory_space<hbm>> -> memref<16384xf32, #tpu.memory_space<hbm>>
    tpu.enqueue_dma source(%dma_start3A_61 : memref<16384xf32, #tpu.memory_space<hbm>>) target(%arg4 : memref<16384xf32, #tpu.memory_space<vmem>>) target_semaphore(%arg12 : memref<!tpu.dma_semaphore, #tpu.memory_space<semaphore_mem>>)
    %dma_wait3A_62 = tpu.memref_slice %arg2[%add3A, %add3A_45] : memref<16x786432xf32, #tpu.memory_space<hbm>> -> memref<1x16384xf32, #tpu.memory_space<hbm>>
    %dma_wait3A_63 = tpu.memref_squeeze %dma_wait3A_62 : memref<1x16384xf32, #tpu.memory_space<hbm>> -> memref<16384xf32, #tpu.memory_space<hbm>>
    %dma_wait3A_64 = tpu.memref_slice %arg2[%add3A, %add3A_45] : memref<16x786432xf32, #tpu.memory_space<hbm>> -> memref<1x16384xf32, #tpu.memory_space<hbm>>
    %dma_wait3A_65 = tpu.memref_squeeze %dma_wait3A_64 : memref<1x16384xf32, #tpu.memory_space<hbm>> -> memref<16384xf32, #tpu.memory_space<hbm>>
    tpu.wait_dma2 semaphore(%arg13 : memref<!tpu.dma_semaphore, #tpu.memory_space<semaphore_mem>>) src(%dma_wait3A_65 : memref<16384xf32, #tpu.memory_space<hbm>>) dst(%arg5 : memref<16384xf32, #tpu.memory_space<vmem>>)
    %parallel_loop3A_66 = arith.constant 0 : i32
    %parallel_loop3A_67 = arith.constant 1024 : i32
    %parallel_loop3A_68 = arith.constant 1 : i32
    scf.for %parallel_loop3A_392 = %parallel_loop3A_66 to %parallel_loop3A_67 step %parallel_loop3A_68  : i32 {
      %parallel_loop3A_393 = arith.constant 16 : i32
      %parallel_loop3A_394 = arith.muli %parallel_loop3A_392, %parallel_loop3A_393 : i32
      %parallel_loop3A_395 = arith.index_cast %parallel_loop3A_394 : i32 to index
      %parallel_loop3A_396 = tpu.vector_load %arg5[%parallel_loop3A_395] {strides = array<i32>} : memref<16384xf32, #tpu.memory_space<vmem>>, vector<16xf32>,
      %parallel_loop3A_397 = arith.fptosi %parallel_loop3A_396 : vector<16xf32> to vector<16xi32>
      tpu.vector_store_idx %arg6[%parallel_loop3A_397, %iota3A], %broadcast_in_dim3A_40 {add = true} : memref<256x16xf32, #tpu.memory_space<vmem>>[vector<16xi32>, vector<16xi32>], vector<16xf32>,
    } {sc.loop_unroll_factor = 16 : i64, sc.parallel_access}
    %add3A_69 = arith.constant 49152 : i32
    %add3A_70 = arith.addi %mul3A_32, %add3A_69 : i32
    %dma_start3A_71 = tpu.memref_slice %arg2[%add3A, %add3A_70] : memref<16x786432xf32, #tpu.memory_space<hbm>> -> memref<1x16384xf32, #tpu.memory_space<hbm>>
    %dma_start3A_72 = tpu.memref_squeeze %dma_start3A_71 : memref<1x16384xf32, #tpu.memory_space<hbm>> -> memref<16384xf32, #tpu.memory_space<hbm>>
    %dma_start3A_73 = tpu.memref_slice %arg2[%add3A, %add3A_70] : memref<16x786432xf32, #tpu.memory_space<hbm>> -> memref<1x16384xf32, #tpu.memory_space<hbm>>
    %dma_start3A_74 = tpu.memref_squeeze %dma_start3A_73 : memref<1x16384xf32, #tpu.memory_space<hbm>> -> memref<16384xf32, #tpu.memory_space<hbm>>
    tpu.enqueue_dma source(%dma_start3A_74 : memref<16384xf32, #tpu.memory_space<hbm>>) target(%arg5 : memref<16384xf32, #tpu.memory_space<vmem>>) target_semaphore(%arg13 : memref<!tpu.dma_semaphore, #tpu.memory_space<semaphore_mem>>)
    %dma_wait3A_75 = tpu.memref_slice %arg2[%add3A, %add3A_57] : memref<16x786432xf32, #tpu.memory_space<hbm>> -> memref<1x16384xf32, #tpu.memory_space<hbm>>
    %dma_wait3A_76 = tpu.memref_squeeze %dma_wait3A_75 : memref<1x16384xf32, #tpu.memory_space<hbm>> -> memref<16384xf32, #tpu.memory_space<hbm>>
    %dma_wait3A_77 = tpu.memref_slice %arg2[%add3A, %add3A_57] : memref<16x786432xf32, #tpu.memory_space<hbm>> -> memref<1x16384xf32, #tpu.memory_space<hbm>>
    %dma_wait3A_78 = tpu.memref_squeeze %dma_wait3A_77 : memref<1x16384xf32, #tpu.memory_space<hbm>> -> memref<16384xf32, #tpu.memory_space<hbm>>
    tpu.wait_dma2 semaphore(%arg12 : memref<!tpu.dma_semaphore, #tpu.memory_space<semaphore_mem>>) src(%dma_wait3A_78 : memref<16384xf32, #tpu.memory_space<hbm>>) dst(%arg4 : memref<16384xf32, #tpu.memory_space<vmem>>)
    %parallel_loop3A_79 = arith.constant 0 : i32
    %parallel_loop3A_80 = arith.constant 1024 : i32
    %parallel_loop3A_81 = arith.constant 1 : i32
    scf.for %parallel_loop3A_392 = %parallel_loop3A_79 to %parallel_loop3A_80 step %parallel_loop3A_81  : i32 {
      %parallel_loop3A_393 = arith.constant 16 : i32
      %parallel_loop3A_394 = arith.muli %parallel_loop3A_392, %parallel_loop3A_393 : i32
      %parallel_loop3A_395 = arith.index_cast %parallel_loop3A_394 : i32 to index
      %parallel_loop3A_396 = tpu.vector_load %arg4[%parallel_loop3A_395] {strides = array<i32>} : memref<16384xf32, #tpu.memory_space<vmem>>, vector<16xf32>,
      %parallel_loop3A_397 = arith.fptosi %parallel_loop3A_396 : vector<16xf32> to vector<16xi32>
      tpu.vector_store_idx %arg6[%parallel_loop3A_397, %iota3A], %broadcast_in_dim3A_40 {add = true} : memref<256x16xf32, #tpu.memory_space<vmem>>[vector<16xi32>, vector<16xi32>], vector<16xf32>,
    } {sc.loop_unroll_factor = 16 : i64, sc.parallel_access}
    %add3A_82 = arith.constant 65536 : i32
    %add3A_83 = arith.addi %mul3A_32, %add3A_82 : i32
    %dma_start3A_84 = tpu.memref_slice %arg2[%add3A, %add3A_83] : memref<16x786432xf32, #tpu.memory_space<hbm>> -> memref<1x16384xf32, #tpu.memory_space<hbm>>
    %dma_start3A_85 = tpu.memref_squeeze %dma_start3A_84 : memref<1x16384xf32, #tpu.memory_space<hbm>> -> memref<16384xf32, #tpu.memory_space<hbm>>
    %dma_start3A_86 = tpu.memref_slice %arg2[%add3A, %add3A_83] : memref<16x786432xf32, #tpu.memory_space<hbm>> -> memref<1x16384xf32, #tpu.memory_space<hbm>>
    %dma_start3A_87 = tpu.memref_squeeze %dma_start3A_86 : memref<1x16384xf32, #tpu.memory_space<hbm>> -> memref<16384xf32, #tpu.memory_space<hbm>>
    tpu.enqueue_dma source(%dma_start3A_87 : memref<16384xf32, #tpu.memory_space<hbm>>) target(%arg4 : memref<16384xf32, #tpu.memory_space<vmem>>) target_semaphore(%arg12 : memref<!tpu.dma_semaphore, #tpu.memory_space<semaphore_mem>>)
    %dma_wait3A_88 = tpu.memref_slice %arg2[%add3A, %add3A_70] : memref<16x786432xf32, #tpu.memory_space<hbm>> -> memref<1x16384xf32, #tpu.memory_space<hbm>>
    %dma_wait3A_89 = tpu.memref_squeeze %dma_wait3A_88 : memref<1x16384xf32, #tpu.memory_space<hbm>> -> memref<16384xf32, #tpu.memory_space<hbm>>
    %dma_wait3A_90 = tpu.memref_slice %arg2[%add3A, %add3A_70] : memref<16x786432xf32, #tpu.memory_space<hbm>> -> memref<1x16384xf32, #tpu.memory_space<hbm>>
    %dma_wait3A_91 = tpu.memref_squeeze %dma_wait3A_90 : memref<1x16384xf32, #tpu.memory_space<hbm>> -> memref<16384xf32, #tpu.memory_space<hbm>>
    tpu.wait_dma2 semaphore(%arg13 : memref<!tpu.dma_semaphore, #tpu.memory_space<semaphore_mem>>) src(%dma_wait3A_91 : memref<16384xf32, #tpu.memory_space<hbm>>) dst(%arg5 : memref<16384xf32, #tpu.memory_space<vmem>>)
    %parallel_loop3A_92 = arith.constant 0 : i32
    %parallel_loop3A_93 = arith.constant 1024 : i32
    %parallel_loop3A_94 = arith.constant 1 : i32
    scf.for %parallel_loop3A_392 = %parallel_loop3A_92 to %parallel_loop3A_93 step %parallel_loop3A_94  : i32 {
      %parallel_loop3A_393 = arith.constant 16 : i32
      %parallel_loop3A_394 = arith.muli %parallel_loop3A_392, %parallel_loop3A_393 : i32
      %parallel_loop3A_395 = arith.index_cast %parallel_loop3A_394 : i32 to index
      %parallel_loop3A_396 = tpu.vector_load %arg5[%parallel_loop3A_395] {strides = array<i32>} : memref<16384xf32, #tpu.memory_space<vmem>>, vector<16xf32>,
      %parallel_loop3A_397 = arith.fptosi %parallel_loop3A_396 : vector<16xf32> to vector<16xi32>
      tpu.vector_store_idx %arg6[%parallel_loop3A_397, %iota3A], %broadcast_in_dim3A_40 {add = true} : memref<256x16xf32, #tpu.memory_space<vmem>>[vector<16xi32>, vector<16xi32>], vector<16xf32>,
    } {sc.loop_unroll_factor = 16 : i64, sc.parallel_access}
    %add3A_95 = arith.constant 81920 : i32
    %add3A_96 = arith.addi %mul3A_32, %add3A_95 : i32
    %dma_start3A_97 = tpu.memref_slice %arg2[%add3A, %add3A_96] : memref<16x786432xf32, #tpu.memory_space<hbm>> -> memref<1x16384xf32, #tpu.memory_space<hbm>>
    %dma_start3A_98 = tpu.memref_squeeze %dma_start3A_97 : memref<1x16384xf32, #tpu.memory_space<hbm>> -> memref<16384xf32, #tpu.memory_space<hbm>>
    %dma_start3A_99 = tpu.memref_slice %arg2[%add3A, %add3A_96] : memref<16x786432xf32, #tpu.memory_space<hbm>> -> memref<1x16384xf32, #tpu.memory_space<hbm>>
    %dma_start3A_100 = tpu.memref_squeeze %dma_start3A_99 : memref<1x16384xf32, #tpu.memory_space<hbm>> -> memref<16384xf32, #tpu.memory_space<hbm>>
    tpu.enqueue_dma source(%dma_start3A_100 : memref<16384xf32, #tpu.memory_space<hbm>>) target(%arg5 : memref<16384xf32, #tpu.memory_space<vmem>>) target_semaphore(%arg13 : memref<!tpu.dma_semaphore, #tpu.memory_space<semaphore_mem>>)
    %dma_wait3A_101 = tpu.memref_slice %arg2[%add3A, %add3A_83] : memref<16x786432xf32, #tpu.memory_space<hbm>> -> memref<1x16384xf32, #tpu.memory_space<hbm>>
    %dma_wait3A_102 = tpu.memref_squeeze %dma_wait3A_101 : memref<1x16384xf32, #tpu.memory_space<hbm>> -> memref<16384xf32, #tpu.memory_space<hbm>>
    %dma_wait3A_103 = tpu.memref_slice %arg2[%add3A, %add3A_83] : memref<16x786432xf32, #tpu.memory_space<hbm>> -> memref<1x16384xf32, #tpu.memory_space<hbm>>
    %dma_wait3A_104 = tpu.memref_squeeze %dma_wait3A_103 : memref<1x16384xf32, #tpu.memory_space<hbm>> -> memref<16384xf32, #tpu.memory_space<hbm>>
    tpu.wait_dma2 semaphore(%arg12 : memref<!tpu.dma_semaphore, #tpu.memory_space<semaphore_mem>>) src(%dma_wait3A_104 : memref<16384xf32, #tpu.memory_space<hbm>>) dst(%arg4 : memref<16384xf32, #tpu.memory_space<vmem>>)
    %parallel_loop3A_105 = arith.constant 0 : i32
    %parallel_loop3A_106 = arith.constant 1024 : i32
    %parallel_loop3A_107 = arith.constant 1 : i32
    scf.for %parallel_loop3A_392 = %parallel_loop3A_105 to %parallel_loop3A_106 step %parallel_loop3A_107  : i32 {
      %parallel_loop3A_393 = arith.constant 16 : i32
      %parallel_loop3A_394 = arith.muli %parallel_loop3A_392, %parallel_loop3A_393 : i32
      %parallel_loop3A_395 = arith.index_cast %parallel_loop3A_394 : i32 to index
      %parallel_loop3A_396 = tpu.vector_load %arg4[%parallel_loop3A_395] {strides = array<i32>} : memref<16384xf32, #tpu.memory_space<vmem>>, vector<16xf32>,
      %parallel_loop3A_397 = arith.fptosi %parallel_loop3A_396 : vector<16xf32> to vector<16xi32>
      tpu.vector_store_idx %arg6[%parallel_loop3A_397, %iota3A], %broadcast_in_dim3A_40 {add = true} : memref<256x16xf32, #tpu.memory_space<vmem>>[vector<16xi32>, vector<16xi32>], vector<16xf32>,
    } {sc.loop_unroll_factor = 16 : i64, sc.parallel_access}
    %add3A_108 = arith.constant 98304 : i32
    %add3A_109 = arith.addi %mul3A_32, %add3A_108 : i32
    %dma_start3A_110 = tpu.memref_slice %arg2[%add3A, %add3A_109] : memref<16x786432xf32, #tpu.memory_space<hbm>> -> memref<1x16384xf32, #tpu.memory_space<hbm>>
    %dma_start3A_111 = tpu.memref_squeeze %dma_start3A_110 : memref<1x16384xf32, #tpu.memory_space<hbm>> -> memref<16384xf32, #tpu.memory_space<hbm>>
    %dma_start3A_112 = tpu.memref_slice %arg2[%add3A, %add3A_109] : memref<16x786432xf32, #tpu.memory_space<hbm>> -> memref<1x16384xf32, #tpu.memory_space<hbm>>
    %dma_start3A_113 = tpu.memref_squeeze %dma_start3A_112 : memref<1x16384xf32, #tpu.memory_space<hbm>> -> memref<16384xf32, #tpu.memory_space<hbm>>
    tpu.enqueue_dma source(%dma_start3A_113 : memref<16384xf32, #tpu.memory_space<hbm>>) target(%arg4 : memref<16384xf32, #tpu.memory_space<vmem>>) target_semaphore(%arg12 : memref<!tpu.dma_semaphore, #tpu.memory_space<semaphore_mem>>)
    %dma_wait3A_114 = tpu.memref_slice %arg2[%add3A, %add3A_96] : memref<16x786432xf32, #tpu.memory_space<hbm>> -> memref<1x16384xf32, #tpu.memory_space<hbm>>
    %dma_wait3A_115 = tpu.memref_squeeze %dma_wait3A_114 : memref<1x16384xf32, #tpu.memory_space<hbm>> -> memref<16384xf32, #tpu.memory_space<hbm>>
    %dma_wait3A_116 = tpu.memref_slice %arg2[%add3A, %add3A_96] : memref<16x786432xf32, #tpu.memory_space<hbm>> -> memref<1x16384xf32, #tpu.memory_space<hbm>>
    %dma_wait3A_117 = tpu.memref_squeeze %dma_wait3A_116 : memref<1x16384xf32, #tpu.memory_space<hbm>> -> memref<16384xf32, #tpu.memory_space<hbm>>
    tpu.wait_dma2 semaphore(%arg13 : memref<!tpu.dma_semaphore, #tpu.memory_space<semaphore_mem>>) src(%dma_wait3A_117 : memref<16384xf32, #tpu.memory_space<hbm>>) dst(%arg5 : memref<16384xf32, #tpu.memory_space<vmem>>)
    %parallel_loop3A_118 = arith.constant 0 : i32
    %parallel_loop3A_119 = arith.constant 1024 : i32
    %parallel_loop3A_120 = arith.constant 1 : i32
    scf.for %parallel_loop3A_392 = %parallel_loop3A_118 to %parallel_loop3A_119 step %parallel_loop3A_120  : i32 {
      %parallel_loop3A_393 = arith.constant 16 : i32
      %parallel_loop3A_394 = arith.muli %parallel_loop3A_392, %parallel_loop3A_393 : i32
      %parallel_loop3A_395 = arith.index_cast %parallel_loop3A_394 : i32 to index
      %parallel_loop3A_396 = tpu.vector_load %arg5[%parallel_loop3A_395] {strides = array<i32>} : memref<16384xf32, #tpu.memory_space<vmem>>, vector<16xf32>,
      %parallel_loop3A_397 = arith.fptosi %parallel_loop3A_396 : vector<16xf32> to vector<16xi32>
      tpu.vector_store_idx %arg6[%parallel_loop3A_397, %iota3A], %broadcast_in_dim3A_40 {add = true} : memref<256x16xf32, #tpu.memory_space<vmem>>[vector<16xi32>, vector<16xi32>], vector<16xf32>,
    } {sc.loop_unroll_factor = 16 : i64, sc.parallel_access}
    %add3A_121 = arith.constant 114688 : i32
    %add3A_122 = arith.addi %mul3A_32, %add3A_121 : i32
    %dma_start3A_123 = tpu.memref_slice %arg2[%add3A, %add3A_122] : memref<16x786432xf32, #tpu.memory_space<hbm>> -> memref<1x16384xf32, #tpu.memory_space<hbm>>
    %dma_start3A_124 = tpu.memref_squeeze %dma_start3A_123 : memref<1x16384xf32, #tpu.memory_space<hbm>> -> memref<16384xf32, #tpu.memory_space<hbm>>
    %dma_start3A_125 = tpu.memref_slice %arg2[%add3A, %add3A_122] : memref<16x786432xf32, #tpu.memory_space<hbm>> -> memref<1x16384xf32, #tpu.memory_space<hbm>>
    %dma_start3A_126 = tpu.memref_squeeze %dma_start3A_125 : memref<1x16384xf32, #tpu.memory_space<hbm>> -> memref<16384xf32, #tpu.memory_space<hbm>>
    tpu.enqueue_dma source(%dma_start3A_126 : memref<16384xf32, #tpu.memory_space<hbm>>) target(%arg5 : memref<16384xf32, #tpu.memory_space<vmem>>) target_semaphore(%arg13 : memref<!tpu.dma_semaphore, #tpu.memory_space<semaphore_mem>>)
    %dma_wait3A_127 = tpu.memref_slice %arg2[%add3A, %add3A_109] : memref<16x786432xf32, #tpu.memory_space<hbm>> -> memref<1x16384xf32, #tpu.memory_space<hbm>>
    %dma_wait3A_128 = tpu.memref_squeeze %dma_wait3A_127 : memref<1x16384xf32, #tpu.memory_space<hbm>> -> memref<16384xf32, #tpu.memory_space<hbm>>
    %dma_wait3A_129 = tpu.memref_slice %arg2[%add3A, %add3A_109] : memref<16x786432xf32, #tpu.memory_space<hbm>> -> memref<1x16384xf32, #tpu.memory_space<hbm>>
    %dma_wait3A_130 = tpu.memref_squeeze %dma_wait3A_129 : memref<1x16384xf32, #tpu.memory_space<hbm>> -> memref<16384xf32, #tpu.memory_space<hbm>>
    tpu.wait_dma2 semaphore(%arg12 : memref<!tpu.dma_semaphore, #tpu.memory_space<semaphore_mem>>) src(%dma_wait3A_130 : memref<16384xf32, #tpu.memory_space<hbm>>) dst(%arg4 : memref<16384xf32, #tpu.memory_space<vmem>>)
    %parallel_loop3A_131 = arith.constant 0 : i32
    %parallel_loop3A_132 = arith.constant 1024 : i32
    %parallel_loop3A_133 = arith.constant 1 : i32
    scf.for %parallel_loop3A_392 = %parallel_loop3A_131 to %parallel_loop3A_132 step %parallel_loop3A_133  : i32 {
      %parallel_loop3A_393 = arith.constant 16 : i32
      %parallel_loop3A_394 = arith.muli %parallel_loop3A_392, %parallel_loop3A_393 : i32
      %parallel_loop3A_395 = arith.index_cast %parallel_loop3A_394 : i32 to index
      %parallel_loop3A_396 = tpu.vector_load %arg4[%parallel_loop3A_395] {strides = array<i32>} : memref<16384xf32, #tpu.memory_space<vmem>>, vector<16xf32>,
      %parallel_loop3A_397 = arith.fptosi %parallel_loop3A_396 : vector<16xf32> to vector<16xi32>
      tpu.vector_store_idx %arg6[%parallel_loop3A_397, %iota3A], %broadcast_in_dim3A_40 {add = true} : memref<256x16xf32, #tpu.memory_space<vmem>>[vector<16xi32>, vector<16xi32>], vector<16xf32>,
    } {sc.loop_unroll_factor = 16 : i64, sc.parallel_access}
    %add3A_134 = arith.constant 131072 : i32
    %add3A_135 = arith.addi %mul3A_32, %add3A_134 : i32
    %dma_start3A_136 = tpu.memref_slice %arg2[%add3A, %add3A_135] : memref<16x786432xf32, #tpu.memory_space<hbm>> -> memref<1x16384xf32, #tpu.memory_space<hbm>>
    %dma_start3A_137 = tpu.memref_squeeze %dma_start3A_136 : memref<1x16384xf32, #tpu.memory_space<hbm>> -> memref<16384xf32, #tpu.memory_space<hbm>>
    %dma_start3A_138 = tpu.memref_slice %arg2[%add3A, %add3A_135] : memref<16x786432xf32, #tpu.memory_space<hbm>> -> memref<1x16384xf32, #tpu.memory_space<hbm>>
    %dma_start3A_139 = tpu.memref_squeeze %dma_start3A_138 : memref<1x16384xf32, #tpu.memory_space<hbm>> -> memref<16384xf32, #tpu.memory_space<hbm>>
    tpu.enqueue_dma source(%dma_start3A_139 : memref<16384xf32, #tpu.memory_space<hbm>>) target(%arg4 : memref<16384xf32, #tpu.memory_space<vmem>>) target_semaphore(%arg12 : memref<!tpu.dma_semaphore, #tpu.memory_space<semaphore_mem>>)
    %dma_wait3A_140 = tpu.memref_slice %arg2[%add3A, %add3A_122] : memref<16x786432xf32, #tpu.memory_space<hbm>> -> memref<1x16384xf32, #tpu.memory_space<hbm>>
    %dma_wait3A_141 = tpu.memref_squeeze %dma_wait3A_140 : memref<1x16384xf32, #tpu.memory_space<hbm>> -> memref<16384xf32, #tpu.memory_space<hbm>>
    %dma_wait3A_142 = tpu.memref_slice %arg2[%add3A, %add3A_122] : memref<16x786432xf32, #tpu.memory_space<hbm>> -> memref<1x16384xf32, #tpu.memory_space<hbm>>
    %dma_wait3A_143 = tpu.memref_squeeze %dma_wait3A_142 : memref<1x16384xf32, #tpu.memory_space<hbm>> -> memref<16384xf32, #tpu.memory_space<hbm>>
    tpu.wait_dma2 semaphore(%arg13 : memref<!tpu.dma_semaphore, #tpu.memory_space<semaphore_mem>>) src(%dma_wait3A_143 : memref<16384xf32, #tpu.memory_space<hbm>>) dst(%arg5 : memref<16384xf32, #tpu.memory_space<vmem>>)
    %parallel_loop3A_144 = arith.constant 0 : i32
    %parallel_loop3A_145 = arith.constant 1024 : i32
    %parallel_loop3A_146 = arith.constant 1 : i32
    scf.for %parallel_loop3A_392 = %parallel_loop3A_144 to %parallel_loop3A_145 step %parallel_loop3A_146  : i32 {
      %parallel_loop3A_393 = arith.constant 16 : i32
      %parallel_loop3A_394 = arith.muli %parallel_loop3A_392, %parallel_loop3A_393 : i32
      %parallel_loop3A_395 = arith.index_cast %parallel_loop3A_394 : i32 to index
      %parallel_loop3A_396 = tpu.vector_load %arg5[%parallel_loop3A_395] {strides = array<i32>} : memref<16384xf32, #tpu.memory_space<vmem>>, vector<16xf32>,
      %parallel_loop3A_397 = arith.fptosi %parallel_loop3A_396 : vector<16xf32> to vector<16xi32>
      tpu.vector_store_idx %arg6[%parallel_loop3A_397, %iota3A], %broadcast_in_dim3A_40 {add = true} : memref<256x16xf32, #tpu.memory_space<vmem>>[vector<16xi32>, vector<16xi32>], vector<16xf32>,
    } {sc.loop_unroll_factor = 16 : i64, sc.parallel_access}
    %add3A_147 = arith.constant 147456 : i32
    %add3A_148 = arith.addi %mul3A_32, %add3A_147 : i32
    %dma_start3A_149 = tpu.memref_slice %arg2[%add3A, %add3A_148] : memref<16x786432xf32, #tpu.memory_space<hbm>> -> memref<1x16384xf32, #tpu.memory_space<hbm>>
    %dma_start3A_150 = tpu.memref_squeeze %dma_start3A_149 : memref<1x16384xf32, #tpu.memory_space<hbm>> -> memref<16384xf32, #tpu.memory_space<hbm>>
    %dma_start3A_151 = tpu.memref_slice %arg2[%add3A, %add3A_148] : memref<16x786432xf32, #tpu.memory_space<hbm>> -> memref<1x16384xf32, #tpu.memory_space<hbm>>
    %dma_start3A_152 = tpu.memref_squeeze %dma_start3A_151 : memref<1x16384xf32, #tpu.memory_space<hbm>> -> memref<16384xf32, #tpu.memory_space<hbm>>
    tpu.enqueue_dma source(%dma_start3A_152 : memref<16384xf32, #tpu.memory_space<hbm>>) target(%arg5 : memref<16384xf32, #tpu.memory_space<vmem>>) target_semaphore(%arg13 : memref<!tpu.dma_semaphore, #tpu.memory_space<semaphore_mem>>)
    %dma_wait3A_153 = tpu.memref_slice %arg2[%add3A, %add3A_135] : memref<16x786432xf32, #tpu.memory_space<hbm>> -> memref<1x16384xf32, #tpu.memory_space<hbm>>
    %dma_wait3A_154 = tpu.memref_squeeze %dma_wait3A_153 : memref<1x16384xf32, #tpu.memory_space<hbm>> -> memref<16384xf32, #tpu.memory_space<hbm>>
    %dma_wait3A_155 = tpu.memref_slice %arg2[%add3A, %add3A_135] : memref<16x786432xf32, #tpu.memory_space<hbm>> -> memref<1x16384xf32, #tpu.memory_space<hbm>>
    %dma_wait3A_156 = tpu.memref_squeeze %dma_wait3A_155 : memref<1x16384xf32, #tpu.memory_space<hbm>> -> memref<16384xf32, #tpu.memory_space<hbm>>
    tpu.wait_dma2 semaphore(%arg12 : memref<!tpu.dma_semaphore, #tpu.memory_space<semaphore_mem>>) src(%dma_wait3A_156 : memref<16384xf32, #tpu.memory_space<hbm>>) dst(%arg4 : memref<16384xf32, #tpu.memory_space<vmem>>)
    %parallel_loop3A_157 = arith.constant 0 : i32
    %parallel_loop3A_158 = arith.constant 1024 : i32
    %parallel_loop3A_159 = arith.constant 1 : i32
    scf.for %parallel_loop3A_392 = %parallel_loop3A_157 to %parallel_loop3A_158 step %parallel_loop3A_159  : i32 {
      %parallel_loop3A_393 = arith.constant 16 : i32
      %parallel_loop3A_394 = arith.muli %parallel_loop3A_392, %parallel_loop3A_393 : i32
      %parallel_loop3A_395 = arith.index_cast %parallel_loop3A_394 : i32 to index
      %parallel_loop3A_396 = tpu.vector_load %arg4[%parallel_loop3A_395] {strides = array<i32>} : memref<16384xf32, #tpu.memory_space<vmem>>, vector<16xf32>,
      %parallel_loop3A_397 = arith.fptosi %parallel_loop3A_396 : vector<16xf32> to vector<16xi32>
      tpu.vector_store_idx %arg6[%parallel_loop3A_397, %iota3A], %broadcast_in_dim3A_40 {add = true} : memref<256x16xf32, #tpu.memory_space<vmem>>[vector<16xi32>, vector<16xi32>], vector<16xf32>,
    } {sc.loop_unroll_factor = 16 : i64, sc.parallel_access}
    %add3A_160 = arith.constant 163840 : i32
    %add3A_161 = arith.addi %mul3A_32, %add3A_160 : i32
    %dma_start3A_162 = tpu.memref_slice %arg2[%add3A, %add3A_161] : memref<16x786432xf32, #tpu.memory_space<hbm>> -> memref<1x16384xf32, #tpu.memory_space<hbm>>
    %dma_start3A_163 = tpu.memref_squeeze %dma_start3A_162 : memref<1x16384xf32, #tpu.memory_space<hbm>> -> memref<16384xf32, #tpu.memory_space<hbm>>
    %dma_start3A_164 = tpu.memref_slice %arg2[%add3A, %add3A_161] : memref<16x786432xf32, #tpu.memory_space<hbm>> -> memref<1x16384xf32, #tpu.memory_space<hbm>>
    %dma_start3A_165 = tpu.memref_squeeze %dma_start3A_164 : memref<1x16384xf32, #tpu.memory_space<hbm>> -> memref<16384xf32, #tpu.memory_space<hbm>>
    tpu.enqueue_dma source(%dma_start3A_165 : memref<16384xf32, #tpu.memory_space<hbm>>) target(%arg4 : memref<16384xf32, #tpu.memory_space<vmem>>) target_semaphore(%arg12 : memref<!tpu.dma_semaphore, #tpu.memory_space<semaphore_mem>>)
    %dma_wait3A_166 = tpu.memref_slice %arg2[%add3A, %add3A_148] : memref<16x786432xf32, #tpu.memory_space<hbm>> -> memref<1x16384xf32, #tpu.memory_space<hbm>>
    %dma_wait3A_167 = tpu.memref_squeeze %dma_wait3A_166 : memref<1x16384xf32, #tpu.memory_space<hbm>> -> memref<16384xf32, #tpu.memory_space<hbm>>
    %dma_wait3A_168 = tpu.memref_slice %arg2[%add3A, %add3A_148] : memref<16x786432xf32, #tpu.memory_space<hbm>> -> memref<1x16384xf32, #tpu.memory_space<hbm>>
    %dma_wait3A_169 = tpu.memref_squeeze %dma_wait3A_168 : memref<1x16384xf32, #tpu.memory_space<hbm>> -> memref<16384xf32, #tpu.memory_space<hbm>>
    tpu.wait_dma2 semaphore(%arg13 : memref<!tpu.dma_semaphore, #tpu.memory_space<semaphore_mem>>) src(%dma_wait3A_169 : memref<16384xf32, #tpu.memory_space<hbm>>) dst(%arg5 : memref<16384xf32, #tpu.memory_space<vmem>>)
    %parallel_loop3A_170 = arith.constant 0 : i32
    %parallel_loop3A_171 = arith.constant 1024 : i32
    %parallel_loop3A_172 = arith.constant 1 : i32
    scf.for %parallel_loop3A_392 = %parallel_loop3A_170 to %parallel_loop3A_171 step %parallel_loop3A_172  : i32 {
      %parallel_loop3A_393 = arith.constant 16 : i32
      %parallel_loop3A_394 = arith.muli %parallel_loop3A_392, %parallel_loop3A_393 : i32
      %parallel_loop3A_395 = arith.index_cast %parallel_loop3A_394 : i32 to index
      %parallel_loop3A_396 = tpu.vector_load %arg5[%parallel_loop3A_395] {strides = array<i32>} : memref<16384xf32, #tpu.memory_space<vmem>>, vector<16xf32>,
      %parallel_loop3A_397 = arith.fptosi %parallel_loop3A_396 : vector<16xf32> to vector<16xi32>
      tpu.vector_store_idx %arg6[%parallel_loop3A_397, %iota3A], %broadcast_in_dim3A_40 {add = true} : memref<256x16xf32, #tpu.memory_space<vmem>>[vector<16xi32>, vector<16xi32>], vector<16xf32>,
    } {sc.loop_unroll_factor = 16 : i64, sc.parallel_access}
    %add3A_173 = arith.constant 180224 : i32
    %add3A_174 = arith.addi %mul3A_32, %add3A_173 : i32
    %dma_start3A_175 = tpu.memref_slice %arg2[%add3A, %add3A_174] : memref<16x786432xf32, #tpu.memory_space<hbm>> -> memref<1x16384xf32, #tpu.memory_space<hbm>>
    %dma_start3A_176 = tpu.memref_squeeze %dma_start3A_175 : memref<1x16384xf32, #tpu.memory_space<hbm>> -> memref<16384xf32, #tpu.memory_space<hbm>>
    %dma_start3A_177 = tpu.memref_slice %arg2[%add3A, %add3A_174] : memref<16x786432xf32, #tpu.memory_space<hbm>> -> memref<1x16384xf32, #tpu.memory_space<hbm>>
    %dma_start3A_178 = tpu.memref_squeeze %dma_start3A_177 : memref<1x16384xf32, #tpu.memory_space<hbm>> -> memref<16384xf32, #tpu.memory_space<hbm>>
    tpu.enqueue_dma source(%dma_start3A_178 : memref<16384xf32, #tpu.memory_space<hbm>>) target(%arg5 : memref<16384xf32, #tpu.memory_space<vmem>>) target_semaphore(%arg13 : memref<!tpu.dma_semaphore, #tpu.memory_space<semaphore_mem>>)
    %dma_wait3A_179 = tpu.memref_slice %arg2[%add3A, %add3A_161] : memref<16x786432xf32, #tpu.memory_space<hbm>> -> memref<1x16384xf32, #tpu.memory_space<hbm>>
    %dma_wait3A_180 = tpu.memref_squeeze %dma_wait3A_179 : memref<1x16384xf32, #tpu.memory_space<hbm>> -> memref<16384xf32, #tpu.memory_space<hbm>>
    %dma_wait3A_181 = tpu.memref_slice %arg2[%add3A, %add3A_161] : memref<16x786432xf32, #tpu.memory_space<hbm>> -> memref<1x16384xf32, #tpu.memory_space<hbm>>
    %dma_wait3A_182 = tpu.memref_squeeze %dma_wait3A_181 : memref<1x16384xf32, #tpu.memory_space<hbm>> -> memref<16384xf32, #tpu.memory_space<hbm>>
    tpu.wait_dma2 semaphore(%arg12 : memref<!tpu.dma_semaphore, #tpu.memory_space<semaphore_mem>>) src(%dma_wait3A_182 : memref<16384xf32, #tpu.memory_space<hbm>>) dst(%arg4 : memref<16384xf32, #tpu.memory_space<vmem>>)
    %parallel_loop3A_183 = arith.constant 0 : i32
    %parallel_loop3A_184 = arith.constant 1024 : i32
    %parallel_loop3A_185 = arith.constant 1 : i32
    scf.for %parallel_loop3A_392 = %parallel_loop3A_183 to %parallel_loop3A_184 step %parallel_loop3A_185  : i32 {
      %parallel_loop3A_393 = arith.constant 16 : i32
      %parallel_loop3A_394 = arith.muli %parallel_loop3A_392, %parallel_loop3A_393 : i32
      %parallel_loop3A_395 = arith.index_cast %parallel_loop3A_394 : i32 to index
      %parallel_loop3A_396 = tpu.vector_load %arg4[%parallel_loop3A_395] {strides = array<i32>} : memref<16384xf32, #tpu.memory_space<vmem>>, vector<16xf32>,
      %parallel_loop3A_397 = arith.fptosi %parallel_loop3A_396 : vector<16xf32> to vector<16xi32>
      tpu.vector_store_idx %arg6[%parallel_loop3A_397, %iota3A], %broadcast_in_dim3A_40 {add = true} : memref<256x16xf32, #tpu.memory_space<vmem>>[vector<16xi32>, vector<16xi32>], vector<16xf32>,
    } {sc.loop_unroll_factor = 16 : i64, sc.parallel_access}
    %add3A_186 = arith.constant 196608 : i32
    %add3A_187 = arith.addi %mul3A_32, %add3A_186 : i32
    %dma_start3A_188 = tpu.memref_slice %arg2[%add3A, %add3A_187] : memref<16x786432xf32, #tpu.memory_space<hbm>> -> memref<1x16384xf32, #tpu.memory_space<hbm>>
    %dma_start3A_189 = tpu.memref_squeeze %dma_start3A_188 : memref<1x16384xf32, #tpu.memory_space<hbm>> -> memref<16384xf32, #tpu.memory_space<hbm>>
    %dma_start3A_190 = tpu.memref_slice %arg2[%add3A, %add3A_187] : memref<16x786432xf32, #tpu.memory_space<hbm>> -> memref<1x16384xf32, #tpu.memory_space<hbm>>
    %dma_start3A_191 = tpu.memref_squeeze %dma_start3A_190 : memref<1x16384xf32, #tpu.memory_space<hbm>> -> memref<16384xf32, #tpu.memory_space<hbm>>
    tpu.enqueue_dma source(%dma_start3A_191 : memref<16384xf32, #tpu.memory_space<hbm>>) target(%arg4 : memref<16384xf32, #tpu.memory_space<vmem>>) target_semaphore(%arg12 : memref<!tpu.dma_semaphore, #tpu.memory_space<semaphore_mem>>)
    %dma_wait3A_192 = tpu.memref_slice %arg2[%add3A, %add3A_174] : memref<16x786432xf32, #tpu.memory_space<hbm>> -> memref<1x16384xf32, #tpu.memory_space<hbm>>
    %dma_wait3A_193 = tpu.memref_squeeze %dma_wait3A_192 : memref<1x16384xf32, #tpu.memory_space<hbm>> -> memref<16384xf32, #tpu.memory_space<hbm>>
    %dma_wait3A_194 = tpu.memref_slice %arg2[%add3A, %add3A_174] : memref<16x786432xf32, #tpu.memory_space<hbm>> -> memref<1x16384xf32, #tpu.memory_space<hbm>>
    %dma_wait3A_195 = tpu.memref_squeeze %dma_wait3A_194 : memref<1x16384xf32, #tpu.memory_space<hbm>> -> memref<16384xf32, #tpu.memory_space<hbm>>
    tpu.wait_dma2 semaphore(%arg13 : memref<!tpu.dma_semaphore, #tpu.memory_space<semaphore_mem>>) src(%dma_wait3A_195 : memref<16384xf32, #tpu.memory_space<hbm>>) dst(%arg5 : memref<16384xf32, #tpu.memory_space<vmem>>)
    %parallel_loop3A_196 = arith.constant 0 : i32
    %parallel_loop3A_197 = arith.constant 1024 : i32
    %parallel_loop3A_198 = arith.constant 1 : i32
    scf.for %parallel_loop3A_392 = %parallel_loop3A_196 to %parallel_loop3A_197 step %parallel_loop3A_198  : i32 {
      %parallel_loop3A_393 = arith.constant 16 : i32
      %parallel_loop3A_394 = arith.muli %parallel_loop3A_392, %parallel_loop3A_393 : i32
      %parallel_loop3A_395 = arith.index_cast %parallel_loop3A_394 : i32 to index
      %parallel_loop3A_396 = tpu.vector_load %arg5[%parallel_loop3A_395] {strides = array<i32>} : memref<16384xf32, #tpu.memory_space<vmem>>, vector<16xf32>,
      %parallel_loop3A_397 = arith.fptosi %parallel_loop3A_396 : vector<16xf32> to vector<16xi32>
      tpu.vector_store_idx %arg6[%parallel_loop3A_397, %iota3A], %broadcast_in_dim3A_40 {add = true} : memref<256x16xf32, #tpu.memory_space<vmem>>[vector<16xi32>, vector<16xi32>], vector<16xf32>,
    } {sc.loop_unroll_factor = 16 : i64, sc.parallel_access}
    %add3A_199 = arith.constant 212992 : i32
    %add3A_200 = arith.addi %mul3A_32, %add3A_199 : i32
    %dma_start3A_201 = tpu.memref_slice %arg2[%add3A, %add3A_200] : memref<16x786432xf32, #tpu.memory_space<hbm>> -> memref<1x16384xf32, #tpu.memory_space<hbm>>
    %dma_start3A_202 = tpu.memref_squeeze %dma_start3A_201 : memref<1x16384xf32, #tpu.memory_space<hbm>> -> memref<16384xf32, #tpu.memory_space<hbm>>
    %dma_start3A_203 = tpu.memref_slice %arg2[%add3A, %add3A_200] : memref<16x786432xf32, #tpu.memory_space<hbm>> -> memref<1x16384xf32, #tpu.memory_space<hbm>>
    %dma_start3A_204 = tpu.memref_squeeze %dma_start3A_203 : memref<1x16384xf32, #tpu.memory_space<hbm>> -> memref<16384xf32, #tpu.memory_space<hbm>>
    tpu.enqueue_dma source(%dma_start3A_204 : memref<16384xf32, #tpu.memory_space<hbm>>) target(%arg5 : memref<16384xf32, #tpu.memory_space<vmem>>) target_semaphore(%arg13 : memref<!tpu.dma_semaphore, #tpu.memory_space<semaphore_mem>>)
    %dma_wait3A_205 = tpu.memref_slice %arg2[%add3A, %add3A_187] : memref<16x786432xf32, #tpu.memory_space<hbm>> -> memref<1x16384xf32, #tpu.memory_space<hbm>>
    %dma_wait3A_206 = tpu.memref_squeeze %dma_wait3A_205 : memref<1x16384xf32, #tpu.memory_space<hbm>> -> memref<16384xf32, #tpu.memory_space<hbm>>
    %dma_wait3A_207 = tpu.memref_slice %arg2[%add3A, %add3A_187] : memref<16x786432xf32, #tpu.memory_space<hbm>> -> memref<1x16384xf32, #tpu.memory_space<hbm>>
    %dma_wait3A_208 = tpu.memref_squeeze %dma_wait3A_207 : memref<1x16384xf32, #tpu.memory_space<hbm>> -> memref<16384xf32, #tpu.memory_space<hbm>>
    tpu.wait_dma2 semaphore(%arg12 : memref<!tpu.dma_semaphore, #tpu.memory_space<semaphore_mem>>) src(%dma_wait3A_208 : memref<16384xf32, #tpu.memory_space<hbm>>) dst(%arg4 : memref<16384xf32, #tpu.memory_space<vmem>>)
    %parallel_loop3A_209 = arith.constant 0 : i32
    %parallel_loop3A_210 = arith.constant 1024 : i32
    %parallel_loop3A_211 = arith.constant 1 : i32
    scf.for %parallel_loop3A_392 = %parallel_loop3A_209 to %parallel_loop3A_210 step %parallel_loop3A_211  : i32 {
      %parallel_loop3A_393 = arith.constant 16 : i32
      %parallel_loop3A_394 = arith.muli %parallel_loop3A_392, %parallel_loop3A_393 : i32
      %parallel_loop3A_395 = arith.index_cast %parallel_loop3A_394 : i32 to index
      %parallel_loop3A_396 = tpu.vector_load %arg4[%parallel_loop3A_395] {strides = array<i32>} : memref<16384xf32, #tpu.memory_space<vmem>>, vector<16xf32>,
      %parallel_loop3A_397 = arith.fptosi %parallel_loop3A_396 : vector<16xf32> to vector<16xi32>
      tpu.vector_store_idx %arg6[%parallel_loop3A_397, %iota3A], %broadcast_in_dim3A_40 {add = true} : memref<256x16xf32, #tpu.memory_space<vmem>>[vector<16xi32>, vector<16xi32>], vector<16xf32>,
    } {sc.loop_unroll_factor = 16 : i64, sc.parallel_access}
    %add3A_212 = arith.constant 229376 : i32
    %add3A_213 = arith.addi %mul3A_32, %add3A_212 : i32
    %dma_start3A_214 = tpu.memref_slice %arg2[%add3A, %add3A_213] : memref<16x786432xf32, #tpu.memory_space<hbm>> -> memref<1x16384xf32, #tpu.memory_space<hbm>>
    %dma_start3A_215 = tpu.memref_squeeze %dma_start3A_214 : memref<1x16384xf32, #tpu.memory_space<hbm>> -> memref<16384xf32, #tpu.memory_space<hbm>>
    %dma_start3A_216 = tpu.memref_slice %arg2[%add3A, %add3A_213] : memref<16x786432xf32, #tpu.memory_space<hbm>> -> memref<1x16384xf32, #tpu.memory_space<hbm>>
    %dma_start3A_217 = tpu.memref_squeeze %dma_start3A_216 : memref<1x16384xf32, #tpu.memory_space<hbm>> -> memref<16384xf32, #tpu.memory_space<hbm>>
    tpu.enqueue_dma source(%dma_start3A_217 : memref<16384xf32, #tpu.memory_space<hbm>>) target(%arg4 : memref<16384xf32, #tpu.memory_space<vmem>>) target_semaphore(%arg12 : memref<!tpu.dma_semaphore, #tpu.memory_space<semaphore_mem>>)
    %dma_wait3A_218 = tpu.memref_slice %arg2[%add3A, %add3A_200] : memref<16x786432xf32, #tpu.memory_space<hbm>> -> memref<1x16384xf32, #tpu.memory_space<hbm>>
    %dma_wait3A_219 = tpu.memref_squeeze %dma_wait3A_218 : memref<1x16384xf32, #tpu.memory_space<hbm>> -> memref<16384xf32, #tpu.memory_space<hbm>>
    %dma_wait3A_220 = tpu.memref_slice %arg2[%add3A, %add3A_200] : memref<16x786432xf32, #tpu.memory_space<hbm>> -> memref<1x16384xf32, #tpu.memory_space<hbm>>
    %dma_wait3A_221 = tpu.memref_squeeze %dma_wait3A_220 : memref<1x16384xf32, #tpu.memory_space<hbm>> -> memref<16384xf32, #tpu.memory_space<hbm>>
    tpu.wait_dma2 semaphore(%arg13 : memref<!tpu.dma_semaphore, #tpu.memory_space<semaphore_mem>>) src(%dma_wait3A_221 : memref<16384xf32, #tpu.memory_space<hbm>>) dst(%arg5 : memref<16384xf32, #tpu.memory_space<vmem>>)
    %parallel_loop3A_222 = arith.constant 0 : i32
    %parallel_loop3A_223 = arith.constant 1024 : i32
    %parallel_loop3A_224 = arith.constant 1 : i32
    scf.for %parallel_loop3A_392 = %parallel_loop3A_222 to %parallel_loop3A_223 step %parallel_loop3A_224  : i32 {
      %parallel_loop3A_393 = arith.constant 16 : i32
      %parallel_loop3A_394 = arith.muli %parallel_loop3A_392, %parallel_loop3A_393 : i32
      %parallel_loop3A_395 = arith.index_cast %parallel_loop3A_394 : i32 to index
      %parallel_loop3A_396 = tpu.vector_load %arg5[%parallel_loop3A_395] {strides = array<i32>} : memref<16384xf32, #tpu.memory_space<vmem>>, vector<16xf32>,
      %parallel_loop3A_397 = arith.fptosi %parallel_loop3A_396 : vector<16xf32> to vector<16xi32>
      tpu.vector_store_idx %arg6[%parallel_loop3A_397, %iota3A], %broadcast_in_dim3A_40 {add = true} : memref<256x16xf32, #tpu.memory_space<vmem>>[vector<16xi32>, vector<16xi32>], vector<16xf32>,
    } {sc.loop_unroll_factor = 16 : i64, sc.parallel_access}
    %add3A_225 = arith.constant 245760 : i32
    %add3A_226 = arith.addi %mul3A_32, %add3A_225 : i32
    %dma_start3A_227 = tpu.memref_slice %arg2[%add3A, %add3A_226] : memref<16x786432xf32, #tpu.memory_space<hbm>> -> memref<1x16384xf32, #tpu.memory_space<hbm>>
    %dma_start3A_228 = tpu.memref_squeeze %dma_start3A_227 : memref<1x16384xf32, #tpu.memory_space<hbm>> -> memref<16384xf32, #tpu.memory_space<hbm>>
    %dma_start3A_229 = tpu.memref_slice %arg2[%add3A, %add3A_226] : memref<16x786432xf32, #tpu.memory_space<hbm>> -> memref<1x16384xf32, #tpu.memory_space<hbm>>
    %dma_start3A_230 = tpu.memref_squeeze %dma_start3A_229 : memref<1x16384xf32, #tpu.memory_space<hbm>> -> memref<16384xf32, #tpu.memory_space<hbm>>
    tpu.enqueue_dma source(%dma_start3A_230 : memref<16384xf32, #tpu.memory_space<hbm>>) target(%arg5 : memref<16384xf32, #tpu.memory_space<vmem>>) target_semaphore(%arg13 : memref<!tpu.dma_semaphore, #tpu.memory_space<semaphore_mem>>)
    %dma_wait3A_231 = tpu.memref_slice %arg2[%add3A, %add3A_213] : memref<16x786432xf32, #tpu.memory_space<hbm>> -> memref<1x16384xf32, #tpu.memory_space<hbm>>
    %dma_wait3A_232 = tpu.memref_squeeze %dma_wait3A_231 : memref<1x16384xf32, #tpu.memory_space<hbm>> -> memref<16384xf32, #tpu.memory_space<hbm>>
    %dma_wait3A_233 = tpu.memref_slice %arg2[%add3A, %add3A_213] : memref<16x786432xf32, #tpu.memory_space<hbm>> -> memref<1x16384xf32, #tpu.memory_space<hbm>>
    %dma_wait3A_234 = tpu.memref_squeeze %dma_wait3A_233 : memref<1x16384xf32, #tpu.memory_space<hbm>> -> memref<16384xf32, #tpu.memory_space<hbm>>
    tpu.wait_dma2 semaphore(%arg12 : memref<!tpu.dma_semaphore, #tpu.memory_space<semaphore_mem>>) src(%dma_wait3A_234 : memref<16384xf32, #tpu.memory_space<hbm>>) dst(%arg4 : memref<16384xf32, #tpu.memory_space<vmem>>)
    %parallel_loop3A_235 = arith.constant 0 : i32
    %parallel_loop3A_236 = arith.constant 1024 : i32
    %parallel_loop3A_237 = arith.constant 1 : i32
    scf.for %parallel_loop3A_392 = %parallel_loop3A_235 to %parallel_loop3A_236 step %parallel_loop3A_237  : i32 {
      %parallel_loop3A_393 = arith.constant 16 : i32
      %parallel_loop3A_394 = arith.muli %parallel_loop3A_392, %parallel_loop3A_393 : i32
      %parallel_loop3A_395 = arith.index_cast %parallel_loop3A_394 : i32 to index
      %parallel_loop3A_396 = tpu.vector_load %arg4[%parallel_loop3A_395] {strides = array<i32>} : memref<16384xf32, #tpu.memory_space<vmem>>, vector<16xf32>,
      %parallel_loop3A_397 = arith.fptosi %parallel_loop3A_396 : vector<16xf32> to vector<16xi32>
      tpu.vector_store_idx %arg6[%parallel_loop3A_397, %iota3A], %broadcast_in_dim3A_40 {add = true} : memref<256x16xf32, #tpu.memory_space<vmem>>[vector<16xi32>, vector<16xi32>], vector<16xf32>,
    } {sc.loop_unroll_factor = 16 : i64, sc.parallel_access}
    %add3A_238 = arith.constant 262144 : i32
    %add3A_239 = arith.addi %mul3A_32, %add3A_238 : i32
    %dma_start3A_240 = tpu.memref_slice %arg2[%add3A, %add3A_239] : memref<16x786432xf32, #tpu.memory_space<hbm>> -> memref<1x16384xf32, #tpu.memory_space<hbm>>
    %dma_start3A_241 = tpu.memref_squeeze %dma_start3A_240 : memref<1x16384xf32, #tpu.memory_space<hbm>> -> memref<16384xf32, #tpu.memory_space<hbm>>
    %dma_start3A_242 = tpu.memref_slice %arg2[%add3A, %add3A_239] : memref<16x786432xf32, #tpu.memory_space<hbm>> -> memref<1x16384xf32, #tpu.memory_space<hbm>>
    %dma_start3A_243 = tpu.memref_squeeze %dma_start3A_242 : memref<1x16384xf32, #tpu.memory_space<hbm>> -> memref<16384xf32, #tpu.memory_space<hbm>>
    tpu.enqueue_dma source(%dma_start3A_243 : memref<16384xf32, #tpu.memory_space<hbm>>) target(%arg4 : memref<16384xf32, #tpu.memory_space<vmem>>) target_semaphore(%arg12 : memref<!tpu.dma_semaphore, #tpu.memory_space<semaphore_mem>>)
    %dma_wait3A_244 = tpu.memref_slice %arg2[%add3A, %add3A_226] : memref<16x786432xf32, #tpu.memory_space<hbm>> -> memref<1x16384xf32, #tpu.memory_space<hbm>>
    %dma_wait3A_245 = tpu.memref_squeeze %dma_wait3A_244 : memref<1x16384xf32, #tpu.memory_space<hbm>> -> memref<16384xf32, #tpu.memory_space<hbm>>
    %dma_wait3A_246 = tpu.memref_slice %arg2[%add3A, %add3A_226] : memref<16x786432xf32, #tpu.memory_space<hbm>> -> memref<1x16384xf32, #tpu.memory_space<hbm>>
    %dma_wait3A_247 = tpu.memref_squeeze %dma_wait3A_246 : memref<1x16384xf32, #tpu.memory_space<hbm>> -> memref<16384xf32, #tpu.memory_space<hbm>>
    tpu.wait_dma2 semaphore(%arg13 : memref<!tpu.dma_semaphore, #tpu.memory_space<semaphore_mem>>) src(%dma_wait3A_247 : memref<16384xf32, #tpu.memory_space<hbm>>) dst(%arg5 : memref<16384xf32, #tpu.memory_space<vmem>>)
    %parallel_loop3A_248 = arith.constant 0 : i32
    %parallel_loop3A_249 = arith.constant 1024 : i32
    %parallel_loop3A_250 = arith.constant 1 : i32
    scf.for %parallel_loop3A_392 = %parallel_loop3A_248 to %parallel_loop3A_249 step %parallel_loop3A_250  : i32 {
      %parallel_loop3A_393 = arith.constant 16 : i32
      %parallel_loop3A_394 = arith.muli %parallel_loop3A_392, %parallel_loop3A_393 : i32
      %parallel_loop3A_395 = arith.index_cast %parallel_loop3A_394 : i32 to index
      %parallel_loop3A_396 = tpu.vector_load %arg5[%parallel_loop3A_395] {strides = array<i32>} : memref<16384xf32, #tpu.memory_space<vmem>>, vector<16xf32>,
      %parallel_loop3A_397 = arith.fptosi %parallel_loop3A_396 : vector<16xf32> to vector<16xi32>
      tpu.vector_store_idx %arg6[%parallel_loop3A_397, %iota3A], %broadcast_in_dim3A_40 {add = true} : memref<256x16xf32, #tpu.memory_space<vmem>>[vector<16xi32>, vector<16xi32>], vector<16xf32>,
    } {sc.loop_unroll_factor = 16 : i64, sc.parallel_access}
    %add3A_251 = arith.constant 278528 : i32
    %add3A_252 = arith.addi %mul3A_32, %add3A_251 : i32
    %dma_start3A_253 = tpu.memref_slice %arg2[%add3A, %add3A_252] : memref<16x786432xf32, #tpu.memory_space<hbm>> -> memref<1x16384xf32, #tpu.memory_space<hbm>>
    %dma_start3A_254 = tpu.memref_squeeze %dma_start3A_253 : memref<1x16384xf32, #tpu.memory_space<hbm>> -> memref<16384xf32, #tpu.memory_space<hbm>>
    %dma_start3A_255 = tpu.memref_slice %arg2[%add3A, %add3A_252] : memref<16x786432xf32, #tpu.memory_space<hbm>> -> memref<1x16384xf32, #tpu.memory_space<hbm>>
    %dma_start3A_256 = tpu.memref_squeeze %dma_start3A_255 : memref<1x16384xf32, #tpu.memory_space<hbm>> -> memref<16384xf32, #tpu.memory_space<hbm>>
    tpu.enqueue_dma source(%dma_start3A_256 : memref<16384xf32, #tpu.memory_space<hbm>>) target(%arg5 : memref<16384xf32, #tpu.memory_space<vmem>>) target_semaphore(%arg13 : memref<!tpu.dma_semaphore, #tpu.memory_space<semaphore_mem>>)
    %dma_wait3A_257 = tpu.memref_slice %arg2[%add3A, %add3A_239] : memref<16x786432xf32, #tpu.memory_space<hbm>> -> memref<1x16384xf32, #tpu.memory_space<hbm>>
    %dma_wait3A_258 = tpu.memref_squeeze %dma_wait3A_257 : memref<1x16384xf32, #tpu.memory_space<hbm>> -> memref<16384xf32, #tpu.memory_space<hbm>>
    %dma_wait3A_259 = tpu.memref_slice %arg2[%add3A, %add3A_239] : memref<16x786432xf32, #tpu.memory_space<hbm>> -> memref<1x16384xf32, #tpu.memory_space<hbm>>
    %dma_wait3A_260 = tpu.memref_squeeze %dma_wait3A_259 : memref<1x16384xf32, #tpu.memory_space<hbm>> -> memref<16384xf32, #tpu.memory_space<hbm>>
    tpu.wait_dma2 semaphore(%arg12 : memref<!tpu.dma_semaphore, #tpu.memory_space<semaphore_mem>>) src(%dma_wait3A_260 : memref<16384xf32, #tpu.memory_space<hbm>>) dst(%arg4 : memref<16384xf32, #tpu.memory_space<vmem>>)
    %parallel_loop3A_261 = arith.constant 0 : i32
    %parallel_loop3A_262 = arith.constant 1024 : i32
    %parallel_loop3A_263 = arith.constant 1 : i32
    scf.for %parallel_loop3A_392 = %parallel_loop3A_261 to %parallel_loop3A_262 step %parallel_loop3A_263  : i32 {
      %parallel_loop3A_393 = arith.constant 16 : i32
      %parallel_loop3A_394 = arith.muli %parallel_loop3A_392, %parallel_loop3A_393 : i32
      %parallel_loop3A_395 = arith.index_cast %parallel_loop3A_394 : i32 to index
      %parallel_loop3A_396 = tpu.vector_load %arg4[%parallel_loop3A_395] {strides = array<i32>} : memref<16384xf32, #tpu.memory_space<vmem>>, vector<16xf32>,
      %parallel_loop3A_397 = arith.fptosi %parallel_loop3A_396 : vector<16xf32> to vector<16xi32>
      tpu.vector_store_idx %arg6[%parallel_loop3A_397, %iota3A], %broadcast_in_dim3A_40 {add = true} : memref<256x16xf32, #tpu.memory_space<vmem>>[vector<16xi32>, vector<16xi32>], vector<16xf32>,
    } {sc.loop_unroll_factor = 16 : i64, sc.parallel_access}
    %add3A_264 = arith.constant 294912 : i32
    %add3A_265 = arith.addi %mul3A_32, %add3A_264 : i32
    %dma_start3A_266 = tpu.memref_slice %arg2[%add3A, %add3A_265] : memref<16x786432xf32, #tpu.memory_space<hbm>> -> memref<1x16384xf32, #tpu.memory_space<hbm>>
    %dma_start3A_267 = tpu.memref_squeeze %dma_start3A_266 : memref<1x16384xf32, #tpu.memory_space<hbm>> -> memref<16384xf32, #tpu.memory_space<hbm>>
    %dma_start3A_268 = tpu.memref_slice %arg2[%add3A, %add3A_265] : memref<16x786432xf32, #tpu.memory_space<hbm>> -> memref<1x16384xf32, #tpu.memory_space<hbm>>
    %dma_start3A_269 = tpu.memref_squeeze %dma_start3A_268 : memref<1x16384xf32, #tpu.memory_space<hbm>> -> memref<16384xf32, #tpu.memory_space<hbm>>
    tpu.enqueue_dma source(%dma_start3A_269 : memref<16384xf32, #tpu.memory_space<hbm>>) target(%arg4 : memref<16384xf32, #tpu.memory_space<vmem>>) target_semaphore(%arg12 : memref<!tpu.dma_semaphore, #tpu.memory_space<semaphore_mem>>)
    %dma_wait3A_270 = tpu.memref_slice %arg2[%add3A, %add3A_252] : memref<16x786432xf32, #tpu.memory_space<hbm>> -> memref<1x16384xf32, #tpu.memory_space<hbm>>
    %dma_wait3A_271 = tpu.memref_squeeze %dma_wait3A_270 : memref<1x16384xf32, #tpu.memory_space<hbm>> -> memref<16384xf32, #tpu.memory_space<hbm>>
    %dma_wait3A_272 = tpu.memref_slice %arg2[%add3A, %add3A_252] : memref<16x786432xf32, #tpu.memory_space<hbm>> -> memref<1x16384xf32, #tpu.memory_space<hbm>>
    %dma_wait3A_273 = tpu.memref_squeeze %dma_wait3A_272 : memref<1x16384xf32, #tpu.memory_space<hbm>> -> memref<16384xf32, #tpu.memory_space<hbm>>
    tpu.wait_dma2 semaphore(%arg13 : memref<!tpu.dma_semaphore, #tpu.memory_space<semaphore_mem>>) src(%dma_wait3A_273 : memref<16384xf32, #tpu.memory_space<hbm>>) dst(%arg5 : memref<16384xf32, #tpu.memory_space<vmem>>)
    %parallel_loop3A_274 = arith.constant 0 : i32
    %parallel_loop3A_275 = arith.constant 1024 : i32
    %parallel_loop3A_276 = arith.constant 1 : i32
    scf.for %parallel_loop3A_392 = %parallel_loop3A_274 to %parallel_loop3A_275 step %parallel_loop3A_276  : i32 {
      %parallel_loop3A_393 = arith.constant 16 : i32
      %parallel_loop3A_394 = arith.muli %parallel_loop3A_392, %parallel_loop3A_393 : i32
      %parallel_loop3A_395 = arith.index_cast %parallel_loop3A_394 : i32 to index
      %parallel_loop3A_396 = tpu.vector_load %arg5[%parallel_loop3A_395] {strides = array<i32>} : memref<16384xf32, #tpu.memory_space<vmem>>, vector<16xf32>,
      %parallel_loop3A_397 = arith.fptosi %parallel_loop3A_396 : vector<16xf32> to vector<16xi32>
      tpu.vector_store_idx %arg6[%parallel_loop3A_397, %iota3A], %broadcast_in_dim3A_40 {add = true} : memref<256x16xf32, #tpu.memory_space<vmem>>[vector<16xi32>, vector<16xi32>], vector<16xf32>,
    } {sc.loop_unroll_factor = 16 : i64, sc.parallel_access}
    %add3A_277 = arith.constant 311296 : i32
    %add3A_278 = arith.addi %mul3A_32, %add3A_277 : i32
    %dma_start3A_279 = tpu.memref_slice %arg2[%add3A, %add3A_278] : memref<16x786432xf32, #tpu.memory_space<hbm>> -> memref<1x16384xf32, #tpu.memory_space<hbm>>
    %dma_start3A_280 = tpu.memref_squeeze %dma_start3A_279 : memref<1x16384xf32, #tpu.memory_space<hbm>> -> memref<16384xf32, #tpu.memory_space<hbm>>
    %dma_start3A_281 = tpu.memref_slice %arg2[%add3A, %add3A_278] : memref<16x786432xf32, #tpu.memory_space<hbm>> -> memref<1x16384xf32, #tpu.memory_space<hbm>>
    %dma_start3A_282 = tpu.memref_squeeze %dma_start3A_281 : memref<1x16384xf32, #tpu.memory_space<hbm>> -> memref<16384xf32, #tpu.memory_space<hbm>>
    tpu.enqueue_dma source(%dma_start3A_282 : memref<16384xf32, #tpu.memory_space<hbm>>) target(%arg5 : memref<16384xf32, #tpu.memory_space<vmem>>) target_semaphore(%arg13 : memref<!tpu.dma_semaphore, #tpu.memory_space<semaphore_mem>>)
    %dma_wait3A_283 = tpu.memref_slice %arg2[%add3A, %add3A_265] : memref<16x786432xf32, #tpu.memory_space<hbm>> -> memref<1x16384xf32, #tpu.memory_space<hbm>>
    %dma_wait3A_284 = tpu.memref_squeeze %dma_wait3A_283 : memref<1x16384xf32, #tpu.memory_space<hbm>> -> memref<16384xf32, #tpu.memory_space<hbm>>
    %dma_wait3A_285 = tpu.memref_slice %arg2[%add3A, %add3A_265] : memref<16x786432xf32, #tpu.memory_space<hbm>> -> memref<1x16384xf32, #tpu.memory_space<hbm>>
    %dma_wait3A_286 = tpu.memref_squeeze %dma_wait3A_285 : memref<1x16384xf32, #tpu.memory_space<hbm>> -> memref<16384xf32, #tpu.memory_space<hbm>>
    tpu.wait_dma2 semaphore(%arg12 : memref<!tpu.dma_semaphore, #tpu.memory_space<semaphore_mem>>) src(%dma_wait3A_286 : memref<16384xf32, #tpu.memory_space<hbm>>) dst(%arg4 : memref<16384xf32, #tpu.memory_space<vmem>>)
    %parallel_loop3A_287 = arith.constant 0 : i32
    %parallel_loop3A_288 = arith.constant 1024 : i32
    %parallel_loop3A_289 = arith.constant 1 : i32
    scf.for %parallel_loop3A_392 = %parallel_loop3A_287 to %parallel_loop3A_288 step %parallel_loop3A_289  : i32 {
      %parallel_loop3A_393 = arith.constant 16 : i32
      %parallel_loop3A_394 = arith.muli %parallel_loop3A_392, %parallel_loop3A_393 : i32
      %parallel_loop3A_395 = arith.index_cast %parallel_loop3A_394 : i32 to index
      %parallel_loop3A_396 = tpu.vector_load %arg4[%parallel_loop3A_395] {strides = array<i32>} : memref<16384xf32, #tpu.memory_space<vmem>>, vector<16xf32>,
      %parallel_loop3A_397 = arith.fptosi %parallel_loop3A_396 : vector<16xf32> to vector<16xi32>
      tpu.vector_store_idx %arg6[%parallel_loop3A_397, %iota3A], %broadcast_in_dim3A_40 {add = true} : memref<256x16xf32, #tpu.memory_space<vmem>>[vector<16xi32>, vector<16xi32>], vector<16xf32>,
    } {sc.loop_unroll_factor = 16 : i64, sc.parallel_access}
    %add3A_290 = arith.constant 327680 : i32
    %add3A_291 = arith.addi %mul3A_32, %add3A_290 : i32
    %dma_start3A_292 = tpu.memref_slice %arg2[%add3A, %add3A_291] : memref<16x786432xf32, #tpu.memory_space<hbm>> -> memref<1x16384xf32, #tpu.memory_space<hbm>>
    %dma_start3A_293 = tpu.memref_squeeze %dma_start3A_292 : memref<1x16384xf32, #tpu.memory_space<hbm>> -> memref<16384xf32, #tpu.memory_space<hbm>>
    %dma_start3A_294 = tpu.memref_slice %arg2[%add3A, %add3A_291] : memref<16x786432xf32, #tpu.memory_space<hbm>> -> memref<1x16384xf32, #tpu.memory_space<hbm>>
    %dma_start3A_295 = tpu.memref_squeeze %dma_start3A_294 : memref<1x16384xf32, #tpu.memory_space<hbm>> -> memref<16384xf32, #tpu.memory_space<hbm>>
    tpu.enqueue_dma source(%dma_start3A_295 : memref<16384xf32, #tpu.memory_space<hbm>>) target(%arg4 : memref<16384xf32, #tpu.memory_space<vmem>>) target_semaphore(%arg12 : memref<!tpu.dma_semaphore, #tpu.memory_space<semaphore_mem>>)
    %dma_wait3A_296 = tpu.memref_slice %arg2[%add3A, %add3A_278] : memref<16x786432xf32, #tpu.memory_space<hbm>> -> memref<1x16384xf32, #tpu.memory_space<hbm>>
    %dma_wait3A_297 = tpu.memref_squeeze %dma_wait3A_296 : memref<1x16384xf32, #tpu.memory_space<hbm>> -> memref<16384xf32, #tpu.memory_space<hbm>>
    %dma_wait3A_298 = tpu.memref_slice %arg2[%add3A, %add3A_278] : memref<16x786432xf32, #tpu.memory_space<hbm>> -> memref<1x16384xf32, #tpu.memory_space<hbm>>
    %dma_wait3A_299 = tpu.memref_squeeze %dma_wait3A_298 : memref<1x16384xf32, #tpu.memory_space<hbm>> -> memref<16384xf32, #tpu.memory_space<hbm>>
    tpu.wait_dma2 semaphore(%arg13 : memref<!tpu.dma_semaphore, #tpu.memory_space<semaphore_mem>>) src(%dma_wait3A_299 : memref<16384xf32, #tpu.memory_space<hbm>>) dst(%arg5 : memref<16384xf32, #tpu.memory_space<vmem>>)
    %parallel_loop3A_300 = arith.constant 0 : i32
    %parallel_loop3A_301 = arith.constant 1024 : i32
    %parallel_loop3A_302 = arith.constant 1 : i32
    scf.for %parallel_loop3A_392 = %parallel_loop3A_300 to %parallel_loop3A_301 step %parallel_loop3A_302  : i32 {
      %parallel_loop3A_393 = arith.constant 16 : i32
      %parallel_loop3A_394 = arith.muli %parallel_loop3A_392, %parallel_loop3A_393 : i32
      %parallel_loop3A_395 = arith.index_cast %parallel_loop3A_394 : i32 to index
      %parallel_loop3A_396 = tpu.vector_load %arg5[%parallel_loop3A_395] {strides = array<i32>} : memref<16384xf32, #tpu.memory_space<vmem>>, vector<16xf32>,
      %parallel_loop3A_397 = arith.fptosi %parallel_loop3A_396 : vector<16xf32> to vector<16xi32>
      tpu.vector_store_idx %arg6[%parallel_loop3A_397, %iota3A], %broadcast_in_dim3A_40 {add = true} : memref<256x16xf32, #tpu.memory_space<vmem>>[vector<16xi32>, vector<16xi32>], vector<16xf32>,
    } {sc.loop_unroll_factor = 16 : i64, sc.parallel_access}
    %add3A_303 = arith.constant 344064 : i32
    %add3A_304 = arith.addi %mul3A_32, %add3A_303 : i32
    %dma_start3A_305 = tpu.memref_slice %arg2[%add3A, %add3A_304] : memref<16x786432xf32, #tpu.memory_space<hbm>> -> memref<1x16384xf32, #tpu.memory_space<hbm>>
    %dma_start3A_306 = tpu.memref_squeeze %dma_start3A_305 : memref<1x16384xf32, #tpu.memory_space<hbm>> -> memref<16384xf32, #tpu.memory_space<hbm>>
    %dma_start3A_307 = tpu.memref_slice %arg2[%add3A, %add3A_304] : memref<16x786432xf32, #tpu.memory_space<hbm>> -> memref<1x16384xf32, #tpu.memory_space<hbm>>
    %dma_start3A_308 = tpu.memref_squeeze %dma_start3A_307 : memref<1x16384xf32, #tpu.memory_space<hbm>> -> memref<16384xf32, #tpu.memory_space<hbm>>
    tpu.enqueue_dma source(%dma_start3A_308 : memref<16384xf32, #tpu.memory_space<hbm>>) target(%arg5 : memref<16384xf32, #tpu.memory_space<vmem>>) target_semaphore(%arg13 : memref<!tpu.dma_semaphore, #tpu.memory_space<semaphore_mem>>)
    %dma_wait3A_309 = tpu.memref_slice %arg2[%add3A, %add3A_291] : memref<16x786432xf32, #tpu.memory_space<hbm>> -> memref<1x16384xf32, #tpu.memory_space<hbm>>
    %dma_wait3A_310 = tpu.memref_squeeze %dma_wait3A_309 : memref<1x16384xf32, #tpu.memory_space<hbm>> -> memref<16384xf32, #tpu.memory_space<hbm>>
    %dma_wait3A_311 = tpu.memref_slice %arg2[%add3A, %add3A_291] : memref<16x786432xf32, #tpu.memory_space<hbm>> -> memref<1x16384xf32, #tpu.memory_space<hbm>>
    %dma_wait3A_312 = tpu.memref_squeeze %dma_wait3A_311 : memref<1x16384xf32, #tpu.memory_space<hbm>> -> memref<16384xf32, #tpu.memory_space<hbm>>
    tpu.wait_dma2 semaphore(%arg12 : memref<!tpu.dma_semaphore, #tpu.memory_space<semaphore_mem>>) src(%dma_wait3A_312 : memref<16384xf32, #tpu.memory_space<hbm>>) dst(%arg4 : memref<16384xf32, #tpu.memory_space<vmem>>)
    %parallel_loop3A_313 = arith.constant 0 : i32
    %parallel_loop3A_314 = arith.constant 1024 : i32
    %parallel_loop3A_315 = arith.constant 1 : i32
    scf.for %parallel_loop3A_392 = %parallel_loop3A_313 to %parallel_loop3A_314 step %parallel_loop3A_315  : i32 {
      %parallel_loop3A_393 = arith.constant 16 : i32
      %parallel_loop3A_394 = arith.muli %parallel_loop3A_392, %parallel_loop3A_393 : i32
      %parallel_loop3A_395 = arith.index_cast %parallel_loop3A_394 : i32 to index
      %parallel_loop3A_396 = tpu.vector_load %arg4[%parallel_loop3A_395] {strides = array<i32>} : memref<16384xf32, #tpu.memory_space<vmem>>, vector<16xf32>,
      %parallel_loop3A_397 = arith.fptosi %parallel_loop3A_396 : vector<16xf32> to vector<16xi32>
      tpu.vector_store_idx %arg6[%parallel_loop3A_397, %iota3A], %broadcast_in_dim3A_40 {add = true} : memref<256x16xf32, #tpu.memory_space<vmem>>[vector<16xi32>, vector<16xi32>], vector<16xf32>,
    } {sc.loop_unroll_factor = 16 : i64, sc.parallel_access}
    %add3A_316 = arith.constant 360448 : i32
    %add3A_317 = arith.addi %mul3A_32, %add3A_316 : i32
    %dma_start3A_318 = tpu.memref_slice %arg2[%add3A, %add3A_317] : memref<16x786432xf32, #tpu.memory_space<hbm>> -> memref<1x16384xf32, #tpu.memory_space<hbm>>
    %dma_start3A_319 = tpu.memref_squeeze %dma_start3A_318 : memref<1x16384xf32, #tpu.memory_space<hbm>> -> memref<16384xf32, #tpu.memory_space<hbm>>
    %dma_start3A_320 = tpu.memref_slice %arg2[%add3A, %add3A_317] : memref<16x786432xf32, #tpu.memory_space<hbm>> -> memref<1x16384xf32, #tpu.memory_space<hbm>>
    %dma_start3A_321 = tpu.memref_squeeze %dma_start3A_320 : memref<1x16384xf32, #tpu.memory_space<hbm>> -> memref<16384xf32, #tpu.memory_space<hbm>>
    tpu.enqueue_dma source(%dma_start3A_321 : memref<16384xf32, #tpu.memory_space<hbm>>) target(%arg4 : memref<16384xf32, #tpu.memory_space<vmem>>) target_semaphore(%arg12 : memref<!tpu.dma_semaphore, #tpu.memory_space<semaphore_mem>>)
    %dma_wait3A_322 = tpu.memref_slice %arg2[%add3A, %add3A_304] : memref<16x786432xf32, #tpu.memory_space<hbm>> -> memref<1x16384xf32, #tpu.memory_space<hbm>>
    %dma_wait3A_323 = tpu.memref_squeeze %dma_wait3A_322 : memref<1x16384xf32, #tpu.memory_space<hbm>> -> memref<16384xf32, #tpu.memory_space<hbm>>
    %dma_wait3A_324 = tpu.memref_slice %arg2[%add3A, %add3A_304] : memref<16x786432xf32, #tpu.memory_space<hbm>> -> memref<1x16384xf32, #tpu.memory_space<hbm>>
    %dma_wait3A_325 = tpu.memref_squeeze %dma_wait3A_324 : memref<1x16384xf32, #tpu.memory_space<hbm>> -> memref<16384xf32, #tpu.memory_space<hbm>>
    tpu.wait_dma2 semaphore(%arg13 : memref<!tpu.dma_semaphore, #tpu.memory_space<semaphore_mem>>) src(%dma_wait3A_325 : memref<16384xf32, #tpu.memory_space<hbm>>) dst(%arg5 : memref<16384xf32, #tpu.memory_space<vmem>>)
    %parallel_loop3A_326 = arith.constant 0 : i32
    %parallel_loop3A_327 = arith.constant 1024 : i32
    %parallel_loop3A_328 = arith.constant 1 : i32
    scf.for %parallel_loop3A_392 = %parallel_loop3A_326 to %parallel_loop3A_327 step %parallel_loop3A_328  : i32 {
      %parallel_loop3A_393 = arith.constant 16 : i32
      %parallel_loop3A_394 = arith.muli %parallel_loop3A_392, %parallel_loop3A_393 : i32
      %parallel_loop3A_395 = arith.index_cast %parallel_loop3A_394 : i32 to index
      %parallel_loop3A_396 = tpu.vector_load %arg5[%parallel_loop3A_395] {strides = array<i32>} : memref<16384xf32, #tpu.memory_space<vmem>>, vector<16xf32>,
      %parallel_loop3A_397 = arith.fptosi %parallel_loop3A_396 : vector<16xf32> to vector<16xi32>
      tpu.vector_store_idx %arg6[%parallel_loop3A_397, %iota3A], %broadcast_in_dim3A_40 {add = true} : memref<256x16xf32, #tpu.memory_space<vmem>>[vector<16xi32>, vector<16xi32>], vector<16xf32>,
    } {sc.loop_unroll_factor = 16 : i64, sc.parallel_access}
    %add3A_329 = arith.constant 376832 : i32
    %add3A_330 = arith.addi %mul3A_32, %add3A_329 : i32
    %dma_start3A_331 = tpu.memref_slice %arg2[%add3A, %add3A_330] : memref<16x786432xf32, #tpu.memory_space<hbm>> -> memref<1x16384xf32, #tpu.memory_space<hbm>>
    %dma_start3A_332 = tpu.memref_squeeze %dma_start3A_331 : memref<1x16384xf32, #tpu.memory_space<hbm>> -> memref<16384xf32, #tpu.memory_space<hbm>>
    %dma_start3A_333 = tpu.memref_slice %arg2[%add3A, %add3A_330] : memref<16x786432xf32, #tpu.memory_space<hbm>> -> memref<1x16384xf32, #tpu.memory_space<hbm>>
    %dma_start3A_334 = tpu.memref_squeeze %dma_start3A_333 : memref<1x16384xf32, #tpu.memory_space<hbm>> -> memref<16384xf32, #tpu.memory_space<hbm>>
    tpu.enqueue_dma source(%dma_start3A_334 : memref<16384xf32, #tpu.memory_space<hbm>>) target(%arg5 : memref<16384xf32, #tpu.memory_space<vmem>>) target_semaphore(%arg13 : memref<!tpu.dma_semaphore, #tpu.memory_space<semaphore_mem>>)
    %dma_wait3A_335 = tpu.memref_slice %arg2[%add3A, %add3A_317] : memref<16x786432xf32, #tpu.memory_space<hbm>> -> memref<1x16384xf32, #tpu.memory_space<hbm>>
    %dma_wait3A_336 = tpu.memref_squeeze %dma_wait3A_335 : memref<1x16384xf32, #tpu.memory_space<hbm>> -> memref<16384xf32, #tpu.memory_space<hbm>>
    %dma_wait3A_337 = tpu.memref_slice %arg2[%add3A, %add3A_317] : memref<16x786432xf32, #tpu.memory_space<hbm>> -> memref<1x16384xf32, #tpu.memory_space<hbm>>
    %dma_wait3A_338 = tpu.memref_squeeze %dma_wait3A_337 : memref<1x16384xf32, #tpu.memory_space<hbm>> -> memref<16384xf32, #tpu.memory_space<hbm>>
    tpu.wait_dma2 semaphore(%arg12 : memref<!tpu.dma_semaphore, #tpu.memory_space<semaphore_mem>>) src(%dma_wait3A_338 : memref<16384xf32, #tpu.memory_space<hbm>>) dst(%arg4 : memref<16384xf32, #tpu.memory_space<vmem>>)
    %parallel_loop3A_339 = arith.constant 0 : i32
    %parallel_loop3A_340 = arith.constant 1024 : i32
    %parallel_loop3A_341 = arith.constant 1 : i32
    scf.for %parallel_loop3A_392 = %parallel_loop3A_339 to %parallel_loop3A_340 step %parallel_loop3A_341  : i32 {
      %parallel_loop3A_393 = arith.constant 16 : i32
      %parallel_loop3A_394 = arith.muli %parallel_loop3A_392, %parallel_loop3A_393 : i32
      %parallel_loop3A_395 = arith.index_cast %parallel_loop3A_394 : i32 to index
      %parallel_loop3A_396 = tpu.vector_load %arg4[%parallel_loop3A_395] {strides = array<i32>} : memref<16384xf32, #tpu.memory_space<vmem>>, vector<16xf32>,
      %parallel_loop3A_397 = arith.fptosi %parallel_loop3A_396 : vector<16xf32> to vector<16xi32>
      tpu.vector_store_idx %arg6[%parallel_loop3A_397, %iota3A], %broadcast_in_dim3A_40 {add = true} : memref<256x16xf32, #tpu.memory_space<vmem>>[vector<16xi32>, vector<16xi32>], vector<16xf32>,
    } {sc.loop_unroll_factor = 16 : i64, sc.parallel_access}
    %dma_wait3A_342 = tpu.memref_slice %arg2[%add3A, %add3A_330] : memref<16x786432xf32, #tpu.memory_space<hbm>> -> memref<1x16384xf32, #tpu.memory_space<hbm>>
    %dma_wait3A_343 = tpu.memref_squeeze %dma_wait3A_342 : memref<1x16384xf32, #tpu.memory_space<hbm>> -> memref<16384xf32, #tpu.memory_space<hbm>>
    %dma_wait3A_344 = tpu.memref_slice %arg2[%add3A, %add3A_330] : memref<16x786432xf32, #tpu.memory_space<hbm>> -> memref<1x16384xf32, #tpu.memory_space<hbm>>
    %dma_wait3A_345 = tpu.memref_squeeze %dma_wait3A_344 : memref<1x16384xf32, #tpu.memory_space<hbm>> -> memref<16384xf32, #tpu.memory_space<hbm>>
    tpu.wait_dma2 semaphore(%arg13 : memref<!tpu.dma_semaphore, #tpu.memory_space<semaphore_mem>>) src(%dma_wait3A_345 : memref<16384xf32, #tpu.memory_space<hbm>>) dst(%arg5 : memref<16384xf32, #tpu.memory_space<vmem>>)
    %parallel_loop3A_346 = arith.constant 0 : i32
    %parallel_loop3A_347 = arith.constant 1024 : i32
    %parallel_loop3A_348 = arith.constant 1 : i32
    scf.for %parallel_loop3A_392 = %parallel_loop3A_346 to %parallel_loop3A_347 step %parallel_loop3A_348  : i32 {
      %parallel_loop3A_393 = arith.constant 16 : i32
      %parallel_loop3A_394 = arith.muli %parallel_loop3A_392, %parallel_loop3A_393 : i32
      %parallel_loop3A_395 = arith.index_cast %parallel_loop3A_394 : i32 to index
      %parallel_loop3A_396 = tpu.vector_load %arg5[%parallel_loop3A_395] {strides = array<i32>} : memref<16384xf32, #tpu.memory_space<vmem>>, vector<16xf32>,
      %parallel_loop3A_397 = arith.fptosi %parallel_loop3A_396 : vector<16xf32> to vector<16xi32>
      tpu.vector_store_idx %arg6[%parallel_loop3A_397, %iota3A], %broadcast_in_dim3A_40 {add = true} : memref<256x16xf32, #tpu.memory_space<vmem>>[vector<16xi32>, vector<16xi32>], vector<16xf32>,
    } {sc.loop_unroll_factor = 16 : i64, sc.parallel_access}
    %parallel_loop3A_349 = arith.constant 0 : i32
    %parallel_loop3A_350 = arith.constant 256 : i32
    %parallel_loop3A_351 = arith.constant 1 : i32
    scf.for %parallel_loop3A_392 = %parallel_loop3A_349 to %parallel_loop3A_350 step %parallel_loop3A_351  : i32 {
      %parallel_loop3A_393 = vector.broadcast %parallel_loop3A_392 : i32 to vector<16xi32>
      %parallel_loop3A_394 = arith.index_cast %parallel_loop3A_392 : i32 to index
      %parallel_loop3A_395 = arith.constant 0 : index
      %parallel_loop3A_396 = tpu.vector_load %arg6[%parallel_loop3A_394, %parallel_loop3A_395] {strides = array<i32>} : memref<256x16xf32, #tpu.memory_space<vmem>>, vector<16xf32>,
      tpu.vector_store_idx %arg7[%parallel_loop3A_393], %parallel_loop3A_396 {add = true} : memref<256xf32, #tpu.memory_space<vmem>>[vector<16xi32>], vector<16xf32>,
    } {sc.loop_unroll_factor = 4 : i64, sc.parallel_access}
    "tpu.region"() ({
      %run_scoped3A = tpu.sem_alloc : memref<!tpu.dma_semaphore, #tpu.memory_space<semaphore_mem>>
      %dma_start3A_392 = arith.constant 0 : i32
      %dma_start3A_393 = tpu.memref_slice %arg11[%arg1, %dma_start3A_392] : memref<16x256xf32, #tpu.memory_space<vmem_shared>> -> memref<1x256xf32, #tpu.memory_space<vmem_shared>>
      %dma_start3A_394 = tpu.memref_squeeze %dma_start3A_393 : memref<1x256xf32, #tpu.memory_space<vmem_shared>> -> memref<256xf32, #tpu.memory_space<vmem_shared>>
      %dma_start3A_395 = arith.constant 0 : i32
      %dma_start3A_396 = tpu.memref_slice %arg11[%arg1, %dma_start3A_395] : memref<16x256xf32, #tpu.memory_space<vmem_shared>> -> memref<1x256xf32, #tpu.memory_space<vmem_shared>>
      %dma_start3A_397 = tpu.memref_squeeze %dma_start3A_396 : memref<1x256xf32, #tpu.memory_space<vmem_shared>> -> memref<256xf32, #tpu.memory_space<vmem_shared>>
      tpu.enqueue_dma source(%arg7 : memref<256xf32, #tpu.memory_space<vmem>>) target(%dma_start3A_397 : memref<256xf32, #tpu.memory_space<vmem_shared>>) target_semaphore(%run_scoped3A : memref<!tpu.dma_semaphore, #tpu.memory_space<semaphore_mem>>)
      %dma_wait3A_398 = arith.constant 0 : i32
      %dma_wait3A_399 = tpu.memref_slice %arg11[%arg1, %dma_wait3A_398] : memref<16x256xf32, #tpu.memory_space<vmem_shared>> -> memref<1x256xf32, #tpu.memory_space<vmem_shared>>
      %dma_wait3A_400 = tpu.memref_squeeze %dma_wait3A_399 : memref<1x256xf32, #tpu.memory_space<vmem_shared>> -> memref<256xf32, #tpu.memory_space<vmem_shared>>
      %dma_wait3A_401 = arith.constant 0 : i32
      %dma_wait3A_402 = tpu.memref_slice %arg11[%arg1, %dma_wait3A_401] : memref<16x256xf32, #tpu.memory_space<vmem_shared>> -> memref<1x256xf32, #tpu.memory_space<vmem_shared>>
      %dma_wait3A_403 = tpu.memref_squeeze %dma_wait3A_402 : memref<1x256xf32, #tpu.memory_space<vmem_shared>> -> memref<256xf32, #tpu.memory_space<vmem_shared>>
      tpu.wait_dma2 semaphore(%run_scoped3A : memref<!tpu.dma_semaphore, #tpu.memory_space<semaphore_mem>>) src(%arg7 : memref<256xf32, #tpu.memory_space<vmem>>) dst(%dma_wait3A_403 : memref<256xf32, #tpu.memory_space<vmem_shared>>)
      tpu.yield
    }) : () -> ()
    %barrier3A = arith.constant 0 : index
    tpu.barrier barrier_id(%barrier3A)
    %xor3A = arith.constant 1 : i32
    %xor3A_352 = arith.xori %arg1, %xor3A : i32
    "tpu.region"() ({
      %run_scoped3A = tpu.sem_alloc : memref<!tpu.dma_semaphore, #tpu.memory_space<semaphore_mem>>
      %dma_start3A_392 = arith.constant 0 : i32
      %dma_start3A_393 = tpu.memref_slice %arg11[%xor3A_352, %dma_start3A_392] : memref<16x256xf32, #tpu.memory_space<vmem_shared>> -> memref<1x256xf32, #tpu.memory_space<vmem_shared>>
      %dma_start3A_394 = tpu.memref_squeeze %dma_start3A_393 : memref<1x256xf32, #tpu.memory_space<vmem_shared>> -> memref<256xf32, #tpu.memory_space<vmem_shared>>
      %dma_start3A_395 = arith.constant 0 : i32
      %dma_start3A_396 = tpu.memref_slice %arg11[%xor3A_352, %dma_start3A_395] : memref<16x256xf32, #tpu.memory_space<vmem_shared>> -> memref<1x256xf32, #tpu.memory_space<vmem_shared>>
      %dma_start3A_397 = tpu.memref_squeeze %dma_start3A_396 : memref<1x256xf32, #tpu.memory_space<vmem_shared>> -> memref<256xf32, #tpu.memory_space<vmem_shared>>
      tpu.enqueue_dma source(%dma_start3A_397 : memref<256xf32, #tpu.memory_space<vmem_shared>>) target(%arg8 : memref<256xf32, #tpu.memory_space<vmem>>) target_semaphore(%run_scoped3A : memref<!tpu.dma_semaphore, #tpu.memory_space<semaphore_mem>>)
      %dma_wait3A_398 = arith.constant 0 : i32
      %dma_wait3A_399 = tpu.memref_slice %arg11[%xor3A_352, %dma_wait3A_398] : memref<16x256xf32, #tpu.memory_space<vmem_shared>> -> memref<1x256xf32, #tpu.memory_space<vmem_shared>>
      %dma_wait3A_400 = tpu.memref_squeeze %dma_wait3A_399 : memref<1x256xf32, #tpu.memory_space<vmem_shared>> -> memref<256xf32, #tpu.memory_space<vmem_shared>>
      %dma_wait3A_401 = arith.constant 0 : i32
      %dma_wait3A_402 = tpu.memref_slice %arg11[%xor3A_352, %dma_wait3A_401] : memref<16x256xf32, #tpu.memory_space<vmem_shared>> -> memref<1x256xf32, #tpu.memory_space<vmem_shared>>
      %dma_wait3A_403 = tpu.memref_squeeze %dma_wait3A_402 : memref<1x256xf32, #tpu.memory_space<vmem_shared>> -> memref<256xf32, #tpu.memory_space<vmem_shared>>
      tpu.wait_dma2 semaphore(%run_scoped3A : memref<!tpu.dma_semaphore, #tpu.memory_space<semaphore_mem>>) src(%dma_wait3A_403 : memref<256xf32, #tpu.memory_space<vmem_shared>>) dst(%arg8 : memref<256xf32, #tpu.memory_space<vmem>>)
      tpu.yield
    }) : () -> ()
    %parallel_loop3A_353 = arith.constant 0 : i32
    %parallel_loop3A_354 = arith.constant 16 : i32
    %parallel_loop3A_355 = arith.constant 1 : i32
    scf.for %parallel_loop3A_392 = %parallel_loop3A_353 to %parallel_loop3A_354 step %parallel_loop3A_355  : i32 {
      %parallel_loop3A_393 = arith.constant 16 : i32
      %parallel_loop3A_394 = arith.muli %parallel_loop3A_392, %parallel_loop3A_393 : i32
      %parallel_loop3A_395 = arith.index_cast %parallel_loop3A_394 : i32 to index
      %parallel_loop3A_396 = tpu.vector_load %arg7[%parallel_loop3A_395] {strides = array<i32>} : memref<256xf32, #tpu.memory_space<vmem>>, vector<16xf32>,
      %parallel_loop3A_397 = arith.index_cast %parallel_loop3A_394 : i32 to index
      %parallel_loop3A_398 = tpu.vector_load %arg8[%parallel_loop3A_397] {strides = array<i32>} : memref<256xf32, #tpu.memory_space<vmem>>, vector<16xf32>,
      %parallel_loop3A_399 = arith.addf %parallel_loop3A_396, %parallel_loop3A_398 : vector<16xf32>
      %parallel_loop3A_400 = arith.index_cast %parallel_loop3A_394 : i32 to index
      %parallel_loop3A_401 = tpu.vector_load %arg7[%parallel_loop3A_400] {strides = array<i32>} : memref<256xf32, #tpu.memory_space<vmem>>, vector<16xf32>,
      tpu.vector_store %arg7[%parallel_loop3A_400], %parallel_loop3A_399 {strides = array<i32>} : memref<256xf32, #tpu.memory_space<vmem>>, vector<16xf32>,
    } {sc.loop_unroll_factor = 4 : i64, sc.parallel_access}
    %mul3A_356 = arith.constant 128 : i32
    %mul3A_357 = arith.muli %select_n3A_30, %mul3A_356 : i32
    %add3A_358 = arith.constant 0 : i32
    %add3A_359 = arith.addi %mul3A_357, %add3A_358 : i32
    %parallel_loop3A_360 = arith.constant 0 : i32
    %parallel_loop3A_361 = arith.constant 64 : i32
    %parallel_loop3A_362 = arith.constant 1 : i32
    scf.for %parallel_loop3A_392 = %parallel_loop3A_360 to %parallel_loop3A_361 step %parallel_loop3A_362  : i32 {
      %parallel_loop3A_393 = arith.addi %add3A_359, %parallel_loop3A_392 : i32
      %parallel_loop3A_394 = vector.broadcast %parallel_loop3A_393 : i32 to vector<16xi32>
      %parallel_loop3A_395 = tpu.vector_load_idx %arg7[%parallel_loop3A_394] : memref<256xf32, #tpu.memory_space<vmem>>[vector<16xi32>], vector<16xf32>,
      %parallel_loop3A_396 = arith.index_cast %parallel_loop3A_392 : i32 to index
      %parallel_loop3A_397 = arith.constant 0 : index
      %parallel_loop3A_398 = tpu.vector_load %arg9[%parallel_loop3A_396, %parallel_loop3A_397] {strides = array<i32>} : memref<64x256xf32, #tpu.memory_space<vmem>>, vector<16xf32>,
      tpu.vector_store %arg9[%parallel_loop3A_396, %parallel_loop3A_397], %parallel_loop3A_395 {strides = array<i32>} : memref<64x256xf32, #tpu.memory_space<vmem>>, vector<16xf32>,
      %parallel_loop3A_399 = arith.index_cast %parallel_loop3A_392 : i32 to index
      %parallel_loop3A_400 = arith.constant 16 : index
      %parallel_loop3A_401 = tpu.vector_load %arg9[%parallel_loop3A_399, %parallel_loop3A_400] {strides = array<i32>} : memref<64x256xf32, #tpu.memory_space<vmem>>, vector<16xf32>,
      tpu.vector_store %arg9[%parallel_loop3A_399, %parallel_loop3A_400], %parallel_loop3A_395 {strides = array<i32>} : memref<64x256xf32, #tpu.memory_space<vmem>>, vector<16xf32>,
      %parallel_loop3A_402 = arith.index_cast %parallel_loop3A_392 : i32 to index
      %parallel_loop3A_403 = arith.constant 32 : index
      %parallel_loop3A_404 = tpu.vector_load %arg9[%parallel_loop3A_402, %parallel_loop3A_403] {strides = array<i32>} : memref<64x256xf32, #tpu.memory_space<vmem>>, vector<16xf32>,
      tpu.vector_store %arg9[%parallel_loop3A_402, %parallel_loop3A_403], %parallel_loop3A_395 {strides = array<i32>} : memref<64x256xf32, #tpu.memory_space<vmem>>, vector<16xf32>,
      %parallel_loop3A_405 = arith.index_cast %parallel_loop3A_392 : i32 to index
      %parallel_loop3A_406 = arith.constant 48 : index
      %parallel_loop3A_407 = tpu.vector_load %arg9[%parallel_loop3A_405, %parallel_loop3A_406] {strides = array<i32>} : memref<64x256xf32, #tpu.memory_space<vmem>>, vector<16xf32>,
      tpu.vector_store %arg9[%parallel_loop3A_405, %parallel_loop3A_406], %parallel_loop3A_395 {strides = array<i32>} : memref<64x256xf32, #tpu.memory_space<vmem>>, vector<16xf32>,
      %parallel_loop3A_408 = arith.index_cast %parallel_loop3A_392 : i32 to index
      %parallel_loop3A_409 = arith.constant 64 : index
      %parallel_loop3A_410 = tpu.vector_load %arg9[%parallel_loop3A_408, %parallel_loop3A_409] {strides = array<i32>} : memref<64x256xf32, #tpu.memory_space<vmem>>, vector<16xf32>,
      tpu.vector_store %arg9[%parallel_loop3A_408, %parallel_loop3A_409], %parallel_loop3A_395 {strides = array<i32>} : memref<64x256xf32, #tpu.memory_space<vmem>>, vector<16xf32>,
      %parallel_loop3A_411 = arith.index_cast %parallel_loop3A_392 : i32 to index
      %parallel_loop3A_412 = arith.constant 80 : index
      %parallel_loop3A_413 = tpu.vector_load %arg9[%parallel_loop3A_411, %parallel_loop3A_412] {strides = array<i32>} : memref<64x256xf32, #tpu.memory_space<vmem>>, vector<16xf32>,
      tpu.vector_store %arg9[%parallel_loop3A_411, %parallel_loop3A_412], %parallel_loop3A_395 {strides = array<i32>} : memref<64x256xf32, #tpu.memory_space<vmem>>, vector<16xf32>,
      %parallel_loop3A_414 = arith.index_cast %parallel_loop3A_392 : i32 to index
      %parallel_loop3A_415 = arith.constant 96 : index
      %parallel_loop3A_416 = tpu.vector_load %arg9[%parallel_loop3A_414, %parallel_loop3A_415] {strides = array<i32>} : memref<64x256xf32, #tpu.memory_space<vmem>>, vector<16xf32>,
      tpu.vector_store %arg9[%parallel_loop3A_414, %parallel_loop3A_415], %parallel_loop3A_395 {strides = array<i32>} : memref<64x256xf32, #tpu.memory_space<vmem>>, vector<16xf32>,
      %parallel_loop3A_417 = arith.index_cast %parallel_loop3A_392 : i32 to index
      %parallel_loop3A_418 = arith.constant 112 : index
      %parallel_loop3A_419 = tpu.vector_load %arg9[%parallel_loop3A_417, %parallel_loop3A_418] {strides = array<i32>} : memref<64x256xf32, #tpu.memory_space<vmem>>, vector<16xf32>,
      tpu.vector_store %arg9[%parallel_loop3A_417, %parallel_loop3A_418], %parallel_loop3A_395 {strides = array<i32>} : memref<64x256xf32, #tpu.memory_space<vmem>>, vector<16xf32>,
      %parallel_loop3A_420 = arith.index_cast %parallel_loop3A_392 : i32 to index
      %parallel_loop3A_421 = arith.constant 128 : index
      %parallel_loop3A_422 = tpu.vector_load %arg9[%parallel_loop3A_420, %parallel_loop3A_421] {strides = array<i32>} : memref<64x256xf32, #tpu.memory_space<vmem>>, vector<16xf32>,
      tpu.vector_store %arg9[%parallel_loop3A_420, %parallel_loop3A_421], %parallel_loop3A_395 {strides = array<i32>} : memref<64x256xf32, #tpu.memory_space<vmem>>, vector<16xf32>,
      %parallel_loop3A_423 = arith.index_cast %parallel_loop3A_392 : i32 to index
      %parallel_loop3A_424 = arith.constant 144 : index
      %parallel_loop3A_425 = tpu.vector_load %arg9[%parallel_loop3A_423, %parallel_loop3A_424] {strides = array<i32>} : memref<64x256xf32, #tpu.memory_space<vmem>>, vector<16xf32>,
      tpu.vector_store %arg9[%parallel_loop3A_423, %parallel_loop3A_424], %parallel_loop3A_395 {strides = array<i32>} : memref<64x256xf32, #tpu.memory_space<vmem>>, vector<16xf32>,
      %parallel_loop3A_426 = arith.index_cast %parallel_loop3A_392 : i32 to index
      %parallel_loop3A_427 = arith.constant 160 : index
      %parallel_loop3A_428 = tpu.vector_load %arg9[%parallel_loop3A_426, %parallel_loop3A_427] {strides = array<i32>} : memref<64x256xf32, #tpu.memory_space<vmem>>, vector<16xf32>,
      tpu.vector_store %arg9[%parallel_loop3A_426, %parallel_loop3A_427], %parallel_loop3A_395 {strides = array<i32>} : memref<64x256xf32, #tpu.memory_space<vmem>>, vector<16xf32>,
      %parallel_loop3A_429 = arith.index_cast %parallel_loop3A_392 : i32 to index
      %parallel_loop3A_430 = arith.constant 176 : index
      %parallel_loop3A_431 = tpu.vector_load %arg9[%parallel_loop3A_429, %parallel_loop3A_430] {strides = array<i32>} : memref<64x256xf32, #tpu.memory_space<vmem>>, vector<16xf32>,
      tpu.vector_store %arg9[%parallel_loop3A_429, %parallel_loop3A_430], %parallel_loop3A_395 {strides = array<i32>} : memref<64x256xf32, #tpu.memory_space<vmem>>, vector<16xf32>,
      %parallel_loop3A_432 = arith.index_cast %parallel_loop3A_392 : i32 to index
      %parallel_loop3A_433 = arith.constant 192 : index
      %parallel_loop3A_434 = tpu.vector_load %arg9[%parallel_loop3A_432, %parallel_loop3A_433] {strides = array<i32>} : memref<64x256xf32, #tpu.memory_space<vmem>>, vector<16xf32>,
      tpu.vector_store %arg9[%parallel_loop3A_432, %parallel_loop3A_433], %parallel_loop3A_395 {strides = array<i32>} : memref<64x256xf32, #tpu.memory_space<vmem>>, vector<16xf32>,
      %parallel_loop3A_435 = arith.index_cast %parallel_loop3A_392 : i32 to index
      %parallel_loop3A_436 = arith.constant 208 : index
      %parallel_loop3A_437 = tpu.vector_load %arg9[%parallel_loop3A_435, %parallel_loop3A_436] {strides = array<i32>} : memref<64x256xf32, #tpu.memory_space<vmem>>, vector<16xf32>,
      tpu.vector_store %arg9[%parallel_loop3A_435, %parallel_loop3A_436], %parallel_loop3A_395 {strides = array<i32>} : memref<64x256xf32, #tpu.memory_space<vmem>>, vector<16xf32>,
      %parallel_loop3A_438 = arith.index_cast %parallel_loop3A_392 : i32 to index
      %parallel_loop3A_439 = arith.constant 224 : index
      %parallel_loop3A_440 = tpu.vector_load %arg9[%parallel_loop3A_438, %parallel_loop3A_439] {strides = array<i32>} : memref<64x256xf32, #tpu.memory_space<vmem>>, vector<16xf32>,
      tpu.vector_store %arg9[%parallel_loop3A_438, %parallel_loop3A_439], %parallel_loop3A_395 {strides = array<i32>} : memref<64x256xf32, #tpu.memory_space<vmem>>, vector<16xf32>,
      %parallel_loop3A_441 = arith.index_cast %parallel_loop3A_392 : i32 to index
      %parallel_loop3A_442 = arith.constant 240 : index
      %parallel_loop3A_443 = tpu.vector_load %arg9[%parallel_loop3A_441, %parallel_loop3A_442] {strides = array<i32>} : memref<64x256xf32, #tpu.memory_space<vmem>>, vector<16xf32>,
      tpu.vector_store %arg9[%parallel_loop3A_441, %parallel_loop3A_442], %parallel_loop3A_395 {strides = array<i32>} : memref<64x256xf32, #tpu.memory_space<vmem>>, vector<16xf32>,
    } {sc.loop_unroll_factor = 2 : i64, sc.parallel_access}
    %dma_start3A_363 = arith.constant 0 : i32
    %dma_start3A_364 = tpu.memref_slice %arg3[%add3A, %add3A_359, %dma_start3A_363] : memref<16x256x256xf32, #tpu.memory_space<hbm>> -> memref<1x64x256xf32, #tpu.memory_space<hbm>>
    %dma_start3A_365 = tpu.memref_squeeze %dma_start3A_364 : memref<1x64x256xf32, #tpu.memory_space<hbm>> -> memref<64x256xf32, #tpu.memory_space<hbm>>
    %dma_start3A_366 = arith.constant 0 : i32
    %dma_start3A_367 = tpu.memref_slice %arg3[%add3A, %add3A_359, %dma_start3A_366] : memref<16x256x256xf32, #tpu.memory_space<hbm>> -> memref<1x64x256xf32, #tpu.memory_space<hbm>>
    %dma_start3A_368 = tpu.memref_squeeze %dma_start3A_367 : memref<1x64x256xf32, #tpu.memory_space<hbm>> -> memref<64x256xf32, #tpu.memory_space<hbm>>
    tpu.enqueue_dma source(%arg9 : memref<64x256xf32, #tpu.memory_space<vmem>>) target(%dma_start3A_368 : memref<64x256xf32, #tpu.memory_space<hbm>>) target_semaphore(%arg14 : memref<!tpu.dma_semaphore, #tpu.memory_space<semaphore_mem>>)
    %add3A_369 = arith.constant 64 : i32
    %add3A_370 = arith.addi %mul3A_357, %add3A_369 : i32
    %parallel_loop3A_371 = arith.constant 0 : i32
    %parallel_loop3A_372 = arith.constant 64 : i32
    %parallel_loop3A_373 = arith.constant 1 : i32
    scf.for %parallel_loop3A_392 = %parallel_loop3A_371 to %parallel_loop3A_372 step %parallel_loop3A_373  : i32 {
      %parallel_loop3A_393 = arith.addi %add3A_370, %parallel_loop3A_392 : i32
      %parallel_loop3A_394 = vector.broadcast %parallel_loop3A_393 : i32 to vector<16xi32>
      %parallel_loop3A_395 = tpu.vector_load_idx %arg7[%parallel_loop3A_394] : memref<256xf32, #tpu.memory_space<vmem>>[vector<16xi32>], vector<16xf32>,
      %parallel_loop3A_396 = arith.index_cast %parallel_loop3A_392 : i32 to index
      %parallel_loop3A_397 = arith.constant 0 : index
      %parallel_loop3A_398 = tpu.vector_load %arg10[%parallel_loop3A_396, %parallel_loop3A_397] {strides = array<i32>} : memref<64x256xf32, #tpu.memory_space<vmem>>, vector<16xf32>,
      tpu.vector_store %arg10[%parallel_loop3A_396, %parallel_loop3A_397], %parallel_loop3A_395 {strides = array<i32>} : memref<64x256xf32, #tpu.memory_space<vmem>>, vector<16xf32>,
      %parallel_loop3A_399 = arith.index_cast %parallel_loop3A_392 : i32 to index
      %parallel_loop3A_400 = arith.constant 16 : index
      %parallel_loop3A_401 = tpu.vector_load %arg10[%parallel_loop3A_399, %parallel_loop3A_400] {strides = array<i32>} : memref<64x256xf32, #tpu.memory_space<vmem>>, vector<16xf32>,
      tpu.vector_store %arg10[%parallel_loop3A_399, %parallel_loop3A_400], %parallel_loop3A_395 {strides = array<i32>} : memref<64x256xf32, #tpu.memory_space<vmem>>, vector<16xf32>,
      %parallel_loop3A_402 = arith.index_cast %parallel_loop3A_392 : i32 to index
      %parallel_loop3A_403 = arith.constant 32 : index
      %parallel_loop3A_404 = tpu.vector_load %arg10[%parallel_loop3A_402, %parallel_loop3A_403] {strides = array<i32>} : memref<64x256xf32, #tpu.memory_space<vmem>>, vector<16xf32>,
      tpu.vector_store %arg10[%parallel_loop3A_402, %parallel_loop3A_403], %parallel_loop3A_395 {strides = array<i32>} : memref<64x256xf32, #tpu.memory_space<vmem>>, vector<16xf32>,
      %parallel_loop3A_405 = arith.index_cast %parallel_loop3A_392 : i32 to index
      %parallel_loop3A_406 = arith.constant 48 : index
      %parallel_loop3A_407 = tpu.vector_load %arg10[%parallel_loop3A_405, %parallel_loop3A_406] {strides = array<i32>} : memref<64x256xf32, #tpu.memory_space<vmem>>, vector<16xf32>,
      tpu.vector_store %arg10[%parallel_loop3A_405, %parallel_loop3A_406], %parallel_loop3A_395 {strides = array<i32>} : memref<64x256xf32, #tpu.memory_space<vmem>>, vector<16xf32>,
      %parallel_loop3A_408 = arith.index_cast %parallel_loop3A_392 : i32 to index
      %parallel_loop3A_409 = arith.constant 64 : index
      %parallel_loop3A_410 = tpu.vector_load %arg10[%parallel_loop3A_408, %parallel_loop3A_409] {strides = array<i32>} : memref<64x256xf32, #tpu.memory_space<vmem>>, vector<16xf32>,
      tpu.vector_store %arg10[%parallel_loop3A_408, %parallel_loop3A_409], %parallel_loop3A_395 {strides = array<i32>} : memref<64x256xf32, #tpu.memory_space<vmem>>, vector<16xf32>,
      %parallel_loop3A_411 = arith.index_cast %parallel_loop3A_392 : i32 to index
      %parallel_loop3A_412 = arith.constant 80 : index
      %parallel_loop3A_413 = tpu.vector_load %arg10[%parallel_loop3A_411, %parallel_loop3A_412] {strides = array<i32>} : memref<64x256xf32, #tpu.memory_space<vmem>>, vector<16xf32>,
      tpu.vector_store %arg10[%parallel_loop3A_411, %parallel_loop3A_412], %parallel_loop3A_395 {strides = array<i32>} : memref<64x256xf32, #tpu.memory_space<vmem>>, vector<16xf32>,
      %parallel_loop3A_414 = arith.index_cast %parallel_loop3A_392 : i32 to index
      %parallel_loop3A_415 = arith.constant 96 : index
      %parallel_loop3A_416 = tpu.vector_load %arg10[%parallel_loop3A_414, %parallel_loop3A_415] {strides = array<i32>} : memref<64x256xf32, #tpu.memory_space<vmem>>, vector<16xf32>,
      tpu.vector_store %arg10[%parallel_loop3A_414, %parallel_loop3A_415], %parallel_loop3A_395 {strides = array<i32>} : memref<64x256xf32, #tpu.memory_space<vmem>>, vector<16xf32>,
      %parallel_loop3A_417 = arith.index_cast %parallel_loop3A_392 : i32 to index
      %parallel_loop3A_418 = arith.constant 112 : index
      %parallel_loop3A_419 = tpu.vector_load %arg10[%parallel_loop3A_417, %parallel_loop3A_418] {strides = array<i32>} : memref<64x256xf32, #tpu.memory_space<vmem>>, vector<16xf32>,
      tpu.vector_store %arg10[%parallel_loop3A_417, %parallel_loop3A_418], %parallel_loop3A_395 {strides = array<i32>} : memref<64x256xf32, #tpu.memory_space<vmem>>, vector<16xf32>,
      %parallel_loop3A_420 = arith.index_cast %parallel_loop3A_392 : i32 to index
      %parallel_loop3A_421 = arith.constant 128 : index
      %parallel_loop3A_422 = tpu.vector_load %arg10[%parallel_loop3A_420, %parallel_loop3A_421] {strides = array<i32>} : memref<64x256xf32, #tpu.memory_space<vmem>>, vector<16xf32>,
      tpu.vector_store %arg10[%parallel_loop3A_420, %parallel_loop3A_421], %parallel_loop3A_395 {strides = array<i32>} : memref<64x256xf32, #tpu.memory_space<vmem>>, vector<16xf32>,
      %parallel_loop3A_423 = arith.index_cast %parallel_loop3A_392 : i32 to index
      %parallel_loop3A_424 = arith.constant 144 : index
      %parallel_loop3A_425 = tpu.vector_load %arg10[%parallel_loop3A_423, %parallel_loop3A_424] {strides = array<i32>} : memref<64x256xf32, #tpu.memory_space<vmem>>, vector<16xf32>,
      tpu.vector_store %arg10[%parallel_loop3A_423, %parallel_loop3A_424], %parallel_loop3A_395 {strides = array<i32>} : memref<64x256xf32, #tpu.memory_space<vmem>>, vector<16xf32>,
      %parallel_loop3A_426 = arith.index_cast %parallel_loop3A_392 : i32 to index
      %parallel_loop3A_427 = arith.constant 160 : index
      %parallel_loop3A_428 = tpu.vector_load %arg10[%parallel_loop3A_426, %parallel_loop3A_427] {strides = array<i32>} : memref<64x256xf32, #tpu.memory_space<vmem>>, vector<16xf32>,
      tpu.vector_store %arg10[%parallel_loop3A_426, %parallel_loop3A_427], %parallel_loop3A_395 {strides = array<i32>} : memref<64x256xf32, #tpu.memory_space<vmem>>, vector<16xf32>,
      %parallel_loop3A_429 = arith.index_cast %parallel_loop3A_392 : i32 to index
      %parallel_loop3A_430 = arith.constant 176 : index
      %parallel_loop3A_431 = tpu.vector_load %arg10[%parallel_loop3A_429, %parallel_loop3A_430] {strides = array<i32>} : memref<64x256xf32, #tpu.memory_space<vmem>>, vector<16xf32>,
      tpu.vector_store %arg10[%parallel_loop3A_429, %parallel_loop3A_430], %parallel_loop3A_395 {strides = array<i32>} : memref<64x256xf32, #tpu.memory_space<vmem>>, vector<16xf32>,
      %parallel_loop3A_432 = arith.index_cast %parallel_loop3A_392 : i32 to index
      %parallel_loop3A_433 = arith.constant 192 : index
      %parallel_loop3A_434 = tpu.vector_load %arg10[%parallel_loop3A_432, %parallel_loop3A_433] {strides = array<i32>} : memref<64x256xf32, #tpu.memory_space<vmem>>, vector<16xf32>,
      tpu.vector_store %arg10[%parallel_loop3A_432, %parallel_loop3A_433], %parallel_loop3A_395 {strides = array<i32>} : memref<64x256xf32, #tpu.memory_space<vmem>>, vector<16xf32>,
      %parallel_loop3A_435 = arith.index_cast %parallel_loop3A_392 : i32 to index
      %parallel_loop3A_436 = arith.constant 208 : index
      %parallel_loop3A_437 = tpu.vector_load %arg10[%parallel_loop3A_435, %parallel_loop3A_436] {strides = array<i32>} : memref<64x256xf32, #tpu.memory_space<vmem>>, vector<16xf32>,
      tpu.vector_store %arg10[%parallel_loop3A_435, %parallel_loop3A_436], %parallel_loop3A_395 {strides = array<i32>} : memref<64x256xf32, #tpu.memory_space<vmem>>, vector<16xf32>,
      %parallel_loop3A_438 = arith.index_cast %parallel_loop3A_392 : i32 to index
      %parallel_loop3A_439 = arith.constant 224 : index
      %parallel_loop3A_440 = tpu.vector_load %arg10[%parallel_loop3A_438, %parallel_loop3A_439] {strides = array<i32>} : memref<64x256xf32, #tpu.memory_space<vmem>>, vector<16xf32>,
      tpu.vector_store %arg10[%parallel_loop3A_438, %parallel_loop3A_439], %parallel_loop3A_395 {strides = array<i32>} : memref<64x256xf32, #tpu.memory_space<vmem>>, vector<16xf32>,
      %parallel_loop3A_441 = arith.index_cast %parallel_loop3A_392 : i32 to index
      %parallel_loop3A_442 = arith.constant 240 : index
      %parallel_loop3A_443 = tpu.vector_load %arg10[%parallel_loop3A_441, %parallel_loop3A_442] {strides = array<i32>} : memref<64x256xf32, #tpu.memory_space<vmem>>, vector<16xf32>,
      tpu.vector_store %arg10[%parallel_loop3A_441, %parallel_loop3A_442], %parallel_loop3A_395 {strides = array<i32>} : memref<64x256xf32, #tpu.memory_space<vmem>>, vector<16xf32>,
    } {sc.loop_unroll_factor = 2 : i64, sc.parallel_access}
    %dma_start3A_374 = arith.constant 0 : i32
    %dma_start3A_375 = tpu.memref_slice %arg3[%add3A, %add3A_370, %dma_start3A_374] : memref<16x256x256xf32, #tpu.memory_space<hbm>> -> memref<1x64x256xf32, #tpu.memory_space<hbm>>
    %dma_start3A_376 = tpu.memref_squeeze %dma_start3A_375 : memref<1x64x256xf32, #tpu.memory_space<hbm>> -> memref<64x256xf32, #tpu.memory_space<hbm>>
    %dma_start3A_377 = arith.constant 0 : i32
    %dma_start3A_378 = tpu.memref_slice %arg3[%add3A, %add3A_370, %dma_start3A_377] : memref<16x256x256xf32, #tpu.memory_space<hbm>> -> memref<1x64x256xf32, #tpu.memory_space<hbm>>
    %dma_start3A_379 = tpu.memref_squeeze %dma_start3A_378 : memref<1x64x256xf32, #tpu.memory_space<hbm>> -> memref<64x256xf32, #tpu.memory_space<hbm>>
    tpu.enqueue_dma source(%arg10 : memref<64x256xf32, #tpu.memory_space<vmem>>) target(%dma_start3A_379 : memref<64x256xf32, #tpu.memory_space<hbm>>) target_semaphore(%arg14 : memref<!tpu.dma_semaphore, #tpu.memory_space<semaphore_mem>>)
    %dma_wait3A_380 = arith.constant 0 : i32
    %dma_wait3A_381 = tpu.memref_slice %arg3[%add3A, %add3A_359, %dma_wait3A_380] : memref<16x256x256xf32, #tpu.memory_space<hbm>> -> memref<1x64x256xf32, #tpu.memory_space<hbm>>
    %dma_wait3A_382 = tpu.memref_squeeze %dma_wait3A_381 : memref<1x64x256xf32, #tpu.memory_space<hbm>> -> memref<64x256xf32, #tpu.memory_space<hbm>>
    %dma_wait3A_383 = arith.constant 0 : i32
    %dma_wait3A_384 = tpu.memref_slice %arg3[%add3A, %add3A_359, %dma_wait3A_383] : memref<16x256x256xf32, #tpu.memory_space<hbm>> -> memref<1x64x256xf32, #tpu.memory_space<hbm>>
    %dma_wait3A_385 = tpu.memref_squeeze %dma_wait3A_384 : memref<1x64x256xf32, #tpu.memory_space<hbm>> -> memref<64x256xf32, #tpu.memory_space<hbm>>
    tpu.wait_dma2 semaphore(%arg14 : memref<!tpu.dma_semaphore, #tpu.memory_space<semaphore_mem>>) src(%arg9 : memref<64x256xf32, #tpu.memory_space<vmem>>) dst(%dma_wait3A_385 : memref<64x256xf32, #tpu.memory_space<hbm>>)
    %dma_wait3A_386 = arith.constant 0 : i32
    %dma_wait3A_387 = tpu.memref_slice %arg3[%add3A, %add3A_370, %dma_wait3A_386] : memref<16x256x256xf32, #tpu.memory_space<hbm>> -> memref<1x64x256xf32, #tpu.memory_space<hbm>>
    %dma_wait3A_388 = tpu.memref_squeeze %dma_wait3A_387 : memref<1x64x256xf32, #tpu.memory_space<hbm>> -> memref<64x256xf32, #tpu.memory_space<hbm>>
    %dma_wait3A_389 = arith.constant 0 : i32
    %dma_wait3A_390 = tpu.memref_slice %arg3[%add3A, %add3A_370, %dma_wait3A_389] : memref<16x256x256xf32, #tpu.memory_space<hbm>> -> memref<1x64x256xf32, #tpu.memory_space<hbm>>
    %dma_wait3A_391 = tpu.memref_squeeze %dma_wait3A_390 : memref<1x64x256xf32, #tpu.memory_space<hbm>> -> memref<64x256xf32, #tpu.memory_space<hbm>>
    tpu.wait_dma2 semaphore(%arg14 : memref<!tpu.dma_semaphore, #tpu.memory_space<semaphore_mem>>) src(%arg10 : memref<64x256xf32, #tpu.memory_space<vmem>>) dst(%dma_wait3A_391 : memref<64x256xf32, #tpu.memory_space<hbm>>)
    return
  }
}

</mosaic_0001>

<sc_bundles>
// kernel: kernel.3.cloned.1.call-start
scs
__scs_entry_jumppad:
0x0: {  	(pc) =	sbr.rel $0x88, $3  }
0x1: {  	(tag) =	ssettag $0x0;
	lr =	simm.s32 $0x1  }
0x2: {  	[smem:$0x3FA0] =	sst lr;
	_ =	strace $0xD0000000  }
0x3: {  	_ = 	snop  }
0x4: {  	_ = 	snop  }
0x5: {  	_ = 	snop  }
0x6: {  	_ = 	snop  }
0x7: {  	_ = 	snop  }
__scs_overlays_trampoline_lowered:
0x8: {  	[smem:$0x3FAF] =	sst s0  }
0x9: {  	[smem:$0x3FB0] =	sst s1  }
0xa: {  	[smem:$0x3FB1] =	sst s2  }
0xb: {  	[smem:$0x3FB2] =	sst s3  }
0xc: {  	[smem:$0x3FB3] =	sst s4  }
0xd: {  	[smem:$0x3FB4] =	sst s5  }
0xe: {  	[smem:$0x3FB5] =	sst s6  }
0xf: {  	[smem:$0x3FB6] =	sst s7  }
0x10: {  	[smem:$0x3FB7] =	sst s8  }
0x11: {  	[smem:$0x3FB8] =	sst s9;
	s0 =	simm.s32 @!p0 $0x0  }
0x12: {  	s1 =	sld [smem:$0x3F9E];
	s0 =	simm.s32 @p0 $0x1  }
0x13: {  	[smem:$0x3FB9] =	sst s0;
	s0 =	simm.s32 @!p1 $0x0  }
0x14: {  	s2 =	sld [smem:$0x3F9D];
	s0 =	simm.s32 @p1 $0x1  }
0x15: {  	[smem:$0x3FBA] =	sst s0;
	s0 =	simm.s32 @!p2 $0x0  }
0x16: {  	s3 =	sld [smem:$0x3FDB];
	s0 =	simm.s32 @p2 $0x1  }
0x17: {  	s4 =	simm.s32 $0x1BF5;
	[smem:$0x3FBC] =	sst s0  }
0x18: {  	s0 =	sld [smem:$0x3F9F];
	_ =	swait.ge [sflag:s4], $0x0  }
0x19: {  	s7 =	sld [smem:$0x3FA0]  }
0x1a: {  	s8 =	sadd.s32 $0xFFFFE003, lr  }
0x1b: {  	s9 =	sadd.s32 $0xFFFFFEF7, lr;
	s5 =	simm.s32 $0xFFFFFFFF;
	p2 =	slt.u32 s8, $0xFFFFF086  }
0x1c: {  	p1 =	slt.u32 s9, $0xF7A;
	s5 =	simm.s32 @!p2 $0x0  }
0x1d: {  	s5 =	simm.s32 @p1 $0x1;
	p0 =	seq.s32 s7, s2  }
0x1e: {  	s7 =	smul.u32 @!p0 $0xF7A, s2;
	p2 =	seq.s32 @!p0 s5, $0x0  }
0x1f: {  	s9 =	smul.u32 $0xF7A, s1;
	s8 =	simm.s32 @!p0 $0x1BF5;
	p2 =	por !p2, p0  }
0x20: {  	[sflag:s8] =	ssyncset.s32 @!p0 $0xFFFFF086;
	s6 =	sadd.s32 @!p0 s3, s7;
	s7 =	simm.s32 @!p0 $0x108  }
0x21: {  	s3 =	sadd.s32 s3, s9;
	s6 =	sadd.s32 @!p0 $0x88, s6;
	s7 =	simm.s32 @p2 $0x1082  }
0x22: {  	[simem:s7], [sflag:s8] =	dma.local @!p0 [hbm:s6], $0xF7A  }
0x23: {  	s9 =	sor.u32 $0xD0000000, s2;
	s6 =	simm.s32 $0x108;
	_ =	swait.ge @!p0 [sflag:s8], $0x0  }
0x24: {  	s3 =	sadd.s32 $0x88, s3;
	s6 =	simm.s32 @!p1 $0x1082;
	[sflag:s4] =	ssyncset.s32 $0xFFFFF086  }
0x25: {  	[simem:s6], [sflag:s4] =	dma.local [hbm:s3], $0xF7A  }
0x26: {  	[smem:$0x3FA0] =	sst s1;
	(tag) =	ssettag s2;
	_ =	strace s9  }
0x27: {  	s1 =	sld [smem:$0x3FB0]  }
0x28: {  	s2 =	sld [smem:$0x3FB1]  }
0x29: {  	s4 =	sld [smem:$0x3FB3]  }
0x2a: {  	p0 =	seq.s32 s5, $0x0;
	s5 =	sld [smem:$0x3FB4]  }
0x2b: {  	s6 =	sld [smem:$0x3FB5]  }
0x2c: {  	s7 =	sld [smem:$0x3FB6]  }
0x2d: {  	s3 =	simm.s32 $0x108;
	s8 =	sld [smem:$0x3FB7]  }
0x2e: {  	s3 =	simm.s32 @!p0 $0x1082;
	s9 =	sld [smem:$0x3FB8]  }
0x2f: {  	lr =	sadd.s32 s0, s3;
	s0 =	sld [smem:$0x3FAF]  }
0x30: {  	s3 =	sld [smem:$0x3FB2]  }
0x31: {  	[smem:$0x3FBB] =	sst s10  }
0x32: {  	s10 =	sld [smem:$0x3FB9];
	_ =	sdelay $0x3  }
0x33: {  	p0 =	seq.s32 s10, $0x1;
	s10 =	sld [smem:$0x3FBB];
	_ =	sdelay $0x3  }
0x34: {  	[smem:$0x3FBB] =	sst s10  }
0x35: {  	s10 =	sld [smem:$0x3FBA];
	_ =	sdelay $0x3  }
0x36: {  	p1 =	seq.s32 s10, $0x1;
	s10 =	sld [smem:$0x3FBB];
	_ =	sdelay $0x3  }
0x37: {  	[smem:$0x3FBB] =	sst s10  }
0x38: {  	s10 =	sld [smem:$0x3FBC]  }
0x39: {  	_ = 	snop;
	(pc) =	sbr.ind lr, $3  }
0x3a: {  	_ = 	snop  }
0x3b: {  	_ = 	snop  }
0x3c: {  	p2 =	seq.s32 s10, $0x1;
	s10 =	sld [smem:$0x3FBB]  }
0x3d: {  	_ =	shalt  }
0x3e: {  	_ =	shalt  }
0x3f: {  	_ =	shalt  }
0x40: {  	_ =	shalt  }
0x41: {  	_ =	shalt  }
0x42: {  	_ =	shalt  }
0x43: {  	_ =	shalt  }
0x44: {  	_ =	shalt  }
0x45: {  	_ =	shalt  }
0x46: {  	_ =	shalt  }
0x47: {  	_ =	shalt  }
0x48: {  	_ =	shalt  }
0x49: {  	_ =	shalt  }
0x4a: {  	_ =	shalt  }
0x4b: {  	_ =	shalt  }
0x4c: {  	_ =	shalt  }
0x4d: {  	_ =	shalt  }
0x4e: {  	_ =	shalt  }
0x4f: {  	_ =	shalt  }
0x50: {  	_ =	shalt  }
0x51: {  	_ =	shalt  }
0x52: {  	_ =	shalt  }
0x53: {  	_ =	shalt  }
0x54: {  	_ =	shalt  }
0x55: {  	_ =	shalt  }
0x56: {  	_ =	shalt  }
0x57: {  	_ =	shalt  }
0x58: {  	_ =	shalt  }
0x59: {  	_ =	shalt  }
0x5a: {  	_ =	shalt  }
0x5b: {  	_ =	shalt  }
0x5c: {  	_ =	shalt  }
0x5d: {  	_ =	shalt  }
0x5e: {  	_ =	shalt  }
0x5f: {  	_ =	shalt  }
0x60: {  	_ =	shalt  }
0x61: {  	_ =	shalt  }
0x62: {  	_ =	shalt  }
0x63: {  	_ =	shalt  }
0x64: {  	_ =	shalt  }
0x65: {  	_ =	shalt  }
0x66: {  	_ =	shalt  }
0x67: {  	_ =	shalt  }
0x68: {  	_ =	shalt  }
0x69: {  	_ =	shalt  }
0x6a: {  	_ =	shalt  }
0x6b: {  	_ =	shalt  }
0x6c: {  	_ =	shalt  }
0x6d: {  	_ =	shalt  }
0x6e: {  	_ =	shalt  }
0x6f: {  	_ =	shalt  }
0x70: {  	_ =	shalt  }
0x71: {  	_ =	shalt  }
0x72: {  	_ =	shalt  }
0x73: {  	_ =	shalt  }
0x74: {  	_ =	shalt  }
0x75: {  	_ =	shalt  }
0x76: {  	_ =	shalt  }
0x77: {  	_ =	shalt  }
0x78: {  	_ =	shalt  }
0x79: {  	_ =	shalt  }
0x7a: {  	_ =	shalt  }
0x7b: {  	_ =	shalt  }
0x7c: {  	_ =	shalt  }
0x7d: {  	_ =	shalt  }
0x7e: {  	_ =	shalt  }
0x7f: {  	_ =	shalt  }
0x80: {  	_ =	shalt  }
0x81: {  	_ =	shalt  }
0x82: {  	_ =	shalt  }
0x83: {  	_ =	shalt  }
0x84: {  	_ =	shalt  }
0x85: {  	_ =	shalt  }
0x86: {  	_ =	shalt  }
0x87: {  	_ =	shalt  }
.Lfunc_end0:
.L_simem_size_0:
called_computation_lowered:
.L_overlay_start_0:
0x88: {  	s2 =	sld [smem:$0x3FD9]  }
0x89: {  	s3 =	sld [smem:$0x3FFE];
	_ =	sdelay $0x1  }
0x8a: {  	s1 =	srdreg.scid  }
0x8b: {  	s0 =	sand.u32 $0x1, s1  }
0x8c: {  	s18 =	sshll.u32 s0, $0xA;
	s2 =	sadd.s32 s3, s2  }
0x8d: {  	s2 =	sadd.s32 s2, s18  }
0x8e: {  	[smem:$0x3FC7] =	sst s2  }
0x8f: {  	_ = 	snop  }
0x90: {  	s2 =	sld [smem:$0x3FC9]  }
0x91: {  	s19 =	sld [smem:$0x3FD0];
	(tm) =	ssettm $0x1  }
0x92: {  	s4 =	sld [smem:$0x3FFB];
	_ =	sdelay $0x3  }
0x93: {  	_ =	strace s4  }
0x94: {  	s4 =	sld [smem:$0x3FFC];
	_ =	sdelay $0x3  }
0x95: {  	_ =	strace s4  }
0x96: {  	s4 =	sld [smem:$0x3FFD];
	_ =	sdelay $0x3  }
0x97: {  	_ =	strace s4  }
0x98: {  	_ =	strace $0x8FFFFFFF  }
0x99: {  	s20 =	sld [smem:$0x3FDB];
	_ =	sdelay $0x1  }
0x9a: {  	s5 =	simm.s32 $_scs_section_size  }
0x9b: {  	s6 =	simm.s32 $_size__tile_overlayer_lowered;
	s7 =	simm.s32 $_tile_overlayer_lowered  }
0x9c: {  	s23 =	simm.s32 $0x1BFF;
	s22 =	sshll.u32 s7, $0x1;
	s4 =	sadd.s32 s5, s20  }
0x9d: {  	s8 =	simm.s32 $0x0;
	s21 =	sshll.u32 s6, $0x1;
	s6 =	sadd.s32 s22, s4  }
0x9e: {  	[timem:s8], [sflag:s23] =	dma.local [hbm:s6], s21  }
0x9f: {  	_ =	swait.ge [sflag:s23], s21  }
0xa0: {  	s5 =	ssub.s32 $0x0, s21;
	[sflag:s23] =	ssyncset.done $0x0  }
0xa1: {  	[sflag:s23] =	ssyncadd.s32 s5;
	_ =	sdelay $0x1  }
0xa2: {  	s24 =	simm.s32 $0x1B8B  }
0xa3: {  	_ =	swait.ge [sflag:s24], $0x1  }
0xa4: {  	[sflag:s24] =	ssyncset.done $0x0  }
0xa5: {  	s25 =	simm.s32 $0x1B8E;
	[sflag:s24] =	ssyncadd.s32 $0xFFFFFFFF  }
0xa6: {  	s26 =	simm.s32 $execute0_lowered;
	[smem:$0x3FD2] =	sst s25  }
0xa7: {  	s5 =	sshll.u32 s26, $0x1;
	_ =	strace $0x80000046;
	[dreg:$0x1] =	wrdreg $0xFFFFFFFF  }
0xa8: {  	s28 =	simm.s32 $_size_execute0_lowered;
	s4 =	sadd.s32 s4, s5;
	[dreg:$0x0] =	wrdreg $0x0  }
0xa9: {  	s5 =	sshll.u32 s28, $0x1;
	[dreg:$0x2] =	wrdreg s4  }
0xaa: {  	[dreg:$0x3] =	wrdreg s5  }
0xab: {  	[dreg:$0x4] =	wrdreg $0xC0  }
0xac: {  	_ =	task [dreg:s8], $0x5FFFF  }
0xad: {  	[dreg:$0x1] =	wrdreg $0xFFFFFFFF  }
0xae: {  	[dreg:$0x0] =	wrdreg $0x60  }
0xaf: {  	[dreg:$0x2] =	wrdreg s2  }
0xb0: {  	[dreg:$0x3] =	wrdreg s19  }
0xb1: {  	[dreg:$0x4] =	wrdreg $0x182000  }
0xb2: {  	[dreg:$0x5] =	wrdreg $0x9  }
0xb3: {  	_ =	task.clear_ibuf [dreg:s8], $0x6FFFF;
	_ =	strace $0x90000046  }
0xb4: {  	s29 =	simm.s32 $0x9;
	_ =	strace $0x80000048  }
0xb5: {  	_ =	swait.ge [sflag:s29], $0x1  }
0xb6: {  	[sflag:s29] =	ssyncadd.s32 $0xFFFFFFFF  }
0xb7: {  	_ =	strace $0x90000048  }
0xb8: {  	_ =	sfence  }
0xb9: {  	s30 =	sld [smem:$0x0];
	_ =	sdelay $0x2  }
0xba: {  	s31 =	sshll.u32 s1, $0xD;
	s1 =	sshrl.u32 s1, $0x2  }
0xbb: {  	s3 =	sand.u32 $0x4000, s31;
	s1 =	sadd.s32 s1, s30  }
0xbc: {  	s0 =	sor.u32 s3, s0;
	s1 =	sshll.u32 s1, $0x11  }
0xbd: {  	s0 =	sor.u32 s1, s0  }
0xbe: {  	s0 =	sadd.s32 $0x8F2B, s0  }
0xbf: {  	[sflag:s0] =	ssyncadd.remote.s32 $0x1  }
0xc0: {  	_ =	sfence.sel $0xFFFF  }
0xc1: {  	[dreg:$0x0] =	wrdreg $0xFFFFFFFF;
	(pc) =	sbr.abs _section_cstart, $3  }
0xc2: {  	[dreg:$0x1] =	wrdreg $0xFFFFFFFF  }
0xc3: {  	_ =	task.clear_ibuf [dreg:s8], $0x2FFFF;
	_ =	strace $0x9FFFFFFF  }
0xc4: {  	(tm) =	ssettm $0x7FFFFFFF  }
0xc5: {  	_ =	shalt  }
tec
execute0_lowered:
.L_overlay_start_1:
0x0: {  	(tag) =	ssettag $0x1  }
0x1: {  	s0 =	srdreg.scid  }
0x2: {  	s11 =	stileid.u32;
	s6 =	rddreg [dreg:$0x0];
	s3 =	sand.u32 $0x1, s0  }
0x3: {  	s0 =	sand.u32 $0x1, s11;
	s5 =	sshrl.u32 s11, $0x1;
	s1 =	smul.u32 $0x600000, s3  }
0x4: {  	s2 =	smul.u32 $0x300000, s0;
	s4 =	sshll.u32 s5, $0x7;
	s21 =	ssub.s32 $0x2, s3  }
0x5: {  	s3 =	sshll.u32 s3, $0x13;
	s5 =	sshll.u32 s5, $0x10;
	s22 =	sshrl.u32 s21, $0x1  }
0x6: {  	s3 =	sor.u32 s3, s5;
	s5 =	simm.s32 $0x8000;
	s1 =	sadd.s32 s1, s2  }
0x7: {  	s2 =	ssub.s32 s21, s22;
	s7 =	sor.u32 s4, s1;
	s4 =	rddreg [dreg:$0x2]  }
0x8: {  	s8 =	sshrl.u32 s7, $0x3;
	s23 =	sadd.s32 $0x100000, s7;
	s9 =	sadd.s32 $0x120000, s7  }
0x9: {  	s10 =	sadd.s32 $0x140000, s7;
	s12 =	sadd.s32 $0x1A0000, s7;
	s16 =	sadd.s32 $0x1C0000, s7  }
0xa: {  	s17 =	sadd.s32 $0x1E0000, s7;
	s18 =	sadd.s32 $0x200000, s7;
	s22 =	sadd.s32 $0x220000, s7  }
0xb: {  	s1 =	sadd.s32 s6, s8;
	s8 =	sshrl.u32 s23, $0x3;
	s24 =	sshrl.u32 s9, $0x3  }
0xc: {  	s25 =	sshrl.u32 s10, $0x3;
	s9 =	sadd.s32 $0x160000, s7;
	s10 =	sadd.s32 $0x180000, s7  }
0xd: {  	s14 =	sshrl.u32 s12, $0x3;
	s19 =	sshrl.u32 s17, $0x3;
	s20 =	sshrl.u32 s18, $0x3  }
0xe: {  	s23 =	sadd.s32 $0x240000, s7;
	s12 =	sadd.s32 $0x280000, s7;
	s18 =	sshll.u32 s11, $0x8  }
0xf: {  	s8 =	sadd.s32 s6, s8;
	s26 =	sadd.s32 s6, s25;
	s13 =	sshrl.u32 s10, $0x3  }
0x10: {  	s15 =	sadd.s32 s6, s14;
	s25 =	sshrl.u32 s23, $0x3;
	s23 =	rddreg [dreg:$0x1]  }
0x11: {  	s21 =	sadd.s32 s6, s20;
	s14 =	sadd.s32 $0x2C0000, s7;
	[dreg:$0x4] =	wrdreg s8  }
0x12: {  	s28 =	sadd.s32 $0x8000, s1;
	s29 =	sadd.s32 $0xC000, s1;
	[dreg:$0x6] =	wrdreg s26  }
0x13: {  	s30 =	sadd.s32 $0x10000, s1;
	s31 =	sadd.s32 $0x14000, s1;
	[dreg:$0x9] =	wrdreg s15  }
0x14: {  	s8 =	sadd.s32 s6, s24;
	[dreg:$0xc] =	wrdreg s21;
	s24 =	sadd.s32 $0x260000, s7  }
0x15: {  	[dreg:$0x5] =	wrdreg s8;
	s8 =	sshrl.u32 s9, $0x3;
	s26 =	sshrl.u32 s24, $0x3  }
0x16: {  	s24 =	sshll.u32 s0, $0xF;
	s8 =	sadd.s32 s6, s8;
	s10 =	sadd.s32 s6, s26  }
0x17: {  	s3 =	sor.u32 s24, s3;
	s24 =	sshll.u32 s0, $0x7;
	[dreg:$0x7] =	wrdreg s8  }
0x18: {  	s0 =	sadd.s32 $0x1C000, s1;
	s8 =	sadd.s32 s6, s13;
	[dreg:$0xf] =	wrdreg s10  }
0x19: {  	s13 =	sadd.s32 $0x2A0000, s7;
	s7 =	sadd.s32 $0x2E0000, s7;
	s26 =	sshrl.u32 s3, $0x3  }
0x1a: {  	s3 =	sor.u32 $0x4000, s3;
	[dreg:$0x8] =	wrdreg s8;
	s8 =	sshrl.u32 s16, $0x3  }
0x1b: {  	s10 =	simm.s32 $0x3;
	s15 =	sshrl.u32 s13, $0x3;
	s8 =	sadd.s32 s6, s8  }
0x1c: {  	s16 =	sshrl.u32 s14, $0x3;
	[dreg:$0xa] =	wrdreg s8;
	s8 =	sadd.s32 s6, s19  }
0x1d: {  	s17 =	sadd.s32 s6, s16;
	[dreg:$0xb] =	wrdreg s8;
	s8 =	sshrl.u32 s22, $0x3  }
0x1e: {  	[dreg:$0x12] =	wrdreg s17;
	s19 =	sshll.u32 s11, $0x7;
	s8 =	sadd.s32 s6, s8  }
0x1f: {  	s9 =	sand.u32 $0x380, s19;
	[dreg:$0xd] =	wrdreg s8;
	s8 =	sadd.s32 s6, s25  }
0x20: {  	s19 =	simm.s32 $0x0;
	[dreg:$0xe] =	wrdreg s8;
	s8 =	sshrl.u32 s12, $0x3  }
0x21: {  	s7 =	sshrl.u32 s7, $0x3;
	[smem:$0x7FF] =	sst s19;
	s8 =	sadd.s32 s6, s8  }
0x22: {  	s3 =	sshrl.u32 s3, $0x3;
	[dreg:$0x10] =	wrdreg s8;
	s8 =	sadd.s32 s6, s15  }
0x23: {  	s11 =	simm.s32 $0x0;
	s6 =	sadd.s32 s6, s7;
	[dreg:$0x11] =	wrdreg s8  }
0x24: {  	s7 =	simm.s32 $0x2;
	s8 =	sand.u32 $0x800, s18;
	[dreg:$0x13] =	wrdreg s6  }
0x25: {  	s6 =	simm.s32 $0x80;
	s20 =	sadd.s32 s8, s4;
	s22 =	sor.u32 s8, s9  }
0x26: {  	s8 =	simm.s32 $0x10000;
	s21 =	sadd.s32 s9, s20;
	s25 =	sxor.u32 $0x80, s22  }
0x27: {  	s22 =	sadd.s32 s23, s26;
	s23 =	sadd.s32 s23, s3;
	s26 =	sadd.s32 $0x4000, s1  }
0x28: {  	s20 =	sadd.s32 $0x18000, s1;
	s3 =	simm.s32 $0x4000;
	s9 =	simm.s32 $0x4  }
0x29: {  	[dreg:$0x14] =	wrdreg s21;
	s21 =	sadd.s32 s25, s4;
	s25 =	smax.u32 s2, $0x1  }
0x2a: {  	v0 =	vimm.f32 $0.0e+00;
	v1 =	vlaneseq.u32;
	v2 =	vimm.f32 $1.000000000e+00;
	s2 =	simm.s32 $0x400;
	s4 =	simm.s32 $0x1;
	_ =	strace $0x80000047  }
.LBB2_1:
0x2b: {  	s13 =	simm.s32 $0x8200  }
0x2c: {  	[tilespmem:s13+$0xFFFFFE00] =	vst v0  }
0x2d: {  	[tilespmem:s13+$0x180] =	vst v0  }
0x2e: {  	[tilespmem:s13+$0x100] =	vst v0  }
0x2f: {  	[tilespmem:s13+$0x80] =	vst v0  }
0x30: {  	[tilespmem:s13+$0x0] =	vst v0  }
0x31: {  	[tilespmem:s13+$0xFFFFFF80] =	vst v0  }
0x32: {  	s14 =	simm.s32 $0x0;
	s12 =	simm.s32 $0x10020;
	[tilespmem:s13+$0xFFFFFF00] =	vst v0  }
.LBB2_2:
0x33: {  	s14 =	sadd.s32 $0x8, s14;
	[tilespmem:s13+$0xFFFFFE80] =	vst v0;
	s13 =	sadd.s32 $0x400, s13  }
0x34: {  	[tilespmem:s13+$0xFFFFFE00] =	vst v0;
	p0 =	slt.u32 s14, $0xF8  }
0x35: {  	[tilespmem:s13+$0x180] =	vst v0  }
.Ltmp0:
0x36: {  	[tilespmem:s13+$0x100] =	vst v0;
	(pc) =	sbr.rel @p0 .LBB2_2-.Ltmp0, $4  }
0x37: {  	[tilespmem:s13+$0x80] =	vst v0  }
0x38: {  	[tilespmem:s13+$0x0] =	vst v0  }
0x39: {  	[tilespmem:s13+$0xFFFFFF80] =	vst v0  }
0x3a: {  	[tilespmem:s13+$0xFFFFFF00] =	vst v0  }
0x3b: {  	[tilespmem:s13+$0xFFFFFE80] =	vst v0  }
0x3c: {  	[tilespmem:s12+$0xFFFFFFE0] =	vst v0  }
0x3d: {  	[tilespmem:s12+$0x10] =	vst v0  }
0x3e: {  	s13 =	simm.s32 $0x0;
	[tilespmem:s12+$0x0] =	vst v0  }
.LBB2_4:
0x3f: {  	s13 =	sadd.s32 $0x4, s13  }
0x40: {  	[tilespmem:s12+$0xFFFFFFF0] =	vst v0;
	s12 =	sadd.s32 $0x40, s12;
	p0 =	slt.u32 s13, $0xC  }
.Ltmp1:
0x41: {  	[tilespmem:s12+$0xFFFFFFE0] =	vst v0;
	(pc) =	sbr.rel @p0 .LBB2_4-.Ltmp1, $3  }
0x42: {  	_ =	sdelay $0x1  }
0x43: {  	[tilespmem:s12+$0x10] =	vst v0  }
0x44: {  	[tilespmem:s12+$0x0] =	vst v0  }
0x45: {  	[tilespmem:s12+$0xFFFFFFF0] =	vst v0;
	s12 =	simm.s32 $0x80  }
0x46: {  	[tilespmem:s19], [sflag:$0x1] =	stream.strided.gather [hbm4b:s1+s12], $0x4000, s2, s12, $0x38;
	[tilespmem:$0x18300] =	vst v63  }
0x47: {  	_ = 	snop  }
0x48: {  	[tilespmem:s3], [sflag:$0x2] =	stream.strided.gather [hbm4b:s26+s12], $0x4000, s2, s12, $0x38;
	[tilespmem:$0x18300] =	vst v63  }
0x49: {  	_ =	swait.ge [sflag:s4], $0x4000  }
0x4a: {  	[sflag:s4] =	ssyncset.done $0x0  }
0x4b: {  	[sflag:s4] =	ssyncadd.s32 $0xFFFFC000  }
0x4c: {  	v3 =	vld [tilespmem:s12+$0xFFFFFFE0]  }
0x4d: {  	v4 =	vld [tilespmem:s12+$0xFFFFFFF0]  }
0x4e: {  	v5 =	vld [tilespmem:s12+$0x0]  }
0x4f: {  	v6 =	vld [tilespmem:s12+$0x10]  }
0x50: {  	v8 =	vld [tilespmem:s12+$0x30]  }
0x51: {  	v10 =	vld [tilespmem:s12+$0x20]  }
0x52: {  	v7 =	vld [tilespmem:s12+$0xFFFFFFB0];
	_ =	sdelay $0x1  }
0x53: {  	v9 =	vld [tilespmem:s12+$0xFFFFFFC0];
	v3 =	vtrunc.f32 v3;
	v5 =	vtrunc.f32 v5  }
0x54: {  	v11 =	vld [tilespmem:s12+$0xFFFFFFA0];
	v6 =	vtrunc.f32 v6;
	v4 =	vtrunc.f32 v4  }
0x55: {  	v8 =	vtrunc.f32 v8;
	v10 =	vtrunc.f32 v10  }
0x56: {  	v12 =	vld [tilespmem:s12+$0xFFFFFF90];
	v7 =	vtrunc.f32 v7;
	v6 =	vcvt.f32.s32 v6  }
0x57: {  	v4 =	vcvt.f32.s32 v4;
	v13 =	vcvt.f32.s32 v3  }
0x58: {  	v5 =	vcvt.f32.s32 v5;
	v3 =	vtrunc.f32 v9;
	v9 =	vld [tilespmem:s12+$0xFFFFFFD0]  }
0x59: {  	v11 =	vtrunc.f32 v11;
	v10 =	vcvt.f32.s32 v10;
	v4 =	vshll.u32 v4, $0x7  }
0x5a: {  	v5 =	vshll.u32 v5, $0x7;
	v14 =	vor.u32 v1, v4;
	v4 =	vshll.u32 v6, $0x7  }
0x5b: {  	v15 =	vld [tilespmem:s12+$0xFFFFFF80];
	v6 =	vcvt.f32.s32 v8;
	v8 =	vtrunc.f32 v12;
	v12 =	vshll.u32 v13, $0x7  }
0x5c: {  	v16 =	vld [tilespmem:s12+$0x50];
	v8 =	vcvt.f32.s32 v8;
	v13 =	vor.u32 v1, v4;
	v4 =	vshll.u32 v10, $0x7  }
0x5d: {  	v17 =	vld [tilespmem:s12+$0x70];
	v12 =	vor.u32 v1, v12;
	v6 =	vshll.u32 v6, $0x7;
	v18 =	vtrunc.f32 v9  }
0x5e: {  	v20 =	vld [tilespmem:s12+$0x40];
	v19 =	vor.u32 v1, v4;
	v9 =	vcvt.f32.s32 v11;
	v8 =	vshll.u32 v8, $0x7  }
0x5f: {  	v10 =	vld [tilespmem:s12+$0x60];
	v11 =	vcvt.f32.s32 v7;
	v4 =	vor.u32 v1, v8;
	v8 =	vor.u32 v1, v6  }
0x60: {  	v7 =	vtrunc.f32 v15;
	v6 =	vshll.u32 v9, $0x7;
	v9 =	vor.u32 v1, v5;
	[tilespmem:v14+s5+$0x0] =	vst.idx.add.f32.msk $0xffff, v2  }
0x61: {  	v14 =	vcvt.f32.s32 v7;
	[tilespmem:v13+s5+$0x0] =	vst.idx.add.f32.msk $0xffff, v2  }
0x62: {  	v5 =	vshll.u32 v11, $0x7;
	v11 =	vtrunc.f32 v16;
	v7 =	vcvt.f32.s32 v18;
	[tilespmem:v12+s5+$0x0] =	vst.idx.add.f32.msk $0xffff, v2  }
0x63: {  	s13 =	simm.s32 $0x0;
	v13 =	vtrunc.f32 v20;
	v12 =	vshll.u32 v14, $0x7;
	[tilespmem:v19+s5+$0x0] =	vst.idx.add.f32.msk $0xffff, v2;
	v14 =	vtrunc.f32 v17  }
.LBB2_6:
0x64: {  	s13 =	sadd.s32 $0x10, s13;
	v12 =	vor.u32 v1, v12;
	[tilespmem:v8+s5+$0x0] =	vst.idx.add.f32.msk $0xffff, v2;
	v8 =	vcvt.f32.s32 v11;
	v11 =	vcvt.f32.s32 v14;
	s12 =	sadd.s32 $0x100, s12  }
0x65: {  	v7 =	vshll.u32 v7, $0x7;
	p0 =	slt.u32 s13, $0x3F0;
	[tilespmem:v9+s5+$0x0] =	vst.idx.add.f32.msk $0xffff, v2;
	v9 =	vcvt.f32.s32 v13;
	v10 =	vtrunc.f32 v10  }
0x66: {  	v6 =	vor.u32 v1, v6;
	v13 =	vld [tilespmem:s12+$0xFFFFFFD0];
	v10 =	vcvt.f32.s32 v10;
	v11 =	vshll.u32 v11, $0x7  }
0x67: {  	v8 =	vshll.u32 v8, $0x7;
	v14 =	vld [tilespmem:s12+$0xFFFFFF90];
	v9 =	vshll.u32 v9, $0x7;
	v11 =	vor.u32 v1, v11  }
0x68: {  	v15 =	vld [tilespmem:s12+$0xFFFFFFA0];
	v10 =	vshll.u32 v10, $0x7  }
0x69: {  	v16 =	vld [tilespmem:s12+$0xFFFFFFB0];
	v10 =	vor.u32 v1, v10  }
0x6a: {  	v17 =	vld [tilespmem:s12+$0xFFFFFFC0]  }
0x6b: {  	v3 =	vcvt.f32.s32 v3;
	v18 =	vld [tilespmem:s12+$0xFFFFFFE0]  }
0x6c: {  	v19 =	vld [tilespmem:s12+$0xFFFFFFF0]  }
0x6d: {  	v3 =	vshll.u32 v3, $0x7;
	[tilespmem:v4+s5+$0x0] =	vst.idx.add.f32.msk $0xffff, v2  }
0x6e: {  	v20 =	vor.u32 v1, v3;
	v3 =	vor.u32 v1, v9;
	v4 =	vld [tilespmem:s12+$0x0]  }
0x6f: {  	v9 =	vld [tilespmem:s12+$0x10]  }
0x70: {  	v5 =	vor.u32 v1, v5;
	v18 =	vtrunc.f32 v18;
	v21 =	vld [tilespmem:s12+$0x20]  }
0x71: {  	v22 =	vld [tilespmem:s12+$0x30]  }
0x72: {  	[tilespmem:v10+s5+$0x0] =	vst.idx.add.f32.msk $0xffff, v2  }
0x73: {  	v7 =	vor.u32 v1, v7;
	[tilespmem:v3+s5+$0x0] =	vst.idx.add.f32.msk $0xffff, v2  }
0x74: {  	v8 =	vor.u32 v1, v8;
	v3 =	vtrunc.f32 v4;
	v4 =	vtrunc.f32 v9;
	[tilespmem:v12+s5+$0x0] =	vst.idx.add.f32.msk $0xffff, v2  }
0x75: {  	v9 =	vtrunc.f32 v19;
	v4 =	vcvt.f32.s32 v4;
	[tilespmem:v5+s5+$0x0] =	vst.idx.add.f32.msk $0xffff, v2  }
0x76: {  	v5 =	vcvt.f32.s32 v9;
	v9 =	vtrunc.f32 v22;
	[tilespmem:v11+s5+$0x0] =	vst.idx.add.f32.msk $0xffff, v2  }
0x77: {  	v10 =	vcvt.f32.s32 v18;
	v11 =	vcvt.f32.s32 v3;
	v4 =	vshll.u32 v4, $0x7;
	[tilespmem:v6+s5+$0x0] =	vst.idx.add.f32.msk $0xffff, v2  }
0x78: {  	v3 =	vtrunc.f32 v17;
	v6 =	vtrunc.f32 v21;
	[tilespmem:v20+s5+$0x0] =	vst.idx.add.f32.msk $0xffff, v2  }
0x79: {  	v12 =	vtrunc.f32 v16;
	v5 =	vshll.u32 v5, $0x7;
	v6 =	vcvt.f32.s32 v6;
	[tilespmem:v8+s5+$0x0] =	vst.idx.add.f32.msk $0xffff, v2  }
0x7a: {  	v9 =	vcvt.f32.s32 v9;
	v5 =	vor.u32 v1, v5;
	v8 =	vtrunc.f32 v15;
	[tilespmem:v7+s5+$0x0] =	vst.idx.add.f32.msk $0xffff, v2  }
0x7b: {  	v14 =	vtrunc.f32 v14;
	v10 =	vshll.u32 v10, $0x7;
	v6 =	vshll.u32 v6, $0x7;
	v7 =	vld [tilespmem:s12+$0xFFFFFF80]  }
0x7c: {  	v14 =	vcvt.f32.s32 v14;
	v15 =	vor.u32 v1, v4;
	v9 =	vshll.u32 v9, $0x7;
	v16 =	vld [tilespmem:s12+$0x50]  }
0x7d: {  	v13 =	vtrunc.f32 v13;
	v17 =	vor.u32 v1, v10;
	v10 =	vshll.u32 v11, $0x7;
	v18 =	vld [tilespmem:s12+$0x70]  }
0x7e: {  	v4 =	vshll.u32 v14, $0x7;
	v11 =	vcvt.f32.s32 v8;
	v14 =	vor.u32 v1, v6;
	v19 =	vld [tilespmem:s12+$0x40]  }
.Ltmp2:
0x7f: {  	v12 =	vcvt.f32.s32 v12;
	v4 =	vor.u32 v1, v4;
	v8 =	vor.u32 v1, v9;
	[tilespmem:v5+s5+$0x0] =	vst.idx.add.f32.msk $0xffff, v2;
	(pc) =	sbr.rel @p0 .LBB2_6-.Ltmp2, $4  }
0x80: {  	v9 =	vor.u32 v1, v10;
	v6 =	vshll.u32 v11, $0x7;
	v5 =	vtrunc.f32 v7;
	v10 =	vld [tilespmem:s12+$0x60]  }
0x81: {  	v7 =	vcvt.f32.s32 v13;
	v20 =	vcvt.f32.s32 v5;
	[tilespmem:v15+s5+$0x0] =	vst.idx.add.f32.msk $0xffff, v2  }
0x82: {  	v5 =	vshll.u32 v12, $0x7;
	v11 =	vtrunc.f32 v16;
	[tilespmem:v17+s5+$0x0] =	vst.idx.add.f32.msk $0xffff, v2  }
0x83: {  	v12 =	vshll.u32 v20, $0x7;
	[tilespmem:v14+s5+$0x0] =	vst.idx.add.f32.msk $0xffff, v2;
	v13 =	vtrunc.f32 v19;
	v14 =	vtrunc.f32 v18  }
0x84: {  	_ =	sdelay $0x1  }
0x85: {  	v12 =	vor.u32 v1, v12  }
0x86: {  	v13 =	vcvt.f32.s32 v13;
	v14 =	vcvt.f32.s32 v14;
	v5 =	vor.u32 v1, v5  }
0x87: {  	v3 =	vcvt.f32.s32 v3;
	[tilespmem:v4+s5+$0x0] =	vst.idx.add.f32.msk $0xffff, v2;
	v4 =	vor.u32 v1, v6;
	v7 =	vshll.u32 v7, $0x7  }
0x88: {  	[tilespmem:v9+s5+$0x0] =	vst.idx.add.f32.msk $0xffff, v2;
	v9 =	vcvt.f32.s32 v11;
	v7 =	vor.u32 v1, v7;
	v13 =	vshll.u32 v13, $0x7  }
0x89: {  	[tilespmem:v8+s5+$0x0] =	vst.idx.add.f32.msk $0xffff, v2;
	v10 =	vtrunc.f32 v10;
	v8 =	vshll.u32 v14, $0x7;
	v13 =	vor.u32 v1, v13  }
0x8a: {  	v10 =	vcvt.f32.s32 v10;
	v3 =	vshll.u32 v3, $0x7;
	v8 =	vor.u32 v1, v8;
	[tilespmem:v12+s5+$0x0] =	vst.idx.add.f32.msk $0xffff, v2  }
0x8b: {  	v6 =	vshll.u32 v9, $0x7;
	v3 =	vor.u32 v1, v3;
	[tilespmem:v5+s5+$0x0] =	vst.idx.add.f32.msk $0xffff, v2  }
0x8c: {  	v6 =	vor.u32 v1, v6;
	v10 =	vshll.u32 v10, $0x7;
	[tilespmem:v4+s5+$0x0] =	vst.idx.add.f32.msk $0xffff, v2  }
0x8d: {  	v10 =	vor.u32 v1, v10;
	[tilespmem:v7+s5+$0x0] =	vst.idx.add.f32.msk $0xffff, v2  }
0x8e: {  	[tilespmem:v13+s5+$0x0] =	vst.idx.add.f32.msk $0xffff, v2  }
0x8f: {  	[tilespmem:v8+s5+$0x0] =	vst.idx.add.f32.msk $0xffff, v2  }
0x90: {  	[tilespmem:v3+s5+$0x0] =	vst.idx.add.f32.msk $0xffff, v2  }
0x91: {  	[tilespmem:v6+s5+$0x0] =	vst.idx.add.f32.msk $0xffff, v2  }
0x92: {  	[tilespmem:v10+s5+$0x0] =	vst.idx.add.f32.msk $0xffff, v2  }
0x93: {  	[tilespmem:s19], [sflag:$0x1] =	stream.strided.gather [hbm4b:s28+s6], $0x4000, s2, s6, $0x38;
	[tilespmem:$0x18300] =	vst v63  }
0x94: {  	_ =	swait.ge [sflag:s7], $0x4000  }
0x95: {  	[sflag:s7] =	ssyncset.done $0x0  }
0x96: {  	s12 =	simm.s32 $0x4080;
	[sflag:s7] =	ssyncadd.s32 $0xFFFFC000  }
0x97: {  	v3 =	vld [tilespmem:s12+$0xFFFFFFE0]  }
0x98: {  	v4 =	vld [tilespmem:s12+$0xFFFFFFF0]  }
0x99: {  	v5 =	vld [tilespmem:s12+$0x0]  }
0x9a: {  	v6 =	vld [tilespmem:s12+$0x10]  }
0x9b: {  	v8 =	vld [tilespmem:s12+$0x30]  }
0x9c: {  	v10 =	vld [tilespmem:s12+$0x20]  }
0x9d: {  	v7 =	vld [tilespmem:s12+$0xFFFFFFB0];
	_ =	sdelay $0x1  }
0x9e: {  	v9 =	vld [tilespmem:s12+$0xFFFFFFC0];
	v3 =	vtrunc.f32 v3;
	v5 =	vtrunc.f32 v5  }
0x9f: {  	v11 =	vld [tilespmem:s12+$0xFFFFFFA0];
	v6 =	vtrunc.f32 v6;
	v4 =	vtrunc.f32 v4  }
0xa0: {  	v8 =	vtrunc.f32 v8;
	v10 =	vtrunc.f32 v10  }
0xa1: {  	v12 =	vld [tilespmem:s12+$0xFFFFFF90];
	v7 =	vtrunc.f32 v7;
	v6 =	vcvt.f32.s32 v6  }
0xa2: {  	v4 =	vcvt.f32.s32 v4;
	v13 =	vcvt.f32.s32 v3  }
0xa3: {  	v5 =	vcvt.f32.s32 v5;
	v3 =	vtrunc.f32 v9;
	v9 =	vld [tilespmem:s12+$0xFFFFFFD0]  }
0xa4: {  	v11 =	vtrunc.f32 v11;
	v10 =	vcvt.f32.s32 v10;
	v4 =	vshll.u32 v4, $0x7  }
0xa5: {  	v5 =	vshll.u32 v5, $0x7;
	v14 =	vor.u32 v1, v4;
	v4 =	vshll.u32 v6, $0x7  }
0xa6: {  	v15 =	vld [tilespmem:s12+$0xFFFFFF80];
	v6 =	vcvt.f32.s32 v8;
	v8 =	vtrunc.f32 v12;
	v12 =	vshll.u32 v13, $0x7  }
0xa7: {  	v16 =	vld [tilespmem:s12+$0x50];
	v8 =	vcvt.f32.s32 v8;
	v13 =	vor.u32 v1, v4;
	v4 =	vshll.u32 v10, $0x7  }
0xa8: {  	v17 =	vld [tilespmem:s12+$0x70];
	v12 =	vor.u32 v1, v12;
	v6 =	vshll.u32 v6, $0x7;
	v18 =	vtrunc.f32 v9  }
0xa9: {  	v20 =	vld [tilespmem:s12+$0x40];
	v19 =	vor.u32 v1, v4;
	v9 =	vcvt.f32.s32 v11;
	v8 =	vshll.u32 v8, $0x7  }
0xaa: {  	v10 =	vld [tilespmem:s12+$0x60];
	v11 =	vcvt.f32.s32 v7;
	v4 =	vor.u32 v1, v8;
	v8 =	vor.u32 v1, v6  }
0xab: {  	v7 =	vtrunc.f32 v15;
	v6 =	vshll.u32 v9, $0x7;
	v9 =	vor.u32 v1, v5;
	[tilespmem:v14+s5+$0x0] =	vst.idx.add.f32.msk $0xffff, v2  }
0xac: {  	v14 =	vcvt.f32.s32 v7;
	[tilespmem:v13+s5+$0x0] =	vst.idx.add.f32.msk $0xffff, v2  }
0xad: {  	v5 =	vshll.u32 v11, $0x7;
	v11 =	vtrunc.f32 v16;
	v7 =	vcvt.f32.s32 v18;
	[tilespmem:v12+s5+$0x0] =	vst.idx.add.f32.msk $0xffff, v2  }
0xae: {  	s13 =	simm.s32 $0x0;
	v13 =	vtrunc.f32 v20;
	v12 =	vshll.u32 v14, $0x7;
	[tilespmem:v19+s5+$0x0] =	vst.idx.add.f32.msk $0xffff, v2;
	v14 =	vtrunc.f32 v17  }
.LBB2_8:
0xaf: {  	s13 =	sadd.s32 $0x10, s13;
	v12 =	vor.u32 v1, v12;
	[tilespmem:v8+s5+$0x0] =	vst.idx.add.f32.msk $0xffff, v2;
	v8 =	vcvt.f32.s32 v11;
	v11 =	vcvt.f32.s32 v14;
	s12 =	sadd.s32 $0x100, s12  }
0xb0: {  	v7 =	vshll.u32 v7, $0x7;
	p0 =	slt.u32 s13, $0x3F0;
	[tilespmem:v9+s5+$0x0] =	vst.idx.add.f32.msk $0xffff, v2;
	v9 =	vcvt.f32.s32 v13;
	v10 =	vtrunc.f32 v10  }
0xb1: {  	v6 =	vor.u32 v1, v6;
	v13 =	vld [tilespmem:s12+$0xFFFFFFD0];
	v10 =	vcvt.f32.s32 v10;
	v11 =	vshll.u32 v11, $0x7  }
0xb2: {  	v8 =	vshll.u32 v8, $0x7;
	v14 =	vld [tilespmem:s12+$0xFFFFFF90];
	v9 =	vshll.u32 v9, $0x7;
	v11 =	vor.u32 v1, v11  }
0xb3: {  	v15 =	vld [tilespmem:s12+$0xFFFFFFA0];
	v10 =	vshll.u32 v10, $0x7  }
0xb4: {  	v16 =	vld [tilespmem:s12+$0xFFFFFFB0];
	v10 =	vor.u32 v1, v10  }
0xb5: {  	v17 =	vld [tilespmem:s12+$0xFFFFFFC0]  }
0xb6: {  	v3 =	vcvt.f32.s32 v3;
	v18 =	vld [tilespmem:s12+$0xFFFFFFE0]  }
0xb7: {  	v19 =	vld [tilespmem:s12+$0xFFFFFFF0]  }
0xb8: {  	v3 =	vshll.u32 v3, $0x7;
	[tilespmem:v4+s5+$0x0] =	vst.idx.add.f32.msk $0xffff, v2  }
0xb9: {  	v20 =	vor.u32 v1, v3;
	v3 =	vor.u32 v1, v9;
	v4 =	vld [tilespmem:s12+$0x0]  }
0xba: {  	v9 =	vld [tilespmem:s12+$0x10]  }
0xbb: {  	v5 =	vor.u32 v1, v5;
	v18 =	vtrunc.f32 v18;
	v21 =	vld [tilespmem:s12+$0x20]  }
0xbc: {  	v22 =	vld [tilespmem:s12+$0x30]  }
0xbd: {  	[tilespmem:v10+s5+$0x0] =	vst.idx.add.f32.msk $0xffff, v2  }
0xbe: {  	v7 =	vor.u32 v1, v7;
	[tilespmem:v3+s5+$0x0] =	vst.idx.add.f32.msk $0xffff, v2  }
0xbf: {  	v8 =	vor.u32 v1, v8;
	v3 =	vtrunc.f32 v4;
	v4 =	vtrunc.f32 v9;
	[tilespmem:v12+s5+$0x0] =	vst.idx.add.f32.msk $0xffff, v2  }
0xc0: {  	v9 =	vtrunc.f32 v19;
	v4 =	vcvt.f32.s32 v4;
	[tilespmem:v5+s5+$0x0] =	vst.idx.add.f32.msk $0xffff, v2  }
0xc1: {  	v5 =	vcvt.f32.s32 v9;
	v9 =	vtrunc.f32 v22;
	[tilespmem:v11+s5+$0x0] =	vst.idx.add.f32.msk $0xffff, v2  }
0xc2: {  	v10 =	vcvt.f32.s32 v18;
	v11 =	vcvt.f32.s32 v3;
	v4 =	vshll.u32 v4, $0x7;
	[tilespmem:v6+s5+$0x0] =	vst.idx.add.f32.msk $0xffff, v2  }
0xc3: {  	v3 =	vtrunc.f32 v17;
	v6 =	vtrunc.f32 v21;
	[tilespmem:v20+s5+$0x0] =	vst.idx.add.f32.msk $0xffff, v2  }
0xc4: {  	v12 =	vtrunc.f32 v16;
	v5 =	vshll.u32 v5, $0x7;
	v6 =	vcvt.f32.s32 v6;
	[tilespmem:v8+s5+$0x0] =	vst.idx.add.f32.msk $0xffff, v2  }
0xc5: {  	v9 =	vcvt.f32.s32 v9;
	v5 =	vor.u32 v1, v5;
	v8 =	vtrunc.f32 v15;
	[tilespmem:v7+s5+$0x0] =	vst.idx.add.f32.msk $0xffff, v2  }
0xc6: {  	v14 =	vtrunc.f32 v14;
	v10 =	vshll.u32 v10, $0x7;
	v6 =	vshll.u32 v6, $0x7;
	v7 =	vld [tilespmem:s12+$0xFFFFFF80]  }
0xc7: {  	v14 =	vcvt.f32.s32 v14;
	v15 =	vor.u32 v1, v4;
	v9 =	vshll.u32 v9, $0x7;
	v16 =	vld [tilespmem:s12+$0x50]  }
0xc8: {  	v13 =	vtrunc.f32 v13;
	v17 =	vor.u32 v1, v10;
	v10 =	vshll.u32 v11, $0x7;
	v18 =	vld [tilespmem:s12+$0x70]  }
0xc9: {  	v4 =	vshll.u32 v14, $0x7;
	v11 =	vcvt.f32.s32 v8;
	v14 =	vor.u32 v1, v6;
	v19 =	vld [tilespmem:s12+$0x40]  }
.Ltmp3:
0xca: {  	v12 =	vcvt.f32.s32 v12;
	v4 =	vor.u32 v1, v4;
	v8 =	vor.u32 v1, v9;
	[tilespmem:v5+s5+$0x0] =	vst.idx.add.f32.msk $0xffff, v2;
	(pc) =	sbr.rel @p0 .LBB2_8-.Ltmp3, $4  }
0xcb: {  	v9 =	vor.u32 v1, v10;
	v6 =	vshll.u32 v11, $0x7;
	v5 =	vtrunc.f32 v7;
	v10 =	vld [tilespmem:s12+$0x60]  }
0xcc: {  	v7 =	vcvt.f32.s32 v13;
	v20 =	vcvt.f32.s32 v5;
	[tilespmem:v15+s5+$0x0] =	vst.idx.add.f32.msk $0xffff, v2  }
0xcd: {  	v5 =	vshll.u32 v12, $0x7;
	v11 =	vtrunc.f32 v16;
	[tilespmem:v17+s5+$0x0] =	vst.idx.add.f32.msk $0xffff, v2  }
0xce: {  	v12 =	vshll.u32 v20, $0x7;
	[tilespmem:v14+s5+$0x0] =	vst.idx.add.f32.msk $0xffff, v2;
	v13 =	vtrunc.f32 v19;
	v14 =	vtrunc.f32 v18  }
0xcf: {  	_ =	sdelay $0x1  }
0xd0: {  	v12 =	vor.u32 v1, v12  }
0xd1: {  	v13 =	vcvt.f32.s32 v13;
	v14 =	vcvt.f32.s32 v14;
	v5 =	vor.u32 v1, v5  }
0xd2: {  	v3 =	vcvt.f32.s32 v3;
	[tilespmem:v4+s5+$0x0] =	vst.idx.add.f32.msk $0xffff, v2;
	v4 =	vor.u32 v1, v6;
	v7 =	vshll.u32 v7, $0x7  }
0xd3: {  	[tilespmem:v9+s5+$0x0] =	vst.idx.add.f32.msk $0xffff, v2;
	v9 =	vcvt.f32.s32 v11;
	v7 =	vor.u32 v1, v7;
	v13 =	vshll.u32 v13, $0x7  }
0xd4: {  	[tilespmem:v8+s5+$0x0] =	vst.idx.add.f32.msk $0xffff, v2;
	v10 =	vtrunc.f32 v10;
	v8 =	vshll.u32 v14, $0x7;
	v13 =	vor.u32 v1, v13  }
0xd5: {  	v10 =	vcvt.f32.s32 v10;
	v3 =	vshll.u32 v3, $0x7;
	v8 =	vor.u32 v1, v8;
	[tilespmem:v12+s5+$0x0] =	vst.idx.add.f32.msk $0xffff, v2  }
0xd6: {  	v6 =	vshll.u32 v9, $0x7;
	v3 =	vor.u32 v1, v3;
	[tilespmem:v5+s5+$0x0] =	vst.idx.add.f32.msk $0xffff, v2  }
0xd7: {  	v6 =	vor.u32 v1, v6;
	v10 =	vshll.u32 v10, $0x7;
	[tilespmem:v4+s5+$0x0] =	vst.idx.add.f32.msk $0xffff, v2  }
0xd8: {  	v10 =	vor.u32 v1, v10;
	[tilespmem:v7+s5+$0x0] =	vst.idx.add.f32.msk $0xffff, v2  }
0xd9: {  	[tilespmem:v13+s5+$0x0] =	vst.idx.add.f32.msk $0xffff, v2  }
0xda: {  	[tilespmem:v8+s5+$0x0] =	vst.idx.add.f32.msk $0xffff, v2  }
0xdb: {  	[tilespmem:v3+s5+$0x0] =	vst.idx.add.f32.msk $0xffff, v2  }
0xdc: {  	[tilespmem:v6+s5+$0x0] =	vst.idx.add.f32.msk $0xffff, v2  }
0xdd: {  	s12 =	simm.s32 $0x80;
	[tilespmem:v10+s5+$0x0] =	vst.idx.add.f32.msk $0xffff, v2  }
0xde: {  	[tilespmem:s3], [sflag:$0x2] =	stream.strided.gather [hbm4b:s29+s12], $0x4000, s2, s12, $0x38;
	[tilespmem:$0x18300] =	vst v63  }
0xdf: {  	_ =	swait.ge [sflag:s4], $0x4000  }
0xe0: {  	[sflag:s4] =	ssyncset.done $0x0  }
0xe1: {  	[sflag:s4] =	ssyncadd.s32 $0xFFFFC000  }
0xe2: {  	v3 =	vld [tilespmem:s12+$0xFFFFFFE0]  }
0xe3: {  	v4 =	vld [tilespmem:s12+$0xFFFFFFF0]  }
0xe4: {  	v5 =	vld [tilespmem:s12+$0x0]  }
0xe5: {  	v6 =	vld [tilespmem:s12+$0x10]  }
0xe6: {  	v8 =	vld [tilespmem:s12+$0x30]  }
0xe7: {  	v10 =	vld [tilespmem:s12+$0x20]  }
0xe8: {  	v7 =	vld [tilespmem:s12+$0xFFFFFFB0];
	_ =	sdelay $0x1  }
0xe9: {  	v9 =	vld [tilespmem:s12+$0xFFFFFFC0];
	v3 =	vtrunc.f32 v3;
	v5 =	vtrunc.f32 v5  }
0xea: {  	v11 =	vld [tilespmem:s12+$0xFFFFFFA0];
	v6 =	vtrunc.f32 v6;
	v4 =	vtrunc.f32 v4  }
0xeb: {  	v8 =	vtrunc.f32 v8;
	v10 =	vtrunc.f32 v10  }
0xec: {  	v12 =	vld [tilespmem:s12+$0xFFFFFF90];
	v7 =	vtrunc.f32 v7;
	v6 =	vcvt.f32.s32 v6  }
0xed: {  	v4 =	vcvt.f32.s32 v4;
	v13 =	vcvt.f32.s32 v3  }
0xee: {  	v5 =	vcvt.f32.s32 v5;
	v3 =	vtrunc.f32 v9;
	v9 =	vld [tilespmem:s12+$0xFFFFFFD0]  }
0xef: {  	v11 =	vtrunc.f32 v11;
	v10 =	vcvt.f32.s32 v10;
	v4 =	vshll.u32 v4, $0x7  }
0xf0: {  	v5 =	vshll.u32 v5, $0x7;
	v14 =	vor.u32 v1, v4;
	v4 =	vshll.u32 v6, $0x7  }
0xf1: {  	v15 =	vld [tilespmem:s12+$0xFFFFFF80];
	v6 =	vcvt.f32.s32 v8;
	v8 =	vtrunc.f32 v12;
	v12 =	vshll.u32 v13, $0x7  }
0xf2: {  	v16 =	vld [tilespmem:s12+$0x50];
	v8 =	vcvt.f32.s32 v8;
	v13 =	vor.u32 v1, v4;
	v4 =	vshll.u32 v10, $0x7  }
0xf3: {  	v17 =	vld [tilespmem:s12+$0x70];
	v12 =	vor.u32 v1, v12;
	v6 =	vshll.u32 v6, $0x7;
	v18 =	vtrunc.f32 v9  }
0xf4: {  	v20 =	vld [tilespmem:s12+$0x40];
	v19 =	vor.u32 v1, v4;
	v9 =	vcvt.f32.s32 v11;
	v8 =	vshll.u32 v8, $0x7  }
0xf5: {  	v10 =	vld [tilespmem:s12+$0x60];
	v11 =	vcvt.f32.s32 v7;
	v4 =	vor.u32 v1, v8;
	v8 =	vor.u32 v1, v6  }
0xf6: {  	v7 =	vtrunc.f32 v15;
	v6 =	vshll.u32 v9, $0x7;
	v9 =	vor.u32 v1, v5;
	[tilespmem:v14+s5+$0x0] =	vst.idx.add.f32.msk $0xffff, v2  }
0xf7: {  	v14 =	vcvt.f32.s32 v7;
	[tilespmem:v13+s5+$0x0] =	vst.idx.add.f32.msk $0xffff, v2  }
0xf8: {  	v5 =	vshll.u32 v11, $0x7;
	v11 =	vtrunc.f32 v16;
	v7 =	vcvt.f32.s32 v18;
	[tilespmem:v12+s5+$0x0] =	vst.idx.add.f32.msk $0xffff, v2  }
0xf9: {  	s13 =	simm.s32 $0x0;
	v13 =	vtrunc.f32 v20;
	v12 =	vshll.u32 v14, $0x7;
	[tilespmem:v19+s5+$0x0] =	vst.idx.add.f32.msk $0xffff, v2;
	v14 =	vtrunc.f32 v17  }
.LBB2_10:
0xfa: {  	s13 =	sadd.s32 $0x10, s13;
	v12 =	vor.u32 v1, v12;
	[tilespmem:v8+s5+$0x0] =	vst.idx.add.f32.msk $0xffff, v2;
	v8 =	vcvt.f32.s32 v11;
	v11 =	vcvt.f32.s32 v14;
	s12 =	sadd.s32 $0x100, s12  }
0xfb: {  	v7 =	vshll.u32 v7, $0x7;
	p0 =	slt.u32 s13, $0x3F0;
	[tilespmem:v9+s5+$0x0] =	vst.idx.add.f32.msk $0xffff, v2;
	v9 =	vcvt.f32.s32 v13;
	v10 =	vtrunc.f32 v10  }
0xfc: {  	v6 =	vor.u32 v1, v6;
	v13 =	vld [tilespmem:s12+$0xFFFFFFD0];
	v10 =	vcvt.f32.s32 v10;
	v11 =	vshll.u32 v11, $0x7  }
0xfd: {  	v8 =	vshll.u32 v8, $0x7;
	v14 =	vld [tilespmem:s12+$0xFFFFFF90];
	v9 =	vshll.u32 v9, $0x7;
	v11 =	vor.u32 v1, v11  }
0xfe: {  	v15 =	vld [tilespmem:s12+$0xFFFFFFA0];
	v10 =	vshll.u32 v10, $0x7  }
0xff: {  	v16 =	vld [tilespmem:s12+$0xFFFFFFB0];
	v10 =	vor.u32 v1, v10  }
0x100: {  	v17 =	vld [tilespmem:s12+$0xFFFFFFC0]  }
0x101: {  	v3 =	vcvt.f32.s32 v3;
	v18 =	vld [tilespmem:s12+$0xFFFFFFE0]  }
0x102: {  	v19 =	vld [tilespmem:s12+$0xFFFFFFF0]  }
0x103: {  	v3 =	vshll.u32 v3, $0x7;
	[tilespmem:v4+s5+$0x0] =	vst.idx.add.f32.msk $0xffff, v2  }
0x104: {  	v20 =	vor.u32 v1, v3;
	v3 =	vor.u32 v1, v9;
	v4 =	vld [tilespmem:s12+$0x0]  }
0x105: {  	v9 =	vld [tilespmem:s12+$0x10]  }
0x106: {  	v5 =	vor.u32 v1, v5;
	v18 =	vtrunc.f32 v18;
	v21 =	vld [tilespmem:s12+$0x20]  }
0x107: {  	v22 =	vld [tilespmem:s12+$0x30]  }
0x108: {  	[tilespmem:v10+s5+$0x0] =	vst.idx.add.f32.msk $0xffff, v2  }
0x109: {  	v7 =	vor.u32 v1, v7;
	[tilespmem:v3+s5+$0x0] =	vst.idx.add.f32.msk $0xffff, v2  }
0x10a: {  	v8 =	vor.u32 v1, v8;
	v3 =	vtrunc.f32 v4;
	v4 =	vtrunc.f32 v9;
	[tilespmem:v12+s5+$0x0] =	vst.idx.add.f32.msk $0xffff, v2  }
0x10b: {  	v9 =	vtrunc.f32 v19;
	v4 =	vcvt.f32.s32 v4;
	[tilespmem:v5+s5+$0x0] =	vst.idx.add.f32.msk $0xffff, v2  }
0x10c: {  	v5 =	vcvt.f32.s32 v9;
	v9 =	vtrunc.f32 v22;
	[tilespmem:v11+s5+$0x0] =	vst.idx.add.f32.msk $0xffff, v2  }
0x10d: {  	v10 =	vcvt.f32.s32 v18;
	v11 =	vcvt.f32.s32 v3;
	v4 =	vshll.u32 v4, $0x7;
	[tilespmem:v6+s5+$0x0] =	vst.idx.add.f32.msk $0xffff, v2  }
0x10e: {  	v3 =	vtrunc.f32 v17;
	v6 =	vtrunc.f32 v21;
	[tilespmem:v20+s5+$0x0] =	vst.idx.add.f32.msk $0xffff, v2  }
0x10f: {  	v12 =	vtrunc.f32 v16;
	v5 =	vshll.u32 v5, $0x7;
	v6 =	vcvt.f32.s32 v6;
	[tilespmem:v8+s5+$0x0] =	vst.idx.add.f32.msk $0xffff, v2  }
0x110: {  	v9 =	vcvt.f32.s32 v9;
	v5 =	vor.u32 v1, v5;
	v8 =	vtrunc.f32 v15;
	[tilespmem:v7+s5+$0x0] =	vst.idx.add.f32.msk $0xffff, v2  }
0x111: {  	v14 =	vtrunc.f32 v14;
	v10 =	vshll.u32 v10, $0x7;
	v6 =	vshll.u32 v6, $0x7;
	v7 =	vld [tilespmem:s12+$0xFFFFFF80]  }
0x112: {  	v14 =	vcvt.f32.s32 v14;
	v15 =	vor.u32 v1, v4;
	v9 =	vshll.u32 v9, $0x7;
	v16 =	vld [tilespmem:s12+$0x50]  }
0x113: {  	v13 =	vtrunc.f32 v13;
	v17 =	vor.u32 v1, v10;
	v10 =	vshll.u32 v11, $0x7;
	v18 =	vld [tilespmem:s12+$0x70]  }
0x114: {  	v4 =	vshll.u32 v14, $0x7;
	v11 =	vcvt.f32.s32 v8;
	v14 =	vor.u32 v1, v6;
	v19 =	vld [tilespmem:s12+$0x40]  }
.Ltmp4:
0x115: {  	v12 =	vcvt.f32.s32 v12;
	v4 =	vor.u32 v1, v4;
	v8 =	vor.u32 v1, v9;
	[tilespmem:v5+s5+$0x0] =	vst.idx.add.f32.msk $0xffff, v2;
	(pc) =	sbr.rel @p0 .LBB2_10-.Ltmp4, $4  }
0x116: {  	v9 =	vor.u32 v1, v10;
	v6 =	vshll.u32 v11, $0x7;
	v5 =	vtrunc.f32 v7;
	v10 =	vld [tilespmem:s12+$0x60]  }
0x117: {  	v7 =	vcvt.f32.s32 v13;
	v20 =	vcvt.f32.s32 v5;
	[tilespmem:v15+s5+$0x0] =	vst.idx.add.f32.msk $0xffff, v2  }
0x118: {  	v5 =	vshll.u32 v12, $0x7;
	v11 =	vtrunc.f32 v16;
	[tilespmem:v17+s5+$0x0] =	vst.idx.add.f32.msk $0xffff, v2  }
0x119: {  	v12 =	vshll.u32 v20, $0x7;
	[tilespmem:v14+s5+$0x0] =	vst.idx.add.f32.msk $0xffff, v2;
	v13 =	vtrunc.f32 v19;
	v14 =	vtrunc.f32 v18  }
0x11a: {  	_ =	sdelay $0x1  }
0x11b: {  	v12 =	vor.u32 v1, v12  }
0x11c: {  	v13 =	vcvt.f32.s32 v13;
	v14 =	vcvt.f32.s32 v14;
	v5 =	vor.u32 v1, v5  }
0x11d: {  	v3 =	vcvt.f32.s32 v3;
	[tilespmem:v4+s5+$0x0] =	vst.idx.add.f32.msk $0xffff, v2;
	v4 =	vor.u32 v1, v6;
	v7 =	vshll.u32 v7, $0x7  }
0x11e: {  	[tilespmem:v9+s5+$0x0] =	vst.idx.add.f32.msk $0xffff, v2;
	v9 =	vcvt.f32.s32 v11;
	v7 =	vor.u32 v1, v7;
	v13 =	vshll.u32 v13, $0x7  }
0x11f: {  	[tilespmem:v8+s5+$0x0] =	vst.idx.add.f32.msk $0xffff, v2;
	v10 =	vtrunc.f32 v10;
	v8 =	vshll.u32 v14, $0x7;
	v13 =	vor.u32 v1, v13  }
0x120: {  	v10 =	vcvt.f32.s32 v10;
	v3 =	vshll.u32 v3, $0x7;
	v8 =	vor.u32 v1, v8;
	[tilespmem:v12+s5+$0x0] =	vst.idx.add.f32.msk $0xffff, v2  }
0x121: {  	v6 =	vshll.u32 v9, $0x7;
	v3 =	vor.u32 v1, v3;
	[tilespmem:v5+s5+$0x0] =	vst.idx.add.f32.msk $0xffff, v2  }
0x122: {  	v6 =	vor.u32 v1, v6;
	v10 =	vshll.u32 v10, $0x7;
	[tilespmem:v4+s5+$0x0] =	vst.idx.add.f32.msk $0xffff, v2  }
0x123: {  	v10 =	vor.u32 v1, v10;
	[tilespmem:v7+s5+$0x0] =	vst.idx.add.f32.msk $0xffff, v2  }
0x124: {  	[tilespmem:v13+s5+$0x0] =	vst.idx.add.f32.msk $0xffff, v2  }
0x125: {  	[tilespmem:v8+s5+$0x0] =	vst.idx.add.f32.msk $0xffff, v2  }
0x126: {  	[tilespmem:v3+s5+$0x0] =	vst.idx.add.f32.msk $0xffff, v2  }
0x127: {  	[tilespmem:v6+s5+$0x0] =	vst.idx.add.f32.msk $0xffff, v2  }
0x128: {  	[tilespmem:v10+s5+$0x0] =	vst.idx.add.f32.msk $0xffff, v2  }
0x129: {  	[tilespmem:s19], [sflag:$0x1] =	stream.strided.gather [hbm4b:s30+s6], $0x4000, s2, s6, $0x38;
	[tilespmem:$0x18300] =	vst v63  }
0x12a: {  	_ =	swait.ge [sflag:s7], $0x4000  }
0x12b: {  	[sflag:s7] =	ssyncset.done $0x0  }
0x12c: {  	s12 =	simm.s32 $0x4080;
	[sflag:s7] =	ssyncadd.s32 $0xFFFFC000  }
0x12d: {  	v3 =	vld [tilespmem:s12+$0xFFFFFFE0]  }
0x12e: {  	v4 =	vld [tilespmem:s12+$0xFFFFFFF0]  }
0x12f: {  	v5 =	vld [tilespmem:s12+$0x0]  }
0x130: {  	v6 =	vld [tilespmem:s12+$0x10]  }
0x131: {  	v8 =	vld [tilespmem:s12+$0x30]  }
0x132: {  	v10 =	vld [tilespmem:s12+$0x20]  }
0x133: {  	v7 =	vld [tilespmem:s12+$0xFFFFFFB0];
	_ =	sdelay $0x1  }
0x134: {  	v9 =	vld [tilespmem:s12+$0xFFFFFFC0];
	v3 =	vtrunc.f32 v3;
	v5 =	vtrunc.f32 v5  }
0x135: {  	v11 =	vld [tilespmem:s12+$0xFFFFFFA0];
	v6 =	vtrunc.f32 v6;
	v4 =	vtrunc.f32 v4  }
0x136: {  	v8 =	vtrunc.f32 v8;
	v10 =	vtrunc.f32 v10  }
0x137: {  	v12 =	vld [tilespmem:s12+$0xFFFFFF90];
	v7 =	vtrunc.f32 v7;
	v6 =	vcvt.f32.s32 v6  }
0x138: {  	v4 =	vcvt.f32.s32 v4;
	v13 =	vcvt.f32.s32 v3  }
0x139: {  	v5 =	vcvt.f32.s32 v5;
	v3 =	vtrunc.f32 v9;
	v9 =	vld [tilespmem:s12+$0xFFFFFFD0]  }
0x13a: {  	v11 =	vtrunc.f32 v11;
	v10 =	vcvt.f32.s32 v10;
	v4 =	vshll.u32 v4, $0x7  }
0x13b: {  	v5 =	vshll.u32 v5, $0x7;
	v14 =	vor.u32 v1, v4;
	v4 =	vshll.u32 v6, $0x7  }
0x13c: {  	v15 =	vld [tilespmem:s12+$0xFFFFFF80];
	v6 =	vcvt.f32.s32 v8;
	v8 =	vtrunc.f32 v12;
	v12 =	vshll.u32 v13, $0x7  }
0x13d: {  	v16 =	vld [tilespmem:s12+$0x50];
	v8 =	vcvt.f32.s32 v8;
	v13 =	vor.u32 v1, v4;
	v4 =	vshll.u32 v10, $0x7  }
0x13e: {  	v17 =	vld [tilespmem:s12+$0x70];
	v12 =	vor.u32 v1, v12;
	v6 =	vshll.u32 v6, $0x7;
	v18 =	vtrunc.f32 v9  }
0x13f: {  	v20 =	vld [tilespmem:s12+$0x40];
	v19 =	vor.u32 v1, v4;
	v9 =	vcvt.f32.s32 v11;
	v8 =	vshll.u32 v8, $0x7  }
0x140: {  	v10 =	vld [tilespmem:s12+$0x60];
	v11 =	vcvt.f32.s32 v7;
	v4 =	vor.u32 v1, v8;
	v8 =	vor.u32 v1, v6  }
0x141: {  	v7 =	vtrunc.f32 v15;
	v6 =	vshll.u32 v9, $0x7;
	v9 =	vor.u32 v1, v5;
	[tilespmem:v14+s5+$0x0] =	vst.idx.add.f32.msk $0xffff, v2  }
0x142: {  	v14 =	vcvt.f32.s32 v7;
	[tilespmem:v13+s5+$0x0] =	vst.idx.add.f32.msk $0xffff, v2  }
0x143: {  	v5 =	vshll.u32 v11, $0x7;
	v11 =	vtrunc.f32 v16;
	v7 =	vcvt.f32.s32 v18;
	[tilespmem:v12+s5+$0x0] =	vst.idx.add.f32.msk $0xffff, v2  }
0x144: {  	s13 =	simm.s32 $0x0;
	v13 =	vtrunc.f32 v20;
	v12 =	vshll.u32 v14, $0x7;
	[tilespmem:v19+s5+$0x0] =	vst.idx.add.f32.msk $0xffff, v2;
	v14 =	vtrunc.f32 v17  }
.LBB2_12:
0x145: {  	s13 =	sadd.s32 $0x10, s13;
	v12 =	vor.u32 v1, v12;
	[tilespmem:v8+s5+$0x0] =	vst.idx.add.f32.msk $0xffff, v2;
	v8 =	vcvt.f32.s32 v11;
	v11 =	vcvt.f32.s32 v14;
	s12 =	sadd.s32 $0x100, s12  }
0x146: {  	v7 =	vshll.u32 v7, $0x7;
	p0 =	slt.u32 s13, $0x3F0;
	[tilespmem:v9+s5+$0x0] =	vst.idx.add.f32.msk $0xffff, v2;
	v9 =	vcvt.f32.s32 v13;
	v10 =	vtrunc.f32 v10  }
0x147: {  	v6 =	vor.u32 v1, v6;
	v13 =	vld [tilespmem:s12+$0xFFFFFFD0];
	v10 =	vcvt.f32.s32 v10;
	v11 =	vshll.u32 v11, $0x7  }
0x148: {  	v8 =	vshll.u32 v8, $0x7;
	v14 =	vld [tilespmem:s12+$0xFFFFFF90];
	v9 =	vshll.u32 v9, $0x7;
	v11 =	vor.u32 v1, v11  }
0x149: {  	v15 =	vld [tilespmem:s12+$0xFFFFFFA0];
	v10 =	vshll.u32 v10, $0x7  }
0x14a: {  	v16 =	vld [tilespmem:s12+$0xFFFFFFB0];
	v10 =	vor.u32 v1, v10  }
0x14b: {  	v17 =	vld [tilespmem:s12+$0xFFFFFFC0]  }
0x14c: {  	v3 =	vcvt.f32.s32 v3;
	v18 =	vld [tilespmem:s12+$0xFFFFFFE0]  }
0x14d: {  	v19 =	vld [tilespmem:s12+$0xFFFFFFF0]  }
0x14e: {  	v3 =	vshll.u32 v3, $0x7;
	[tilespmem:v4+s5+$0x0] =	vst.idx.add.f32.msk $0xffff, v2  }
0x14f: {  	v20 =	vor.u32 v1, v3;
	v3 =	vor.u32 v1, v9;
	v4 =	vld [tilespmem:s12+$0x0]  }
0x150: {  	v9 =	vld [tilespmem:s12+$0x10]  }
0x151: {  	v5 =	vor.u32 v1, v5;
	v18 =	vtrunc.f32 v18;
	v21 =	vld [tilespmem:s12+$0x20]  }
0x152: {  	v22 =	vld [tilespmem:s12+$0x30]  }
0x153: {  	[tilespmem:v10+s5+$0x0] =	vst.idx.add.f32.msk $0xffff, v2  }
0x154: {  	v7 =	vor.u32 v1, v7;
	[tilespmem:v3+s5+$0x0] =	vst.idx.add.f32.msk $0xffff, v2  }
0x155: {  	v8 =	vor.u32 v1, v8;
	v3 =	vtrunc.f32 v4;
	v4 =	vtrunc.f32 v9;
	[tilespmem:v12+s5+$0x0] =	vst.idx.add.f32.msk $0xffff, v2  }
0x156: {  	v9 =	vtrunc.f32 v19;
	v4 =	vcvt.f32.s32 v4;
	[tilespmem:v5+s5+$0x0] =	vst.idx.add.f32.msk $0xffff, v2  }
0x157: {  	v5 =	vcvt.f32.s32 v9;
	v9 =	vtrunc.f32 v22;
	[tilespmem:v11+s5+$0x0] =	vst.idx.add.f32.msk $0xffff, v2  }
0x158: {  	v10 =	vcvt.f32.s32 v18;
	v11 =	vcvt.f32.s32 v3;
	v4 =	vshll.u32 v4, $0x7;
	[tilespmem:v6+s5+$0x0] =	vst.idx.add.f32.msk $0xffff, v2  }
0x159: {  	v3 =	vtrunc.f32 v17;
	v6 =	vtrunc.f32 v21;
	[tilespmem:v20+s5+$0x0] =	vst.idx.add.f32.msk $0xffff, v2  }
0x15a: {  	v12 =	vtrunc.f32 v16;
	v5 =	vshll.u32 v5, $0x7;
	v6 =	vcvt.f32.s32 v6;
	[tilespmem:v8+s5+$0x0] =	vst.idx.add.f32.msk $0xffff, v2  }
0x15b: {  	v9 =	vcvt.f32.s32 v9;
	v5 =	vor.u32 v1, v5;
	v8 =	vtrunc.f32 v15;
	[tilespmem:v7+s5+$0x0] =	vst.idx.add.f32.msk $0xffff, v2  }
0x15c: {  	v14 =	vtrunc.f32 v14;
	v10 =	vshll.u32 v10, $0x7;
	v6 =	vshll.u32 v6, $0x7;
	v7 =	vld [tilespmem:s12+$0xFFFFFF80]  }
0x15d: {  	v14 =	vcvt.f32.s32 v14;
	v15 =	vor.u32 v1, v4;
	v9 =	vshll.u32 v9, $0x7;
	v16 =	vld [tilespmem:s12+$0x50]  }
0x15e: {  	v13 =	vtrunc.f32 v13;
	v17 =	vor.u32 v1, v10;
	v10 =	vshll.u32 v11, $0x7;
	v18 =	vld [tilespmem:s12+$0x70]  }
0x15f: {  	v4 =	vshll.u32 v14, $0x7;
	v11 =	vcvt.f32.s32 v8;
	v14 =	vor.u32 v1, v6;
	v19 =	vld [tilespmem:s12+$0x40]  }
.Ltmp5:
0x160: {  	v12 =	vcvt.f32.s32 v12;
	v4 =	vor.u32 v1, v4;
	v8 =	vor.u32 v1, v9;
	[tilespmem:v5+s5+$0x0] =	vst.idx.add.f32.msk $0xffff, v2;
	(pc) =	sbr.rel @p0 .LBB2_12-.Ltmp5, $4  }
0x161: {  	v9 =	vor.u32 v1, v10;
	v6 =	vshll.u32 v11, $0x7;
	v5 =	vtrunc.f32 v7;
	v10 =	vld [tilespmem:s12+$0x60]  }
0x162: {  	v7 =	vcvt.f32.s32 v13;
	v20 =	vcvt.f32.s32 v5;
	[tilespmem:v15+s5+$0x0] =	vst.idx.add.f32.msk $0xffff, v2  }
0x163: {  	v5 =	vshll.u32 v12, $0x7;
	v11 =	vtrunc.f32 v16;
	[tilespmem:v17+s5+$0x0] =	vst.idx.add.f32.msk $0xffff, v2  }
0x164: {  	v12 =	vshll.u32 v20, $0x7;
	[tilespmem:v14+s5+$0x0] =	vst.idx.add.f32.msk $0xffff, v2;
	v13 =	vtrunc.f32 v19;
	v14 =	vtrunc.f32 v18  }
0x165: {  	_ =	sdelay $0x1  }
0x166: {  	v12 =	vor.u32 v1, v12  }
0x167: {  	v13 =	vcvt.f32.s32 v13;
	v14 =	vcvt.f32.s32 v14;
	v5 =	vor.u32 v1, v5  }
0x168: {  	v3 =	vcvt.f32.s32 v3;
	[tilespmem:v4+s5+$0x0] =	vst.idx.add.f32.msk $0xffff, v2;
	v4 =	vor.u32 v1, v6;
	v7 =	vshll.u32 v7, $0x7  }
0x169: {  	[tilespmem:v9+s5+$0x0] =	vst.idx.add.f32.msk $0xffff, v2;
	v9 =	vcvt.f32.s32 v11;
	v7 =	vor.u32 v1, v7;
	v13 =	vshll.u32 v13, $0x7  }
0x16a: {  	[tilespmem:v8+s5+$0x0] =	vst.idx.add.f32.msk $0xffff, v2;
	v10 =	vtrunc.f32 v10;
	v8 =	vshll.u32 v14, $0x7;
	v13 =	vor.u32 v1, v13  }
0x16b: {  	v10 =	vcvt.f32.s32 v10;
	v3 =	vshll.u32 v3, $0x7;
	v8 =	vor.u32 v1, v8;
	[tilespmem:v12+s5+$0x0] =	vst.idx.add.f32.msk $0xffff, v2  }
0x16c: {  	v6 =	vshll.u32 v9, $0x7;
	v3 =	vor.u32 v1, v3;
	[tilespmem:v5+s5+$0x0] =	vst.idx.add.f32.msk $0xffff, v2  }
0x16d: {  	v6 =	vor.u32 v1, v6;
	v10 =	vshll.u32 v10, $0x7;
	[tilespmem:v4+s5+$0x0] =	vst.idx.add.f32.msk $0xffff, v2  }
0x16e: {  	v10 =	vor.u32 v1, v10;
	[tilespmem:v7+s5+$0x0] =	vst.idx.add.f32.msk $0xffff, v2  }
0x16f: {  	[tilespmem:v13+s5+$0x0] =	vst.idx.add.f32.msk $0xffff, v2  }
0x170: {  	[tilespmem:v8+s5+$0x0] =	vst.idx.add.f32.msk $0xffff, v2  }
0x171: {  	[tilespmem:v3+s5+$0x0] =	vst.idx.add.f32.msk $0xffff, v2  }
0x172: {  	[tilespmem:v6+s5+$0x0] =	vst.idx.add.f32.msk $0xffff, v2  }
0x173: {  	s12 =	simm.s32 $0x80;
	[tilespmem:v10+s5+$0x0] =	vst.idx.add.f32.msk $0xffff, v2  }
0x174: {  	[tilespmem:s3], [sflag:$0x2] =	stream.strided.gather [hbm4b:s31+s12], $0x4000, s2, s12, $0x38;
	[tilespmem:$0x18300] =	vst v63  }
0x175: {  	_ =	swait.ge [sflag:s4], $0x4000  }
0x176: {  	[sflag:s4] =	ssyncset.done $0x0  }
0x177: {  	[sflag:s4] =	ssyncadd.s32 $0xFFFFC000  }
0x178: {  	v3 =	vld [tilespmem:s12+$0xFFFFFFE0]  }
0x179: {  	v4 =	vld [tilespmem:s12+$0xFFFFFFF0]  }
0x17a: {  	v5 =	vld [tilespmem:s12+$0x0]  }
0x17b: {  	v6 =	vld [tilespmem:s12+$0x10]  }
0x17c: {  	v8 =	vld [tilespmem:s12+$0x30]  }
0x17d: {  	v10 =	vld [tilespmem:s12+$0x20]  }
0x17e: {  	v7 =	vld [tilespmem:s12+$0xFFFFFFB0];
	_ =	sdelay $0x1  }
0x17f: {  	v9 =	vld [tilespmem:s12+$0xFFFFFFC0];
	v3 =	vtrunc.f32 v3;
	v5 =	vtrunc.f32 v5  }
0x180: {  	v11 =	vld [tilespmem:s12+$0xFFFFFFA0];
	v6 =	vtrunc.f32 v6;
	v4 =	vtrunc.f32 v4  }
0x181: {  	v8 =	vtrunc.f32 v8;
	v10 =	vtrunc.f32 v10  }
0x182: {  	v12 =	vld [tilespmem:s12+$0xFFFFFF90];
	v7 =	vtrunc.f32 v7;
	v6 =	vcvt.f32.s32 v6  }
0x183: {  	v4 =	vcvt.f32.s32 v4;
	v13 =	vcvt.f32.s32 v3  }
0x184: {  	v5 =	vcvt.f32.s32 v5;
	v3 =	vtrunc.f32 v9;
	v9 =	vld [tilespmem:s12+$0xFFFFFFD0]  }
0x185: {  	v11 =	vtrunc.f32 v11;
	v10 =	vcvt.f32.s32 v10;
	v4 =	vshll.u32 v4, $0x7  }
0x186: {  	v5 =	vshll.u32 v5, $0x7;
	v14 =	vor.u32 v1, v4;
	v4 =	vshll.u32 v6, $0x7  }
0x187: {  	v15 =	vld [tilespmem:s12+$0xFFFFFF80];
	v6 =	vcvt.f32.s32 v8;
	v8 =	vtrunc.f32 v12;
	v12 =	vshll.u32 v13, $0x7  }
0x188: {  	v16 =	vld [tilespmem:s12+$0x50];
	v8 =	vcvt.f32.s32 v8;
	v13 =	vor.u32 v1, v4;
	v4 =	vshll.u32 v10, $0x7  }
0x189: {  	v17 =	vld [tilespmem:s12+$0x70];
	v12 =	vor.u32 v1, v12;
	v6 =	vshll.u32 v6, $0x7;
	v18 =	vtrunc.f32 v9  }
0x18a: {  	v20 =	vld [tilespmem:s12+$0x40];
	v19 =	vor.u32 v1, v4;
	v9 =	vcvt.f32.s32 v11;
	v8 =	vshll.u32 v8, $0x7  }
0x18b: {  	v10 =	vld [tilespmem:s12+$0x60];
	v11 =	vcvt.f32.s32 v7;
	v4 =	vor.u32 v1, v8;
	v8 =	vor.u32 v1, v6  }
0x18c: {  	v7 =	vtrunc.f32 v15;
	v6 =	vshll.u32 v9, $0x7;
	v9 =	vor.u32 v1, v5;
	[tilespmem:v14+s5+$0x0] =	vst.idx.add.f32.msk $0xffff, v2  }
0x18d: {  	v14 =	vcvt.f32.s32 v7;
	[tilespmem:v13+s5+$0x0] =	vst.idx.add.f32.msk $0xffff, v2  }
0x18e: {  	v5 =	vshll.u32 v11, $0x7;
	v11 =	vtrunc.f32 v16;
	v7 =	vcvt.f32.s32 v18;
	[tilespmem:v12+s5+$0x0] =	vst.idx.add.f32.msk $0xffff, v2  }
0x18f: {  	s13 =	simm.s32 $0x0;
	v13 =	vtrunc.f32 v20;
	v12 =	vshll.u32 v14, $0x7;
	[tilespmem:v19+s5+$0x0] =	vst.idx.add.f32.msk $0xffff, v2;
	v14 =	vtrunc.f32 v17  }
.LBB2_14:
0x190: {  	s13 =	sadd.s32 $0x10, s13;
	v12 =	vor.u32 v1, v12;
	[tilespmem:v8+s5+$0x0] =	vst.idx.add.f32.msk $0xffff, v2;
	v8 =	vcvt.f32.s32 v11;
	v11 =	vcvt.f32.s32 v14;
	s12 =	sadd.s32 $0x100, s12  }
0x191: {  	v7 =	vshll.u32 v7, $0x7;
	p0 =	slt.u32 s13, $0x3F0;
	[tilespmem:v9+s5+$0x0] =	vst.idx.add.f32.msk $0xffff, v2;
	v9 =	vcvt.f32.s32 v13;
	v10 =	vtrunc.f32 v10  }
0x192: {  	v6 =	vor.u32 v1, v6;
	v13 =	vld [tilespmem:s12+$0xFFFFFFD0];
	v10 =	vcvt.f32.s32 v10;
	v11 =	vshll.u32 v11, $0x7  }
0x193: {  	v8 =	vshll.u32 v8, $0x7;
	v14 =	vld [tilespmem:s12+$0xFFFFFF90];
	v9 =	vshll.u32 v9, $0x7;
	v11 =	vor.u32 v1, v11  }
0x194: {  	v15 =	vld [tilespmem:s12+$0xFFFFFFA0];
	v10 =	vshll.u32 v10, $0x7  }
0x195: {  	v16 =	vld [tilespmem:s12+$0xFFFFFFB0];
	v10 =	vor.u32 v1, v10  }
0x196: {  	v17 =	vld [tilespmem:s12+$0xFFFFFFC0]  }
0x197: {  	v3 =	vcvt.f32.s32 v3;
	v18 =	vld [tilespmem:s12+$0xFFFFFFE0]  }
0x198: {  	v19 =	vld [tilespmem:s12+$0xFFFFFFF0]  }
0x199: {  	v3 =	vshll.u32 v3, $0x7;
	[tilespmem:v4+s5+$0x0] =	vst.idx.add.f32.msk $0xffff, v2  }
0x19a: {  	v20 =	vor.u32 v1, v3;
	v3 =	vor.u32 v1, v9;
	v4 =	vld [tilespmem:s12+$0x0]  }
0x19b: {  	v9 =	vld [tilespmem:s12+$0x10]  }
0x19c: {  	v5 =	vor.u32 v1, v5;
	v18 =	vtrunc.f32 v18;
	v21 =	vld [tilespmem:s12+$0x20]  }
0x19d: {  	v22 =	vld [tilespmem:s12+$0x30]  }
0x19e: {  	[tilespmem:v10+s5+$0x0] =	vst.idx.add.f32.msk $0xffff, v2  }
0x19f: {  	v7 =	vor.u32 v1, v7;
	[tilespmem:v3+s5+$0x0] =	vst.idx.add.f32.msk $0xffff, v2  }
0x1a0: {  	v8 =	vor.u32 v1, v8;
	v3 =	vtrunc.f32 v4;
	v4 =	vtrunc.f32 v9;
	[tilespmem:v12+s5+$0x0] =	vst.idx.add.f32.msk $0xffff, v2  }
0x1a1: {  	v9 =	vtrunc.f32 v19;
	v4 =	vcvt.f32.s32 v4;
	[tilespmem:v5+s5+$0x0] =	vst.idx.add.f32.msk $0xffff, v2  }
0x1a2: {  	v5 =	vcvt.f32.s32 v9;
	v9 =	vtrunc.f32 v22;
	[tilespmem:v11+s5+$0x0] =	vst.idx.add.f32.msk $0xffff, v2  }
0x1a3: {  	v10 =	vcvt.f32.s32 v18;
	v11 =	vcvt.f32.s32 v3;
	v4 =	vshll.u32 v4, $0x7;
	[tilespmem:v6+s5+$0x0] =	vst.idx.add.f32.msk $0xffff, v2  }
0x1a4: {  	v3 =	vtrunc.f32 v17;
	v6 =	vtrunc.f32 v21;
	[tilespmem:v20+s5+$0x0] =	vst.idx.add.f32.msk $0xffff, v2  }
0x1a5: {  	v12 =	vtrunc.f32 v16;
	v5 =	vshll.u32 v5, $0x7;
	v6 =	vcvt.f32.s32 v6;
	[tilespmem:v8+s5+$0x0] =	vst.idx.add.f32.msk $0xffff, v2  }
0x1a6: {  	v9 =	vcvt.f32.s32 v9;
	v5 =	vor.u32 v1, v5;
	v8 =	vtrunc.f32 v15;
	[tilespmem:v7+s5+$0x0] =	vst.idx.add.f32.msk $0xffff, v2  }
0x1a7: {  	v14 =	vtrunc.f32 v14;
	v10 =	vshll.u32 v10, $0x7;
	v6 =	vshll.u32 v6, $0x7;
	v7 =	vld [tilespmem:s12+$0xFFFFFF80]  }
0x1a8: {  	v14 =	vcvt.f32.s32 v14;
	v15 =	vor.u32 v1, v4;
	v9 =	vshll.u32 v9, $0x7;
	v16 =	vld [tilespmem:s12+$0x50]  }
0x1a9: {  	v13 =	vtrunc.f32 v13;
	v17 =	vor.u32 v1, v10;
	v10 =	vshll.u32 v11, $0x7;
	v18 =	vld [tilespmem:s12+$0x70]  }
0x1aa: {  	v4 =	vshll.u32 v14, $0x7;
	v11 =	vcvt.f32.s32 v8;
	v14 =	vor.u32 v1, v6;
	v19 =	vld [tilespmem:s12+$0x40]  }
.Ltmp6:
0x1ab: {  	v12 =	vcvt.f32.s32 v12;
	v4 =	vor.u32 v1, v4;
	v8 =	vor.u32 v1, v9;
	[tilespmem:v5+s5+$0x0] =	vst.idx.add.f32.msk $0xffff, v2;
	(pc) =	sbr.rel @p0 .LBB2_14-.Ltmp6, $4  }
0x1ac: {  	v9 =	vor.u32 v1, v10;
	v6 =	vshll.u32 v11, $0x7;
	v5 =	vtrunc.f32 v7;
	v10 =	vld [tilespmem:s12+$0x60]  }
0x1ad: {  	v7 =	vcvt.f32.s32 v13;
	v20 =	vcvt.f32.s32 v5;
	[tilespmem:v15+s5+$0x0] =	vst.idx.add.f32.msk $0xffff, v2  }
0x1ae: {  	v5 =	vshll.u32 v12, $0x7;
	v11 =	vtrunc.f32 v16;
	[tilespmem:v17+s5+$0x0] =	vst.idx.add.f32.msk $0xffff, v2  }
0x1af: {  	v12 =	vshll.u32 v20, $0x7;
	[tilespmem:v14+s5+$0x0] =	vst.idx.add.f32.msk $0xffff, v2;
	v13 =	vtrunc.f32 v19;
	v14 =	vtrunc.f32 v18  }
0x1b0: {  	_ =	sdelay $0x1  }
0x1b1: {  	v12 =	vor.u32 v1, v12  }
0x1b2: {  	v13 =	vcvt.f32.s32 v13;
	v14 =	vcvt.f32.s32 v14;
	v5 =	vor.u32 v1, v5  }
0x1b3: {  	v3 =	vcvt.f32.s32 v3;
	[tilespmem:v4+s5+$0x0] =	vst.idx.add.f32.msk $0xffff, v2;
	v4 =	vor.u32 v1, v6;
	v7 =	vshll.u32 v7, $0x7  }
0x1b4: {  	[tilespmem:v9+s5+$0x0] =	vst.idx.add.f32.msk $0xffff, v2;
	v9 =	vcvt.f32.s32 v11;
	v7 =	vor.u32 v1, v7;
	v13 =	vshll.u32 v13, $0x7  }
0x1b5: {  	[tilespmem:v8+s5+$0x0] =	vst.idx.add.f32.msk $0xffff, v2;
	v10 =	vtrunc.f32 v10;
	v8 =	vshll.u32 v14, $0x7;
	v13 =	vor.u32 v1, v13  }
0x1b6: {  	v10 =	vcvt.f32.s32 v10;
	v3 =	vshll.u32 v3, $0x7;
	v8 =	vor.u32 v1, v8;
	[tilespmem:v12+s5+$0x0] =	vst.idx.add.f32.msk $0xffff, v2  }
0x1b7: {  	v6 =	vshll.u32 v9, $0x7;
	v3 =	vor.u32 v1, v3;
	[tilespmem:v5+s5+$0x0] =	vst.idx.add.f32.msk $0xffff, v2  }
0x1b8: {  	v6 =	vor.u32 v1, v6;
	v10 =	vshll.u32 v10, $0x7;
	[tilespmem:v4+s5+$0x0] =	vst.idx.add.f32.msk $0xffff, v2  }
0x1b9: {  	v10 =	vor.u32 v1, v10;
	[tilespmem:v7+s5+$0x0] =	vst.idx.add.f32.msk $0xffff, v2  }
0x1ba: {  	[tilespmem:v13+s5+$0x0] =	vst.idx.add.f32.msk $0xffff, v2  }
0x1bb: {  	[tilespmem:v8+s5+$0x0] =	vst.idx.add.f32.msk $0xffff, v2  }
0x1bc: {  	[tilespmem:v3+s5+$0x0] =	vst.idx.add.f32.msk $0xffff, v2  }
0x1bd: {  	[tilespmem:v6+s5+$0x0] =	vst.idx.add.f32.msk $0xffff, v2  }
0x1be: {  	[tilespmem:v10+s5+$0x0] =	vst.idx.add.f32.msk $0xffff, v2  }
0x1bf: {  	[tilespmem:s19], [sflag:$0x1] =	stream.strided.gather [hbm4b:s20+s6], $0x4000, s2, s6, $0x38;
	[tilespmem:$0x18300] =	vst v63  }
0x1c0: {  	_ =	swait.ge [sflag:s7], $0x4000  }
0x1c1: {  	[sflag:s7] =	ssyncset.done $0x0  }
0x1c2: {  	s12 =	simm.s32 $0x4080;
	[sflag:s7] =	ssyncadd.s32 $0xFFFFC000  }
0x1c3: {  	v3 =	vld [tilespmem:s12+$0xFFFFFFE0]  }
0x1c4: {  	v4 =	vld [tilespmem:s12+$0xFFFFFFF0]  }
0x1c5: {  	v5 =	vld [tilespmem:s12+$0x0]  }
0x1c6: {  	v6 =	vld [tilespmem:s12+$0x10]  }
0x1c7: {  	v8 =	vld [tilespmem:s12+$0x30]  }
0x1c8: {  	v10 =	vld [tilespmem:s12+$0x20]  }
0x1c9: {  	v7 =	vld [tilespmem:s12+$0xFFFFFFB0];
	_ =	sdelay $0x1  }
0x1ca: {  	v9 =	vld [tilespmem:s12+$0xFFFFFFC0];
	v3 =	vtrunc.f32 v3;
	v5 =	vtrunc.f32 v5  }
0x1cb: {  	v11 =	vld [tilespmem:s12+$0xFFFFFFA0];
	v6 =	vtrunc.f32 v6;
	v4 =	vtrunc.f32 v4  }
0x1cc: {  	v8 =	vtrunc.f32 v8;
	v10 =	vtrunc.f32 v10  }
0x1cd: {  	v12 =	vld [tilespmem:s12+$0xFFFFFF90];
	v7 =	vtrunc.f32 v7;
	v6 =	vcvt.f32.s32 v6  }
0x1ce: {  	v4 =	vcvt.f32.s32 v4;
	v13 =	vcvt.f32.s32 v3  }
0x1cf: {  	v5 =	vcvt.f32.s32 v5;
	v3 =	vtrunc.f32 v9;
	v9 =	vld [tilespmem:s12+$0xFFFFFFD0]  }
0x1d0: {  	v11 =	vtrunc.f32 v11;
	v10 =	vcvt.f32.s32 v10;
	v4 =	vshll.u32 v4, $0x7  }
0x1d1: {  	v5 =	vshll.u32 v5, $0x7;
	v14 =	vor.u32 v1, v4;
	v4 =	vshll.u32 v6, $0x7  }
0x1d2: {  	v15 =	vld [tilespmem:s12+$0xFFFFFF80];
	v6 =	vcvt.f32.s32 v8;
	v8 =	vtrunc.f32 v12;
	v12 =	vshll.u32 v13, $0x7  }
0x1d3: {  	v16 =	vld [tilespmem:s12+$0x50];
	v8 =	vcvt.f32.s32 v8;
	v13 =	vor.u32 v1, v4;
	v4 =	vshll.u32 v10, $0x7  }
0x1d4: {  	v17 =	vld [tilespmem:s12+$0x70];
	v12 =	vor.u32 v1, v12;
	v6 =	vshll.u32 v6, $0x7;
	v18 =	vtrunc.f32 v9  }
0x1d5: {  	v20 =	vld [tilespmem:s12+$0x40];
	v19 =	vor.u32 v1, v4;
	v9 =	vcvt.f32.s32 v11;
	v8 =	vshll.u32 v8, $0x7  }
0x1d6: {  	v10 =	vld [tilespmem:s12+$0x60];
	v11 =	vcvt.f32.s32 v7;
	v4 =	vor.u32 v1, v8;
	v8 =	vor.u32 v1, v6  }
0x1d7: {  	v7 =	vtrunc.f32 v15;
	v6 =	vshll.u32 v9, $0x7;
	v9 =	vor.u32 v1, v5;
	[tilespmem:v14+s5+$0x0] =	vst.idx.add.f32.msk $0xffff, v2  }
0x1d8: {  	v14 =	vcvt.f32.s32 v7;
	[tilespmem:v13+s5+$0x0] =	vst.idx.add.f32.msk $0xffff, v2  }
0x1d9: {  	v5 =	vshll.u32 v11, $0x7;
	v11 =	vtrunc.f32 v16;
	v7 =	vcvt.f32.s32 v18;
	[tilespmem:v12+s5+$0x0] =	vst.idx.add.f32.msk $0xffff, v2  }
0x1da: {  	s13 =	simm.s32 $0x0;
	v13 =	vtrunc.f32 v20;
	v12 =	vshll.u32 v14, $0x7;
	[tilespmem:v19+s5+$0x0] =	vst.idx.add.f32.msk $0xffff, v2;
	v14 =	vtrunc.f32 v17  }
.LBB2_16:
0x1db: {  	s13 =	sadd.s32 $0x10, s13;
	v12 =	vor.u32 v1, v12;
	[tilespmem:v8+s5+$0x0] =	vst.idx.add.f32.msk $0xffff, v2;
	v8 =	vcvt.f32.s32 v11;
	v11 =	vcvt.f32.s32 v14;
	s12 =	sadd.s32 $0x100, s12  }
0x1dc: {  	v7 =	vshll.u32 v7, $0x7;
	p0 =	slt.u32 s13, $0x3F0;
	[tilespmem:v9+s5+$0x0] =	vst.idx.add.f32.msk $0xffff, v2;
	v9 =	vcvt.f32.s32 v13;
	v10 =	vtrunc.f32 v10  }
0x1dd: {  	v6 =	vor.u32 v1, v6;
	v13 =	vld [tilespmem:s12+$0xFFFFFFD0];
	v10 =	vcvt.f32.s32 v10;
	v11 =	vshll.u32 v11, $0x7  }
0x1de: {  	v8 =	vshll.u32 v8, $0x7;
	v14 =	vld [tilespmem:s12+$0xFFFFFF90];
	v9 =	vshll.u32 v9, $0x7;
	v11 =	vor.u32 v1, v11  }
0x1df: {  	v15 =	vld [tilespmem:s12+$0xFFFFFFA0];
	v10 =	vshll.u32 v10, $0x7  }
0x1e0: {  	v16 =	vld [tilespmem:s12+$0xFFFFFFB0];
	v10 =	vor.u32 v1, v10  }
0x1e1: {  	v17 =	vld [tilespmem:s12+$0xFFFFFFC0]  }
0x1e2: {  	v3 =	vcvt.f32.s32 v3;
	v18 =	vld [tilespmem:s12+$0xFFFFFFE0]  }
0x1e3: {  	v19 =	vld [tilespmem:s12+$0xFFFFFFF0]  }
0x1e4: {  	v3 =	vshll.u32 v3, $0x7;
	[tilespmem:v4+s5+$0x0] =	vst.idx.add.f32.msk $0xffff, v2  }
0x1e5: {  	v20 =	vor.u32 v1, v3;
	v3 =	vor.u32 v1, v9;
	v4 =	vld [tilespmem:s12+$0x0]  }
0x1e6: {  	v9 =	vld [tilespmem:s12+$0x10]  }
0x1e7: {  	v5 =	vor.u32 v1, v5;
	v18 =	vtrunc.f32 v18;
	v21 =	vld [tilespmem:s12+$0x20]  }
0x1e8: {  	v22 =	vld [tilespmem:s12+$0x30]  }
0x1e9: {  	[tilespmem:v10+s5+$0x0] =	vst.idx.add.f32.msk $0xffff, v2  }
0x1ea: {  	v7 =	vor.u32 v1, v7;
	[tilespmem:v3+s5+$0x0] =	vst.idx.add.f32.msk $0xffff, v2  }
0x1eb: {  	v8 =	vor.u32 v1, v8;
	v3 =	vtrunc.f32 v4;
	v4 =	vtrunc.f32 v9;
	[tilespmem:v12+s5+$0x0] =	vst.idx.add.f32.msk $0xffff, v2  }
0x1ec: {  	v9 =	vtrunc.f32 v19;
	v4 =	vcvt.f32.s32 v4;
	[tilespmem:v5+s5+$0x0] =	vst.idx.add.f32.msk $0xffff, v2  }
0x1ed: {  	v5 =	vcvt.f32.s32 v9;
	v9 =	vtrunc.f32 v22;
	[tilespmem:v11+s5+$0x0] =	vst.idx.add.f32.msk $0xffff, v2  }
0x1ee: {  	v10 =	vcvt.f32.s32 v18;
	v11 =	vcvt.f32.s32 v3;
	v4 =	vshll.u32 v4, $0x7;
	[tilespmem:v6+s5+$0x0] =	vst.idx.add.f32.msk $0xffff, v2  }
0x1ef: {  	v3 =	vtrunc.f32 v17;
	v6 =	vtrunc.f32 v21;
	[tilespmem:v20+s5+$0x0] =	vst.idx.add.f32.msk $0xffff, v2  }
0x1f0: {  	v12 =	vtrunc.f32 v16;
	v5 =	vshll.u32 v5, $0x7;
	v6 =	vcvt.f32.s32 v6;
	[tilespmem:v8+s5+$0x0] =	vst.idx.add.f32.msk $0xffff, v2  }
0x1f1: {  	v9 =	vcvt.f32.s32 v9;
	v5 =	vor.u32 v1, v5;
	v8 =	vtrunc.f32 v15;
	[tilespmem:v7+s5+$0x0] =	vst.idx.add.f32.msk $0xffff, v2  }
0x1f2: {  	v14 =	vtrunc.f32 v14;
	v10 =	vshll.u32 v10, $0x7;
	v6 =	vshll.u32 v6, $0x7;
	v7 =	vld [tilespmem:s12+$0xFFFFFF80]  }
0x1f3: {  	v14 =	vcvt.f32.s32 v14;
	v15 =	vor.u32 v1, v4;
	v9 =	vshll.u32 v9, $0x7;
	v16 =	vld [tilespmem:s12+$0x50]  }
0x1f4: {  	v13 =	vtrunc.f32 v13;
	v17 =	vor.u32 v1, v10;
	v10 =	vshll.u32 v11, $0x7;
	v18 =	vld [tilespmem:s12+$0x70]  }
0x1f5: {  	v4 =	vshll.u32 v14, $0x7;
	v11 =	vcvt.f32.s32 v8;
	v14 =	vor.u32 v1, v6;
	v19 =	vld [tilespmem:s12+$0x40]  }
.Ltmp7:
0x1f6: {  	v12 =	vcvt.f32.s32 v12;
	v4 =	vor.u32 v1, v4;
	v8 =	vor.u32 v1, v9;
	[tilespmem:v5+s5+$0x0] =	vst.idx.add.f32.msk $0xffff, v2;
	(pc) =	sbr.rel @p0 .LBB2_16-.Ltmp7, $4  }
0x1f7: {  	v9 =	vor.u32 v1, v10;
	v6 =	vshll.u32 v11, $0x7;
	v5 =	vtrunc.f32 v7;
	v10 =	vld [tilespmem:s12+$0x60]  }
0x1f8: {  	v7 =	vcvt.f32.s32 v13;
	v20 =	vcvt.f32.s32 v5;
	[tilespmem:v15+s5+$0x0] =	vst.idx.add.f32.msk $0xffff, v2  }
0x1f9: {  	v5 =	vshll.u32 v12, $0x7;
	v11 =	vtrunc.f32 v16;
	[tilespmem:v17+s5+$0x0] =	vst.idx.add.f32.msk $0xffff, v2  }
0x1fa: {  	v12 =	vshll.u32 v20, $0x7;
	[tilespmem:v14+s5+$0x0] =	vst.idx.add.f32.msk $0xffff, v2;
	v13 =	vtrunc.f32 v19;
	v14 =	vtrunc.f32 v18  }
0x1fb: {  	_ =	sdelay $0x1  }
0x1fc: {  	v12 =	vor.u32 v1, v12  }
0x1fd: {  	v13 =	vcvt.f32.s32 v13;
	v14 =	vcvt.f32.s32 v14;
	v5 =	vor.u32 v1, v5  }
0x1fe: {  	v3 =	vcvt.f32.s32 v3;
	[tilespmem:v4+s5+$0x0] =	vst.idx.add.f32.msk $0xffff, v2;
	v4 =	vor.u32 v1, v6;
	v7 =	vshll.u32 v7, $0x7  }
0x1ff: {  	[tilespmem:v9+s5+$0x0] =	vst.idx.add.f32.msk $0xffff, v2;
	v9 =	vcvt.f32.s32 v11;
	v7 =	vor.u32 v1, v7;
	v13 =	vshll.u32 v13, $0x7  }
0x200: {  	[tilespmem:v8+s5+$0x0] =	vst.idx.add.f32.msk $0xffff, v2;
	v10 =	vtrunc.f32 v10;
	v8 =	vshll.u32 v14, $0x7;
	v13 =	vor.u32 v1, v13  }
0x201: {  	v10 =	vcvt.f32.s32 v10;
	v3 =	vshll.u32 v3, $0x7;
	v8 =	vor.u32 v1, v8;
	[tilespmem:v12+s5+$0x0] =	vst.idx.add.f32.msk $0xffff, v2  }
0x202: {  	v6 =	vshll.u32 v9, $0x7;
	v3 =	vor.u32 v1, v3;
	[tilespmem:v5+s5+$0x0] =	vst.idx.add.f32.msk $0xffff, v2  }
0x203: {  	v6 =	vor.u32 v1, v6;
	v10 =	vshll.u32 v10, $0x7;
	[tilespmem:v4+s5+$0x0] =	vst.idx.add.f32.msk $0xffff, v2  }
0x204: {  	v10 =	vor.u32 v1, v10;
	[tilespmem:v7+s5+$0x0] =	vst.idx.add.f32.msk $0xffff, v2  }
0x205: {  	[tilespmem:v13+s5+$0x0] =	vst.idx.add.f32.msk $0xffff, v2  }
0x206: {  	[tilespmem:v8+s5+$0x0] =	vst.idx.add.f32.msk $0xffff, v2  }
0x207: {  	[tilespmem:v3+s5+$0x0] =	vst.idx.add.f32.msk $0xffff, v2  }
0x208: {  	[tilespmem:v6+s5+$0x0] =	vst.idx.add.f32.msk $0xffff, v2  }
0x209: {  	s12 =	simm.s32 $0x80;
	[tilespmem:v10+s5+$0x0] =	vst.idx.add.f32.msk $0xffff, v2  }
0x20a: {  	[tilespmem:s3], [sflag:$0x2] =	stream.strided.gather [hbm4b:s0+s12], $0x4000, s2, s12, $0x38;
	[tilespmem:$0x18300] =	vst v63  }
0x20b: {  	_ =	swait.ge [sflag:s4], $0x4000  }
0x20c: {  	[sflag:s4] =	ssyncset.done $0x0  }
0x20d: {  	[sflag:s4] =	ssyncadd.s32 $0xFFFFC000  }
0x20e: {  	v3 =	vld [tilespmem:s12+$0xFFFFFFE0]  }
0x20f: {  	v4 =	vld [tilespmem:s12+$0xFFFFFFF0]  }
0x210: {  	v5 =	vld [tilespmem:s12+$0x0]  }
0x211: {  	v6 =	vld [tilespmem:s12+$0x10]  }
0x212: {  	v8 =	vld [tilespmem:s12+$0x30]  }
0x213: {  	v10 =	vld [tilespmem:s12+$0x20]  }
0x214: {  	v7 =	vld [tilespmem:s12+$0xFFFFFFB0];
	_ =	sdelay $0x1  }
0x215: {  	v9 =	vld [tilespmem:s12+$0xFFFFFFC0];
	v3 =	vtrunc.f32 v3;
	v5 =	vtrunc.f32 v5  }
0x216: {  	v11 =	vld [tilespmem:s12+$0xFFFFFFA0];
	v6 =	vtrunc.f32 v6;
	v4 =	vtrunc.f32 v4  }
0x217: {  	v8 =	vtrunc.f32 v8;
	v10 =	vtrunc.f32 v10  }
0x218: {  	v12 =	vld [tilespmem:s12+$0xFFFFFF90];
	v7 =	vtrunc.f32 v7;
	v6 =	vcvt.f32.s32 v6  }
0x219: {  	v4 =	vcvt.f32.s32 v4;
	v13 =	vcvt.f32.s32 v3  }
0x21a: {  	v5 =	vcvt.f32.s32 v5;
	v3 =	vtrunc.f32 v9;
	v9 =	vld [tilespmem:s12+$0xFFFFFFD0]  }
0x21b: {  	v11 =	vtrunc.f32 v11;
	v10 =	vcvt.f32.s32 v10;
	v4 =	vshll.u32 v4, $0x7  }
0x21c: {  	v5 =	vshll.u32 v5, $0x7;
	v14 =	vor.u32 v1, v4;
	v4 =	vshll.u32 v6, $0x7  }
0x21d: {  	v15 =	vld [tilespmem:s12+$0xFFFFFF80];
	v6 =	vcvt.f32.s32 v8;
	v8 =	vtrunc.f32 v12;
	v12 =	vshll.u32 v13, $0x7  }
0x21e: {  	v16 =	vld [tilespmem:s12+$0x50];
	v8 =	vcvt.f32.s32 v8;
	v13 =	vor.u32 v1, v4;
	v4 =	vshll.u32 v10, $0x7  }
0x21f: {  	v17 =	vld [tilespmem:s12+$0x70];
	v12 =	vor.u32 v1, v12;
	v6 =	vshll.u32 v6, $0x7;
	v18 =	vtrunc.f32 v9  }
0x220: {  	v20 =	vld [tilespmem:s12+$0x40];
	v19 =	vor.u32 v1, v4;
	v9 =	vcvt.f32.s32 v11;
	v8 =	vshll.u32 v8, $0x7  }
0x221: {  	v10 =	vld [tilespmem:s12+$0x60];
	v11 =	vcvt.f32.s32 v7;
	v4 =	vor.u32 v1, v8;
	v8 =	vor.u32 v1, v6  }
0x222: {  	v7 =	vtrunc.f32 v15;
	v6 =	vshll.u32 v9, $0x7;
	v9 =	vor.u32 v1, v5;
	[tilespmem:v14+s5+$0x0] =	vst.idx.add.f32.msk $0xffff, v2  }
0x223: {  	v14 =	vcvt.f32.s32 v7;
	[tilespmem:v13+s5+$0x0] =	vst.idx.add.f32.msk $0xffff, v2  }
0x224: {  	v5 =	vshll.u32 v11, $0x7;
	v11 =	vtrunc.f32 v16;
	v7 =	vcvt.f32.s32 v18;
	[tilespmem:v12+s5+$0x0] =	vst.idx.add.f32.msk $0xffff, v2  }
0x225: {  	s13 =	simm.s32 $0x0;
	v13 =	vtrunc.f32 v20;
	v12 =	vshll.u32 v14, $0x7;
	[tilespmem:v19+s5+$0x0] =	vst.idx.add.f32.msk $0xffff, v2;
	v14 =	vtrunc.f32 v17  }
.LBB2_18:
0x226: {  	s13 =	sadd.s32 $0x10, s13;
	v12 =	vor.u32 v1, v12;
	[tilespmem:v8+s5+$0x0] =	vst.idx.add.f32.msk $0xffff, v2;
	v8 =	vcvt.f32.s32 v11;
	v11 =	vcvt.f32.s32 v14;
	s12 =	sadd.s32 $0x100, s12  }
0x227: {  	v7 =	vshll.u32 v7, $0x7;
	p0 =	slt.u32 s13, $0x3F0;
	[tilespmem:v9+s5+$0x0] =	vst.idx.add.f32.msk $0xffff, v2;
	v9 =	vcvt.f32.s32 v13;
	v10 =	vtrunc.f32 v10  }
0x228: {  	v6 =	vor.u32 v1, v6;
	v13 =	vld [tilespmem:s12+$0xFFFFFFD0];
	v10 =	vcvt.f32.s32 v10;
	v11 =	vshll.u32 v11, $0x7  }
0x229: {  	v8 =	vshll.u32 v8, $0x7;
	v14 =	vld [tilespmem:s12+$0xFFFFFF90];
	v9 =	vshll.u32 v9, $0x7;
	v11 =	vor.u32 v1, v11  }
0x22a: {  	v15 =	vld [tilespmem:s12+$0xFFFFFFA0];
	v10 =	vshll.u32 v10, $0x7  }
0x22b: {  	v16 =	vld [tilespmem:s12+$0xFFFFFFB0];
	v10 =	vor.u32 v1, v10  }
0x22c: {  	v17 =	vld [tilespmem:s12+$0xFFFFFFC0]  }
0x22d: {  	v3 =	vcvt.f32.s32 v3;
	v18 =	vld [tilespmem:s12+$0xFFFFFFE0]  }
0x22e: {  	v19 =	vld [tilespmem:s12+$0xFFFFFFF0]  }
0x22f: {  	v3 =	vshll.u32 v3, $0x7;
	[tilespmem:v4+s5+$0x0] =	vst.idx.add.f32.msk $0xffff, v2  }
0x230: {  	v20 =	vor.u32 v1, v3;
	v3 =	vor.u32 v1, v9;
	v4 =	vld [tilespmem:s12+$0x0]  }
0x231: {  	v9 =	vld [tilespmem:s12+$0x10]  }
0x232: {  	v5 =	vor.u32 v1, v5;
	v18 =	vtrunc.f32 v18;
	v21 =	vld [tilespmem:s12+$0x20]  }
0x233: {  	v22 =	vld [tilespmem:s12+$0x30]  }
0x234: {  	[tilespmem:v10+s5+$0x0] =	vst.idx.add.f32.msk $0xffff, v2  }
0x235: {  	v7 =	vor.u32 v1, v7;
	[tilespmem:v3+s5+$0x0] =	vst.idx.add.f32.msk $0xffff, v2  }
0x236: {  	v8 =	vor.u32 v1, v8;
	v3 =	vtrunc.f32 v4;
	v4 =	vtrunc.f32 v9;
	[tilespmem:v12+s5+$0x0] =	vst.idx.add.f32.msk $0xffff, v2  }
0x237: {  	v9 =	vtrunc.f32 v19;
	v4 =	vcvt.f32.s32 v4;
	[tilespmem:v5+s5+$0x0] =	vst.idx.add.f32.msk $0xffff, v2  }
0x238: {  	v5 =	vcvt.f32.s32 v9;
	v9 =	vtrunc.f32 v22;
	[tilespmem:v11+s5+$0x0] =	vst.idx.add.f32.msk $0xffff, v2  }
0x239: {  	v10 =	vcvt.f32.s32 v18;
	v11 =	vcvt.f32.s32 v3;
	v4 =	vshll.u32 v4, $0x7;
	[tilespmem:v6+s5+$0x0] =	vst.idx.add.f32.msk $0xffff, v2  }
0x23a: {  	v3 =	vtrunc.f32 v17;
	v6 =	vtrunc.f32 v21;
	[tilespmem:v20+s5+$0x0] =	vst.idx.add.f32.msk $0xffff, v2  }
0x23b: {  	v12 =	vtrunc.f32 v16;
	v5 =	vshll.u32 v5, $0x7;
	v6 =	vcvt.f32.s32 v6;
	[tilespmem:v8+s5+$0x0] =	vst.idx.add.f32.msk $0xffff, v2  }
0x23c: {  	v9 =	vcvt.f32.s32 v9;
	v5 =	vor.u32 v1, v5;
	v8 =	vtrunc.f32 v15;
	[tilespmem:v7+s5+$0x0] =	vst.idx.add.f32.msk $0xffff, v2  }
0x23d: {  	v14 =	vtrunc.f32 v14;
	v10 =	vshll.u32 v10, $0x7;
	v6 =	vshll.u32 v6, $0x7;
	v7 =	vld [tilespmem:s12+$0xFFFFFF80]  }
0x23e: {  	v14 =	vcvt.f32.s32 v14;
	v15 =	vor.u32 v1, v4;
	v9 =	vshll.u32 v9, $0x7;
	v16 =	vld [tilespmem:s12+$0x50]  }
0x23f: {  	v13 =	vtrunc.f32 v13;
	v17 =	vor.u32 v1, v10;
	v10 =	vshll.u32 v11, $0x7;
	v18 =	vld [tilespmem:s12+$0x70]  }
0x240: {  	v4 =	vshll.u32 v14, $0x7;
	v11 =	vcvt.f32.s32 v8;
	v14 =	vor.u32 v1, v6;
	v19 =	vld [tilespmem:s12+$0x40]  }
.Ltmp8:
0x241: {  	v12 =	vcvt.f32.s32 v12;
	v4 =	vor.u32 v1, v4;
	v8 =	vor.u32 v1, v9;
	[tilespmem:v5+s5+$0x0] =	vst.idx.add.f32.msk $0xffff, v2;
	(pc) =	sbr.rel @p0 .LBB2_18-.Ltmp8, $4  }
0x242: {  	v9 =	vor.u32 v1, v10;
	v6 =	vshll.u32 v11, $0x7;
	v5 =	vtrunc.f32 v7;
	v10 =	vld [tilespmem:s12+$0x60]  }
0x243: {  	v7 =	vcvt.f32.s32 v13;
	v20 =	vcvt.f32.s32 v5;
	[tilespmem:v15+s5+$0x0] =	vst.idx.add.f32.msk $0xffff, v2  }
0x244: {  	v5 =	vshll.u32 v12, $0x7;
	v11 =	vtrunc.f32 v16;
	[tilespmem:v17+s5+$0x0] =	vst.idx.add.f32.msk $0xffff, v2  }
0x245: {  	v12 =	vshll.u32 v20, $0x7;
	[tilespmem:v14+s5+$0x0] =	vst.idx.add.f32.msk $0xffff, v2;
	v13 =	vtrunc.f32 v19;
	v14 =	vtrunc.f32 v18  }
0x246: {  	_ =	sdelay $0x1  }
0x247: {  	v12 =	vor.u32 v1, v12  }
0x248: {  	v13 =	vcvt.f32.s32 v13;
	v14 =	vcvt.f32.s32 v14;
	v5 =	vor.u32 v1, v5  }
0x249: {  	v3 =	vcvt.f32.s32 v3;
	[tilespmem:v4+s5+$0x0] =	vst.idx.add.f32.msk $0xffff, v2;
	v4 =	vor.u32 v1, v6;
	v7 =	vshll.u32 v7, $0x7  }
0x24a: {  	[tilespmem:v9+s5+$0x0] =	vst.idx.add.f32.msk $0xffff, v2;
	v9 =	vcvt.f32.s32 v11;
	v7 =	vor.u32 v1, v7;
	v13 =	vshll.u32 v13, $0x7  }
0x24b: {  	[tilespmem:v8+s5+$0x0] =	vst.idx.add.f32.msk $0xffff, v2;
	v10 =	vtrunc.f32 v10;
	v8 =	vshll.u32 v14, $0x7;
	v13 =	vor.u32 v1, v13  }
0x24c: {  	v10 =	vcvt.f32.s32 v10;
	v3 =	vshll.u32 v3, $0x7;
	v8 =	vor.u32 v1, v8;
	[tilespmem:v12+s5+$0x0] =	vst.idx.add.f32.msk $0xffff, v2  }
0x24d: {  	v6 =	vshll.u32 v9, $0x7;
	v3 =	vor.u32 v1, v3;
	[tilespmem:v5+s5+$0x0] =	vst.idx.add.f32.msk $0xffff, v2  }
0x24e: {  	v6 =	vor.u32 v1, v6;
	v10 =	vshll.u32 v10, $0x7;
	[tilespmem:v4+s5+$0x0] =	vst.idx.add.f32.msk $0xffff, v2  }
0x24f: {  	v10 =	vor.u32 v1, v10;
	[tilespmem:v7+s5+$0x0] =	vst.idx.add.f32.msk $0xffff, v2  }
0x250: {  	[tilespmem:v13+s5+$0x0] =	vst.idx.add.f32.msk $0xffff, v2  }
0x251: {  	[tilespmem:v8+s5+$0x0] =	vst.idx.add.f32.msk $0xffff, v2  }
0x252: {  	[tilespmem:v3+s5+$0x0] =	vst.idx.add.f32.msk $0xffff, v2  }
0x253: {  	[tilespmem:v6+s5+$0x0] =	vst.idx.add.f32.msk $0xffff, v2  }
0x254: {  	[tilespmem:v10+s5+$0x0] =	vst.idx.add.f32.msk $0xffff, v2  }
0x255: {  	s12 =	rddreg [dreg:$0x4]  }
0x256: {  	[tilespmem:s19], [sflag:$0x1] =	stream.strided.gather [hbm4b:s12+s6], $0x4000, s2, s6, $0x38;
	[tilespmem:$0x18300] =	vst v63  }
0x257: {  	_ =	swait.ge [sflag:s7], $0x4000  }
0x258: {  	[sflag:s7] =	ssyncset.done $0x0  }
0x259: {  	s12 =	simm.s32 $0x4080;
	[sflag:s7] =	ssyncadd.s32 $0xFFFFC000  }
0x25a: {  	v3 =	vld [tilespmem:s12+$0xFFFFFFE0]  }
0x25b: {  	v4 =	vld [tilespmem:s12+$0xFFFFFFF0]  }
0x25c: {  	v5 =	vld [tilespmem:s12+$0x0]  }
0x25d: {  	v6 =	vld [tilespmem:s12+$0x10]  }
0x25e: {  	v8 =	vld [tilespmem:s12+$0x30]  }
0x25f: {  	v10 =	vld [tilespmem:s12+$0x20]  }
0x260: {  	v7 =	vld [tilespmem:s12+$0xFFFFFFB0];
	_ =	sdelay $0x1  }
0x261: {  	v9 =	vld [tilespmem:s12+$0xFFFFFFC0];
	v3 =	vtrunc.f32 v3;
	v5 =	vtrunc.f32 v5  }
0x262: {  	v11 =	vld [tilespmem:s12+$0xFFFFFFA0];
	v6 =	vtrunc.f32 v6;
	v4 =	vtrunc.f32 v4  }
0x263: {  	v8 =	vtrunc.f32 v8;
	v10 =	vtrunc.f32 v10  }
0x264: {  	v12 =	vld [tilespmem:s12+$0xFFFFFF90];
	v7 =	vtrunc.f32 v7;
	v6 =	vcvt.f32.s32 v6  }
0x265: {  	v4 =	vcvt.f32.s32 v4;
	v13 =	vcvt.f32.s32 v3  }
0x266: {  	v5 =	vcvt.f32.s32 v5;
	v3 =	vtrunc.f32 v9;
	v9 =	vld [tilespmem:s12+$0xFFFFFFD0]  }
0x267: {  	v11 =	vtrunc.f32 v11;
	v10 =	vcvt.f32.s32 v10;
	v4 =	vshll.u32 v4, $0x7  }
0x268: {  	v5 =	vshll.u32 v5, $0x7;
	v14 =	vor.u32 v1, v4;
	v4 =	vshll.u32 v6, $0x7  }
0x269: {  	v15 =	vld [tilespmem:s12+$0xFFFFFF80];
	v6 =	vcvt.f32.s32 v8;
	v8 =	vtrunc.f32 v12;
	v12 =	vshll.u32 v13, $0x7  }
0x26a: {  	v16 =	vld [tilespmem:s12+$0x50];
	v8 =	vcvt.f32.s32 v8;
	v13 =	vor.u32 v1, v4;
	v4 =	vshll.u32 v10, $0x7  }
0x26b: {  	v17 =	vld [tilespmem:s12+$0x70];
	v12 =	vor.u32 v1, v12;
	v6 =	vshll.u32 v6, $0x7;
	v18 =	vtrunc.f32 v9  }
0x26c: {  	v20 =	vld [tilespmem:s12+$0x40];
	v19 =	vor.u32 v1, v4;
	v9 =	vcvt.f32.s32 v11;
	v8 =	vshll.u32 v8, $0x7  }
0x26d: {  	v10 =	vld [tilespmem:s12+$0x60];
	v11 =	vcvt.f32.s32 v7;
	v4 =	vor.u32 v1, v8;
	v8 =	vor.u32 v1, v6  }
0x26e: {  	v7 =	vtrunc.f32 v15;
	v6 =	vshll.u32 v9, $0x7;
	v9 =	vor.u32 v1, v5;
	[tilespmem:v14+s5+$0x0] =	vst.idx.add.f32.msk $0xffff, v2  }
0x26f: {  	v14 =	vcvt.f32.s32 v7;
	[tilespmem:v13+s5+$0x0] =	vst.idx.add.f32.msk $0xffff, v2  }
0x270: {  	v5 =	vshll.u32 v11, $0x7;
	v11 =	vtrunc.f32 v16;
	v7 =	vcvt.f32.s32 v18;
	[tilespmem:v12+s5+$0x0] =	vst.idx.add.f32.msk $0xffff, v2  }
0x271: {  	s13 =	simm.s32 $0x0;
	v13 =	vtrunc.f32 v20;
	v12 =	vshll.u32 v14, $0x7;
	[tilespmem:v19+s5+$0x0] =	vst.idx.add.f32.msk $0xffff, v2;
	v14 =	vtrunc.f32 v17  }
.LBB2_20:
0x272: {  	s13 =	sadd.s32 $0x10, s13;
	v12 =	vor.u32 v1, v12;
	[tilespmem:v8+s5+$0x0] =	vst.idx.add.f32.msk $0xffff, v2;
	v8 =	vcvt.f32.s32 v11;
	v11 =	vcvt.f32.s32 v14;
	s12 =	sadd.s32 $0x100, s12  }
0x273: {  	v7 =	vshll.u32 v7, $0x7;
	p0 =	slt.u32 s13, $0x3F0;
	[tilespmem:v9+s5+$0x0] =	vst.idx.add.f32.msk $0xffff, v2;
	v9 =	vcvt.f32.s32 v13;
	v10 =	vtrunc.f32 v10  }
0x274: {  	v6 =	vor.u32 v1, v6;
	v13 =	vld [tilespmem:s12+$0xFFFFFFD0];
	v10 =	vcvt.f32.s32 v10;
	v11 =	vshll.u32 v11, $0x7  }
0x275: {  	v8 =	vshll.u32 v8, $0x7;
	v14 =	vld [tilespmem:s12+$0xFFFFFF90];
	v9 =	vshll.u32 v9, $0x7;
	v11 =	vor.u32 v1, v11  }
0x276: {  	v15 =	vld [tilespmem:s12+$0xFFFFFFA0];
	v10 =	vshll.u32 v10, $0x7  }
0x277: {  	v16 =	vld [tilespmem:s12+$0xFFFFFFB0];
	v10 =	vor.u32 v1, v10  }
0x278: {  	v17 =	vld [tilespmem:s12+$0xFFFFFFC0]  }
0x279: {  	v3 =	vcvt.f32.s32 v3;
	v18 =	vld [tilespmem:s12+$0xFFFFFFE0]  }
0x27a: {  	v19 =	vld [tilespmem:s12+$0xFFFFFFF0]  }
0x27b: {  	v3 =	vshll.u32 v3, $0x7;
	[tilespmem:v4+s5+$0x0] =	vst.idx.add.f32.msk $0xffff, v2  }
0x27c: {  	v20 =	vor.u32 v1, v3;
	v3 =	vor.u32 v1, v9;
	v4 =	vld [tilespmem:s12+$0x0]  }
0x27d: {  	v9 =	vld [tilespmem:s12+$0x10]  }
0x27e: {  	v5 =	vor.u32 v1, v5;
	v18 =	vtrunc.f32 v18;
	v21 =	vld [tilespmem:s12+$0x20]  }
0x27f: {  	v22 =	vld [tilespmem:s12+$0x30]  }
0x280: {  	[tilespmem:v10+s5+$0x0] =	vst.idx.add.f32.msk $0xffff, v2  }
0x281: {  	v7 =	vor.u32 v1, v7;
	[tilespmem:v3+s5+$0x0] =	vst.idx.add.f32.msk $0xffff, v2  }
0x282: {  	v8 =	vor.u32 v1, v8;
	v3 =	vtrunc.f32 v4;
	v4 =	vtrunc.f32 v9;
	[tilespmem:v12+s5+$0x0] =	vst.idx.add.f32.msk $0xffff, v2  }
0x283: {  	v9 =	vtrunc.f32 v19;
	v4 =	vcvt.f32.s32 v4;
	[tilespmem:v5+s5+$0x0] =	vst.idx.add.f32.msk $0xffff, v2  }
0x284: {  	v5 =	vcvt.f32.s32 v9;
	v9 =	vtrunc.f32 v22;
	[tilespmem:v11+s5+$0x0] =	vst.idx.add.f32.msk $0xffff, v2  }
0x285: {  	v10 =	vcvt.f32.s32 v18;
	v11 =	vcvt.f32.s32 v3;
	v4 =	vshll.u32 v4, $0x7;
	[tilespmem:v6+s5+$0x0] =	vst.idx.add.f32.msk $0xffff, v2  }
0x286: {  	v3 =	vtrunc.f32 v17;
	v6 =	vtrunc.f32 v21;
	[tilespmem:v20+s5+$0x0] =	vst.idx.add.f32.msk $0xffff, v2  }
0x287: {  	v12 =	vtrunc.f32 v16;
	v5 =	vshll.u32 v5, $0x7;
	v6 =	vcvt.f32.s32 v6;
	[tilespmem:v8+s5+$0x0] =	vst.idx.add.f32.msk $0xffff, v2  }
0x288: {  	v9 =	vcvt.f32.s32 v9;
	v5 =	vor.u32 v1, v5;
	v8 =	vtrunc.f32 v15;
	[tilespmem:v7+s5+$0x0] =	vst.idx.add.f32.msk $0xffff, v2  }
0x289: {  	v14 =	vtrunc.f32 v14;
	v10 =	vshll.u32 v10, $0x7;
	v6 =	vshll.u32 v6, $0x7;
	v7 =	vld [tilespmem:s12+$0xFFFFFF80]  }
0x28a: {  	v14 =	vcvt.f32.s32 v14;
	v15 =	vor.u32 v1, v4;
	v9 =	vshll.u32 v9, $0x7;
	v16 =	vld [tilespmem:s12+$0x50]  }
0x28b: {  	v13 =	vtrunc.f32 v13;
	v17 =	vor.u32 v1, v10;
	v10 =	vshll.u32 v11, $0x7;
	v18 =	vld [tilespmem:s12+$0x70]  }
0x28c: {  	v4 =	vshll.u32 v14, $0x7;
	v11 =	vcvt.f32.s32 v8;
	v14 =	vor.u32 v1, v6;
	v19 =	vld [tilespmem:s12+$0x40]  }
.Ltmp9:
0x28d: {  	v12 =	vcvt.f32.s32 v12;
	v4 =	vor.u32 v1, v4;
	v8 =	vor.u32 v1, v9;
	[tilespmem:v5+s5+$0x0] =	vst.idx.add.f32.msk $0xffff, v2;
	(pc) =	sbr.rel @p0 .LBB2_20-.Ltmp9, $4  }
0x28e: {  	v9 =	vor.u32 v1, v10;
	v6 =	vshll.u32 v11, $0x7;
	v5 =	vtrunc.f32 v7;
	v10 =	vld [tilespmem:s12+$0x60]  }
0x28f: {  	v7 =	vcvt.f32.s32 v13;
	v20 =	vcvt.f32.s32 v5;
	[tilespmem:v15+s5+$0x0] =	vst.idx.add.f32.msk $0xffff, v2  }
0x290: {  	v5 =	vshll.u32 v12, $0x7;
	v11 =	vtrunc.f32 v16;
	[tilespmem:v17+s5+$0x0] =	vst.idx.add.f32.msk $0xffff, v2  }
0x291: {  	v12 =	vshll.u32 v20, $0x7;
	[tilespmem:v14+s5+$0x0] =	vst.idx.add.f32.msk $0xffff, v2;
	v13 =	vtrunc.f32 v19;
	v14 =	vtrunc.f32 v18  }
0x292: {  	_ =	sdelay $0x1  }
0x293: {  	v12 =	vor.u32 v1, v12  }
0x294: {  	v13 =	vcvt.f32.s32 v13;
	v14 =	vcvt.f32.s32 v14;
	v5 =	vor.u32 v1, v5  }
0x295: {  	v3 =	vcvt.f32.s32 v3;
	[tilespmem:v4+s5+$0x0] =	vst.idx.add.f32.msk $0xffff, v2;
	v4 =	vor.u32 v1, v6;
	v7 =	vshll.u32 v7, $0x7  }
0x296: {  	[tilespmem:v9+s5+$0x0] =	vst.idx.add.f32.msk $0xffff, v2;
	v9 =	vcvt.f32.s32 v11;
	v7 =	vor.u32 v1, v7;
	v13 =	vshll.u32 v13, $0x7  }
0x297: {  	[tilespmem:v8+s5+$0x0] =	vst.idx.add.f32.msk $0xffff, v2;
	v10 =	vtrunc.f32 v10;
	v8 =	vshll.u32 v14, $0x7;
	v13 =	vor.u32 v1, v13  }
0x298: {  	v10 =	vcvt.f32.s32 v10;
	v3 =	vshll.u32 v3, $0x7;
	v8 =	vor.u32 v1, v8;
	[tilespmem:v12+s5+$0x0] =	vst.idx.add.f32.msk $0xffff, v2  }
0x299: {  	v6 =	vshll.u32 v9, $0x7;
	v3 =	vor.u32 v1, v3;
	[tilespmem:v5+s5+$0x0] =	vst.idx.add.f32.msk $0xffff, v2  }
0x29a: {  	v6 =	vor.u32 v1, v6;
	v10 =	vshll.u32 v10, $0x7;
	[tilespmem:v4+s5+$0x0] =	vst.idx.add.f32.msk $0xffff, v2  }
0x29b: {  	v10 =	vor.u32 v1, v10;
	[tilespmem:v7+s5+$0x0] =	vst.idx.add.f32.msk $0xffff, v2  }
0x29c: {  	[tilespmem:v13+s5+$0x0] =	vst.idx.add.f32.msk $0xffff, v2  }
0x29d: {  	[tilespmem:v8+s5+$0x0] =	vst.idx.add.f32.msk $0xffff, v2  }
0x29e: {  	[tilespmem:v3+s5+$0x0] =	vst.idx.add.f32.msk $0xffff, v2  }
0x29f: {  	[tilespmem:v6+s5+$0x0] =	vst.idx.add.f32.msk $0xffff, v2  }
0x2a0: {  	[tilespmem:v10+s5+$0x0] =	vst.idx.add.f32.msk $0xffff, v2  }
0x2a1: {  	s12 =	simm.s32 $0x80;
	s13 =	rddreg [dreg:$0x5]  }
0x2a2: {  	[tilespmem:s3], [sflag:$0x2] =	stream.strided.gather [hbm4b:s13+s12], $0x4000, s2, s12, $0x38;
	[tilespmem:$0x18300] =	vst v63  }
0x2a3: {  	_ =	swait.ge [sflag:s4], $0x4000  }
0x2a4: {  	[sflag:s4] =	ssyncset.done $0x0  }
0x2a5: {  	[sflag:s4] =	ssyncadd.s32 $0xFFFFC000  }
0x2a6: {  	v3 =	vld [tilespmem:s12+$0xFFFFFFE0]  }
0x2a7: {  	v4 =	vld [tilespmem:s12+$0xFFFFFFF0]  }
0x2a8: {  	v5 =	vld [tilespmem:s12+$0x0]  }
0x2a9: {  	v6 =	vld [tilespmem:s12+$0x10]  }
0x2aa: {  	v8 =	vld [tilespmem:s12+$0x30]  }
0x2ab: {  	v10 =	vld [tilespmem:s12+$0x20]  }
0x2ac: {  	v7 =	vld [tilespmem:s12+$0xFFFFFFB0];
	_ =	sdelay $0x1  }
0x2ad: {  	v9 =	vld [tilespmem:s12+$0xFFFFFFC0];
	v3 =	vtrunc.f32 v3;
	v5 =	vtrunc.f32 v5  }
0x2ae: {  	v11 =	vld [tilespmem:s12+$0xFFFFFFA0];
	v6 =	vtrunc.f32 v6;
	v4 =	vtrunc.f32 v4  }
0x2af: {  	v8 =	vtrunc.f32 v8;
	v10 =	vtrunc.f32 v10  }
0x2b0: {  	v12 =	vld [tilespmem:s12+$0xFFFFFF90];
	v7 =	vtrunc.f32 v7;
	v6 =	vcvt.f32.s32 v6  }
0x2b1: {  	v4 =	vcvt.f32.s32 v4;
	v13 =	vcvt.f32.s32 v3  }
0x2b2: {  	v5 =	vcvt.f32.s32 v5;
	v3 =	vtrunc.f32 v9;
	v9 =	vld [tilespmem:s12+$0xFFFFFFD0]  }
0x2b3: {  	v11 =	vtrunc.f32 v11;
	v10 =	vcvt.f32.s32 v10;
	v4 =	vshll.u32 v4, $0x7  }
0x2b4: {  	v5 =	vshll.u32 v5, $0x7;
	v14 =	vor.u32 v1, v4;
	v4 =	vshll.u32 v6, $0x7  }
0x2b5: {  	v15 =	vld [tilespmem:s12+$0xFFFFFF80];
	v6 =	vcvt.f32.s32 v8;
	v8 =	vtrunc.f32 v12;
	v12 =	vshll.u32 v13, $0x7  }
0x2b6: {  	v16 =	vld [tilespmem:s12+$0x50];
	v8 =	vcvt.f32.s32 v8;
	v13 =	vor.u32 v1, v4;
	v4 =	vshll.u32 v10, $0x7  }
0x2b7: {  	v17 =	vld [tilespmem:s12+$0x70];
	v12 =	vor.u32 v1, v12;
	v6 =	vshll.u32 v6, $0x7;
	v18 =	vtrunc.f32 v9  }
0x2b8: {  	v20 =	vld [tilespmem:s12+$0x40];
	v19 =	vor.u32 v1, v4;
	v9 =	vcvt.f32.s32 v11;
	v8 =	vshll.u32 v8, $0x7  }
0x2b9: {  	v10 =	vld [tilespmem:s12+$0x60];
	v11 =	vcvt.f32.s32 v7;
	v4 =	vor.u32 v1, v8;
	v8 =	vor.u32 v1, v6  }
0x2ba: {  	v7 =	vtrunc.f32 v15;
	v6 =	vshll.u32 v9, $0x7;
	v9 =	vor.u32 v1, v5;
	[tilespmem:v14+s5+$0x0] =	vst.idx.add.f32.msk $0xffff, v2  }
0x2bb: {  	v14 =	vcvt.f32.s32 v7;
	[tilespmem:v13+s5+$0x0] =	vst.idx.add.f32.msk $0xffff, v2  }
0x2bc: {  	v5 =	vshll.u32 v11, $0x7;
	v11 =	vtrunc.f32 v16;
	v7 =	vcvt.f32.s32 v18;
	[tilespmem:v12+s5+$0x0] =	vst.idx.add.f32.msk $0xffff, v2  }
0x2bd: {  	s13 =	simm.s32 $0x0;
	v13 =	vtrunc.f32 v20;
	v12 =	vshll.u32 v14, $0x7;
	[tilespmem:v19+s5+$0x0] =	vst.idx.add.f32.msk $0xffff, v2;
	v14 =	vtrunc.f32 v17  }
.LBB2_22:
0x2be: {  	s13 =	sadd.s32 $0x10, s13;
	v12 =	vor.u32 v1, v12;
	[tilespmem:v8+s5+$0x0] =	vst.idx.add.f32.msk $0xffff, v2;
	v8 =	vcvt.f32.s32 v11;
	v11 =	vcvt.f32.s32 v14;
	s12 =	sadd.s32 $0x100, s12  }
0x2bf: {  	v7 =	vshll.u32 v7, $0x7;
	p0 =	slt.u32 s13, $0x3F0;
	[tilespmem:v9+s5+$0x0] =	vst.idx.add.f32.msk $0xffff, v2;
	v9 =	vcvt.f32.s32 v13;
	v10 =	vtrunc.f32 v10  }
0x2c0: {  	v6 =	vor.u32 v1, v6;
	v13 =	vld [tilespmem:s12+$0xFFFFFFD0];
	v10 =	vcvt.f32.s32 v10;
	v11 =	vshll.u32 v11, $0x7  }
0x2c1: {  	v8 =	vshll.u32 v8, $0x7;
	v14 =	vld [tilespmem:s12+$0xFFFFFF90];
	v9 =	vshll.u32 v9, $0x7;
	v11 =	vor.u32 v1, v11  }
0x2c2: {  	v15 =	vld [tilespmem:s12+$0xFFFFFFA0];
	v10 =	vshll.u32 v10, $0x7  }
0x2c3: {  	v16 =	vld [tilespmem:s12+$0xFFFFFFB0];
	v10 =	vor.u32 v1, v10  }
0x2c4: {  	v17 =	vld [tilespmem:s12+$0xFFFFFFC0]  }
0x2c5: {  	v3 =	vcvt.f32.s32 v3;
	v18 =	vld [tilespmem:s12+$0xFFFFFFE0]  }
0x2c6: {  	v19 =	vld [tilespmem:s12+$0xFFFFFFF0]  }
0x2c7: {  	v3 =	vshll.u32 v3, $0x7;
	[tilespmem:v4+s5+$0x0] =	vst.idx.add.f32.msk $0xffff, v2  }
0x2c8: {  	v20 =	vor.u32 v1, v3;
	v3 =	vor.u32 v1, v9;
	v4 =	vld [tilespmem:s12+$0x0]  }
0x2c9: {  	v9 =	vld [tilespmem:s12+$0x10]  }
0x2ca: {  	v5 =	vor.u32 v1, v5;
	v18 =	vtrunc.f32 v18;
	v21 =	vld [tilespmem:s12+$0x20]  }
0x2cb: {  	v22 =	vld [tilespmem:s12+$0x30]  }
0x2cc: {  	[tilespmem:v10+s5+$0x0] =	vst.idx.add.f32.msk $0xffff, v2  }
0x2cd: {  	v7 =	vor.u32 v1, v7;
	[tilespmem:v3+s5+$0x0] =	vst.idx.add.f32.msk $0xffff, v2  }
0x2ce: {  	v8 =	vor.u32 v1, v8;
	v3 =	vtrunc.f32 v4;
	v4 =	vtrunc.f32 v9;
	[tilespmem:v12+s5+$0x0] =	vst.idx.add.f32.msk $0xffff, v2  }
0x2cf: {  	v9 =	vtrunc.f32 v19;
	v4 =	vcvt.f32.s32 v4;
	[tilespmem:v5+s5+$0x0] =	vst.idx.add.f32.msk $0xffff, v2  }
0x2d0: {  	v5 =	vcvt.f32.s32 v9;
	v9 =	vtrunc.f32 v22;
	[tilespmem:v11+s5+$0x0] =	vst.idx.add.f32.msk $0xffff, v2  }
0x2d1: {  	v10 =	vcvt.f32.s32 v18;
	v11 =	vcvt.f32.s32 v3;
	v4 =	vshll.u32 v4, $0x7;
	[tilespmem:v6+s5+$0x0] =	vst.idx.add.f32.msk $0xffff, v2  }
0x2d2: {  	v3 =	vtrunc.f32 v17;
	v6 =	vtrunc.f32 v21;
	[tilespmem:v20+s5+$0x0] =	vst.idx.add.f32.msk $0xffff, v2  }
0x2d3: {  	v12 =	vtrunc.f32 v16;
	v5 =	vshll.u32 v5, $0x7;
	v6 =	vcvt.f32.s32 v6;
	[tilespmem:v8+s5+$0x0] =	vst.idx.add.f32.msk $0xffff, v2  }
0x2d4: {  	v9 =	vcvt.f32.s32 v9;
	v5 =	vor.u32 v1, v5;
	v8 =	vtrunc.f32 v15;
	[tilespmem:v7+s5+$0x0] =	vst.idx.add.f32.msk $0xffff, v2  }
0x2d5: {  	v14 =	vtrunc.f32 v14;
	v10 =	vshll.u32 v10, $0x7;
	v6 =	vshll.u32 v6, $0x7;
	v7 =	vld [tilespmem:s12+$0xFFFFFF80]  }
0x2d6: {  	v14 =	vcvt.f32.s32 v14;
	v15 =	vor.u32 v1, v4;
	v9 =	vshll.u32 v9, $0x7;
	v16 =	vld [tilespmem:s12+$0x50]  }
0x2d7: {  	v13 =	vtrunc.f32 v13;
	v17 =	vor.u32 v1, v10;
	v10 =	vshll.u32 v11, $0x7;
	v18 =	vld [tilespmem:s12+$0x70]  }
0x2d8: {  	v4 =	vshll.u32 v14, $0x7;
	v11 =	vcvt.f32.s32 v8;
	v14 =	vor.u32 v1, v6;
	v19 =	vld [tilespmem:s12+$0x40]  }
.Ltmp10:
0x2d9: {  	v12 =	vcvt.f32.s32 v12;
	v4 =	vor.u32 v1, v4;
	v8 =	vor.u32 v1, v9;
	[tilespmem:v5+s5+$0x0] =	vst.idx.add.f32.msk $0xffff, v2;
	(pc) =	sbr.rel @p0 .LBB2_22-.Ltmp10, $4  }
0x2da: {  	v9 =	vor.u32 v1, v10;
	v6 =	vshll.u32 v11, $0x7;
	v5 =	vtrunc.f32 v7;
	v10 =	vld [tilespmem:s12+$0x60]  }
0x2db: {  	v7 =	vcvt.f32.s32 v13;
	v20 =	vcvt.f32.s32 v5;
	[tilespmem:v15+s5+$0x0] =	vst.idx.add.f32.msk $0xffff, v2  }
0x2dc: {  	v5 =	vshll.u32 v12, $0x7;
	v11 =	vtrunc.f32 v16;
	[tilespmem:v17+s5+$0x0] =	vst.idx.add.f32.msk $0xffff, v2  }
0x2dd: {  	v12 =	vshll.u32 v20, $0x7;
	[tilespmem:v14+s5+$0x0] =	vst.idx.add.f32.msk $0xffff, v2;
	v13 =	vtrunc.f32 v19;
	v14 =	vtrunc.f32 v18  }
0x2de: {  	_ =	sdelay $0x1  }
0x2df: {  	v12 =	vor.u32 v1, v12  }
0x2e0: {  	v13 =	vcvt.f32.s32 v13;
	v14 =	vcvt.f32.s32 v14;
	v5 =	vor.u32 v1, v5  }
0x2e1: {  	v3 =	vcvt.f32.s32 v3;
	[tilespmem:v4+s5+$0x0] =	vst.idx.add.f32.msk $0xffff, v2;
	v4 =	vor.u32 v1, v6;
	v7 =	vshll.u32 v7, $0x7  }
0x2e2: {  	[tilespmem:v9+s5+$0x0] =	vst.idx.add.f32.msk $0xffff, v2;
	v9 =	vcvt.f32.s32 v11;
	v7 =	vor.u32 v1, v7;
	v13 =	vshll.u32 v13, $0x7  }
0x2e3: {  	[tilespmem:v8+s5+$0x0] =	vst.idx.add.f32.msk $0xffff, v2;
	v10 =	vtrunc.f32 v10;
	v8 =	vshll.u32 v14, $0x7;
	v13 =	vor.u32 v1, v13  }
0x2e4: {  	v10 =	vcvt.f32.s32 v10;
	v3 =	vshll.u32 v3, $0x7;
	v8 =	vor.u32 v1, v8;
	[tilespmem:v12+s5+$0x0] =	vst.idx.add.f32.msk $0xffff, v2  }
0x2e5: {  	v6 =	vshll.u32 v9, $0x7;
	v3 =	vor.u32 v1, v3;
	[tilespmem:v5+s5+$0x0] =	vst.idx.add.f32.msk $0xffff, v2  }
0x2e6: {  	v6 =	vor.u32 v1, v6;
	v10 =	vshll.u32 v10, $0x7;
	[tilespmem:v4+s5+$0x0] =	vst.idx.add.f32.msk $0xffff, v2  }
0x2e7: {  	v10 =	vor.u32 v1, v10;
	[tilespmem:v7+s5+$0x0] =	vst.idx.add.f32.msk $0xffff, v2  }
0x2e8: {  	[tilespmem:v13+s5+$0x0] =	vst.idx.add.f32.msk $0xffff, v2  }
0x2e9: {  	[tilespmem:v8+s5+$0x0] =	vst.idx.add.f32.msk $0xffff, v2  }
0x2ea: {  	[tilespmem:v3+s5+$0x0] =	vst.idx.add.f32.msk $0xffff, v2  }
0x2eb: {  	[tilespmem:v6+s5+$0x0] =	vst.idx.add.f32.msk $0xffff, v2  }
0x2ec: {  	[tilespmem:v10+s5+$0x0] =	vst.idx.add.f32.msk $0xffff, v2  }
0x2ed: {  	s12 =	rddreg [dreg:$0x6]  }
0x2ee: {  	[tilespmem:s19], [sflag:$0x1] =	stream.strided.gather [hbm4b:s12+s6], $0x4000, s2, s6, $0x38;
	[tilespmem:$0x18300] =	vst v63  }
0x2ef: {  	_ =	swait.ge [sflag:s7], $0x4000  }
0x2f0: {  	[sflag:s7] =	ssyncset.done $0x0  }
0x2f1: {  	s12 =	simm.s32 $0x4080;
	[sflag:s7] =	ssyncadd.s32 $0xFFFFC000  }
0x2f2: {  	v3 =	vld [tilespmem:s12+$0xFFFFFFE0]  }
0x2f3: {  	v4 =	vld [tilespmem:s12+$0xFFFFFFF0]  }
0x2f4: {  	v5 =	vld [tilespmem:s12+$0x0]  }
0x2f5: {  	v6 =	vld [tilespmem:s12+$0x10]  }
0x2f6: {  	v8 =	vld [tilespmem:s12+$0x30]  }
0x2f7: {  	v10 =	vld [tilespmem:s12+$0x20]  }
0x2f8: {  	v7 =	vld [tilespmem:s12+$0xFFFFFFB0];
	_ =	sdelay $0x1  }
0x2f9: {  	v9 =	vld [tilespmem:s12+$0xFFFFFFC0];
	v3 =	vtrunc.f32 v3;
	v5 =	vtrunc.f32 v5  }
0x2fa: {  	v11 =	vld [tilespmem:s12+$0xFFFFFFA0];
	v6 =	vtrunc.f32 v6;
	v4 =	vtrunc.f32 v4  }
0x2fb: {  	v8 =	vtrunc.f32 v8;
	v10 =	vtrunc.f32 v10  }
0x2fc: {  	v12 =	vld [tilespmem:s12+$0xFFFFFF90];
	v7 =	vtrunc.f32 v7;
	v6 =	vcvt.f32.s32 v6  }
0x2fd: {  	v4 =	vcvt.f32.s32 v4;
	v13 =	vcvt.f32.s32 v3  }
0x2fe: {  	v5 =	vcvt.f32.s32 v5;
	v3 =	vtrunc.f32 v9;
	v9 =	vld [tilespmem:s12+$0xFFFFFFD0]  }
0x2ff: {  	v11 =	vtrunc.f32 v11;
	v10 =	vcvt.f32.s32 v10;
	v4 =	vshll.u32 v4, $0x7  }
0x300: {  	v5 =	vshll.u32 v5, $0x7;
	v14 =	vor.u32 v1, v4;
	v4 =	vshll.u32 v6, $0x7  }
0x301: {  	v15 =	vld [tilespmem:s12+$0xFFFFFF80];
	v6 =	vcvt.f32.s32 v8;
	v8 =	vtrunc.f32 v12;
	v12 =	vshll.u32 v13, $0x7  }
0x302: {  	v16 =	vld [tilespmem:s12+$0x50];
	v8 =	vcvt.f32.s32 v8;
	v13 =	vor.u32 v1, v4;
	v4 =	vshll.u32 v10, $0x7  }
0x303: {  	v17 =	vld [tilespmem:s12+$0x70];
	v12 =	vor.u32 v1, v12;
	v6 =	vshll.u32 v6, $0x7;
	v18 =	vtrunc.f32 v9  }
0x304: {  	v20 =	vld [tilespmem:s12+$0x40];
	v19 =	vor.u32 v1, v4;
	v9 =	vcvt.f32.s32 v11;
	v8 =	vshll.u32 v8, $0x7  }
0x305: {  	v10 =	vld [tilespmem:s12+$0x60];
	v11 =	vcvt.f32.s32 v7;
	v4 =	vor.u32 v1, v8;
	v8 =	vor.u32 v1, v6  }
0x306: {  	v7 =	vtrunc.f32 v15;
	v6 =	vshll.u32 v9, $0x7;
	v9 =	vor.u32 v1, v5;
	[tilespmem:v14+s5+$0x0] =	vst.idx.add.f32.msk $0xffff, v2  }
0x307: {  	v14 =	vcvt.f32.s32 v7;
	[tilespmem:v13+s5+$0x0] =	vst.idx.add.f32.msk $0xffff, v2  }
0x308: {  	v5 =	vshll.u32 v11, $0x7;
	v11 =	vtrunc.f32 v16;
	v7 =	vcvt.f32.s32 v18;
	[tilespmem:v12+s5+$0x0] =	vst.idx.add.f32.msk $0xffff, v2  }
0x309: {  	s13 =	simm.s32 $0x0;
	v13 =	vtrunc.f32 v20;
	v12 =	vshll.u32 v14, $0x7;
	[tilespmem:v19+s5+$0x0] =	vst.idx.add.f32.msk $0xffff, v2;
	v14 =	vtrunc.f32 v17  }
.LBB2_24:
0x30a: {  	s13 =	sadd.s32 $0x10, s13;
	v12 =	vor.u32 v1, v12;
	[tilespmem:v8+s5+$0x0] =	vst.idx.add.f32.msk $0xffff, v2;
	v8 =	vcvt.f32.s32 v11;
	v11 =	vcvt.f32.s32 v14;
	s12 =	sadd.s32 $0x100, s12  }
0x30b: {  	v7 =	vshll.u32 v7, $0x7;
	p0 =	slt.u32 s13, $0x3F0;
	[tilespmem:v9+s5+$0x0] =	vst.idx.add.f32.msk $0xffff, v2;
	v9 =	vcvt.f32.s32 v13;
	v10 =	vtrunc.f32 v10  }
0x30c: {  	v6 =	vor.u32 v1, v6;
	v13 =	vld [tilespmem:s12+$0xFFFFFFD0];
	v10 =	vcvt.f32.s32 v10;
	v11 =	vshll.u32 v11, $0x7  }
0x30d: {  	v8 =	vshll.u32 v8, $0x7;
	v14 =	vld [tilespmem:s12+$0xFFFFFF90];
	v9 =	vshll.u32 v9, $0x7;
	v11 =	vor.u32 v1, v11  }
0x30e: {  	v15 =	vld [tilespmem:s12+$0xFFFFFFA0];
	v10 =	vshll.u32 v10, $0x7  }
0x30f: {  	v16 =	vld [tilespmem:s12+$0xFFFFFFB0];
	v10 =	vor.u32 v1, v10  }
0x310: {  	v17 =	vld [tilespmem:s12+$0xFFFFFFC0]  }
0x311: {  	v3 =	vcvt.f32.s32 v3;
	v18 =	vld [tilespmem:s12+$0xFFFFFFE0]  }
0x312: {  	v19 =	vld [tilespmem:s12+$0xFFFFFFF0]  }
0x313: {  	v3 =	vshll.u32 v3, $0x7;
	[tilespmem:v4+s5+$0x0] =	vst.idx.add.f32.msk $0xffff, v2  }
0x314: {  	v20 =	vor.u32 v1, v3;
	v3 =	vor.u32 v1, v9;
	v4 =	vld [tilespmem:s12+$0x0]  }
0x315: {  	v9 =	vld [tilespmem:s12+$0x10]  }
0x316: {  	v5 =	vor.u32 v1, v5;
	v18 =	vtrunc.f32 v18;
	v21 =	vld [tilespmem:s12+$0x20]  }
0x317: {  	v22 =	vld [tilespmem:s12+$0x30]  }
0x318: {  	[tilespmem:v10+s5+$0x0] =	vst.idx.add.f32.msk $0xffff, v2  }
0x319: {  	v7 =	vor.u32 v1, v7;
	[tilespmem:v3+s5+$0x0] =	vst.idx.add.f32.msk $0xffff, v2  }
0x31a: {  	v8 =	vor.u32 v1, v8;
	v3 =	vtrunc.f32 v4;
	v4 =	vtrunc.f32 v9;
	[tilespmem:v12+s5+$0x0] =	vst.idx.add.f32.msk $0xffff, v2  }
0x31b: {  	v9 =	vtrunc.f32 v19;
	v4 =	vcvt.f32.s32 v4;
	[tilespmem:v5+s5+$0x0] =	vst.idx.add.f32.msk $0xffff, v2  }
0x31c: {  	v5 =	vcvt.f32.s32 v9;
	v9 =	vtrunc.f32 v22;
	[tilespmem:v11+s5+$0x0] =	vst.idx.add.f32.msk $0xffff, v2  }
0x31d: {  	v10 =	vcvt.f32.s32 v18;
	v11 =	vcvt.f32.s32 v3;
	v4 =	vshll.u32 v4, $0x7;
	[tilespmem:v6+s5+$0x0] =	vst.idx.add.f32.msk $0xffff, v2  }
0x31e: {  	v3 =	vtrunc.f32 v17;
	v6 =	vtrunc.f32 v21;
	[tilespmem:v20+s5+$0x0] =	vst.idx.add.f32.msk $0xffff, v2  }
0x31f: {  	v12 =	vtrunc.f32 v16;
	v5 =	vshll.u32 v5, $0x7;
	v6 =	vcvt.f32.s32 v6;
	[tilespmem:v8+s5+$0x0] =	vst.idx.add.f32.msk $0xffff, v2  }
0x320: {  	v9 =	vcvt.f32.s32 v9;
	v5 =	vor.u32 v1, v5;
	v8 =	vtrunc.f32 v15;
	[tilespmem:v7+s5+$0x0] =	vst.idx.add.f32.msk $0xffff, v2  }
0x321: {  	v14 =	vtrunc.f32 v14;
	v10 =	vshll.u32 v10, $0x7;
	v6 =	vshll.u32 v6, $0x7;
	v7 =	vld [tilespmem:s12+$0xFFFFFF80]  }
0x322: {  	v14 =	vcvt.f32.s32 v14;
	v15 =	vor.u32 v1, v4;
	v9 =	vshll.u32 v9, $0x7;
	v16 =	vld [tilespmem:s12+$0x50]  }
0x323: {  	v13 =	vtrunc.f32 v13;
	v17 =	vor.u32 v1, v10;
	v10 =	vshll.u32 v11, $0x7;
	v18 =	vld [tilespmem:s12+$0x70]  }
0x324: {  	v4 =	vshll.u32 v14, $0x7;
	v11 =	vcvt.f32.s32 v8;
	v14 =	vor.u32 v1, v6;
	v19 =	vld [tilespmem:s12+$0x40]  }
.Ltmp11:
0x325: {  	v12 =	vcvt.f32.s32 v12;
	v4 =	vor.u32 v1, v4;
	v8 =	vor.u32 v1, v9;
	[tilespmem:v5+s5+$0x0] =	vst.idx.add.f32.msk $0xffff, v2;
	(pc) =	sbr.rel @p0 .LBB2_24-.Ltmp11, $4  }
0x326: {  	v9 =	vor.u32 v1, v10;
	v6 =	vshll.u32 v11, $0x7;
	v5 =	vtrunc.f32 v7;
	v10 =	vld [tilespmem:s12+$0x60]  }
0x327: {  	v7 =	vcvt.f32.s32 v13;
	v20 =	vcvt.f32.s32 v5;
	[tilespmem:v15+s5+$0x0] =	vst.idx.add.f32.msk $0xffff, v2  }
0x328: {  	v5 =	vshll.u32 v12, $0x7;
	v11 =	vtrunc.f32 v16;
	[tilespmem:v17+s5+$0x0] =	vst.idx.add.f32.msk $0xffff, v2  }
0x329: {  	v12 =	vshll.u32 v20, $0x7;
	[tilespmem:v14+s5+$0x0] =	vst.idx.add.f32.msk $0xffff, v2;
	v13 =	vtrunc.f32 v19;
	v14 =	vtrunc.f32 v18  }
0x32a: {  	_ =	sdelay $0x1  }
0x32b: {  	v12 =	vor.u32 v1, v12  }
0x32c: {  	v13 =	vcvt.f32.s32 v13;
	v14 =	vcvt.f32.s32 v14;
	v5 =	vor.u32 v1, v5  }
0x32d: {  	v3 =	vcvt.f32.s32 v3;
	[tilespmem:v4+s5+$0x0] =	vst.idx.add.f32.msk $0xffff, v2;
	v4 =	vor.u32 v1, v6;
	v7 =	vshll.u32 v7, $0x7  }
0x32e: {  	[tilespmem:v9+s5+$0x0] =	vst.idx.add.f32.msk $0xffff, v2;
	v9 =	vcvt.f32.s32 v11;
	v7 =	vor.u32 v1, v7;
	v13 =	vshll.u32 v13, $0x7  }
0x32f: {  	[tilespmem:v8+s5+$0x0] =	vst.idx.add.f32.msk $0xffff, v2;
	v10 =	vtrunc.f32 v10;
	v8 =	vshll.u32 v14, $0x7;
	v13 =	vor.u32 v1, v13  }
0x330: {  	v10 =	vcvt.f32.s32 v10;
	v3 =	vshll.u32 v3, $0x7;
	v8 =	vor.u32 v1, v8;
	[tilespmem:v12+s5+$0x0] =	vst.idx.add.f32.msk $0xffff, v2  }
0x331: {  	v6 =	vshll.u32 v9, $0x7;
	v3 =	vor.u32 v1, v3;
	[tilespmem:v5+s5+$0x0] =	vst.idx.add.f32.msk $0xffff, v2  }
0x332: {  	v6 =	vor.u32 v1, v6;
	v10 =	vshll.u32 v10, $0x7;
	[tilespmem:v4+s5+$0x0] =	vst.idx.add.f32.msk $0xffff, v2  }
0x333: {  	v10 =	vor.u32 v1, v10;
	[tilespmem:v7+s5+$0x0] =	vst.idx.add.f32.msk $0xffff, v2  }
0x334: {  	[tilespmem:v13+s5+$0x0] =	vst.idx.add.f32.msk $0xffff, v2  }
0x335: {  	[tilespmem:v8+s5+$0x0] =	vst.idx.add.f32.msk $0xffff, v2  }
0x336: {  	[tilespmem:v3+s5+$0x0] =	vst.idx.add.f32.msk $0xffff, v2  }
0x337: {  	[tilespmem:v6+s5+$0x0] =	vst.idx.add.f32.msk $0xffff, v2  }
0x338: {  	[tilespmem:v10+s5+$0x0] =	vst.idx.add.f32.msk $0xffff, v2  }
0x339: {  	s12 =	simm.s32 $0x80;
	s13 =	rddreg [dreg:$0x7]  }
0x33a: {  	[tilespmem:s3], [sflag:$0x2] =	stream.strided.gather [hbm4b:s13+s12], $0x4000, s2, s12, $0x38;
	[tilespmem:$0x18300] =	vst v63  }
0x33b: {  	_ =	swait.ge [sflag:s4], $0x4000  }
0x33c: {  	[sflag:s4] =	ssyncset.done $0x0  }
0x33d: {  	[sflag:s4] =	ssyncadd.s32 $0xFFFFC000  }
0x33e: {  	v3 =	vld [tilespmem:s12+$0xFFFFFFE0]  }
0x33f: {  	v4 =	vld [tilespmem:s12+$0xFFFFFFF0]  }
0x340: {  	v5 =	vld [tilespmem:s12+$0x0]  }
0x341: {  	v6 =	vld [tilespmem:s12+$0x10]  }
0x342: {  	v8 =	vld [tilespmem:s12+$0x30]  }
0x343: {  	v10 =	vld [tilespmem:s12+$0x20]  }
0x344: {  	v7 =	vld [tilespmem:s12+$0xFFFFFFB0];
	_ =	sdelay $0x1  }
0x345: {  	v9 =	vld [tilespmem:s12+$0xFFFFFFC0];
	v3 =	vtrunc.f32 v3;
	v5 =	vtrunc.f32 v5  }
0x346: {  	v11 =	vld [tilespmem:s12+$0xFFFFFFA0];
	v6 =	vtrunc.f32 v6;
	v4 =	vtrunc.f32 v4  }
0x347: {  	v8 =	vtrunc.f32 v8;
	v10 =	vtrunc.f32 v10  }
0x348: {  	v12 =	vld [tilespmem:s12+$0xFFFFFF90];
	v7 =	vtrunc.f32 v7;
	v6 =	vcvt.f32.s32 v6  }
0x349: {  	v4 =	vcvt.f32.s32 v4;
	v13 =	vcvt.f32.s32 v3  }
0x34a: {  	v5 =	vcvt.f32.s32 v5;
	v3 =	vtrunc.f32 v9;
	v9 =	vld [tilespmem:s12+$0xFFFFFFD0]  }
0x34b: {  	v11 =	vtrunc.f32 v11;
	v10 =	vcvt.f32.s32 v10;
	v4 =	vshll.u32 v4, $0x7  }
0x34c: {  	v5 =	vshll.u32 v5, $0x7;
	v14 =	vor.u32 v1, v4;
	v4 =	vshll.u32 v6, $0x7  }
0x34d: {  	v15 =	vld [tilespmem:s12+$0xFFFFFF80];
	v6 =	vcvt.f32.s32 v8;
	v8 =	vtrunc.f32 v12;
	v12 =	vshll.u32 v13, $0x7  }
0x34e: {  	v16 =	vld [tilespmem:s12+$0x50];
	v8 =	vcvt.f32.s32 v8;
	v13 =	vor.u32 v1, v4;
	v4 =	vshll.u32 v10, $0x7  }
0x34f: {  	v17 =	vld [tilespmem:s12+$0x70];
	v12 =	vor.u32 v1, v12;
	v6 =	vshll.u32 v6, $0x7;
	v18 =	vtrunc.f32 v9  }
0x350: {  	v20 =	vld [tilespmem:s12+$0x40];
	v19 =	vor.u32 v1, v4;
	v9 =	vcvt.f32.s32 v11;
	v8 =	vshll.u32 v8, $0x7  }
0x351: {  	v10 =	vld [tilespmem:s12+$0x60];
	v11 =	vcvt.f32.s32 v7;
	v4 =	vor.u32 v1, v8;
	v8 =	vor.u32 v1, v6  }
0x352: {  	v7 =	vtrunc.f32 v15;
	v6 =	vshll.u32 v9, $0x7;
	v9 =	vor.u32 v1, v5;
	[tilespmem:v14+s5+$0x0] =	vst.idx.add.f32.msk $0xffff, v2  }
0x353: {  	v14 =	vcvt.f32.s32 v7;
	[tilespmem:v13+s5+$0x0] =	vst.idx.add.f32.msk $0xffff, v2  }
0x354: {  	v5 =	vshll.u32 v11, $0x7;
	v11 =	vtrunc.f32 v16;
	v7 =	vcvt.f32.s32 v18;
	[tilespmem:v12+s5+$0x0] =	vst.idx.add.f32.msk $0xffff, v2  }
0x355: {  	s13 =	simm.s32 $0x0;
	v13 =	vtrunc.f32 v20;
	v12 =	vshll.u32 v14, $0x7;
	[tilespmem:v19+s5+$0x0] =	vst.idx.add.f32.msk $0xffff, v2;
	v14 =	vtrunc.f32 v17  }
.LBB2_26:
0x356: {  	s13 =	sadd.s32 $0x10, s13;
	v12 =	vor.u32 v1, v12;
	[tilespmem:v8+s5+$0x0] =	vst.idx.add.f32.msk $0xffff, v2;
	v8 =	vcvt.f32.s32 v11;
	v11 =	vcvt.f32.s32 v14;
	s12 =	sadd.s32 $0x100, s12  }
0x357: {  	v7 =	vshll.u32 v7, $0x7;
	p0 =	slt.u32 s13, $0x3F0;
	[tilespmem:v9+s5+$0x0] =	vst.idx.add.f32.msk $0xffff, v2;
	v9 =	vcvt.f32.s32 v13;
	v10 =	vtrunc.f32 v10  }
0x358: {  	v6 =	vor.u32 v1, v6;
	v13 =	vld [tilespmem:s12+$0xFFFFFFD0];
	v10 =	vcvt.f32.s32 v10;
	v11 =	vshll.u32 v11, $0x7  }
0x359: {  	v8 =	vshll.u32 v8, $0x7;
	v14 =	vld [tilespmem:s12+$0xFFFFFF90];
	v9 =	vshll.u32 v9, $0x7;
	v11 =	vor.u32 v1, v11  }
0x35a: {  	v15 =	vld [tilespmem:s12+$0xFFFFFFA0];
	v10 =	vshll.u32 v10, $0x7  }
0x35b: {  	v16 =	vld [tilespmem:s12+$0xFFFFFFB0];
	v10 =	vor.u32 v1, v10  }
0x35c: {  	v17 =	vld [tilespmem:s12+$0xFFFFFFC0]  }
0x35d: {  	v3 =	vcvt.f32.s32 v3;
	v18 =	vld [tilespmem:s12+$0xFFFFFFE0]  }
0x35e: {  	v19 =	vld [tilespmem:s12+$0xFFFFFFF0]  }
0x35f: {  	v3 =	vshll.u32 v3, $0x7;
	[tilespmem:v4+s5+$0x0] =	vst.idx.add.f32.msk $0xffff, v2  }
0x360: {  	v20 =	vor.u32 v1, v3;
	v3 =	vor.u32 v1, v9;
	v4 =	vld [tilespmem:s12+$0x0]  }
0x361: {  	v9 =	vld [tilespmem:s12+$0x10]  }
0x362: {  	v5 =	vor.u32 v1, v5;
	v18 =	vtrunc.f32 v18;
	v21 =	vld [tilespmem:s12+$0x20]  }
0x363: {  	v22 =	vld [tilespmem:s12+$0x30]  }
0x364: {  	[tilespmem:v10+s5+$0x0] =	vst.idx.add.f32.msk $0xffff, v2  }
0x365: {  	v7 =	vor.u32 v1, v7;
	[tilespmem:v3+s5+$0x0] =	vst.idx.add.f32.msk $0xffff, v2  }
0x366: {  	v8 =	vor.u32 v1, v8;
	v3 =	vtrunc.f32 v4;
	v4 =	vtrunc.f32 v9;
	[tilespmem:v12+s5+$0x0] =	vst.idx.add.f32.msk $0xffff, v2  }
0x367: {  	v9 =	vtrunc.f32 v19;
	v4 =	vcvt.f32.s32 v4;
	[tilespmem:v5+s5+$0x0] =	vst.idx.add.f32.msk $0xffff, v2  }
0x368: {  	v5 =	vcvt.f32.s32 v9;
	v9 =	vtrunc.f32 v22;
	[tilespmem:v11+s5+$0x0] =	vst.idx.add.f32.msk $0xffff, v2  }
0x369: {  	v10 =	vcvt.f32.s32 v18;
	v11 =	vcvt.f32.s32 v3;
	v4 =	vshll.u32 v4, $0x7;
	[tilespmem:v6+s5+$0x0] =	vst.idx.add.f32.msk $0xffff, v2  }
0x36a: {  	v3 =	vtrunc.f32 v17;
	v6 =	vtrunc.f32 v21;
	[tilespmem:v20+s5+$0x0] =	vst.idx.add.f32.msk $0xffff, v2  }
0x36b: {  	v12 =	vtrunc.f32 v16;
	v5 =	vshll.u32 v5, $0x7;
	v6 =	vcvt.f32.s32 v6;
	[tilespmem:v8+s5+$0x0] =	vst.idx.add.f32.msk $0xffff, v2  }
0x36c: {  	v9 =	vcvt.f32.s32 v9;
	v5 =	vor.u32 v1, v5;
	v8 =	vtrunc.f32 v15;
	[tilespmem:v7+s5+$0x0] =	vst.idx.add.f32.msk $0xffff, v2  }
0x36d: {  	v14 =	vtrunc.f32 v14;
	v10 =	vshll.u32 v10, $0x7;
	v6 =	vshll.u32 v6, $0x7;
	v7 =	vld [tilespmem:s12+$0xFFFFFF80]  }
0x36e: {  	v14 =	vcvt.f32.s32 v14;
	v15 =	vor.u32 v1, v4;
	v9 =	vshll.u32 v9, $0x7;
	v16 =	vld [tilespmem:s12+$0x50]  }
0x36f: {  	v13 =	vtrunc.f32 v13;
	v17 =	vor.u32 v1, v10;
	v10 =	vshll.u32 v11, $0x7;
	v18 =	vld [tilespmem:s12+$0x70]  }
0x370: {  	v4 =	vshll.u32 v14, $0x7;
	v11 =	vcvt.f32.s32 v8;
	v14 =	vor.u32 v1, v6;
	v19 =	vld [tilespmem:s12+$0x40]  }
.Ltmp12:
0x371: {  	v12 =	vcvt.f32.s32 v12;
	v4 =	vor.u32 v1, v4;
	v8 =	vor.u32 v1, v9;
	[tilespmem:v5+s5+$0x0] =	vst.idx.add.f32.msk $0xffff, v2;
	(pc) =	sbr.rel @p0 .LBB2_26-.Ltmp12, $4  }
0x372: {  	v9 =	vor.u32 v1, v10;
	v6 =	vshll.u32 v11, $0x7;
	v5 =	vtrunc.f32 v7;
	v10 =	vld [tilespmem:s12+$0x60]  }
0x373: {  	v7 =	vcvt.f32.s32 v13;
	v20 =	vcvt.f32.s32 v5;
	[tilespmem:v15+s5+$0x0] =	vst.idx.add.f32.msk $0xffff, v2  }
0x374: {  	v5 =	vshll.u32 v12, $0x7;
	v11 =	vtrunc.f32 v16;
	[tilespmem:v17+s5+$0x0] =	vst.idx.add.f32.msk $0xffff, v2  }
0x375: {  	v12 =	vshll.u32 v20, $0x7;
	[tilespmem:v14+s5+$0x0] =	vst.idx.add.f32.msk $0xffff, v2;
	v13 =	vtrunc.f32 v19;
	v14 =	vtrunc.f32 v18  }
0x376: {  	_ =	sdelay $0x1  }
0x377: {  	v12 =	vor.u32 v1, v12  }
0x378: {  	v13 =	vcvt.f32.s32 v13;
	v14 =	vcvt.f32.s32 v14;
	v5 =	vor.u32 v1, v5  }
0x379: {  	v3 =	vcvt.f32.s32 v3;
	[tilespmem:v4+s5+$0x0] =	vst.idx.add.f32.msk $0xffff, v2;
	v4 =	vor.u32 v1, v6;
	v7 =	vshll.u32 v7, $0x7  }
0x37a: {  	[tilespmem:v9+s5+$0x0] =	vst.idx.add.f32.msk $0xffff, v2;
	v9 =	vcvt.f32.s32 v11;
	v7 =	vor.u32 v1, v7;
	v13 =	vshll.u32 v13, $0x7  }
0x37b: {  	[tilespmem:v8+s5+$0x0] =	vst.idx.add.f32.msk $0xffff, v2;
	v10 =	vtrunc.f32 v10;
	v8 =	vshll.u32 v14, $0x7;
	v13 =	vor.u32 v1, v13  }
0x37c: {  	v10 =	vcvt.f32.s32 v10;
	v3 =	vshll.u32 v3, $0x7;
	v8 =	vor.u32 v1, v8;
	[tilespmem:v12+s5+$0x0] =	vst.idx.add.f32.msk $0xffff, v2  }
0x37d: {  	v6 =	vshll.u32 v9, $0x7;
	v3 =	vor.u32 v1, v3;
	[tilespmem:v5+s5+$0x0] =	vst.idx.add.f32.msk $0xffff, v2  }
0x37e: {  	v6 =	vor.u32 v1, v6;
	v10 =	vshll.u32 v10, $0x7;
	[tilespmem:v4+s5+$0x0] =	vst.idx.add.f32.msk $0xffff, v2  }
0x37f: {  	v10 =	vor.u32 v1, v10;
	[tilespmem:v7+s5+$0x0] =	vst.idx.add.f32.msk $0xffff, v2  }
0x380: {  	[tilespmem:v13+s5+$0x0] =	vst.idx.add.f32.msk $0xffff, v2  }
0x381: {  	[tilespmem:v8+s5+$0x0] =	vst.idx.add.f32.msk $0xffff, v2  }
0x382: {  	[tilespmem:v3+s5+$0x0] =	vst.idx.add.f32.msk $0xffff, v2  }
0x383: {  	[tilespmem:v6+s5+$0x0] =	vst.idx.add.f32.msk $0xffff, v2  }
0x384: {  	[tilespmem:v10+s5+$0x0] =	vst.idx.add.f32.msk $0xffff, v2  }
0x385: {  	s12 =	rddreg [dreg:$0x8]  }
0x386: {  	[tilespmem:s19], [sflag:$0x1] =	stream.strided.gather [hbm4b:s12+s6], $0x4000, s2, s6, $0x38;
	[tilespmem:$0x18300] =	vst v63  }
0x387: {  	_ =	swait.ge [sflag:s7], $0x4000  }
0x388: {  	[sflag:s7] =	ssyncset.done $0x0  }
0x389: {  	s12 =	simm.s32 $0x4080;
	[sflag:s7] =	ssyncadd.s32 $0xFFFFC000  }
0x38a: {  	v3 =	vld [tilespmem:s12+$0xFFFFFFE0]  }
0x38b: {  	v4 =	vld [tilespmem:s12+$0xFFFFFFF0]  }
0x38c: {  	v5 =	vld [tilespmem:s12+$0x0]  }
0x38d: {  	v6 =	vld [tilespmem:s12+$0x10]  }
0x38e: {  	v8 =	vld [tilespmem:s12+$0x30]  }
0x38f: {  	v10 =	vld [tilespmem:s12+$0x20]  }
0x390: {  	v7 =	vld [tilespmem:s12+$0xFFFFFFB0];
	_ =	sdelay $0x1  }
0x391: {  	v9 =	vld [tilespmem:s12+$0xFFFFFFC0];
	v3 =	vtrunc.f32 v3;
	v5 =	vtrunc.f32 v5  }
0x392: {  	v11 =	vld [tilespmem:s12+$0xFFFFFFA0];
	v6 =	vtrunc.f32 v6;
	v4 =	vtrunc.f32 v4  }
0x393: {  	v8 =	vtrunc.f32 v8;
	v10 =	vtrunc.f32 v10  }
0x394: {  	v12 =	vld [tilespmem:s12+$0xFFFFFF90];
	v7 =	vtrunc.f32 v7;
	v6 =	vcvt.f32.s32 v6  }
0x395: {  	v4 =	vcvt.f32.s32 v4;
	v13 =	vcvt.f32.s32 v3  }
0x396: {  	v5 =	vcvt.f32.s32 v5;
	v3 =	vtrunc.f32 v9;
	v9 =	vld [tilespmem:s12+$0xFFFFFFD0]  }
0x397: {  	v11 =	vtrunc.f32 v11;
	v10 =	vcvt.f32.s32 v10;
	v4 =	vshll.u32 v4, $0x7  }
0x398: {  	v5 =	vshll.u32 v5, $0x7;
	v14 =	vor.u32 v1, v4;
	v4 =	vshll.u32 v6, $0x7  }
0x399: {  	v15 =	vld [tilespmem:s12+$0xFFFFFF80];
	v6 =	vcvt.f32.s32 v8;
	v8 =	vtrunc.f32 v12;
	v12 =	vshll.u32 v13, $0x7  }
0x39a: {  	v16 =	vld [tilespmem:s12+$0x50];
	v8 =	vcvt.f32.s32 v8;
	v13 =	vor.u32 v1, v4;
	v4 =	vshll.u32 v10, $0x7  }
0x39b: {  	v17 =	vld [tilespmem:s12+$0x70];
	v12 =	vor.u32 v1, v12;
	v6 =	vshll.u32 v6, $0x7;
	v18 =	vtrunc.f32 v9  }
0x39c: {  	v20 =	vld [tilespmem:s12+$0x40];
	v19 =	vor.u32 v1, v4;
	v9 =	vcvt.f32.s32 v11;
	v8 =	vshll.u32 v8, $0x7  }
0x39d: {  	v10 =	vld [tilespmem:s12+$0x60];
	v11 =	vcvt.f32.s32 v7;
	v4 =	vor.u32 v1, v8;
	v8 =	vor.u32 v1, v6  }
0x39e: {  	v7 =	vtrunc.f32 v15;
	v6 =	vshll.u32 v9, $0x7;
	v9 =	vor.u32 v1, v5;
	[tilespmem:v14+s5+$0x0] =	vst.idx.add.f32.msk $0xffff, v2  }
0x39f: {  	v14 =	vcvt.f32.s32 v7;
	[tilespmem:v13+s5+$0x0] =	vst.idx.add.f32.msk $0xffff, v2  }
0x3a0: {  	v5 =	vshll.u32 v11, $0x7;
	v11 =	vtrunc.f32 v16;
	v7 =	vcvt.f32.s32 v18;
	[tilespmem:v12+s5+$0x0] =	vst.idx.add.f32.msk $0xffff, v2  }
0x3a1: {  	s13 =	simm.s32 $0x0;
	v13 =	vtrunc.f32 v20;
	v12 =	vshll.u32 v14, $0x7;
	[tilespmem:v19+s5+$0x0] =	vst.idx.add.f32.msk $0xffff, v2;
	v14 =	vtrunc.f32 v17  }
.LBB2_28:
0x3a2: {  	s13 =	sadd.s32 $0x10, s13;
	v12 =	vor.u32 v1, v12;
	[tilespmem:v8+s5+$0x0] =	vst.idx.add.f32.msk $0xffff, v2;
	v8 =	vcvt.f32.s32 v11;
	v11 =	vcvt.f32.s32 v14;
	s12 =	sadd.s32 $0x100, s12  }
0x3a3: {  	v7 =	vshll.u32 v7, $0x7;
	p0 =	slt.u32 s13, $0x3F0;
	[tilespmem:v9+s5+$0x0] =	vst.idx.add.f32.msk $0xffff, v2;
	v9 =	vcvt.f32.s32 v13;
	v10 =	vtrunc.f32 v10  }
0x3a4: {  	v6 =	vor.u32 v1, v6;
	v13 =	vld [tilespmem:s12+$0xFFFFFFD0];
	v10 =	vcvt.f32.s32 v10;
	v11 =	vshll.u32 v11, $0x7  }
0x3a5: {  	v8 =	vshll.u32 v8, $0x7;
	v14 =	vld [tilespmem:s12+$0xFFFFFF90];
	v9 =	vshll.u32 v9, $0x7;
	v11 =	vor.u32 v1, v11  }
0x3a6: {  	v15 =	vld [tilespmem:s12+$0xFFFFFFA0];
	v10 =	vshll.u32 v10, $0x7  }
0x3a7: {  	v16 =	vld [tilespmem:s12+$0xFFFFFFB0];
	v10 =	vor.u32 v1, v10  }
0x3a8: {  	v17 =	vld [tilespmem:s12+$0xFFFFFFC0]  }
0x3a9: {  	v3 =	vcvt.f32.s32 v3;
	v18 =	vld [tilespmem:s12+$0xFFFFFFE0]  }
0x3aa: {  	v19 =	vld [tilespmem:s12+$0xFFFFFFF0]  }
0x3ab: {  	v3 =	vshll.u32 v3, $0x7;
	[tilespmem:v4+s5+$0x0] =	vst.idx.add.f32.msk $0xffff, v2  }
0x3ac: {  	v20 =	vor.u32 v1, v3;
	v3 =	vor.u32 v1, v9;
	v4 =	vld [tilespmem:s12+$0x0]  }
0x3ad: {  	v9 =	vld [tilespmem:s12+$0x10]  }
0x3ae: {  	v5 =	vor.u32 v1, v5;
	v18 =	vtrunc.f32 v18;
	v21 =	vld [tilespmem:s12+$0x20]  }
0x3af: {  	v22 =	vld [tilespmem:s12+$0x30]  }
0x3b0: {  	[tilespmem:v10+s5+$0x0] =	vst.idx.add.f32.msk $0xffff, v2  }
0x3b1: {  	v7 =	vor.u32 v1, v7;
	[tilespmem:v3+s5+$0x0] =	vst.idx.add.f32.msk $0xffff, v2  }
0x3b2: {  	v8 =	vor.u32 v1, v8;
	v3 =	vtrunc.f32 v4;
	v4 =	vtrunc.f32 v9;
	[tilespmem:v12+s5+$0x0] =	vst.idx.add.f32.msk $0xffff, v2  }
0x3b3: {  	v9 =	vtrunc.f32 v19;
	v4 =	vcvt.f32.s32 v4;
	[tilespmem:v5+s5+$0x0] =	vst.idx.add.f32.msk $0xffff, v2  }
0x3b4: {  	v5 =	vcvt.f32.s32 v9;
	v9 =	vtrunc.f32 v22;
	[tilespmem:v11+s5+$0x0] =	vst.idx.add.f32.msk $0xffff, v2  }
0x3b5: {  	v10 =	vcvt.f32.s32 v18;
	v11 =	vcvt.f32.s32 v3;
	v4 =	vshll.u32 v4, $0x7;
	[tilespmem:v6+s5+$0x0] =	vst.idx.add.f32.msk $0xffff, v2  }
0x3b6: {  	v3 =	vtrunc.f32 v17;
	v6 =	vtrunc.f32 v21;
	[tilespmem:v20+s5+$0x0] =	vst.idx.add.f32.msk $0xffff, v2  }
0x3b7: {  	v12 =	vtrunc.f32 v16;
	v5 =	vshll.u32 v5, $0x7;
	v6 =	vcvt.f32.s32 v6;
	[tilespmem:v8+s5+$0x0] =	vst.idx.add.f32.msk $0xffff, v2  }
0x3b8: {  	v9 =	vcvt.f32.s32 v9;
	v5 =	vor.u32 v1, v5;
	v8 =	vtrunc.f32 v15;
	[tilespmem:v7+s5+$0x0] =	vst.idx.add.f32.msk $0xffff, v2  }
0x3b9: {  	v14 =	vtrunc.f32 v14;
	v10 =	vshll.u32 v10, $0x7;
	v6 =	vshll.u32 v6, $0x7;
	v7 =	vld [tilespmem:s12+$0xFFFFFF80]  }
0x3ba: {  	v14 =	vcvt.f32.s32 v14;
	v15 =	vor.u32 v1, v4;
	v9 =	vshll.u32 v9, $0x7;
	v16 =	vld [tilespmem:s12+$0x50]  }
0x3bb: {  	v13 =	vtrunc.f32 v13;
	v17 =	vor.u32 v1, v10;
	v10 =	vshll.u32 v11, $0x7;
	v18 =	vld [tilespmem:s12+$0x70]  }
0x3bc: {  	v4 =	vshll.u32 v14, $0x7;
	v11 =	vcvt.f32.s32 v8;
	v14 =	vor.u32 v1, v6;
	v19 =	vld [tilespmem:s12+$0x40]  }
.Ltmp13:
0x3bd: {  	v12 =	vcvt.f32.s32 v12;
	v4 =	vor.u32 v1, v4;
	v8 =	vor.u32 v1, v9;
	[tilespmem:v5+s5+$0x0] =	vst.idx.add.f32.msk $0xffff, v2;
	(pc) =	sbr.rel @p0 .LBB2_28-.Ltmp13, $4  }
0x3be: {  	v9 =	vor.u32 v1, v10;
	v6 =	vshll.u32 v11, $0x7;
	v5 =	vtrunc.f32 v7;
	v10 =	vld [tilespmem:s12+$0x60]  }
0x3bf: {  	v7 =	vcvt.f32.s32 v13;
	v20 =	vcvt.f32.s32 v5;
	[tilespmem:v15+s5+$0x0] =	vst.idx.add.f32.msk $0xffff, v2  }
0x3c0: {  	v5 =	vshll.u32 v12, $0x7;
	v11 =	vtrunc.f32 v16;
	[tilespmem:v17+s5+$0x0] =	vst.idx.add.f32.msk $0xffff, v2  }
0x3c1: {  	v12 =	vshll.u32 v20, $0x7;
	[tilespmem:v14+s5+$0x0] =	vst.idx.add.f32.msk $0xffff, v2;
	v13 =	vtrunc.f32 v19;
	v14 =	vtrunc.f32 v18  }
0x3c2: {  	_ =	sdelay $0x1  }
0x3c3: {  	v12 =	vor.u32 v1, v12  }
0x3c4: {  	v13 =	vcvt.f32.s32 v13;
	v14 =	vcvt.f32.s32 v14;
	v5 =	vor.u32 v1, v5  }
0x3c5: {  	v3 =	vcvt.f32.s32 v3;
	[tilespmem:v4+s5+$0x0] =	vst.idx.add.f32.msk $0xffff, v2;
	v4 =	vor.u32 v1, v6;
	v7 =	vshll.u32 v7, $0x7  }
0x3c6: {  	[tilespmem:v9+s5+$0x0] =	vst.idx.add.f32.msk $0xffff, v2;
	v9 =	vcvt.f32.s32 v11;
	v7 =	vor.u32 v1, v7;
	v13 =	vshll.u32 v13, $0x7  }
0x3c7: {  	[tilespmem:v8+s5+$0x0] =	vst.idx.add.f32.msk $0xffff, v2;
	v10 =	vtrunc.f32 v10;
	v8 =	vshll.u32 v14, $0x7;
	v13 =	vor.u32 v1, v13  }
0x3c8: {  	v10 =	vcvt.f32.s32 v10;
	v3 =	vshll.u32 v3, $0x7;
	v8 =	vor.u32 v1, v8;
	[tilespmem:v12+s5+$0x0] =	vst.idx.add.f32.msk $0xffff, v2  }
0x3c9: {  	v6 =	vshll.u32 v9, $0x7;
	v3 =	vor.u32 v1, v3;
	[tilespmem:v5+s5+$0x0] =	vst.idx.add.f32.msk $0xffff, v2  }
0x3ca: {  	v6 =	vor.u32 v1, v6;
	v10 =	vshll.u32 v10, $0x7;
	[tilespmem:v4+s5+$0x0] =	vst.idx.add.f32.msk $0xffff, v2  }
0x3cb: {  	v10 =	vor.u32 v1, v10;
	[tilespmem:v7+s5+$0x0] =	vst.idx.add.f32.msk $0xffff, v2  }
0x3cc: {  	[tilespmem:v13+s5+$0x0] =	vst.idx.add.f32.msk $0xffff, v2  }
0x3cd: {  	[tilespmem:v8+s5+$0x0] =	vst.idx.add.f32.msk $0xffff, v2  }
0x3ce: {  	[tilespmem:v3+s5+$0x0] =	vst.idx.add.f32.msk $0xffff, v2  }
0x3cf: {  	[tilespmem:v6+s5+$0x0] =	vst.idx.add.f32.msk $0xffff, v2  }
0x3d0: {  	[tilespmem:v10+s5+$0x0] =	vst.idx.add.f32.msk $0xffff, v2  }
0x3d1: {  	s12 =	simm.s32 $0x80;
	s13 =	rddreg [dreg:$0x9]  }
0x3d2: {  	[tilespmem:s3], [sflag:$0x2] =	stream.strided.gather [hbm4b:s13+s12], $0x4000, s2, s12, $0x38;
	[tilespmem:$0x18300] =	vst v63  }
0x3d3: {  	_ =	swait.ge [sflag:s4], $0x4000  }
0x3d4: {  	[sflag:s4] =	ssyncset.done $0x0  }
0x3d5: {  	[sflag:s4] =	ssyncadd.s32 $0xFFFFC000  }
0x3d6: {  	v3 =	vld [tilespmem:s12+$0xFFFFFFE0]  }
0x3d7: {  	v4 =	vld [tilespmem:s12+$0xFFFFFFF0]  }
0x3d8: {  	v5 =	vld [tilespmem:s12+$0x0]  }
0x3d9: {  	v6 =	vld [tilespmem:s12+$0x10]  }
0x3da: {  	v8 =	vld [tilespmem:s12+$0x30]  }
0x3db: {  	v10 =	vld [tilespmem:s12+$0x20]  }
0x3dc: {  	v7 =	vld [tilespmem:s12+$0xFFFFFFB0];
	_ =	sdelay $0x1  }
0x3dd: {  	v9 =	vld [tilespmem:s12+$0xFFFFFFC0];
	v3 =	vtrunc.f32 v3;
	v5 =	vtrunc.f32 v5  }
0x3de: {  	v11 =	vld [tilespmem:s12+$0xFFFFFFA0];
	v6 =	vtrunc.f32 v6;
	v4 =	vtrunc.f32 v4  }
0x3df: {  	v8 =	vtrunc.f32 v8;
	v10 =	vtrunc.f32 v10  }
0x3e0: {  	v12 =	vld [tilespmem:s12+$0xFFFFFF90];
	v7 =	vtrunc.f32 v7;
	v6 =	vcvt.f32.s32 v6  }
0x3e1: {  	v4 =	vcvt.f32.s32 v4;
	v13 =	vcvt.f32.s32 v3  }
0x3e2: {  	v5 =	vcvt.f32.s32 v5;
	v3 =	vtrunc.f32 v9;
	v9 =	vld [tilespmem:s12+$0xFFFFFFD0]  }
0x3e3: {  	v11 =	vtrunc.f32 v11;
	v10 =	vcvt.f32.s32 v10;
	v4 =	vshll.u32 v4, $0x7  }
0x3e4: {  	v5 =	vshll.u32 v5, $0x7;
	v14 =	vor.u32 v1, v4;
	v4 =	vshll.u32 v6, $0x7  }
0x3e5: {  	v15 =	vld [tilespmem:s12+$0xFFFFFF80];
	v6 =	vcvt.f32.s32 v8;
	v8 =	vtrunc.f32 v12;
	v12 =	vshll.u32 v13, $0x7  }
0x3e6: {  	v16 =	vld [tilespmem:s12+$0x50];
	v8 =	vcvt.f32.s32 v8;
	v13 =	vor.u32 v1, v4;
	v4 =	vshll.u32 v10, $0x7  }
0x3e7: {  	v17 =	vld [tilespmem:s12+$0x70];
	v12 =	vor.u32 v1, v12;
	v6 =	vshll.u32 v6, $0x7;
	v18 =	vtrunc.f32 v9  }
0x3e8: {  	v20 =	vld [tilespmem:s12+$0x40];
	v19 =	vor.u32 v1, v4;
	v9 =	vcvt.f32.s32 v11;
	v8 =	vshll.u32 v8, $0x7  }
0x3e9: {  	v10 =	vld [tilespmem:s12+$0x60];
	v11 =	vcvt.f32.s32 v7;
	v4 =	vor.u32 v1, v8;
	v8 =	vor.u32 v1, v6  }
0x3ea: {  	v7 =	vtrunc.f32 v15;
	v6 =	vshll.u32 v9, $0x7;
	v9 =	vor.u32 v1, v5;
	[tilespmem:v14+s5+$0x0] =	vst.idx.add.f32.msk $0xffff, v2  }
0x3eb: {  	v14 =	vcvt.f32.s32 v7;
	[tilespmem:v13+s5+$0x0] =	vst.idx.add.f32.msk $0xffff, v2  }
0x3ec: {  	v5 =	vshll.u32 v11, $0x7;
	v11 =	vtrunc.f32 v16;
	v7 =	vcvt.f32.s32 v18;
	[tilespmem:v12+s5+$0x0] =	vst.idx.add.f32.msk $0xffff, v2  }
0x3ed: {  	s13 =	simm.s32 $0x0;
	v13 =	vtrunc.f32 v20;
	v12 =	vshll.u32 v14, $0x7;
	[tilespmem:v19+s5+$0x0] =	vst.idx.add.f32.msk $0xffff, v2;
	v14 =	vtrunc.f32 v17  }
.LBB2_30:
0x3ee: {  	s13 =	sadd.s32 $0x10, s13;
	v12 =	vor.u32 v1, v12;
	[tilespmem:v8+s5+$0x0] =	vst.idx.add.f32.msk $0xffff, v2;
	v8 =	vcvt.f32.s32 v11;
	v11 =	vcvt.f32.s32 v14;
	s12 =	sadd.s32 $0x100, s12  }
0x3ef: {  	v7 =	vshll.u32 v7, $0x7;
	p0 =	slt.u32 s13, $0x3F0;
	[tilespmem:v9+s5+$0x0] =	vst.idx.add.f32.msk $0xffff, v2;
	v9 =	vcvt.f32.s32 v13;
	v10 =	vtrunc.f32 v10  }
0x3f0: {  	v6 =	vor.u32 v1, v6;
	v13 =	vld [tilespmem:s12+$0xFFFFFFD0];
	v10 =	vcvt.f32.s32 v10;
	v11 =	vshll.u32 v11, $0x7  }
0x3f1: {  	v8 =	vshll.u32 v8, $0x7;
	v14 =	vld [tilespmem:s12+$0xFFFFFF90];
	v9 =	vshll.u32 v9, $0x7;
	v11 =	vor.u32 v1, v11  }
0x3f2: {  	v15 =	vld [tilespmem:s12+$0xFFFFFFA0];
	v10 =	vshll.u32 v10, $0x7  }
0x3f3: {  	v16 =	vld [tilespmem:s12+$0xFFFFFFB0];
	v10 =	vor.u32 v1, v10  }
0x3f4: {  	v17 =	vld [tilespmem:s12+$0xFFFFFFC0]  }
0x3f5: {  	v3 =	vcvt.f32.s32 v3;
	v18 =	vld [tilespmem:s12+$0xFFFFFFE0]  }
0x3f6: {  	v19 =	vld [tilespmem:s12+$0xFFFFFFF0]  }
0x3f7: {  	v3 =	vshll.u32 v3, $0x7;
	[tilespmem:v4+s5+$0x0] =	vst.idx.add.f32.msk $0xffff, v2  }
0x3f8: {  	v20 =	vor.u32 v1, v3;
	v3 =	vor.u32 v1, v9;
	v4 =	vld [tilespmem:s12+$0x0]  }
0x3f9: {  	v9 =	vld [tilespmem:s12+$0x10]  }
0x3fa: {  	v5 =	vor.u32 v1, v5;
	v18 =	vtrunc.f32 v18;
	v21 =	vld [tilespmem:s12+$0x20]  }
0x3fb: {  	v22 =	vld [tilespmem:s12+$0x30]  }
0x3fc: {  	[tilespmem:v10+s5+$0x0] =	vst.idx.add.f32.msk $0xffff, v2  }
0x3fd: {  	v7 =	vor.u32 v1, v7;
	[tilespmem:v3+s5+$0x0] =	vst.idx.add.f32.msk $0xffff, v2  }
0x3fe: {  	v8 =	vor.u32 v1, v8;
	v3 =	vtrunc.f32 v4;
	v4 =	vtrunc.f32 v9;
	[tilespmem:v12+s5+$0x0] =	vst.idx.add.f32.msk $0xffff, v2  }
0x3ff: {  	v9 =	vtrunc.f32 v19;
	v4 =	vcvt.f32.s32 v4;
	[tilespmem:v5+s5+$0x0] =	vst.idx.add.f32.msk $0xffff, v2  }
0x400: {  	v5 =	vcvt.f32.s32 v9;
	v9 =	vtrunc.f32 v22;
	[tilespmem:v11+s5+$0x0] =	vst.idx.add.f32.msk $0xffff, v2  }
0x401: {  	v10 =	vcvt.f32.s32 v18;
	v11 =	vcvt.f32.s32 v3;
	v4 =	vshll.u32 v4, $0x7;
	[tilespmem:v6+s5+$0x0] =	vst.idx.add.f32.msk $0xffff, v2  }
0x402: {  	v3 =	vtrunc.f32 v17;
	v6 =	vtrunc.f32 v21;
	[tilespmem:v20+s5+$0x0] =	vst.idx.add.f32.msk $0xffff, v2  }
0x403: {  	v12 =	vtrunc.f32 v16;
	v5 =	vshll.u32 v5, $0x7;
	v6 =	vcvt.f32.s32 v6;
	[tilespmem:v8+s5+$0x0] =	vst.idx.add.f32.msk $0xffff, v2  }
0x404: {  	v9 =	vcvt.f32.s32 v9;
	v5 =	vor.u32 v1, v5;
	v8 =	vtrunc.f32 v15;
	[tilespmem:v7+s5+$0x0] =	vst.idx.add.f32.msk $0xffff, v2  }
0x405: {  	v14 =	vtrunc.f32 v14;
	v10 =	vshll.u32 v10, $0x7;
	v6 =	vshll.u32 v6, $0x7;
	v7 =	vld [tilespmem:s12+$0xFFFFFF80]  }
0x406: {  	v14 =	vcvt.f32.s32 v14;
	v15 =	vor.u32 v1, v4;
	v9 =	vshll.u32 v9, $0x7;
	v16 =	vld [tilespmem:s12+$0x50]  }
0x407: {  	v13 =	vtrunc.f32 v13;
	v17 =	vor.u32 v1, v10;
	v10 =	vshll.u32 v11, $0x7;
	v18 =	vld [tilespmem:s12+$0x70]  }
0x408: {  	v4 =	vshll.u32 v14, $0x7;
	v11 =	vcvt.f32.s32 v8;
	v14 =	vor.u32 v1, v6;
	v19 =	vld [tilespmem:s12+$0x40]  }
.Ltmp14:
0x409: {  	v12 =	vcvt.f32.s32 v12;
	v4 =	vor.u32 v1, v4;
	v8 =	vor.u32 v1, v9;
	[tilespmem:v5+s5+$0x0] =	vst.idx.add.f32.msk $0xffff, v2;
	(pc) =	sbr.rel @p0 .LBB2_30-.Ltmp14, $4  }
0x40a: {  	v9 =	vor.u32 v1, v10;
	v6 =	vshll.u32 v11, $0x7;
	v5 =	vtrunc.f32 v7;
	v10 =	vld [tilespmem:s12+$0x60]  }
0x40b: {  	v7 =	vcvt.f32.s32 v13;
	v20 =	vcvt.f32.s32 v5;
	[tilespmem:v15+s5+$0x0] =	vst.idx.add.f32.msk $0xffff, v2  }
0x40c: {  	v5 =	vshll.u32 v12, $0x7;
	v11 =	vtrunc.f32 v16;
	[tilespmem:v17+s5+$0x0] =	vst.idx.add.f32.msk $0xffff, v2  }
0x40d: {  	v12 =	vshll.u32 v20, $0x7;
	[tilespmem:v14+s5+$0x0] =	vst.idx.add.f32.msk $0xffff, v2;
	v13 =	vtrunc.f32 v19;
	v14 =	vtrunc.f32 v18  }
0x40e: {  	_ =	sdelay $0x1  }
0x40f: {  	v12 =	vor.u32 v1, v12  }
0x410: {  	v13 =	vcvt.f32.s32 v13;
	v14 =	vcvt.f32.s32 v14;
	v5 =	vor.u32 v1, v5  }
0x411: {  	v3 =	vcvt.f32.s32 v3;
	[tilespmem:v4+s5+$0x0] =	vst.idx.add.f32.msk $0xffff, v2;
	v4 =	vor.u32 v1, v6;
	v7 =	vshll.u32 v7, $0x7  }
0x412: {  	[tilespmem:v9+s5+$0x0] =	vst.idx.add.f32.msk $0xffff, v2;
	v9 =	vcvt.f32.s32 v11;
	v7 =	vor.u32 v1, v7;
	v13 =	vshll.u32 v13, $0x7  }
0x413: {  	[tilespmem:v8+s5+$0x0] =	vst.idx.add.f32.msk $0xffff, v2;
	v10 =	vtrunc.f32 v10;
	v8 =	vshll.u32 v14, $0x7;
	v13 =	vor.u32 v1, v13  }
0x414: {  	v10 =	vcvt.f32.s32 v10;
	v3 =	vshll.u32 v3, $0x7;
	v8 =	vor.u32 v1, v8;
	[tilespmem:v12+s5+$0x0] =	vst.idx.add.f32.msk $0xffff, v2  }
0x415: {  	v6 =	vshll.u32 v9, $0x7;
	v3 =	vor.u32 v1, v3;
	[tilespmem:v5+s5+$0x0] =	vst.idx.add.f32.msk $0xffff, v2  }
0x416: {  	v6 =	vor.u32 v1, v6;
	v10 =	vshll.u32 v10, $0x7;
	[tilespmem:v4+s5+$0x0] =	vst.idx.add.f32.msk $0xffff, v2  }
0x417: {  	v10 =	vor.u32 v1, v10;
	[tilespmem:v7+s5+$0x0] =	vst.idx.add.f32.msk $0xffff, v2  }
0x418: {  	[tilespmem:v13+s5+$0x0] =	vst.idx.add.f32.msk $0xffff, v2  }
0x419: {  	[tilespmem:v8+s5+$0x0] =	vst.idx.add.f32.msk $0xffff, v2  }
0x41a: {  	[tilespmem:v3+s5+$0x0] =	vst.idx.add.f32.msk $0xffff, v2  }
0x41b: {  	[tilespmem:v6+s5+$0x0] =	vst.idx.add.f32.msk $0xffff, v2  }
0x41c: {  	[tilespmem:v10+s5+$0x0] =	vst.idx.add.f32.msk $0xffff, v2  }
0x41d: {  	s12 =	rddreg [dreg:$0xa]  }
0x41e: {  	[tilespmem:s19], [sflag:$0x1] =	stream.strided.gather [hbm4b:s12+s6], $0x4000, s2, s6, $0x38;
	[tilespmem:$0x18300] =	vst v63  }
0x41f: {  	_ =	swait.ge [sflag:s7], $0x4000  }
0x420: {  	[sflag:s7] =	ssyncset.done $0x0  }
0x421: {  	s12 =	simm.s32 $0x4080;
	[sflag:s7] =	ssyncadd.s32 $0xFFFFC000  }
0x422: {  	v3 =	vld [tilespmem:s12+$0xFFFFFFE0]  }
0x423: {  	v4 =	vld [tilespmem:s12+$0xFFFFFFF0]  }
0x424: {  	v5 =	vld [tilespmem:s12+$0x0]  }
0x425: {  	v6 =	vld [tilespmem:s12+$0x10]  }
0x426: {  	v8 =	vld [tilespmem:s12+$0x30]  }
0x427: {  	v10 =	vld [tilespmem:s12+$0x20]  }
0x428: {  	v7 =	vld [tilespmem:s12+$0xFFFFFFB0];
	_ =	sdelay $0x1  }
0x429: {  	v9 =	vld [tilespmem:s12+$0xFFFFFFC0];
	v3 =	vtrunc.f32 v3;
	v5 =	vtrunc.f32 v5  }
0x42a: {  	v11 =	vld [tilespmem:s12+$0xFFFFFFA0];
	v6 =	vtrunc.f32 v6;
	v4 =	vtrunc.f32 v4  }
0x42b: {  	v8 =	vtrunc.f32 v8;
	v10 =	vtrunc.f32 v10  }
0x42c: {  	v12 =	vld [tilespmem:s12+$0xFFFFFF90];
	v7 =	vtrunc.f32 v7;
	v6 =	vcvt.f32.s32 v6  }
0x42d: {  	v4 =	vcvt.f32.s32 v4;
	v13 =	vcvt.f32.s32 v3  }
0x42e: {  	v5 =	vcvt.f32.s32 v5;
	v3 =	vtrunc.f32 v9;
	v9 =	vld [tilespmem:s12+$0xFFFFFFD0]  }
0x42f: {  	v11 =	vtrunc.f32 v11;
	v10 =	vcvt.f32.s32 v10;
	v4 =	vshll.u32 v4, $0x7  }
0x430: {  	v5 =	vshll.u32 v5, $0x7;
	v14 =	vor.u32 v1, v4;
	v4 =	vshll.u32 v6, $0x7  }
0x431: {  	v15 =	vld [tilespmem:s12+$0xFFFFFF80];
	v6 =	vcvt.f32.s32 v8;
	v8 =	vtrunc.f32 v12;
	v12 =	vshll.u32 v13, $0x7  }
0x432: {  	v16 =	vld [tilespmem:s12+$0x50];
	v8 =	vcvt.f32.s32 v8;
	v13 =	vor.u32 v1, v4;
	v4 =	vshll.u32 v10, $0x7  }
0x433: {  	v17 =	vld [tilespmem:s12+$0x70];
	v12 =	vor.u32 v1, v12;
	v6 =	vshll.u32 v6, $0x7;
	v18 =	vtrunc.f32 v9  }
0x434: {  	v20 =	vld [tilespmem:s12+$0x40];
	v19 =	vor.u32 v1, v4;
	v9 =	vcvt.f32.s32 v11;
	v8 =	vshll.u32 v8, $0x7  }
0x435: {  	v10 =	vld [tilespmem:s12+$0x60];
	v11 =	vcvt.f32.s32 v7;
	v4 =	vor.u32 v1, v8;
	v8 =	vor.u32 v1, v6  }
0x436: {  	v7 =	vtrunc.f32 v15;
	v6 =	vshll.u32 v9, $0x7;
	v9 =	vor.u32 v1, v5;
	[tilespmem:v14+s5+$0x0] =	vst.idx.add.f32.msk $0xffff, v2  }
0x437: {  	v14 =	vcvt.f32.s32 v7;
	[tilespmem:v13+s5+$0x0] =	vst.idx.add.f32.msk $0xffff, v2  }
0x438: {  	v5 =	vshll.u32 v11, $0x7;
	v11 =	vtrunc.f32 v16;
	v7 =	vcvt.f32.s32 v18;
	[tilespmem:v12+s5+$0x0] =	vst.idx.add.f32.msk $0xffff, v2  }
0x439: {  	s13 =	simm.s32 $0x0;
	v13 =	vtrunc.f32 v20;
	v12 =	vshll.u32 v14, $0x7;
	[tilespmem:v19+s5+$0x0] =	vst.idx.add.f32.msk $0xffff, v2;
	v14 =	vtrunc.f32 v17  }
.LBB2_32:
0x43a: {  	s13 =	sadd.s32 $0x10, s13;
	v12 =	vor.u32 v1, v12;
	[tilespmem:v8+s5+$0x0] =	vst.idx.add.f32.msk $0xffff, v2;
	v8 =	vcvt.f32.s32 v11;
	v11 =	vcvt.f32.s32 v14;
	s12 =	sadd.s32 $0x100, s12  }
0x43b: {  	v7 =	vshll.u32 v7, $0x7;
	p0 =	slt.u32 s13, $0x3F0;
	[tilespmem:v9+s5+$0x0] =	vst.idx.add.f32.msk $0xffff, v2;
	v9 =	vcvt.f32.s32 v13;
	v10 =	vtrunc.f32 v10  }
0x43c: {  	v6 =	vor.u32 v1, v6;
	v13 =	vld [tilespmem:s12+$0xFFFFFFD0];
	v10 =	vcvt.f32.s32 v10;
	v11 =	vshll.u32 v11, $0x7  }
0x43d: {  	v8 =	vshll.u32 v8, $0x7;
	v14 =	vld [tilespmem:s12+$0xFFFFFF90];
	v9 =	vshll.u32 v9, $0x7;
	v11 =	vor.u32 v1, v11  }
0x43e: {  	v15 =	vld [tilespmem:s12+$0xFFFFFFA0];
	v10 =	vshll.u32 v10, $0x7  }
0x43f: {  	v16 =	vld [tilespmem:s12+$0xFFFFFFB0];
	v10 =	vor.u32 v1, v10  }
0x440: {  	v17 =	vld [tilespmem:s12+$0xFFFFFFC0]  }
0x441: {  	v3 =	vcvt.f32.s32 v3;
	v18 =	vld [tilespmem:s12+$0xFFFFFFE0]  }
0x442: {  	v19 =	vld [tilespmem:s12+$0xFFFFFFF0]  }
0x443: {  	v3 =	vshll.u32 v3, $0x7;
	[tilespmem:v4+s5+$0x0] =	vst.idx.add.f32.msk $0xffff, v2  }
0x444: {  	v20 =	vor.u32 v1, v3;
	v3 =	vor.u32 v1, v9;
	v4 =	vld [tilespmem:s12+$0x0]  }
0x445: {  	v9 =	vld [tilespmem:s12+$0x10]  }
0x446: {  	v5 =	vor.u32 v1, v5;
	v18 =	vtrunc.f32 v18;
	v21 =	vld [tilespmem:s12+$0x20]  }
0x447: {  	v22 =	vld [tilespmem:s12+$0x30]  }
0x448: {  	[tilespmem:v10+s5+$0x0] =	vst.idx.add.f32.msk $0xffff, v2  }
0x449: {  	v7 =	vor.u32 v1, v7;
	[tilespmem:v3+s5+$0x0] =	vst.idx.add.f32.msk $0xffff, v2  }
0x44a: {  	v8 =	vor.u32 v1, v8;
	v3 =	vtrunc.f32 v4;
	v4 =	vtrunc.f32 v9;
	[tilespmem:v12+s5+$0x0] =	vst.idx.add.f32.msk $0xffff, v2  }
0x44b: {  	v9 =	vtrunc.f32 v19;
	v4 =	vcvt.f32.s32 v4;
	[tilespmem:v5+s5+$0x0] =	vst.idx.add.f32.msk $0xffff, v2  }
0x44c: {  	v5 =	vcvt.f32.s32 v9;
	v9 =	vtrunc.f32 v22;
	[tilespmem:v11+s5+$0x0] =	vst.idx.add.f32.msk $0xffff, v2  }
0x44d: {  	v10 =	vcvt.f32.s32 v18;
	v11 =	vcvt.f32.s32 v3;
	v4 =	vshll.u32 v4, $0x7;
	[tilespmem:v6+s5+$0x0] =	vst.idx.add.f32.msk $0xffff, v2  }
0x44e: {  	v3 =	vtrunc.f32 v17;
	v6 =	vtrunc.f32 v21;
	[tilespmem:v20+s5+$0x0] =	vst.idx.add.f32.msk $0xffff, v2  }
0x44f: {  	v12 =	vtrunc.f32 v16;
	v5 =	vshll.u32 v5, $0x7;
	v6 =	vcvt.f32.s32 v6;
	[tilespmem:v8+s5+$0x0] =	vst.idx.add.f32.msk $0xffff, v2  }
0x450: {  	v9 =	vcvt.f32.s32 v9;
	v5 =	vor.u32 v1, v5;
	v8 =	vtrunc.f32 v15;
	[tilespmem:v7+s5+$0x0] =	vst.idx.add.f32.msk $0xffff, v2  }
0x451: {  	v14 =	vtrunc.f32 v14;
	v10 =	vshll.u32 v10, $0x7;
	v6 =	vshll.u32 v6, $0x7;
	v7 =	vld [tilespmem:s12+$0xFFFFFF80]  }
0x452: {  	v14 =	vcvt.f32.s32 v14;
	v15 =	vor.u32 v1, v4;
	v9 =	vshll.u32 v9, $0x7;
	v16 =	vld [tilespmem:s12+$0x50]  }
0x453: {  	v13 =	vtrunc.f32 v13;
	v17 =	vor.u32 v1, v10;
	v10 =	vshll.u32 v11, $0x7;
	v18 =	vld [tilespmem:s12+$0x70]  }
0x454: {  	v4 =	vshll.u32 v14, $0x7;
	v11 =	vcvt.f32.s32 v8;
	v14 =	vor.u32 v1, v6;
	v19 =	vld [tilespmem:s12+$0x40]  }
.Ltmp15:
0x455: {  	v12 =	vcvt.f32.s32 v12;
	v4 =	vor.u32 v1, v4;
	v8 =	vor.u32 v1, v9;
	[tilespmem:v5+s5+$0x0] =	vst.idx.add.f32.msk $0xffff, v2;
	(pc) =	sbr.rel @p0 .LBB2_32-.Ltmp15, $4  }
0x456: {  	v9 =	vor.u32 v1, v10;
	v6 =	vshll.u32 v11, $0x7;
	v5 =	vtrunc.f32 v7;
	v10 =	vld [tilespmem:s12+$0x60]  }
0x457: {  	v7 =	vcvt.f32.s32 v13;
	v20 =	vcvt.f32.s32 v5;
	[tilespmem:v15+s5+$0x0] =	vst.idx.add.f32.msk $0xffff, v2  }
0x458: {  	v5 =	vshll.u32 v12, $0x7;
	v11 =	vtrunc.f32 v16;
	[tilespmem:v17+s5+$0x0] =	vst.idx.add.f32.msk $0xffff, v2  }
0x459: {  	v12 =	vshll.u32 v20, $0x7;
	[tilespmem:v14+s5+$0x0] =	vst.idx.add.f32.msk $0xffff, v2;
	v13 =	vtrunc.f32 v19;
	v14 =	vtrunc.f32 v18  }
0x45a: {  	_ =	sdelay $0x1  }
0x45b: {  	v12 =	vor.u32 v1, v12  }
0x45c: {  	v13 =	vcvt.f32.s32 v13;
	v14 =	vcvt.f32.s32 v14;
	v5 =	vor.u32 v1, v5  }
0x45d: {  	v3 =	vcvt.f32.s32 v3;
	[tilespmem:v4+s5+$0x0] =	vst.idx.add.f32.msk $0xffff, v2;
	v4 =	vor.u32 v1, v6;
	v7 =	vshll.u32 v7, $0x7  }
0x45e: {  	[tilespmem:v9+s5+$0x0] =	vst.idx.add.f32.msk $0xffff, v2;
	v9 =	vcvt.f32.s32 v11;
	v7 =	vor.u32 v1, v7;
	v13 =	vshll.u32 v13, $0x7  }
0x45f: {  	[tilespmem:v8+s5+$0x0] =	vst.idx.add.f32.msk $0xffff, v2;
	v10 =	vtrunc.f32 v10;
	v8 =	vshll.u32 v14, $0x7;
	v13 =	vor.u32 v1, v13  }
0x460: {  	v10 =	vcvt.f32.s32 v10;
	v3 =	vshll.u32 v3, $0x7;
	v8 =	vor.u32 v1, v8;
	[tilespmem:v12+s5+$0x0] =	vst.idx.add.f32.msk $0xffff, v2  }
0x461: {  	v6 =	vshll.u32 v9, $0x7;
	v3 =	vor.u32 v1, v3;
	[tilespmem:v5+s5+$0x0] =	vst.idx.add.f32.msk $0xffff, v2  }
0x462: {  	v6 =	vor.u32 v1, v6;
	v10 =	vshll.u32 v10, $0x7;
	[tilespmem:v4+s5+$0x0] =	vst.idx.add.f32.msk $0xffff, v2  }
0x463: {  	v10 =	vor.u32 v1, v10;
	[tilespmem:v7+s5+$0x0] =	vst.idx.add.f32.msk $0xffff, v2  }
0x464: {  	[tilespmem:v13+s5+$0x0] =	vst.idx.add.f32.msk $0xffff, v2  }
0x465: {  	[tilespmem:v8+s5+$0x0] =	vst.idx.add.f32.msk $0xffff, v2  }
0x466: {  	[tilespmem:v3+s5+$0x0] =	vst.idx.add.f32.msk $0xffff, v2  }
0x467: {  	[tilespmem:v6+s5+$0x0] =	vst.idx.add.f32.msk $0xffff, v2  }
0x468: {  	[tilespmem:v10+s5+$0x0] =	vst.idx.add.f32.msk $0xffff, v2  }
0x469: {  	s12 =	simm.s32 $0x80;
	s13 =	rddreg [dreg:$0xb]  }
0x46a: {  	[tilespmem:s3], [sflag:$0x2] =	stream.strided.gather [hbm4b:s13+s12], $0x4000, s2, s12, $0x38;
	[tilespmem:$0x18300] =	vst v63  }
0x46b: {  	_ =	swait.ge [sflag:s4], $0x4000  }
0x46c: {  	[sflag:s4] =	ssyncset.done $0x0  }
0x46d: {  	[sflag:s4] =	ssyncadd.s32 $0xFFFFC000  }
0x46e: {  	v3 =	vld [tilespmem:s12+$0xFFFFFFE0]  }
0x46f: {  	v4 =	vld [tilespmem:s12+$0xFFFFFFF0]  }
0x470: {  	v5 =	vld [tilespmem:s12+$0x0]  }
0x471: {  	v6 =	vld [tilespmem:s12+$0x10]  }
0x472: {  	v8 =	vld [tilespmem:s12+$0x30]  }
0x473: {  	v10 =	vld [tilespmem:s12+$0x20]  }
0x474: {  	v7 =	vld [tilespmem:s12+$0xFFFFFFB0];
	_ =	sdelay $0x1  }
0x475: {  	v9 =	vld [tilespmem:s12+$0xFFFFFFC0];
	v3 =	vtrunc.f32 v3;
	v5 =	vtrunc.f32 v5  }
0x476: {  	v11 =	vld [tilespmem:s12+$0xFFFFFFA0];
	v6 =	vtrunc.f32 v6;
	v4 =	vtrunc.f32 v4  }
0x477: {  	v8 =	vtrunc.f32 v8;
	v10 =	vtrunc.f32 v10  }
0x478: {  	v12 =	vld [tilespmem:s12+$0xFFFFFF90];
	v7 =	vtrunc.f32 v7;
	v6 =	vcvt.f32.s32 v6  }
0x479: {  	v4 =	vcvt.f32.s32 v4;
	v13 =	vcvt.f32.s32 v3  }
0x47a: {  	v5 =	vcvt.f32.s32 v5;
	v3 =	vtrunc.f32 v9;
	v9 =	vld [tilespmem:s12+$0xFFFFFFD0]  }
0x47b: {  	v11 =	vtrunc.f32 v11;
	v10 =	vcvt.f32.s32 v10;
	v4 =	vshll.u32 v4, $0x7  }
0x47c: {  	v5 =	vshll.u32 v5, $0x7;
	v14 =	vor.u32 v1, v4;
	v4 =	vshll.u32 v6, $0x7  }
0x47d: {  	v15 =	vld [tilespmem:s12+$0xFFFFFF80];
	v6 =	vcvt.f32.s32 v8;
	v8 =	vtrunc.f32 v12;
	v12 =	vshll.u32 v13, $0x7  }
0x47e: {  	v16 =	vld [tilespmem:s12+$0x50];
	v8 =	vcvt.f32.s32 v8;
	v13 =	vor.u32 v1, v4;
	v4 =	vshll.u32 v10, $0x7  }
0x47f: {  	v17 =	vld [tilespmem:s12+$0x70];
	v12 =	vor.u32 v1, v12;
	v6 =	vshll.u32 v6, $0x7;
	v18 =	vtrunc.f32 v9  }
0x480: {  	v20 =	vld [tilespmem:s12+$0x40];
	v19 =	vor.u32 v1, v4;
	v9 =	vcvt.f32.s32 v11;
	v8 =	vshll.u32 v8, $0x7  }
0x481: {  	v10 =	vld [tilespmem:s12+$0x60];
	v11 =	vcvt.f32.s32 v7;
	v4 =	vor.u32 v1, v8;
	v8 =	vor.u32 v1, v6  }
0x482: {  	v7 =	vtrunc.f32 v15;
	v6 =	vshll.u32 v9, $0x7;
	v9 =	vor.u32 v1, v5;
	[tilespmem:v14+s5+$0x0] =	vst.idx.add.f32.msk $0xffff, v2  }
0x483: {  	v14 =	vcvt.f32.s32 v7;
	[tilespmem:v13+s5+$0x0] =	vst.idx.add.f32.msk $0xffff, v2  }
0x484: {  	v5 =	vshll.u32 v11, $0x7;
	v11 =	vtrunc.f32 v16;
	v7 =	vcvt.f32.s32 v18;
	[tilespmem:v12+s5+$0x0] =	vst.idx.add.f32.msk $0xffff, v2  }
0x485: {  	s13 =	simm.s32 $0x0;
	v13 =	vtrunc.f32 v20;
	v12 =	vshll.u32 v14, $0x7;
	[tilespmem:v19+s5+$0x0] =	vst.idx.add.f32.msk $0xffff, v2;
	v14 =	vtrunc.f32 v17  }
.LBB2_34:
0x486: {  	s13 =	sadd.s32 $0x10, s13;
	v12 =	vor.u32 v1, v12;
	[tilespmem:v8+s5+$0x0] =	vst.idx.add.f32.msk $0xffff, v2;
	v8 =	vcvt.f32.s32 v11;
	v11 =	vcvt.f32.s32 v14;
	s12 =	sadd.s32 $0x100, s12  }
0x487: {  	v7 =	vshll.u32 v7, $0x7;
	p0 =	slt.u32 s13, $0x3F0;
	[tilespmem:v9+s5+$0x0] =	vst.idx.add.f32.msk $0xffff, v2;
	v9 =	vcvt.f32.s32 v13;
	v10 =	vtrunc.f32 v10  }
0x488: {  	v6 =	vor.u32 v1, v6;
	v13 =	vld [tilespmem:s12+$0xFFFFFFD0];
	v10 =	vcvt.f32.s32 v10;
	v11 =	vshll.u32 v11, $0x7  }
0x489: {  	v8 =	vshll.u32 v8, $0x7;
	v14 =	vld [tilespmem:s12+$0xFFFFFF90];
	v9 =	vshll.u32 v9, $0x7;
	v11 =	vor.u32 v1, v11  }
0x48a: {  	v15 =	vld [tilespmem:s12+$0xFFFFFFA0];
	v10 =	vshll.u32 v10, $0x7  }
0x48b: {  	v16 =	vld [tilespmem:s12+$0xFFFFFFB0];
	v10 =	vor.u32 v1, v10  }
0x48c: {  	v17 =	vld [tilespmem:s12+$0xFFFFFFC0]  }
0x48d: {  	v3 =	vcvt.f32.s32 v3;
	v18 =	vld [tilespmem:s12+$0xFFFFFFE0]  }
0x48e: {  	v19 =	vld [tilespmem:s12+$0xFFFFFFF0]  }
0x48f: {  	v3 =	vshll.u32 v3, $0x7;
	[tilespmem:v4+s5+$0x0] =	vst.idx.add.f32.msk $0xffff, v2  }
0x490: {  	v20 =	vor.u32 v1, v3;
	v3 =	vor.u32 v1, v9;
	v4 =	vld [tilespmem:s12+$0x0]  }
0x491: {  	v9 =	vld [tilespmem:s12+$0x10]  }
0x492: {  	v5 =	vor.u32 v1, v5;
	v18 =	vtrunc.f32 v18;
	v21 =	vld [tilespmem:s12+$0x20]  }
0x493: {  	v22 =	vld [tilespmem:s12+$0x30]  }
0x494: {  	[tilespmem:v10+s5+$0x0] =	vst.idx.add.f32.msk $0xffff, v2  }
0x495: {  	v7 =	vor.u32 v1, v7;
	[tilespmem:v3+s5+$0x0] =	vst.idx.add.f32.msk $0xffff, v2  }
0x496: {  	v8 =	vor.u32 v1, v8;
	v3 =	vtrunc.f32 v4;
	v4 =	vtrunc.f32 v9;
	[tilespmem:v12+s5+$0x0] =	vst.idx.add.f32.msk $0xffff, v2  }
0x497: {  	v9 =	vtrunc.f32 v19;
	v4 =	vcvt.f32.s32 v4;
	[tilespmem:v5+s5+$0x0] =	vst.idx.add.f32.msk $0xffff, v2  }
0x498: {  	v5 =	vcvt.f32.s32 v9;
	v9 =	vtrunc.f32 v22;
	[tilespmem:v11+s5+$0x0] =	vst.idx.add.f32.msk $0xffff, v2  }
0x499: {  	v10 =	vcvt.f32.s32 v18;
	v11 =	vcvt.f32.s32 v3;
	v4 =	vshll.u32 v4, $0x7;
	[tilespmem:v6+s5+$0x0] =	vst.idx.add.f32.msk $0xffff, v2  }
0x49a: {  	v3 =	vtrunc.f32 v17;
	v6 =	vtrunc.f32 v21;
	[tilespmem:v20+s5+$0x0] =	vst.idx.add.f32.msk $0xffff, v2  }
0x49b: {  	v12 =	vtrunc.f32 v16;
	v5 =	vshll.u32 v5, $0x7;
	v6 =	vcvt.f32.s32 v6;
	[tilespmem:v8+s5+$0x0] =	vst.idx.add.f32.msk $0xffff, v2  }
0x49c: {  	v9 =	vcvt.f32.s32 v9;
	v5 =	vor.u32 v1, v5;
	v8 =	vtrunc.f32 v15;
	[tilespmem:v7+s5+$0x0] =	vst.idx.add.f32.msk $0xffff, v2  }
0x49d: {  	v14 =	vtrunc.f32 v14;
	v10 =	vshll.u32 v10, $0x7;
	v6 =	vshll.u32 v6, $0x7;
	v7 =	vld [tilespmem:s12+$0xFFFFFF80]  }
0x49e: {  	v14 =	vcvt.f32.s32 v14;
	v15 =	vor.u32 v1, v4;
	v9 =	vshll.u32 v9, $0x7;
	v16 =	vld [tilespmem:s12+$0x50]  }
0x49f: {  	v13 =	vtrunc.f32 v13;
	v17 =	vor.u32 v1, v10;
	v10 =	vshll.u32 v11, $0x7;
	v18 =	vld [tilespmem:s12+$0x70]  }
0x4a0: {  	v4 =	vshll.u32 v14, $0x7;
	v11 =	vcvt.f32.s32 v8;
	v14 =	vor.u32 v1, v6;
	v19 =	vld [tilespmem:s12+$0x40]  }
.Ltmp16:
0x4a1: {  	v12 =	vcvt.f32.s32 v12;
	v4 =	vor.u32 v1, v4;
	v8 =	vor.u32 v1, v9;
	[tilespmem:v5+s5+$0x0] =	vst.idx.add.f32.msk $0xffff, v2;
	(pc) =	sbr.rel @p0 .LBB2_34-.Ltmp16, $4  }
0x4a2: {  	v9 =	vor.u32 v1, v10;
	v6 =	vshll.u32 v11, $0x7;
	v5 =	vtrunc.f32 v7;
	v10 =	vld [tilespmem:s12+$0x60]  }
0x4a3: {  	v7 =	vcvt.f32.s32 v13;
	v20 =	vcvt.f32.s32 v5;
	[tilespmem:v15+s5+$0x0] =	vst.idx.add.f32.msk $0xffff, v2  }
0x4a4: {  	v5 =	vshll.u32 v12, $0x7;
	v11 =	vtrunc.f32 v16;
	[tilespmem:v17+s5+$0x0] =	vst.idx.add.f32.msk $0xffff, v2  }
0x4a5: {  	v12 =	vshll.u32 v20, $0x7;
	[tilespmem:v14+s5+$0x0] =	vst.idx.add.f32.msk $0xffff, v2;
	v13 =	vtrunc.f32 v19;
	v14 =	vtrunc.f32 v18  }
0x4a6: {  	_ =	sdelay $0x1  }
0x4a7: {  	v12 =	vor.u32 v1, v12  }
0x4a8: {  	v13 =	vcvt.f32.s32 v13;
	v14 =	vcvt.f32.s32 v14;
	v5 =	vor.u32 v1, v5  }
0x4a9: {  	v3 =	vcvt.f32.s32 v3;
	[tilespmem:v4+s5+$0x0] =	vst.idx.add.f32.msk $0xffff, v2;
	v4 =	vor.u32 v1, v6;
	v7 =	vshll.u32 v7, $0x7  }
0x4aa: {  	[tilespmem:v9+s5+$0x0] =	vst.idx.add.f32.msk $0xffff, v2;
	v9 =	vcvt.f32.s32 v11;
	v7 =	vor.u32 v1, v7;
	v13 =	vshll.u32 v13, $0x7  }
0x4ab: {  	[tilespmem:v8+s5+$0x0] =	vst.idx.add.f32.msk $0xffff, v2;
	v10 =	vtrunc.f32 v10;
	v8 =	vshll.u32 v14, $0x7;
	v13 =	vor.u32 v1, v13  }
0x4ac: {  	v10 =	vcvt.f32.s32 v10;
	v3 =	vshll.u32 v3, $0x7;
	v8 =	vor.u32 v1, v8;
	[tilespmem:v12+s5+$0x0] =	vst.idx.add.f32.msk $0xffff, v2  }
0x4ad: {  	v6 =	vshll.u32 v9, $0x7;
	v3 =	vor.u32 v1, v3;
	[tilespmem:v5+s5+$0x0] =	vst.idx.add.f32.msk $0xffff, v2  }
0x4ae: {  	v6 =	vor.u32 v1, v6;
	v10 =	vshll.u32 v10, $0x7;
	[tilespmem:v4+s5+$0x0] =	vst.idx.add.f32.msk $0xffff, v2  }
0x4af: {  	v10 =	vor.u32 v1, v10;
	[tilespmem:v7+s5+$0x0] =	vst.idx.add.f32.msk $0xffff, v2  }
0x4b0: {  	[tilespmem:v13+s5+$0x0] =	vst.idx.add.f32.msk $0xffff, v2  }
0x4b1: {  	[tilespmem:v8+s5+$0x0] =	vst.idx.add.f32.msk $0xffff, v2  }
0x4b2: {  	[tilespmem:v3+s5+$0x0] =	vst.idx.add.f32.msk $0xffff, v2  }
0x4b3: {  	[tilespmem:v6+s5+$0x0] =	vst.idx.add.f32.msk $0xffff, v2  }
0x4b4: {  	[tilespmem:v10+s5+$0x0] =	vst.idx.add.f32.msk $0xffff, v2  }
0x4b5: {  	s12 =	rddreg [dreg:$0xc]  }
0x4b6: {  	[tilespmem:s19], [sflag:$0x1] =	stream.strided.gather [hbm4b:s12+s6], $0x4000, s2, s6, $0x38;
	[tilespmem:$0x18300] =	vst v63  }
0x4b7: {  	_ =	swait.ge [sflag:s7], $0x4000  }
0x4b8: {  	[sflag:s7] =	ssyncset.done $0x0  }
0x4b9: {  	s12 =	simm.s32 $0x4080;
	[sflag:s7] =	ssyncadd.s32 $0xFFFFC000  }
0x4ba: {  	v3 =	vld [tilespmem:s12+$0xFFFFFFE0]  }
0x4bb: {  	v4 =	vld [tilespmem:s12+$0xFFFFFFF0]  }
0x4bc: {  	v5 =	vld [tilespmem:s12+$0x0]  }
0x4bd: {  	v6 =	vld [tilespmem:s12+$0x10]  }
0x4be: {  	v8 =	vld [tilespmem:s12+$0x30]  }
0x4bf: {  	v10 =	vld [tilespmem:s12+$0x20]  }
0x4c0: {  	v7 =	vld [tilespmem:s12+$0xFFFFFFB0];
	_ =	sdelay $0x1  }
0x4c1: {  	v9 =	vld [tilespmem:s12+$0xFFFFFFC0];
	v3 =	vtrunc.f32 v3;
	v5 =	vtrunc.f32 v5  }
0x4c2: {  	v11 =	vld [tilespmem:s12+$0xFFFFFFA0];
	v6 =	vtrunc.f32 v6;
	v4 =	vtrunc.f32 v4  }
0x4c3: {  	v8 =	vtrunc.f32 v8;
	v10 =	vtrunc.f32 v10  }
0x4c4: {  	v12 =	vld [tilespmem:s12+$0xFFFFFF90];
	v7 =	vtrunc.f32 v7;
	v6 =	vcvt.f32.s32 v6  }
0x4c5: {  	v4 =	vcvt.f32.s32 v4;
	v13 =	vcvt.f32.s32 v3  }
0x4c6: {  	v5 =	vcvt.f32.s32 v5;
	v3 =	vtrunc.f32 v9;
	v9 =	vld [tilespmem:s12+$0xFFFFFFD0]  }
0x4c7: {  	v11 =	vtrunc.f32 v11;
	v10 =	vcvt.f32.s32 v10;
	v4 =	vshll.u32 v4, $0x7  }
0x4c8: {  	v5 =	vshll.u32 v5, $0x7;
	v14 =	vor.u32 v1, v4;
	v4 =	vshll.u32 v6, $0x7  }
0x4c9: {  	v15 =	vld [tilespmem:s12+$0xFFFFFF80];
	v6 =	vcvt.f32.s32 v8;
	v8 =	vtrunc.f32 v12;
	v12 =	vshll.u32 v13, $0x7  }
0x4ca: {  	v16 =	vld [tilespmem:s12+$0x50];
	v8 =	vcvt.f32.s32 v8;
	v13 =	vor.u32 v1, v4;
	v4 =	vshll.u32 v10, $0x7  }
0x4cb: {  	v17 =	vld [tilespmem:s12+$0x70];
	v12 =	vor.u32 v1, v12;
	v6 =	vshll.u32 v6, $0x7;
	v18 =	vtrunc.f32 v9  }
0x4cc: {  	v20 =	vld [tilespmem:s12+$0x40];
	v19 =	vor.u32 v1, v4;
	v9 =	vcvt.f32.s32 v11;
	v8 =	vshll.u32 v8, $0x7  }
0x4cd: {  	v10 =	vld [tilespmem:s12+$0x60];
	v11 =	vcvt.f32.s32 v7;
	v4 =	vor.u32 v1, v8;
	v8 =	vor.u32 v1, v6  }
0x4ce: {  	v7 =	vtrunc.f32 v15;
	v6 =	vshll.u32 v9, $0x7;
	v9 =	vor.u32 v1, v5;
	[tilespmem:v14+s5+$0x0] =	vst.idx.add.f32.msk $0xffff, v2  }
0x4cf: {  	v14 =	vcvt.f32.s32 v7;
	[tilespmem:v13+s5+$0x0] =	vst.idx.add.f32.msk $0xffff, v2  }
0x4d0: {  	v5 =	vshll.u32 v11, $0x7;
	v11 =	vtrunc.f32 v16;
	v7 =	vcvt.f32.s32 v18;
	[tilespmem:v12+s5+$0x0] =	vst.idx.add.f32.msk $0xffff, v2  }
0x4d1: {  	s13 =	simm.s32 $0x0;
	v13 =	vtrunc.f32 v20;
	v12 =	vshll.u32 v14, $0x7;
	[tilespmem:v19+s5+$0x0] =	vst.idx.add.f32.msk $0xffff, v2;
	v14 =	vtrunc.f32 v17  }
.LBB2_36:
0x4d2: {  	s13 =	sadd.s32 $0x10, s13;
	v12 =	vor.u32 v1, v12;
	[tilespmem:v8+s5+$0x0] =	vst.idx.add.f32.msk $0xffff, v2;
	v8 =	vcvt.f32.s32 v11;
	v11 =	vcvt.f32.s32 v14;
	s12 =	sadd.s32 $0x100, s12  }
0x4d3: {  	v7 =	vshll.u32 v7, $0x7;
	p0 =	slt.u32 s13, $0x3F0;
	[tilespmem:v9+s5+$0x0] =	vst.idx.add.f32.msk $0xffff, v2;
	v9 =	vcvt.f32.s32 v13;
	v10 =	vtrunc.f32 v10  }
0x4d4: {  	v6 =	vor.u32 v1, v6;
	v13 =	vld [tilespmem:s12+$0xFFFFFFD0];
	v10 =	vcvt.f32.s32 v10;
	v11 =	vshll.u32 v11, $0x7  }
0x4d5: {  	v8 =	vshll.u32 v8, $0x7;
	v14 =	vld [tilespmem:s12+$0xFFFFFF90];
	v9 =	vshll.u32 v9, $0x7;
	v11 =	vor.u32 v1, v11  }
0x4d6: {  	v15 =	vld [tilespmem:s12+$0xFFFFFFA0];
	v10 =	vshll.u32 v10, $0x7  }
0x4d7: {  	v16 =	vld [tilespmem:s12+$0xFFFFFFB0];
	v10 =	vor.u32 v1, v10  }
0x4d8: {  	v17 =	vld [tilespmem:s12+$0xFFFFFFC0]  }
0x4d9: {  	v3 =	vcvt.f32.s32 v3;
	v18 =	vld [tilespmem:s12+$0xFFFFFFE0]  }
0x4da: {  	v19 =	vld [tilespmem:s12+$0xFFFFFFF0]  }
0x4db: {  	v3 =	vshll.u32 v3, $0x7;
	[tilespmem:v4+s5+$0x0] =	vst.idx.add.f32.msk $0xffff, v2  }
0x4dc: {  	v20 =	vor.u32 v1, v3;
	v3 =	vor.u32 v1, v9;
	v4 =	vld [tilespmem:s12+$0x0]  }
0x4dd: {  	v9 =	vld [tilespmem:s12+$0x10]  }
0x4de: {  	v5 =	vor.u32 v1, v5;
	v18 =	vtrunc.f32 v18;
	v21 =	vld [tilespmem:s12+$0x20]  }
0x4df: {  	v22 =	vld [tilespmem:s12+$0x30]  }
0x4e0: {  	[tilespmem:v10+s5+$0x0] =	vst.idx.add.f32.msk $0xffff, v2  }
0x4e1: {  	v7 =	vor.u32 v1, v7;
	[tilespmem:v3+s5+$0x0] =	vst.idx.add.f32.msk $0xffff, v2  }
0x4e2: {  	v8 =	vor.u32 v1, v8;
	v3 =	vtrunc.f32 v4;
	v4 =	vtrunc.f32 v9;
	[tilespmem:v12+s5+$0x0] =	vst.idx.add.f32.msk $0xffff, v2  }
0x4e3: {  	v9 =	vtrunc.f32 v19;
	v4 =	vcvt.f32.s32 v4;
	[tilespmem:v5+s5+$0x0] =	vst.idx.add.f32.msk $0xffff, v2  }
0x4e4: {  	v5 =	vcvt.f32.s32 v9;
	v9 =	vtrunc.f32 v22;
	[tilespmem:v11+s5+$0x0] =	vst.idx.add.f32.msk $0xffff, v2  }
0x4e5: {  	v10 =	vcvt.f32.s32 v18;
	v11 =	vcvt.f32.s32 v3;
	v4 =	vshll.u32 v4, $0x7;
	[tilespmem:v6+s5+$0x0] =	vst.idx.add.f32.msk $0xffff, v2  }
0x4e6: {  	v3 =	vtrunc.f32 v17;
	v6 =	vtrunc.f32 v21;
	[tilespmem:v20+s5+$0x0] =	vst.idx.add.f32.msk $0xffff, v2  }
0x4e7: {  	v12 =	vtrunc.f32 v16;
	v5 =	vshll.u32 v5, $0x7;
	v6 =	vcvt.f32.s32 v6;
	[tilespmem:v8+s5+$0x0] =	vst.idx.add.f32.msk $0xffff, v2  }
0x4e8: {  	v9 =	vcvt.f32.s32 v9;
	v5 =	vor.u32 v1, v5;
	v8 =	vtrunc.f32 v15;
	[tilespmem:v7+s5+$0x0] =	vst.idx.add.f32.msk $0xffff, v2  }
0x4e9: {  	v14 =	vtrunc.f32 v14;
	v10 =	vshll.u32 v10, $0x7;
	v6 =	vshll.u32 v6, $0x7;
	v7 =	vld [tilespmem:s12+$0xFFFFFF80]  }
0x4ea: {  	v14 =	vcvt.f32.s32 v14;
	v15 =	vor.u32 v1, v4;
	v9 =	vshll.u32 v9, $0x7;
	v16 =	vld [tilespmem:s12+$0x50]  }
0x4eb: {  	v13 =	vtrunc.f32 v13;
	v17 =	vor.u32 v1, v10;
	v10 =	vshll.u32 v11, $0x7;
	v18 =	vld [tilespmem:s12+$0x70]  }
0x4ec: {  	v4 =	vshll.u32 v14, $0x7;
	v11 =	vcvt.f32.s32 v8;
	v14 =	vor.u32 v1, v6;
	v19 =	vld [tilespmem:s12+$0x40]  }
.Ltmp17:
0x4ed: {  	v12 =	vcvt.f32.s32 v12;
	v4 =	vor.u32 v1, v4;
	v8 =	vor.u32 v1, v9;
	[tilespmem:v5+s5+$0x0] =	vst.idx.add.f32.msk $0xffff, v2;
	(pc) =	sbr.rel @p0 .LBB2_36-.Ltmp17, $4  }
0x4ee: {  	v9 =	vor.u32 v1, v10;
	v6 =	vshll.u32 v11, $0x7;
	v5 =	vtrunc.f32 v7;
	v10 =	vld [tilespmem:s12+$0x60]  }
0x4ef: {  	v7 =	vcvt.f32.s32 v13;
	v20 =	vcvt.f32.s32 v5;
	[tilespmem:v15+s5+$0x0] =	vst.idx.add.f32.msk $0xffff, v2  }
0x4f0: {  	v5 =	vshll.u32 v12, $0x7;
	v11 =	vtrunc.f32 v16;
	[tilespmem:v17+s5+$0x0] =	vst.idx.add.f32.msk $0xffff, v2  }
0x4f1: {  	v12 =	vshll.u32 v20, $0x7;
	[tilespmem:v14+s5+$0x0] =	vst.idx.add.f32.msk $0xffff, v2;
	v13 =	vtrunc.f32 v19;
	v14 =	vtrunc.f32 v18  }
0x4f2: {  	_ =	sdelay $0x1  }
0x4f3: {  	v12 =	vor.u32 v1, v12  }
0x4f4: {  	v13 =	vcvt.f32.s32 v13;
	v14 =	vcvt.f32.s32 v14;
	v5 =	vor.u32 v1, v5  }
0x4f5: {  	v3 =	vcvt.f32.s32 v3;
	[tilespmem:v4+s5+$0x0] =	vst.idx.add.f32.msk $0xffff, v2;
	v4 =	vor.u32 v1, v6;
	v7 =	vshll.u32 v7, $0x7  }
0x4f6: {  	[tilespmem:v9+s5+$0x0] =	vst.idx.add.f32.msk $0xffff, v2;
	v9 =	vcvt.f32.s32 v11;
	v7 =	vor.u32 v1, v7;
	v13 =	vshll.u32 v13, $0x7  }
0x4f7: {  	[tilespmem:v8+s5+$0x0] =	vst.idx.add.f32.msk $0xffff, v2;
	v10 =	vtrunc.f32 v10;
	v8 =	vshll.u32 v14, $0x7;
	v13 =	vor.u32 v1, v13  }
0x4f8: {  	v10 =	vcvt.f32.s32 v10;
	v3 =	vshll.u32 v3, $0x7;
	v8 =	vor.u32 v1, v8;
	[tilespmem:v12+s5+$0x0] =	vst.idx.add.f32.msk $0xffff, v2  }
0x4f9: {  	v6 =	vshll.u32 v9, $0x7;
	v3 =	vor.u32 v1, v3;
	[tilespmem:v5+s5+$0x0] =	vst.idx.add.f32.msk $0xffff, v2  }
0x4fa: {  	v6 =	vor.u32 v1, v6;
	v10 =	vshll.u32 v10, $0x7;
	[tilespmem:v4+s5+$0x0] =	vst.idx.add.f32.msk $0xffff, v2  }
0x4fb: {  	v10 =	vor.u32 v1, v10;
	[tilespmem:v7+s5+$0x0] =	vst.idx.add.f32.msk $0xffff, v2  }
0x4fc: {  	[tilespmem:v13+s5+$0x0] =	vst.idx.add.f32.msk $0xffff, v2  }
0x4fd: {  	[tilespmem:v8+s5+$0x0] =	vst.idx.add.f32.msk $0xffff, v2  }
0x4fe: {  	[tilespmem:v3+s5+$0x0] =	vst.idx.add.f32.msk $0xffff, v2  }
0x4ff: {  	[tilespmem:v6+s5+$0x0] =	vst.idx.add.f32.msk $0xffff, v2  }
0x500: {  	[tilespmem:v10+s5+$0x0] =	vst.idx.add.f32.msk $0xffff, v2  }
0x501: {  	s12 =	simm.s32 $0x80;
	s13 =	rddreg [dreg:$0xd]  }
0x502: {  	[tilespmem:s3], [sflag:$0x2] =	stream.strided.gather [hbm4b:s13+s12], $0x4000, s2, s12, $0x38;
	[tilespmem:$0x18300] =	vst v63  }
0x503: {  	_ =	swait.ge [sflag:s4], $0x4000  }
0x504: {  	[sflag:s4] =	ssyncset.done $0x0  }
0x505: {  	[sflag:s4] =	ssyncadd.s32 $0xFFFFC000  }
0x506: {  	v3 =	vld [tilespmem:s12+$0xFFFFFFE0]  }
0x507: {  	v4 =	vld [tilespmem:s12+$0xFFFFFFF0]  }
0x508: {  	v5 =	vld [tilespmem:s12+$0x0]  }
0x509: {  	v6 =	vld [tilespmem:s12+$0x10]  }
0x50a: {  	v8 =	vld [tilespmem:s12+$0x30]  }
0x50b: {  	v10 =	vld [tilespmem:s12+$0x20]  }
0x50c: {  	v7 =	vld [tilespmem:s12+$0xFFFFFFB0];
	_ =	sdelay $0x1  }
0x50d: {  	v9 =	vld [tilespmem:s12+$0xFFFFFFC0];
	v3 =	vtrunc.f32 v3;
	v5 =	vtrunc.f32 v5  }
0x50e: {  	v11 =	vld [tilespmem:s12+$0xFFFFFFA0];
	v6 =	vtrunc.f32 v6;
	v4 =	vtrunc.f32 v4  }
0x50f: {  	v8 =	vtrunc.f32 v8;
	v10 =	vtrunc.f32 v10  }
0x510: {  	v12 =	vld [tilespmem:s12+$0xFFFFFF90];
	v7 =	vtrunc.f32 v7;
	v6 =	vcvt.f32.s32 v6  }
0x511: {  	v4 =	vcvt.f32.s32 v4;
	v13 =	vcvt.f32.s32 v3  }
0x512: {  	v5 =	vcvt.f32.s32 v5;
	v3 =	vtrunc.f32 v9;
	v9 =	vld [tilespmem:s12+$0xFFFFFFD0]  }
0x513: {  	v11 =	vtrunc.f32 v11;
	v10 =	vcvt.f32.s32 v10;
	v4 =	vshll.u32 v4, $0x7  }
0x514: {  	v5 =	vshll.u32 v5, $0x7;
	v14 =	vor.u32 v1, v4;
	v4 =	vshll.u32 v6, $0x7  }
0x515: {  	v15 =	vld [tilespmem:s12+$0xFFFFFF80];
	v6 =	vcvt.f32.s32 v8;
	v8 =	vtrunc.f32 v12;
	v12 =	vshll.u32 v13, $0x7  }
0x516: {  	v16 =	vld [tilespmem:s12+$0x50];
	v8 =	vcvt.f32.s32 v8;
	v13 =	vor.u32 v1, v4;
	v4 =	vshll.u32 v10, $0x7  }
0x517: {  	v17 =	vld [tilespmem:s12+$0x70];
	v12 =	vor.u32 v1, v12;
	v6 =	vshll.u32 v6, $0x7;
	v18 =	vtrunc.f32 v9  }
0x518: {  	v20 =	vld [tilespmem:s12+$0x40];
	v19 =	vor.u32 v1, v4;
	v9 =	vcvt.f32.s32 v11;
	v8 =	vshll.u32 v8, $0x7  }
0x519: {  	v10 =	vld [tilespmem:s12+$0x60];
	v11 =	vcvt.f32.s32 v7;
	v4 =	vor.u32 v1, v8;
	v8 =	vor.u32 v1, v6  }
0x51a: {  	v7 =	vtrunc.f32 v15;
	v6 =	vshll.u32 v9, $0x7;
	v9 =	vor.u32 v1, v5;
	[tilespmem:v14+s5+$0x0] =	vst.idx.add.f32.msk $0xffff, v2  }
0x51b: {  	v14 =	vcvt.f32.s32 v7;
	[tilespmem:v13+s5+$0x0] =	vst.idx.add.f32.msk $0xffff, v2  }
0x51c: {  	v5 =	vshll.u32 v11, $0x7;
	v11 =	vtrunc.f32 v16;
	v7 =	vcvt.f32.s32 v18;
	[tilespmem:v12+s5+$0x0] =	vst.idx.add.f32.msk $0xffff, v2  }
0x51d: {  	s13 =	simm.s32 $0x0;
	v13 =	vtrunc.f32 v20;
	v12 =	vshll.u32 v14, $0x7;
	[tilespmem:v19+s5+$0x0] =	vst.idx.add.f32.msk $0xffff, v2;
	v14 =	vtrunc.f32 v17  }
.LBB2_38:
0x51e: {  	s13 =	sadd.s32 $0x10, s13;
	v12 =	vor.u32 v1, v12;
	[tilespmem:v8+s5+$0x0] =	vst.idx.add.f32.msk $0xffff, v2;
	v8 =	vcvt.f32.s32 v11;
	v11 =	vcvt.f32.s32 v14;
	s12 =	sadd.s32 $0x100, s12  }
0x51f: {  	v7 =	vshll.u32 v7, $0x7;
	p0 =	slt.u32 s13, $0x3F0;
	[tilespmem:v9+s5+$0x0] =	vst.idx.add.f32.msk $0xffff, v2;
	v9 =	vcvt.f32.s32 v13;
	v10 =	vtrunc.f32 v10  }
0x520: {  	v6 =	vor.u32 v1, v6;
	v13 =	vld [tilespmem:s12+$0xFFFFFFD0];
	v10 =	vcvt.f32.s32 v10;
	v11 =	vshll.u32 v11, $0x7  }
0x521: {  	v8 =	vshll.u32 v8, $0x7;
	v14 =	vld [tilespmem:s12+$0xFFFFFF90];
	v9 =	vshll.u32 v9, $0x7;
	v11 =	vor.u32 v1, v11  }
0x522: {  	v15 =	vld [tilespmem:s12+$0xFFFFFFA0];
	v10 =	vshll.u32 v10, $0x7  }
0x523: {  	v16 =	vld [tilespmem:s12+$0xFFFFFFB0];
	v10 =	vor.u32 v1, v10  }
0x524: {  	v17 =	vld [tilespmem:s12+$0xFFFFFFC0]  }
0x525: {  	v3 =	vcvt.f32.s32 v3;
	v18 =	vld [tilespmem:s12+$0xFFFFFFE0]  }
0x526: {  	v19 =	vld [tilespmem:s12+$0xFFFFFFF0]  }
0x527: {  	v3 =	vshll.u32 v3, $0x7;
	[tilespmem:v4+s5+$0x0] =	vst.idx.add.f32.msk $0xffff, v2  }
0x528: {  	v20 =	vor.u32 v1, v3;
	v3 =	vor.u32 v1, v9;
	v4 =	vld [tilespmem:s12+$0x0]  }
0x529: {  	v9 =	vld [tilespmem:s12+$0x10]  }
0x52a: {  	v5 =	vor.u32 v1, v5;
	v18 =	vtrunc.f32 v18;
	v21 =	vld [tilespmem:s12+$0x20]  }
0x52b: {  	v22 =	vld [tilespmem:s12+$0x30]  }
0x52c: {  	[tilespmem:v10+s5+$0x0] =	vst.idx.add.f32.msk $0xffff, v2  }
0x52d: {  	v7 =	vor.u32 v1, v7;
	[tilespmem:v3+s5+$0x0] =	vst.idx.add.f32.msk $0xffff, v2  }
0x52e: {  	v8 =	vor.u32 v1, v8;
	v3 =	vtrunc.f32 v4;
	v4 =	vtrunc.f32 v9;
	[tilespmem:v12+s5+$0x0] =	vst.idx.add.f32.msk $0xffff, v2  }
0x52f: {  	v9 =	vtrunc.f32 v19;
	v4 =	vcvt.f32.s32 v4;
	[tilespmem:v5+s5+$0x0] =	vst.idx.add.f32.msk $0xffff, v2  }
0x530: {  	v5 =	vcvt.f32.s32 v9;
	v9 =	vtrunc.f32 v22;
	[tilespmem:v11+s5+$0x0] =	vst.idx.add.f32.msk $0xffff, v2  }
0x531: {  	v10 =	vcvt.f32.s32 v18;
	v11 =	vcvt.f32.s32 v3;
	v4 =	vshll.u32 v4, $0x7;
	[tilespmem:v6+s5+$0x0] =	vst.idx.add.f32.msk $0xffff, v2  }
0x532: {  	v3 =	vtrunc.f32 v17;
	v6 =	vtrunc.f32 v21;
	[tilespmem:v20+s5+$0x0] =	vst.idx.add.f32.msk $0xffff, v2  }
0x533: {  	v12 =	vtrunc.f32 v16;
	v5 =	vshll.u32 v5, $0x7;
	v6 =	vcvt.f32.s32 v6;
	[tilespmem:v8+s5+$0x0] =	vst.idx.add.f32.msk $0xffff, v2  }
0x534: {  	v9 =	vcvt.f32.s32 v9;
	v5 =	vor.u32 v1, v5;
	v8 =	vtrunc.f32 v15;
	[tilespmem:v7+s5+$0x0] =	vst.idx.add.f32.msk $0xffff, v2  }
0x535: {  	v14 =	vtrunc.f32 v14;
	v10 =	vshll.u32 v10, $0x7;
	v6 =	vshll.u32 v6, $0x7;
	v7 =	vld [tilespmem:s12+$0xFFFFFF80]  }
0x536: {  	v14 =	vcvt.f32.s32 v14;
	v15 =	vor.u32 v1, v4;
	v9 =	vshll.u32 v9, $0x7;
	v16 =	vld [tilespmem:s12+$0x50]  }
0x537: {  	v13 =	vtrunc.f32 v13;
	v17 =	vor.u32 v1, v10;
	v10 =	vshll.u32 v11, $0x7;
	v18 =	vld [tilespmem:s12+$0x70]  }
0x538: {  	v4 =	vshll.u32 v14, $0x7;
	v11 =	vcvt.f32.s32 v8;
	v14 =	vor.u32 v1, v6;
	v19 =	vld [tilespmem:s12+$0x40]  }
.Ltmp18:
0x539: {  	v12 =	vcvt.f32.s32 v12;
	v4 =	vor.u32 v1, v4;
	v8 =	vor.u32 v1, v9;
	[tilespmem:v5+s5+$0x0] =	vst.idx.add.f32.msk $0xffff, v2;
	(pc) =	sbr.rel @p0 .LBB2_38-.Ltmp18, $4  }
0x53a: {  	v9 =	vor.u32 v1, v10;
	v6 =	vshll.u32 v11, $0x7;
	v5 =	vtrunc.f32 v7;
	v10 =	vld [tilespmem:s12+$0x60]  }
0x53b: {  	v7 =	vcvt.f32.s32 v13;
	v20 =	vcvt.f32.s32 v5;
	[tilespmem:v15+s5+$0x0] =	vst.idx.add.f32.msk $0xffff, v2  }
0x53c: {  	v5 =	vshll.u32 v12, $0x7;
	v11 =	vtrunc.f32 v16;
	[tilespmem:v17+s5+$0x0] =	vst.idx.add.f32.msk $0xffff, v2  }
0x53d: {  	v12 =	vshll.u32 v20, $0x7;
	[tilespmem:v14+s5+$0x0] =	vst.idx.add.f32.msk $0xffff, v2;
	v13 =	vtrunc.f32 v19;
	v14 =	vtrunc.f32 v18  }
0x53e: {  	_ =	sdelay $0x1  }
0x53f: {  	v12 =	vor.u32 v1, v12  }
0x540: {  	v13 =	vcvt.f32.s32 v13;
	v14 =	vcvt.f32.s32 v14;
	v5 =	vor.u32 v1, v5  }
0x541: {  	v3 =	vcvt.f32.s32 v3;
	[tilespmem:v4+s5+$0x0] =	vst.idx.add.f32.msk $0xffff, v2;
	v4 =	vor.u32 v1, v6;
	v7 =	vshll.u32 v7, $0x7  }
0x542: {  	[tilespmem:v9+s5+$0x0] =	vst.idx.add.f32.msk $0xffff, v2;
	v9 =	vcvt.f32.s32 v11;
	v7 =	vor.u32 v1, v7;
	v13 =	vshll.u32 v13, $0x7  }
0x543: {  	[tilespmem:v8+s5+$0x0] =	vst.idx.add.f32.msk $0xffff, v2;
	v10 =	vtrunc.f32 v10;
	v8 =	vshll.u32 v14, $0x7;
	v13 =	vor.u32 v1, v13  }
0x544: {  	v10 =	vcvt.f32.s32 v10;
	v3 =	vshll.u32 v3, $0x7;
	v8 =	vor.u32 v1, v8;
	[tilespmem:v12+s5+$0x0] =	vst.idx.add.f32.msk $0xffff, v2  }
0x545: {  	v6 =	vshll.u32 v9, $0x7;
	v3 =	vor.u32 v1, v3;
	[tilespmem:v5+s5+$0x0] =	vst.idx.add.f32.msk $0xffff, v2  }
0x546: {  	v6 =	vor.u32 v1, v6;
	v10 =	vshll.u32 v10, $0x7;
	[tilespmem:v4+s5+$0x0] =	vst.idx.add.f32.msk $0xffff, v2  }
0x547: {  	v10 =	vor.u32 v1, v10;
	[tilespmem:v7+s5+$0x0] =	vst.idx.add.f32.msk $0xffff, v2  }
0x548: {  	[tilespmem:v13+s5+$0x0] =	vst.idx.add.f32.msk $0xffff, v2  }
0x549: {  	[tilespmem:v8+s5+$0x0] =	vst.idx.add.f32.msk $0xffff, v2  }
0x54a: {  	[tilespmem:v3+s5+$0x0] =	vst.idx.add.f32.msk $0xffff, v2  }
0x54b: {  	[tilespmem:v6+s5+$0x0] =	vst.idx.add.f32.msk $0xffff, v2  }
0x54c: {  	[tilespmem:v10+s5+$0x0] =	vst.idx.add.f32.msk $0xffff, v2  }
0x54d: {  	s12 =	rddreg [dreg:$0xe]  }
0x54e: {  	[tilespmem:s19], [sflag:$0x1] =	stream.strided.gather [hbm4b:s12+s6], $0x4000, s2, s6, $0x38;
	[tilespmem:$0x18300] =	vst v63  }
0x54f: {  	_ =	swait.ge [sflag:s7], $0x4000  }
0x550: {  	[sflag:s7] =	ssyncset.done $0x0  }
0x551: {  	s12 =	simm.s32 $0x4080;
	[sflag:s7] =	ssyncadd.s32 $0xFFFFC000  }
0x552: {  	v3 =	vld [tilespmem:s12+$0xFFFFFFE0]  }
0x553: {  	v4 =	vld [tilespmem:s12+$0xFFFFFFF0]  }
0x554: {  	v5 =	vld [tilespmem:s12+$0x0]  }
0x555: {  	v6 =	vld [tilespmem:s12+$0x10]  }
0x556: {  	v8 =	vld [tilespmem:s12+$0x30]  }
0x557: {  	v10 =	vld [tilespmem:s12+$0x20]  }
0x558: {  	v7 =	vld [tilespmem:s12+$0xFFFFFFB0];
	_ =	sdelay $0x1  }
0x559: {  	v9 =	vld [tilespmem:s12+$0xFFFFFFC0];
	v3 =	vtrunc.f32 v3;
	v5 =	vtrunc.f32 v5  }
0x55a: {  	v11 =	vld [tilespmem:s12+$0xFFFFFFA0];
	v6 =	vtrunc.f32 v6;
	v4 =	vtrunc.f32 v4  }
0x55b: {  	v8 =	vtrunc.f32 v8;
	v10 =	vtrunc.f32 v10  }
0x55c: {  	v12 =	vld [tilespmem:s12+$0xFFFFFF90];
	v7 =	vtrunc.f32 v7;
	v6 =	vcvt.f32.s32 v6  }
0x55d: {  	v4 =	vcvt.f32.s32 v4;
	v13 =	vcvt.f32.s32 v3  }
0x55e: {  	v5 =	vcvt.f32.s32 v5;
	v3 =	vtrunc.f32 v9;
	v9 =	vld [tilespmem:s12+$0xFFFFFFD0]  }
0x55f: {  	v11 =	vtrunc.f32 v11;
	v10 =	vcvt.f32.s32 v10;
	v4 =	vshll.u32 v4, $0x7  }
0x560: {  	v5 =	vshll.u32 v5, $0x7;
	v14 =	vor.u32 v1, v4;
	v4 =	vshll.u32 v6, $0x7  }
0x561: {  	v15 =	vld [tilespmem:s12+$0xFFFFFF80];
	v6 =	vcvt.f32.s32 v8;
	v8 =	vtrunc.f32 v12;
	v12 =	vshll.u32 v13, $0x7  }
0x562: {  	v16 =	vld [tilespmem:s12+$0x50];
	v8 =	vcvt.f32.s32 v8;
	v13 =	vor.u32 v1, v4;
	v4 =	vshll.u32 v10, $0x7  }
0x563: {  	v17 =	vld [tilespmem:s12+$0x70];
	v12 =	vor.u32 v1, v12;
	v6 =	vshll.u32 v6, $0x7;
	v18 =	vtrunc.f32 v9  }
0x564: {  	v20 =	vld [tilespmem:s12+$0x40];
	v19 =	vor.u32 v1, v4;
	v9 =	vcvt.f32.s32 v11;
	v8 =	vshll.u32 v8, $0x7  }
0x565: {  	v10 =	vld [tilespmem:s12+$0x60];
	v11 =	vcvt.f32.s32 v7;
	v4 =	vor.u32 v1, v8;
	v8 =	vor.u32 v1, v6  }
0x566: {  	v7 =	vtrunc.f32 v15;
	v6 =	vshll.u32 v9, $0x7;
	v9 =	vor.u32 v1, v5;
	[tilespmem:v14+s5+$0x0] =	vst.idx.add.f32.msk $0xffff, v2  }
0x567: {  	v14 =	vcvt.f32.s32 v7;
	[tilespmem:v13+s5+$0x0] =	vst.idx.add.f32.msk $0xffff, v2  }
0x568: {  	v5 =	vshll.u32 v11, $0x7;
	v11 =	vtrunc.f32 v16;
	v7 =	vcvt.f32.s32 v18;
	[tilespmem:v12+s5+$0x0] =	vst.idx.add.f32.msk $0xffff, v2  }
0x569: {  	s13 =	simm.s32 $0x0;
	v13 =	vtrunc.f32 v20;
	v12 =	vshll.u32 v14, $0x7;
	[tilespmem:v19+s5+$0x0] =	vst.idx.add.f32.msk $0xffff, v2;
	v14 =	vtrunc.f32 v17  }
.LBB2_40:
0x56a: {  	s13 =	sadd.s32 $0x10, s13;
	v12 =	vor.u32 v1, v12;
	[tilespmem:v8+s5+$0x0] =	vst.idx.add.f32.msk $0xffff, v2;
	v8 =	vcvt.f32.s32 v11;
	v11 =	vcvt.f32.s32 v14;
	s12 =	sadd.s32 $0x100, s12  }
0x56b: {  	v7 =	vshll.u32 v7, $0x7;
	p0 =	slt.u32 s13, $0x3F0;
	[tilespmem:v9+s5+$0x0] =	vst.idx.add.f32.msk $0xffff, v2;
	v9 =	vcvt.f32.s32 v13;
	v10 =	vtrunc.f32 v10  }
0x56c: {  	v6 =	vor.u32 v1, v6;
	v13 =	vld [tilespmem:s12+$0xFFFFFFD0];
	v10 =	vcvt.f32.s32 v10;
	v11 =	vshll.u32 v11, $0x7  }
0x56d: {  	v8 =	vshll.u32 v8, $0x7;
	v14 =	vld [tilespmem:s12+$0xFFFFFF90];
	v9 =	vshll.u32 v9, $0x7;
	v11 =	vor.u32 v1, v11  }
0x56e: {  	v15 =	vld [tilespmem:s12+$0xFFFFFFA0];
	v10 =	vshll.u32 v10, $0x7  }
0x56f: {  	v16 =	vld [tilespmem:s12+$0xFFFFFFB0];
	v10 =	vor.u32 v1, v10  }
0x570: {  	v17 =	vld [tilespmem:s12+$0xFFFFFFC0]  }
0x571: {  	v3 =	vcvt.f32.s32 v3;
	v18 =	vld [tilespmem:s12+$0xFFFFFFE0]  }
0x572: {  	v19 =	vld [tilespmem:s12+$0xFFFFFFF0]  }
0x573: {  	v3 =	vshll.u32 v3, $0x7;
	[tilespmem:v4+s5+$0x0] =	vst.idx.add.f32.msk $0xffff, v2  }
0x574: {  	v20 =	vor.u32 v1, v3;
	v3 =	vor.u32 v1, v9;
	v4 =	vld [tilespmem:s12+$0x0]  }
0x575: {  	v9 =	vld [tilespmem:s12+$0x10]  }
0x576: {  	v5 =	vor.u32 v1, v5;
	v18 =	vtrunc.f32 v18;
	v21 =	vld [tilespmem:s12+$0x20]  }
0x577: {  	v22 =	vld [tilespmem:s12+$0x30]  }
0x578: {  	[tilespmem:v10+s5+$0x0] =	vst.idx.add.f32.msk $0xffff, v2  }
0x579: {  	v7 =	vor.u32 v1, v7;
	[tilespmem:v3+s5+$0x0] =	vst.idx.add.f32.msk $0xffff, v2  }
0x57a: {  	v8 =	vor.u32 v1, v8;
	v3 =	vtrunc.f32 v4;
	v4 =	vtrunc.f32 v9;
	[tilespmem:v12+s5+$0x0] =	vst.idx.add.f32.msk $0xffff, v2  }
0x57b: {  	v9 =	vtrunc.f32 v19;
	v4 =	vcvt.f32.s32 v4;
	[tilespmem:v5+s5+$0x0] =	vst.idx.add.f32.msk $0xffff, v2  }
0x57c: {  	v5 =	vcvt.f32.s32 v9;
	v9 =	vtrunc.f32 v22;
	[tilespmem:v11+s5+$0x0] =	vst.idx.add.f32.msk $0xffff, v2  }
0x57d: {  	v10 =	vcvt.f32.s32 v18;
	v11 =	vcvt.f32.s32 v3;
	v4 =	vshll.u32 v4, $0x7;
	[tilespmem:v6+s5+$0x0] =	vst.idx.add.f32.msk $0xffff, v2  }
0x57e: {  	v3 =	vtrunc.f32 v17;
	v6 =	vtrunc.f32 v21;
	[tilespmem:v20+s5+$0x0] =	vst.idx.add.f32.msk $0xffff, v2  }
0x57f: {  	v12 =	vtrunc.f32 v16;
	v5 =	vshll.u32 v5, $0x7;
	v6 =	vcvt.f32.s32 v6;
	[tilespmem:v8+s5+$0x0] =	vst.idx.add.f32.msk $0xffff, v2  }
0x580: {  	v9 =	vcvt.f32.s32 v9;
	v5 =	vor.u32 v1, v5;
	v8 =	vtrunc.f32 v15;
	[tilespmem:v7+s5+$0x0] =	vst.idx.add.f32.msk $0xffff, v2  }
0x581: {  	v14 =	vtrunc.f32 v14;
	v10 =	vshll.u32 v10, $0x7;
	v6 =	vshll.u32 v6, $0x7;
	v7 =	vld [tilespmem:s12+$0xFFFFFF80]  }
0x582: {  	v14 =	vcvt.f32.s32 v14;
	v15 =	vor.u32 v1, v4;
	v9 =	vshll.u32 v9, $0x7;
	v16 =	vld [tilespmem:s12+$0x50]  }
0x583: {  	v13 =	vtrunc.f32 v13;
	v17 =	vor.u32 v1, v10;
	v10 =	vshll.u32 v11, $0x7;
	v18 =	vld [tilespmem:s12+$0x70]  }
0x584: {  	v4 =	vshll.u32 v14, $0x7;
	v11 =	vcvt.f32.s32 v8;
	v14 =	vor.u32 v1, v6;
	v19 =	vld [tilespmem:s12+$0x40]  }
.Ltmp19:
0x585: {  	v12 =	vcvt.f32.s32 v12;
	v4 =	vor.u32 v1, v4;
	v8 =	vor.u32 v1, v9;
	[tilespmem:v5+s5+$0x0] =	vst.idx.add.f32.msk $0xffff, v2;
	(pc) =	sbr.rel @p0 .LBB2_40-.Ltmp19, $4  }
0x586: {  	v9 =	vor.u32 v1, v10;
	v6 =	vshll.u32 v11, $0x7;
	v5 =	vtrunc.f32 v7;
	v10 =	vld [tilespmem:s12+$0x60]  }
0x587: {  	v7 =	vcvt.f32.s32 v13;
	v20 =	vcvt.f32.s32 v5;
	[tilespmem:v15+s5+$0x0] =	vst.idx.add.f32.msk $0xffff, v2  }
0x588: {  	v5 =	vshll.u32 v12, $0x7;
	v11 =	vtrunc.f32 v16;
	[tilespmem:v17+s5+$0x0] =	vst.idx.add.f32.msk $0xffff, v2  }
0x589: {  	v12 =	vshll.u32 v20, $0x7;
	[tilespmem:v14+s5+$0x0] =	vst.idx.add.f32.msk $0xffff, v2;
	v13 =	vtrunc.f32 v19;
	v14 =	vtrunc.f32 v18  }
0x58a: {  	_ =	sdelay $0x1  }
0x58b: {  	v12 =	vor.u32 v1, v12  }
0x58c: {  	v13 =	vcvt.f32.s32 v13;
	v14 =	vcvt.f32.s32 v14;
	v5 =	vor.u32 v1, v5  }
0x58d: {  	v3 =	vcvt.f32.s32 v3;
	[tilespmem:v4+s5+$0x0] =	vst.idx.add.f32.msk $0xffff, v2;
	v4 =	vor.u32 v1, v6;
	v7 =	vshll.u32 v7, $0x7  }
0x58e: {  	[tilespmem:v9+s5+$0x0] =	vst.idx.add.f32.msk $0xffff, v2;
	v9 =	vcvt.f32.s32 v11;
	v7 =	vor.u32 v1, v7;
	v13 =	vshll.u32 v13, $0x7  }
0x58f: {  	[tilespmem:v8+s5+$0x0] =	vst.idx.add.f32.msk $0xffff, v2;
	v10 =	vtrunc.f32 v10;
	v8 =	vshll.u32 v14, $0x7;
	v13 =	vor.u32 v1, v13  }
0x590: {  	v10 =	vcvt.f32.s32 v10;
	v3 =	vshll.u32 v3, $0x7;
	v8 =	vor.u32 v1, v8;
	[tilespmem:v12+s5+$0x0] =	vst.idx.add.f32.msk $0xffff, v2  }
0x591: {  	v6 =	vshll.u32 v9, $0x7;
	v3 =	vor.u32 v1, v3;
	[tilespmem:v5+s5+$0x0] =	vst.idx.add.f32.msk $0xffff, v2  }
0x592: {  	v6 =	vor.u32 v1, v6;
	v10 =	vshll.u32 v10, $0x7;
	[tilespmem:v4+s5+$0x0] =	vst.idx.add.f32.msk $0xffff, v2  }
0x593: {  	v10 =	vor.u32 v1, v10;
	[tilespmem:v7+s5+$0x0] =	vst.idx.add.f32.msk $0xffff, v2  }
0x594: {  	[tilespmem:v13+s5+$0x0] =	vst.idx.add.f32.msk $0xffff, v2  }
0x595: {  	[tilespmem:v8+s5+$0x0] =	vst.idx.add.f32.msk $0xffff, v2  }
0x596: {  	[tilespmem:v3+s5+$0x0] =	vst.idx.add.f32.msk $0xffff, v2  }
0x597: {  	[tilespmem:v6+s5+$0x0] =	vst.idx.add.f32.msk $0xffff, v2  }
0x598: {  	[tilespmem:v10+s5+$0x0] =	vst.idx.add.f32.msk $0xffff, v2  }
0x599: {  	s12 =	simm.s32 $0x80;
	s13 =	rddreg [dreg:$0xf]  }
0x59a: {  	[tilespmem:s3], [sflag:$0x2] =	stream.strided.gather [hbm4b:s13+s12], $0x4000, s2, s12, $0x38;
	[tilespmem:$0x18300] =	vst v63  }
0x59b: {  	_ =	swait.ge [sflag:s4], $0x4000  }
0x59c: {  	[sflag:s4] =	ssyncset.done $0x0  }
0x59d: {  	[sflag:s4] =	ssyncadd.s32 $0xFFFFC000  }
0x59e: {  	v3 =	vld [tilespmem:s12+$0xFFFFFFE0]  }
0x59f: {  	v4 =	vld [tilespmem:s12+$0xFFFFFFF0]  }
0x5a0: {  	v5 =	vld [tilespmem:s12+$0x0]  }
0x5a1: {  	v6 =	vld [tilespmem:s12+$0x10]  }
0x5a2: {  	v8 =	vld [tilespmem:s12+$0x30]  }
0x5a3: {  	v10 =	vld [tilespmem:s12+$0x20]  }
0x5a4: {  	v7 =	vld [tilespmem:s12+$0xFFFFFFB0];
	_ =	sdelay $0x1  }
0x5a5: {  	v9 =	vld [tilespmem:s12+$0xFFFFFFC0];
	v3 =	vtrunc.f32 v3;
	v5 =	vtrunc.f32 v5  }
0x5a6: {  	v11 =	vld [tilespmem:s12+$0xFFFFFFA0];
	v6 =	vtrunc.f32 v6;
	v4 =	vtrunc.f32 v4  }
0x5a7: {  	v8 =	vtrunc.f32 v8;
	v10 =	vtrunc.f32 v10  }
0x5a8: {  	v12 =	vld [tilespmem:s12+$0xFFFFFF90];
	v7 =	vtrunc.f32 v7;
	v6 =	vcvt.f32.s32 v6  }
0x5a9: {  	v4 =	vcvt.f32.s32 v4;
	v13 =	vcvt.f32.s32 v3  }
0x5aa: {  	v5 =	vcvt.f32.s32 v5;
	v3 =	vtrunc.f32 v9;
	v9 =	vld [tilespmem:s12+$0xFFFFFFD0]  }
0x5ab: {  	v11 =	vtrunc.f32 v11;
	v10 =	vcvt.f32.s32 v10;
	v4 =	vshll.u32 v4, $0x7  }
0x5ac: {  	v5 =	vshll.u32 v5, $0x7;
	v14 =	vor.u32 v1, v4;
	v4 =	vshll.u32 v6, $0x7  }
0x5ad: {  	v15 =	vld [tilespmem:s12+$0xFFFFFF80];
	v6 =	vcvt.f32.s32 v8;
	v8 =	vtrunc.f32 v12;
	v12 =	vshll.u32 v13, $0x7  }
0x5ae: {  	v16 =	vld [tilespmem:s12+$0x50];
	v8 =	vcvt.f32.s32 v8;
	v13 =	vor.u32 v1, v4;
	v4 =	vshll.u32 v10, $0x7  }
0x5af: {  	v17 =	vld [tilespmem:s12+$0x70];
	v12 =	vor.u32 v1, v12;
	v6 =	vshll.u32 v6, $0x7;
	v18 =	vtrunc.f32 v9  }
0x5b0: {  	v20 =	vld [tilespmem:s12+$0x40];
	v19 =	vor.u32 v1, v4;
	v9 =	vcvt.f32.s32 v11;
	v8 =	vshll.u32 v8, $0x7  }
0x5b1: {  	v10 =	vld [tilespmem:s12+$0x60];
	v11 =	vcvt.f32.s32 v7;
	v4 =	vor.u32 v1, v8;
	v8 =	vor.u32 v1, v6  }
0x5b2: {  	v7 =	vtrunc.f32 v15;
	v6 =	vshll.u32 v9, $0x7;
	v9 =	vor.u32 v1, v5;
	[tilespmem:v14+s5+$0x0] =	vst.idx.add.f32.msk $0xffff, v2  }
0x5b3: {  	v14 =	vcvt.f32.s32 v7;
	[tilespmem:v13+s5+$0x0] =	vst.idx.add.f32.msk $0xffff, v2  }
0x5b4: {  	v5 =	vshll.u32 v11, $0x7;
	v11 =	vtrunc.f32 v16;
	v7 =	vcvt.f32.s32 v18;
	[tilespmem:v12+s5+$0x0] =	vst.idx.add.f32.msk $0xffff, v2  }
0x5b5: {  	s13 =	simm.s32 $0x0;
	v13 =	vtrunc.f32 v20;
	v12 =	vshll.u32 v14, $0x7;
	[tilespmem:v19+s5+$0x0] =	vst.idx.add.f32.msk $0xffff, v2;
	v14 =	vtrunc.f32 v17  }
.LBB2_42:
0x5b6: {  	s13 =	sadd.s32 $0x10, s13;
	v12 =	vor.u32 v1, v12;
	[tilespmem:v8+s5+$0x0] =	vst.idx.add.f32.msk $0xffff, v2;
	v8 =	vcvt.f32.s32 v11;
	v11 =	vcvt.f32.s32 v14;
	s12 =	sadd.s32 $0x100, s12  }
0x5b7: {  	v7 =	vshll.u32 v7, $0x7;
	p0 =	slt.u32 s13, $0x3F0;
	[tilespmem:v9+s5+$0x0] =	vst.idx.add.f32.msk $0xffff, v2;
	v9 =	vcvt.f32.s32 v13;
	v10 =	vtrunc.f32 v10  }
0x5b8: {  	v6 =	vor.u32 v1, v6;
	v13 =	vld [tilespmem:s12+$0xFFFFFFD0];
	v10 =	vcvt.f32.s32 v10;
	v11 =	vshll.u32 v11, $0x7  }
0x5b9: {  	v8 =	vshll.u32 v8, $0x7;
	v14 =	vld [tilespmem:s12+$0xFFFFFF90];
	v9 =	vshll.u32 v9, $0x7;
	v11 =	vor.u32 v1, v11  }
0x5ba: {  	v15 =	vld [tilespmem:s12+$0xFFFFFFA0];
	v10 =	vshll.u32 v10, $0x7  }
0x5bb: {  	v16 =	vld [tilespmem:s12+$0xFFFFFFB0];
	v10 =	vor.u32 v1, v10  }
0x5bc: {  	v17 =	vld [tilespmem:s12+$0xFFFFFFC0]  }
0x5bd: {  	v3 =	vcvt.f32.s32 v3;
	v18 =	vld [tilespmem:s12+$0xFFFFFFE0]  }
0x5be: {  	v19 =	vld [tilespmem:s12+$0xFFFFFFF0]  }
0x5bf: {  	v3 =	vshll.u32 v3, $0x7;
	[tilespmem:v4+s5+$0x0] =	vst.idx.add.f32.msk $0xffff, v2  }
0x5c0: {  	v20 =	vor.u32 v1, v3;
	v3 =	vor.u32 v1, v9;
	v4 =	vld [tilespmem:s12+$0x0]  }
0x5c1: {  	v9 =	vld [tilespmem:s12+$0x10]  }
0x5c2: {  	v5 =	vor.u32 v1, v5;
	v18 =	vtrunc.f32 v18;
	v21 =	vld [tilespmem:s12+$0x20]  }
0x5c3: {  	v22 =	vld [tilespmem:s12+$0x30]  }
0x5c4: {  	[tilespmem:v10+s5+$0x0] =	vst.idx.add.f32.msk $0xffff, v2  }
0x5c5: {  	v7 =	vor.u32 v1, v7;
	[tilespmem:v3+s5+$0x0] =	vst.idx.add.f32.msk $0xffff, v2  }
0x5c6: {  	v8 =	vor.u32 v1, v8;
	v3 =	vtrunc.f32 v4;
	v4 =	vtrunc.f32 v9;
	[tilespmem:v12+s5+$0x0] =	vst.idx.add.f32.msk $0xffff, v2  }
0x5c7: {  	v9 =	vtrunc.f32 v19;
	v4 =	vcvt.f32.s32 v4;
	[tilespmem:v5+s5+$0x0] =	vst.idx.add.f32.msk $0xffff, v2  }
0x5c8: {  	v5 =	vcvt.f32.s32 v9;
	v9 =	vtrunc.f32 v22;
	[tilespmem:v11+s5+$0x0] =	vst.idx.add.f32.msk $0xffff, v2  }
0x5c9: {  	v10 =	vcvt.f32.s32 v18;
	v11 =	vcvt.f32.s32 v3;
	v4 =	vshll.u32 v4, $0x7;
	[tilespmem:v6+s5+$0x0] =	vst.idx.add.f32.msk $0xffff, v2  }
0x5ca: {  	v3 =	vtrunc.f32 v17;
	v6 =	vtrunc.f32 v21;
	[tilespmem:v20+s5+$0x0] =	vst.idx.add.f32.msk $0xffff, v2  }
0x5cb: {  	v12 =	vtrunc.f32 v16;
	v5 =	vshll.u32 v5, $0x7;
	v6 =	vcvt.f32.s32 v6;
	[tilespmem:v8+s5+$0x0] =	vst.idx.add.f32.msk $0xffff, v2  }
0x5cc: {  	v9 =	vcvt.f32.s32 v9;
	v5 =	vor.u32 v1, v5;
	v8 =	vtrunc.f32 v15;
	[tilespmem:v7+s5+$0x0] =	vst.idx.add.f32.msk $0xffff, v2  }
0x5cd: {  	v14 =	vtrunc.f32 v14;
	v10 =	vshll.u32 v10, $0x7;
	v6 =	vshll.u32 v6, $0x7;
	v7 =	vld [tilespmem:s12+$0xFFFFFF80]  }
0x5ce: {  	v14 =	vcvt.f32.s32 v14;
	v15 =	vor.u32 v1, v4;
	v9 =	vshll.u32 v9, $0x7;
	v16 =	vld [tilespmem:s12+$0x50]  }
0x5cf: {  	v13 =	vtrunc.f32 v13;
	v17 =	vor.u32 v1, v10;
	v10 =	vshll.u32 v11, $0x7;
	v18 =	vld [tilespmem:s12+$0x70]  }
0x5d0: {  	v4 =	vshll.u32 v14, $0x7;
	v11 =	vcvt.f32.s32 v8;
	v14 =	vor.u32 v1, v6;
	v19 =	vld [tilespmem:s12+$0x40]  }
.Ltmp20:
0x5d1: {  	v12 =	vcvt.f32.s32 v12;
	v4 =	vor.u32 v1, v4;
	v8 =	vor.u32 v1, v9;
	[tilespmem:v5+s5+$0x0] =	vst.idx.add.f32.msk $0xffff, v2;
	(pc) =	sbr.rel @p0 .LBB2_42-.Ltmp20, $4  }
0x5d2: {  	v9 =	vor.u32 v1, v10;
	v6 =	vshll.u32 v11, $0x7;
	v5 =	vtrunc.f32 v7;
	v10 =	vld [tilespmem:s12+$0x60]  }
0x5d3: {  	v7 =	vcvt.f32.s32 v13;
	v20 =	vcvt.f32.s32 v5;
	[tilespmem:v15+s5+$0x0] =	vst.idx.add.f32.msk $0xffff, v2  }
0x5d4: {  	v5 =	vshll.u32 v12, $0x7;
	v11 =	vtrunc.f32 v16;
	[tilespmem:v17+s5+$0x0] =	vst.idx.add.f32.msk $0xffff, v2  }
0x5d5: {  	v12 =	vshll.u32 v20, $0x7;
	[tilespmem:v14+s5+$0x0] =	vst.idx.add.f32.msk $0xffff, v2;
	v13 =	vtrunc.f32 v19;
	v14 =	vtrunc.f32 v18  }
0x5d6: {  	_ =	sdelay $0x1  }
0x5d7: {  	v12 =	vor.u32 v1, v12  }
0x5d8: {  	v13 =	vcvt.f32.s32 v13;
	v14 =	vcvt.f32.s32 v14;
	v5 =	vor.u32 v1, v5  }
0x5d9: {  	v3 =	vcvt.f32.s32 v3;
	[tilespmem:v4+s5+$0x0] =	vst.idx.add.f32.msk $0xffff, v2;
	v4 =	vor.u32 v1, v6;
	v7 =	vshll.u32 v7, $0x7  }
0x5da: {  	[tilespmem:v9+s5+$0x0] =	vst.idx.add.f32.msk $0xffff, v2;
	v9 =	vcvt.f32.s32 v11;
	v7 =	vor.u32 v1, v7;
	v13 =	vshll.u32 v13, $0x7  }
0x5db: {  	[tilespmem:v8+s5+$0x0] =	vst.idx.add.f32.msk $0xffff, v2;
	v10 =	vtrunc.f32 v10;
	v8 =	vshll.u32 v14, $0x7;
	v13 =	vor.u32 v1, v13  }
0x5dc: {  	v10 =	vcvt.f32.s32 v10;
	v3 =	vshll.u32 v3, $0x7;
	v8 =	vor.u32 v1, v8;
	[tilespmem:v12+s5+$0x0] =	vst.idx.add.f32.msk $0xffff, v2  }
0x5dd: {  	v6 =	vshll.u32 v9, $0x7;
	v3 =	vor.u32 v1, v3;
	[tilespmem:v5+s5+$0x0] =	vst.idx.add.f32.msk $0xffff, v2  }
0x5de: {  	v6 =	vor.u32 v1, v6;
	v10 =	vshll.u32 v10, $0x7;
	[tilespmem:v4+s5+$0x0] =	vst.idx.add.f32.msk $0xffff, v2  }
0x5df: {  	v10 =	vor.u32 v1, v10;
	[tilespmem:v7+s5+$0x0] =	vst.idx.add.f32.msk $0xffff, v2  }
0x5e0: {  	[tilespmem:v13+s5+$0x0] =	vst.idx.add.f32.msk $0xffff, v2  }
0x5e1: {  	[tilespmem:v8+s5+$0x0] =	vst.idx.add.f32.msk $0xffff, v2  }
0x5e2: {  	[tilespmem:v3+s5+$0x0] =	vst.idx.add.f32.msk $0xffff, v2  }
0x5e3: {  	[tilespmem:v6+s5+$0x0] =	vst.idx.add.f32.msk $0xffff, v2  }
0x5e4: {  	[tilespmem:v10+s5+$0x0] =	vst.idx.add.f32.msk $0xffff, v2  }
0x5e5: {  	s12 =	rddreg [dreg:$0x10]  }
0x5e6: {  	[tilespmem:s19], [sflag:$0x1] =	stream.strided.gather [hbm4b:s12+s6], $0x4000, s2, s6, $0x38;
	[tilespmem:$0x18300] =	vst v63  }
0x5e7: {  	_ =	swait.ge [sflag:s7], $0x4000  }
0x5e8: {  	[sflag:s7] =	ssyncset.done $0x0  }
0x5e9: {  	s12 =	simm.s32 $0x4080;
	[sflag:s7] =	ssyncadd.s32 $0xFFFFC000  }
0x5ea: {  	v3 =	vld [tilespmem:s12+$0xFFFFFFE0]  }
0x5eb: {  	v4 =	vld [tilespmem:s12+$0xFFFFFFF0]  }
0x5ec: {  	v5 =	vld [tilespmem:s12+$0x0]  }
0x5ed: {  	v6 =	vld [tilespmem:s12+$0x10]  }
0x5ee: {  	v8 =	vld [tilespmem:s12+$0x30]  }
0x5ef: {  	v10 =	vld [tilespmem:s12+$0x20]  }
0x5f0: {  	v7 =	vld [tilespmem:s12+$0xFFFFFFB0];
	_ =	sdelay $0x1  }
0x5f1: {  	v9 =	vld [tilespmem:s12+$0xFFFFFFC0];
	v3 =	vtrunc.f32 v3;
	v5 =	vtrunc.f32 v5  }
0x5f2: {  	v11 =	vld [tilespmem:s12+$0xFFFFFFA0];
	v6 =	vtrunc.f32 v6;
	v4 =	vtrunc.f32 v4  }
0x5f3: {  	v8 =	vtrunc.f32 v8;
	v10 =	vtrunc.f32 v10  }
0x5f4: {  	v12 =	vld [tilespmem:s12+$0xFFFFFF90];
	v7 =	vtrunc.f32 v7;
	v6 =	vcvt.f32.s32 v6  }
0x5f5: {  	v4 =	vcvt.f32.s32 v4;
	v13 =	vcvt.f32.s32 v3  }
0x5f6: {  	v5 =	vcvt.f32.s32 v5;
	v3 =	vtrunc.f32 v9;
	v9 =	vld [tilespmem:s12+$0xFFFFFFD0]  }
0x5f7: {  	v11 =	vtrunc.f32 v11;
	v10 =	vcvt.f32.s32 v10;
	v4 =	vshll.u32 v4, $0x7  }
0x5f8: {  	v5 =	vshll.u32 v5, $0x7;
	v14 =	vor.u32 v1, v4;
	v4 =	vshll.u32 v6, $0x7  }
0x5f9: {  	v15 =	vld [tilespmem:s12+$0xFFFFFF80];
	v6 =	vcvt.f32.s32 v8;
	v8 =	vtrunc.f32 v12;
	v12 =	vshll.u32 v13, $0x7  }
0x5fa: {  	v16 =	vld [tilespmem:s12+$0x50];
	v8 =	vcvt.f32.s32 v8;
	v13 =	vor.u32 v1, v4;
	v4 =	vshll.u32 v10, $0x7  }
0x5fb: {  	v17 =	vld [tilespmem:s12+$0x70];
	v12 =	vor.u32 v1, v12;
	v6 =	vshll.u32 v6, $0x7;
	v18 =	vtrunc.f32 v9  }
0x5fc: {  	v20 =	vld [tilespmem:s12+$0x40];
	v19 =	vor.u32 v1, v4;
	v9 =	vcvt.f32.s32 v11;
	v8 =	vshll.u32 v8, $0x7  }
0x5fd: {  	v10 =	vld [tilespmem:s12+$0x60];
	v11 =	vcvt.f32.s32 v7;
	v4 =	vor.u32 v1, v8;
	v8 =	vor.u32 v1, v6  }
0x5fe: {  	v7 =	vtrunc.f32 v15;
	v6 =	vshll.u32 v9, $0x7;
	v9 =	vor.u32 v1, v5;
	[tilespmem:v14+s5+$0x0] =	vst.idx.add.f32.msk $0xffff, v2  }
0x5ff: {  	v14 =	vcvt.f32.s32 v7;
	[tilespmem:v13+s5+$0x0] =	vst.idx.add.f32.msk $0xffff, v2  }
0x600: {  	v5 =	vshll.u32 v11, $0x7;
	v11 =	vtrunc.f32 v16;
	v7 =	vcvt.f32.s32 v18;
	[tilespmem:v12+s5+$0x0] =	vst.idx.add.f32.msk $0xffff, v2  }
0x601: {  	s13 =	simm.s32 $0x0;
	v13 =	vtrunc.f32 v20;
	v12 =	vshll.u32 v14, $0x7;
	[tilespmem:v19+s5+$0x0] =	vst.idx.add.f32.msk $0xffff, v2;
	v14 =	vtrunc.f32 v17  }
.LBB2_44:
0x602: {  	s13 =	sadd.s32 $0x10, s13;
	v12 =	vor.u32 v1, v12;
	[tilespmem:v8+s5+$0x0] =	vst.idx.add.f32.msk $0xffff, v2;
	v8 =	vcvt.f32.s32 v11;
	v11 =	vcvt.f32.s32 v14;
	s12 =	sadd.s32 $0x100, s12  }
0x603: {  	v7 =	vshll.u32 v7, $0x7;
	p0 =	slt.u32 s13, $0x3F0;
	[tilespmem:v9+s5+$0x0] =	vst.idx.add.f32.msk $0xffff, v2;
	v9 =	vcvt.f32.s32 v13;
	v10 =	vtrunc.f32 v10  }
0x604: {  	v6 =	vor.u32 v1, v6;
	v13 =	vld [tilespmem:s12+$0xFFFFFFD0];
	v10 =	vcvt.f32.s32 v10;
	v11 =	vshll.u32 v11, $0x7  }
0x605: {  	v8 =	vshll.u32 v8, $0x7;
	v14 =	vld [tilespmem:s12+$0xFFFFFF90];
	v9 =	vshll.u32 v9, $0x7;
	v11 =	vor.u32 v1, v11  }
0x606: {  	v15 =	vld [tilespmem:s12+$0xFFFFFFA0];
	v10 =	vshll.u32 v10, $0x7  }
0x607: {  	v16 =	vld [tilespmem:s12+$0xFFFFFFB0];
	v10 =	vor.u32 v1, v10  }
0x608: {  	v17 =	vld [tilespmem:s12+$0xFFFFFFC0]  }
0x609: {  	v3 =	vcvt.f32.s32 v3;
	v18 =	vld [tilespmem:s12+$0xFFFFFFE0]  }
0x60a: {  	v19 =	vld [tilespmem:s12+$0xFFFFFFF0]  }
0x60b: {  	v3 =	vshll.u32 v3, $0x7;
	[tilespmem:v4+s5+$0x0] =	vst.idx.add.f32.msk $0xffff, v2  }
0x60c: {  	v20 =	vor.u32 v1, v3;
	v3 =	vor.u32 v1, v9;
	v4 =	vld [tilespmem:s12+$0x0]  }
0x60d: {  	v9 =	vld [tilespmem:s12+$0x10]  }
0x60e: {  	v5 =	vor.u32 v1, v5;
	v18 =	vtrunc.f32 v18;
	v21 =	vld [tilespmem:s12+$0x20]  }
0x60f: {  	v22 =	vld [tilespmem:s12+$0x30]  }
0x610: {  	[tilespmem:v10+s5+$0x0] =	vst.idx.add.f32.msk $0xffff, v2  }
0x611: {  	v7 =	vor.u32 v1, v7;
	[tilespmem:v3+s5+$0x0] =	vst.idx.add.f32.msk $0xffff, v2  }
0x612: {  	v8 =	vor.u32 v1, v8;
	v3 =	vtrunc.f32 v4;
	v4 =	vtrunc.f32 v9;
	[tilespmem:v12+s5+$0x0] =	vst.idx.add.f32.msk $0xffff, v2  }
0x613: {  	v9 =	vtrunc.f32 v19;
	v4 =	vcvt.f32.s32 v4;
	[tilespmem:v5+s5+$0x0] =	vst.idx.add.f32.msk $0xffff, v2  }
0x614: {  	v5 =	vcvt.f32.s32 v9;
	v9 =	vtrunc.f32 v22;
	[tilespmem:v11+s5+$0x0] =	vst.idx.add.f32.msk $0xffff, v2  }
0x615: {  	v10 =	vcvt.f32.s32 v18;
	v11 =	vcvt.f32.s32 v3;
	v4 =	vshll.u32 v4, $0x7;
	[tilespmem:v6+s5+$0x0] =	vst.idx.add.f32.msk $0xffff, v2  }
0x616: {  	v3 =	vtrunc.f32 v17;
	v6 =	vtrunc.f32 v21;
	[tilespmem:v20+s5+$0x0] =	vst.idx.add.f32.msk $0xffff, v2  }
0x617: {  	v12 =	vtrunc.f32 v16;
	v5 =	vshll.u32 v5, $0x7;
	v6 =	vcvt.f32.s32 v6;
	[tilespmem:v8+s5+$0x0] =	vst.idx.add.f32.msk $0xffff, v2  }
0x618: {  	v9 =	vcvt.f32.s32 v9;
	v5 =	vor.u32 v1, v5;
	v8 =	vtrunc.f32 v15;
	[tilespmem:v7+s5+$0x0] =	vst.idx.add.f32.msk $0xffff, v2  }
0x619: {  	v14 =	vtrunc.f32 v14;
	v10 =	vshll.u32 v10, $0x7;
	v6 =	vshll.u32 v6, $0x7;
	v7 =	vld [tilespmem:s12+$0xFFFFFF80]  }
0x61a: {  	v14 =	vcvt.f32.s32 v14;
	v15 =	vor.u32 v1, v4;
	v9 =	vshll.u32 v9, $0x7;
	v16 =	vld [tilespmem:s12+$0x50]  }
0x61b: {  	v13 =	vtrunc.f32 v13;
	v17 =	vor.u32 v1, v10;
	v10 =	vshll.u32 v11, $0x7;
	v18 =	vld [tilespmem:s12+$0x70]  }
0x61c: {  	v4 =	vshll.u32 v14, $0x7;
	v11 =	vcvt.f32.s32 v8;
	v14 =	vor.u32 v1, v6;
	v19 =	vld [tilespmem:s12+$0x40]  }
.Ltmp21:
0x61d: {  	v12 =	vcvt.f32.s32 v12;
	v4 =	vor.u32 v1, v4;
	v8 =	vor.u32 v1, v9;
	[tilespmem:v5+s5+$0x0] =	vst.idx.add.f32.msk $0xffff, v2;
	(pc) =	sbr.rel @p0 .LBB2_44-.Ltmp21, $4  }
0x61e: {  	v9 =	vor.u32 v1, v10;
	v6 =	vshll.u32 v11, $0x7;
	v5 =	vtrunc.f32 v7;
	v10 =	vld [tilespmem:s12+$0x60]  }
0x61f: {  	v7 =	vcvt.f32.s32 v13;
	v20 =	vcvt.f32.s32 v5;
	[tilespmem:v15+s5+$0x0] =	vst.idx.add.f32.msk $0xffff, v2  }
0x620: {  	v5 =	vshll.u32 v12, $0x7;
	v11 =	vtrunc.f32 v16;
	[tilespmem:v17+s5+$0x0] =	vst.idx.add.f32.msk $0xffff, v2  }
0x621: {  	v12 =	vshll.u32 v20, $0x7;
	[tilespmem:v14+s5+$0x0] =	vst.idx.add.f32.msk $0xffff, v2;
	v13 =	vtrunc.f32 v19;
	v14 =	vtrunc.f32 v18  }
0x622: {  	_ =	sdelay $0x1  }
0x623: {  	v12 =	vor.u32 v1, v12  }
0x624: {  	v13 =	vcvt.f32.s32 v13;
	v14 =	vcvt.f32.s32 v14;
	v5 =	vor.u32 v1, v5  }
0x625: {  	v3 =	vcvt.f32.s32 v3;
	[tilespmem:v4+s5+$0x0] =	vst.idx.add.f32.msk $0xffff, v2;
	v4 =	vor.u32 v1, v6;
	v7 =	vshll.u32 v7, $0x7  }
0x626: {  	[tilespmem:v9+s5+$0x0] =	vst.idx.add.f32.msk $0xffff, v2;
	v9 =	vcvt.f32.s32 v11;
	v7 =	vor.u32 v1, v7;
	v13 =	vshll.u32 v13, $0x7  }
0x627: {  	[tilespmem:v8+s5+$0x0] =	vst.idx.add.f32.msk $0xffff, v2;
	v10 =	vtrunc.f32 v10;
	v8 =	vshll.u32 v14, $0x7;
	v13 =	vor.u32 v1, v13  }
0x628: {  	v10 =	vcvt.f32.s32 v10;
	v3 =	vshll.u32 v3, $0x7;
	v8 =	vor.u32 v1, v8;
	[tilespmem:v12+s5+$0x0] =	vst.idx.add.f32.msk $0xffff, v2  }
0x629: {  	v6 =	vshll.u32 v9, $0x7;
	v3 =	vor.u32 v1, v3;
	[tilespmem:v5+s5+$0x0] =	vst.idx.add.f32.msk $0xffff, v2  }
0x62a: {  	v6 =	vor.u32 v1, v6;
	v10 =	vshll.u32 v10, $0x7;
	[tilespmem:v4+s5+$0x0] =	vst.idx.add.f32.msk $0xffff, v2  }
0x62b: {  	v10 =	vor.u32 v1, v10;
	[tilespmem:v7+s5+$0x0] =	vst.idx.add.f32.msk $0xffff, v2  }
0x62c: {  	[tilespmem:v13+s5+$0x0] =	vst.idx.add.f32.msk $0xffff, v2  }
0x62d: {  	[tilespmem:v8+s5+$0x0] =	vst.idx.add.f32.msk $0xffff, v2  }
0x62e: {  	[tilespmem:v3+s5+$0x0] =	vst.idx.add.f32.msk $0xffff, v2  }
0x62f: {  	[tilespmem:v6+s5+$0x0] =	vst.idx.add.f32.msk $0xffff, v2  }
0x630: {  	[tilespmem:v10+s5+$0x0] =	vst.idx.add.f32.msk $0xffff, v2  }
0x631: {  	s12 =	simm.s32 $0x80;
	s13 =	rddreg [dreg:$0x11]  }
0x632: {  	[tilespmem:s3], [sflag:$0x2] =	stream.strided.gather [hbm4b:s13+s12], $0x4000, s2, s12, $0x38;
	[tilespmem:$0x18300] =	vst v63  }
0x633: {  	_ =	swait.ge [sflag:s4], $0x4000  }
0x634: {  	[sflag:s4] =	ssyncset.done $0x0  }
0x635: {  	[sflag:s4] =	ssyncadd.s32 $0xFFFFC000  }
0x636: {  	v3 =	vld [tilespmem:s12+$0xFFFFFFE0]  }
0x637: {  	v4 =	vld [tilespmem:s12+$0xFFFFFFF0]  }
0x638: {  	v5 =	vld [tilespmem:s12+$0x0]  }
0x639: {  	v6 =	vld [tilespmem:s12+$0x10]  }
0x63a: {  	v8 =	vld [tilespmem:s12+$0x30]  }
0x63b: {  	v10 =	vld [tilespmem:s12+$0x20]  }
0x63c: {  	v7 =	vld [tilespmem:s12+$0xFFFFFFB0];
	_ =	sdelay $0x1  }
0x63d: {  	v9 =	vld [tilespmem:s12+$0xFFFFFFC0];
	v3 =	vtrunc.f32 v3;
	v5 =	vtrunc.f32 v5  }
0x63e: {  	v11 =	vld [tilespmem:s12+$0xFFFFFFA0];
	v6 =	vtrunc.f32 v6;
	v4 =	vtrunc.f32 v4  }
0x63f: {  	v8 =	vtrunc.f32 v8;
	v10 =	vtrunc.f32 v10  }
0x640: {  	v12 =	vld [tilespmem:s12+$0xFFFFFF90];
	v7 =	vtrunc.f32 v7;
	v6 =	vcvt.f32.s32 v6  }
0x641: {  	v4 =	vcvt.f32.s32 v4;
	v13 =	vcvt.f32.s32 v3  }
0x642: {  	v5 =	vcvt.f32.s32 v5;
	v3 =	vtrunc.f32 v9;
	v9 =	vld [tilespmem:s12+$0xFFFFFFD0]  }
0x643: {  	v11 =	vtrunc.f32 v11;
	v10 =	vcvt.f32.s32 v10;
	v4 =	vshll.u32 v4, $0x7  }
0x644: {  	v5 =	vshll.u32 v5, $0x7;
	v14 =	vor.u32 v1, v4;
	v4 =	vshll.u32 v6, $0x7  }
0x645: {  	v15 =	vld [tilespmem:s12+$0xFFFFFF80];
	v6 =	vcvt.f32.s32 v8;
	v8 =	vtrunc.f32 v12;
	v12 =	vshll.u32 v13, $0x7  }
0x646: {  	v16 =	vld [tilespmem:s12+$0x50];
	v8 =	vcvt.f32.s32 v8;
	v13 =	vor.u32 v1, v4;
	v4 =	vshll.u32 v10, $0x7  }
0x647: {  	v17 =	vld [tilespmem:s12+$0x70];
	v12 =	vor.u32 v1, v12;
	v6 =	vshll.u32 v6, $0x7;
	v18 =	vtrunc.f32 v9  }
0x648: {  	v20 =	vld [tilespmem:s12+$0x40];
	v19 =	vor.u32 v1, v4;
	v9 =	vcvt.f32.s32 v11;
	v8 =	vshll.u32 v8, $0x7  }
0x649: {  	v10 =	vld [tilespmem:s12+$0x60];
	v11 =	vcvt.f32.s32 v7;
	v4 =	vor.u32 v1, v8;
	v8 =	vor.u32 v1, v6  }
0x64a: {  	v7 =	vtrunc.f32 v15;
	v6 =	vshll.u32 v9, $0x7;
	v9 =	vor.u32 v1, v5;
	[tilespmem:v14+s5+$0x0] =	vst.idx.add.f32.msk $0xffff, v2  }
0x64b: {  	v14 =	vcvt.f32.s32 v7;
	[tilespmem:v13+s5+$0x0] =	vst.idx.add.f32.msk $0xffff, v2  }
0x64c: {  	v5 =	vshll.u32 v11, $0x7;
	v11 =	vtrunc.f32 v16;
	v7 =	vcvt.f32.s32 v18;
	[tilespmem:v12+s5+$0x0] =	vst.idx.add.f32.msk $0xffff, v2  }
0x64d: {  	s13 =	simm.s32 $0x0;
	v13 =	vtrunc.f32 v20;
	v12 =	vshll.u32 v14, $0x7;
	[tilespmem:v19+s5+$0x0] =	vst.idx.add.f32.msk $0xffff, v2;
	v14 =	vtrunc.f32 v17  }
.LBB2_46:
0x64e: {  	s13 =	sadd.s32 $0x10, s13;
	v12 =	vor.u32 v1, v12;
	[tilespmem:v8+s5+$0x0] =	vst.idx.add.f32.msk $0xffff, v2;
	v8 =	vcvt.f32.s32 v11;
	v11 =	vcvt.f32.s32 v14;
	s12 =	sadd.s32 $0x100, s12  }
0x64f: {  	v7 =	vshll.u32 v7, $0x7;
	p0 =	slt.u32 s13, $0x3F0;
	[tilespmem:v9+s5+$0x0] =	vst.idx.add.f32.msk $0xffff, v2;
	v9 =	vcvt.f32.s32 v13;
	v10 =	vtrunc.f32 v10  }
0x650: {  	v6 =	vor.u32 v1, v6;
	v13 =	vld [tilespmem:s12+$0xFFFFFFD0];
	v10 =	vcvt.f32.s32 v10;
	v11 =	vshll.u32 v11, $0x7  }
0x651: {  	v8 =	vshll.u32 v8, $0x7;
	v14 =	vld [tilespmem:s12+$0xFFFFFF90];
	v9 =	vshll.u32 v9, $0x7;
	v11 =	vor.u32 v1, v11  }
0x652: {  	v15 =	vld [tilespmem:s12+$0xFFFFFFA0];
	v10 =	vshll.u32 v10, $0x7  }
0x653: {  	v16 =	vld [tilespmem:s12+$0xFFFFFFB0];
	v10 =	vor.u32 v1, v10  }
0x654: {  	v17 =	vld [tilespmem:s12+$0xFFFFFFC0]  }
0x655: {  	v3 =	vcvt.f32.s32 v3;
	v18 =	vld [tilespmem:s12+$0xFFFFFFE0]  }
0x656: {  	v19 =	vld [tilespmem:s12+$0xFFFFFFF0]  }
0x657: {  	v3 =	vshll.u32 v3, $0x7;
	[tilespmem:v4+s5+$0x0] =	vst.idx.add.f32.msk $0xffff, v2  }
0x658: {  	v20 =	vor.u32 v1, v3;
	v3 =	vor.u32 v1, v9;
	v4 =	vld [tilespmem:s12+$0x0]  }
0x659: {  	v9 =	vld [tilespmem:s12+$0x10]  }
0x65a: {  	v5 =	vor.u32 v1, v5;
	v18 =	vtrunc.f32 v18;
	v21 =	vld [tilespmem:s12+$0x20]  }
0x65b: {  	v22 =	vld [tilespmem:s12+$0x30]  }
0x65c: {  	[tilespmem:v10+s5+$0x0] =	vst.idx.add.f32.msk $0xffff, v2  }
0x65d: {  	v7 =	vor.u32 v1, v7;
	[tilespmem:v3+s5+$0x0] =	vst.idx.add.f32.msk $0xffff, v2  }
0x65e: {  	v8 =	vor.u32 v1, v8;
	v3 =	vtrunc.f32 v4;
	v4 =	vtrunc.f32 v9;
	[tilespmem:v12+s5+$0x0] =	vst.idx.add.f32.msk $0xffff, v2  }
0x65f: {  	v9 =	vtrunc.f32 v19;
	v4 =	vcvt.f32.s32 v4;
	[tilespmem:v5+s5+$0x0] =	vst.idx.add.f32.msk $0xffff, v2  }
0x660: {  	v5 =	vcvt.f32.s32 v9;
	v9 =	vtrunc.f32 v22;
	[tilespmem:v11+s5+$0x0] =	vst.idx.add.f32.msk $0xffff, v2  }
0x661: {  	v10 =	vcvt.f32.s32 v18;
	v11 =	vcvt.f32.s32 v3;
	v4 =	vshll.u32 v4, $0x7;
	[tilespmem:v6+s5+$0x0] =	vst.idx.add.f32.msk $0xffff, v2  }
0x662: {  	v3 =	vtrunc.f32 v17;
	v6 =	vtrunc.f32 v21;
	[tilespmem:v20+s5+$0x0] =	vst.idx.add.f32.msk $0xffff, v2  }
0x663: {  	v12 =	vtrunc.f32 v16;
	v5 =	vshll.u32 v5, $0x7;
	v6 =	vcvt.f32.s32 v6;
	[tilespmem:v8+s5+$0x0] =	vst.idx.add.f32.msk $0xffff, v2  }
0x664: {  	v9 =	vcvt.f32.s32 v9;
	v5 =	vor.u32 v1, v5;
	v8 =	vtrunc.f32 v15;
	[tilespmem:v7+s5+$0x0] =	vst.idx.add.f32.msk $0xffff, v2  }
0x665: {  	v14 =	vtrunc.f32 v14;
	v10 =	vshll.u32 v10, $0x7;
	v6 =	vshll.u32 v6, $0x7;
	v7 =	vld [tilespmem:s12+$0xFFFFFF80]  }
0x666: {  	v14 =	vcvt.f32.s32 v14;
	v15 =	vor.u32 v1, v4;
	v9 =	vshll.u32 v9, $0x7;
	v16 =	vld [tilespmem:s12+$0x50]  }
0x667: {  	v13 =	vtrunc.f32 v13;
	v17 =	vor.u32 v1, v10;
	v10 =	vshll.u32 v11, $0x7;
	v18 =	vld [tilespmem:s12+$0x70]  }
0x668: {  	v4 =	vshll.u32 v14, $0x7;
	v11 =	vcvt.f32.s32 v8;
	v14 =	vor.u32 v1, v6;
	v19 =	vld [tilespmem:s12+$0x40]  }
.Ltmp22:
0x669: {  	v12 =	vcvt.f32.s32 v12;
	v4 =	vor.u32 v1, v4;
	v8 =	vor.u32 v1, v9;
	[tilespmem:v5+s5+$0x0] =	vst.idx.add.f32.msk $0xffff, v2;
	(pc) =	sbr.rel @p0 .LBB2_46-.Ltmp22, $4  }
0x66a: {  	v9 =	vor.u32 v1, v10;
	v6 =	vshll.u32 v11, $0x7;
	v5 =	vtrunc.f32 v7;
	v10 =	vld [tilespmem:s12+$0x60]  }
0x66b: {  	v7 =	vcvt.f32.s32 v13;
	v20 =	vcvt.f32.s32 v5;
	[tilespmem:v15+s5+$0x0] =	vst.idx.add.f32.msk $0xffff, v2  }
0x66c: {  	v5 =	vshll.u32 v12, $0x7;
	v11 =	vtrunc.f32 v16;
	[tilespmem:v17+s5+$0x0] =	vst.idx.add.f32.msk $0xffff, v2  }
0x66d: {  	v12 =	vshll.u32 v20, $0x7;
	[tilespmem:v14+s5+$0x0] =	vst.idx.add.f32.msk $0xffff, v2;
	v13 =	vtrunc.f32 v19;
	v14 =	vtrunc.f32 v18  }
0x66e: {  	_ =	sdelay $0x1  }
0x66f: {  	v12 =	vor.u32 v1, v12  }
0x670: {  	v13 =	vcvt.f32.s32 v13;
	v14 =	vcvt.f32.s32 v14;
	v5 =	vor.u32 v1, v5  }
0x671: {  	v3 =	vcvt.f32.s32 v3;
	[tilespmem:v4+s5+$0x0] =	vst.idx.add.f32.msk $0xffff, v2;
	v4 =	vor.u32 v1, v6;
	v7 =	vshll.u32 v7, $0x7  }
0x672: {  	[tilespmem:v9+s5+$0x0] =	vst.idx.add.f32.msk $0xffff, v2;
	v9 =	vcvt.f32.s32 v11;
	v7 =	vor.u32 v1, v7;
	v13 =	vshll.u32 v13, $0x7  }
0x673: {  	[tilespmem:v8+s5+$0x0] =	vst.idx.add.f32.msk $0xffff, v2;
	v10 =	vtrunc.f32 v10;
	v8 =	vshll.u32 v14, $0x7;
	v13 =	vor.u32 v1, v13  }
0x674: {  	v10 =	vcvt.f32.s32 v10;
	v3 =	vshll.u32 v3, $0x7;
	v8 =	vor.u32 v1, v8;
	[tilespmem:v12+s5+$0x0] =	vst.idx.add.f32.msk $0xffff, v2  }
0x675: {  	v6 =	vshll.u32 v9, $0x7;
	v3 =	vor.u32 v1, v3;
	[tilespmem:v5+s5+$0x0] =	vst.idx.add.f32.msk $0xffff, v2  }
0x676: {  	v6 =	vor.u32 v1, v6;
	v10 =	vshll.u32 v10, $0x7;
	[tilespmem:v4+s5+$0x0] =	vst.idx.add.f32.msk $0xffff, v2  }
0x677: {  	v10 =	vor.u32 v1, v10;
	[tilespmem:v7+s5+$0x0] =	vst.idx.add.f32.msk $0xffff, v2  }
0x678: {  	[tilespmem:v13+s5+$0x0] =	vst.idx.add.f32.msk $0xffff, v2  }
0x679: {  	[tilespmem:v8+s5+$0x0] =	vst.idx.add.f32.msk $0xffff, v2  }
0x67a: {  	[tilespmem:v3+s5+$0x0] =	vst.idx.add.f32.msk $0xffff, v2  }
0x67b: {  	[tilespmem:v6+s5+$0x0] =	vst.idx.add.f32.msk $0xffff, v2  }
0x67c: {  	[tilespmem:v10+s5+$0x0] =	vst.idx.add.f32.msk $0xffff, v2  }
0x67d: {  	s12 =	rddreg [dreg:$0x12]  }
0x67e: {  	[tilespmem:s19], [sflag:$0x1] =	stream.strided.gather [hbm4b:s12+s6], $0x4000, s2, s6, $0x38;
	[tilespmem:$0x18300] =	vst v63  }
0x67f: {  	_ =	swait.ge [sflag:s7], $0x4000  }
0x680: {  	[sflag:s7] =	ssyncset.done $0x0  }
0x681: {  	s12 =	simm.s32 $0x4080;
	[sflag:s7] =	ssyncadd.s32 $0xFFFFC000  }
0x682: {  	v3 =	vld [tilespmem:s12+$0xFFFFFFE0]  }
0x683: {  	v4 =	vld [tilespmem:s12+$0xFFFFFFF0]  }
0x684: {  	v5 =	vld [tilespmem:s12+$0x0]  }
0x685: {  	v6 =	vld [tilespmem:s12+$0x10]  }
0x686: {  	v8 =	vld [tilespmem:s12+$0x30]  }
0x687: {  	v10 =	vld [tilespmem:s12+$0x20]  }
0x688: {  	v7 =	vld [tilespmem:s12+$0xFFFFFFB0];
	_ =	sdelay $0x1  }
0x689: {  	v9 =	vld [tilespmem:s12+$0xFFFFFFC0];
	v3 =	vtrunc.f32 v3;
	v5 =	vtrunc.f32 v5  }
0x68a: {  	v11 =	vld [tilespmem:s12+$0xFFFFFFA0];
	v6 =	vtrunc.f32 v6;
	v4 =	vtrunc.f32 v4  }
0x68b: {  	v8 =	vtrunc.f32 v8;
	v10 =	vtrunc.f32 v10  }
0x68c: {  	v12 =	vld [tilespmem:s12+$0xFFFFFF90];
	v7 =	vtrunc.f32 v7;
	v6 =	vcvt.f32.s32 v6  }
0x68d: {  	v4 =	vcvt.f32.s32 v4;
	v13 =	vcvt.f32.s32 v3  }
0x68e: {  	v5 =	vcvt.f32.s32 v5;
	v3 =	vtrunc.f32 v9;
	v9 =	vld [tilespmem:s12+$0xFFFFFFD0]  }
0x68f: {  	v11 =	vtrunc.f32 v11;
	v10 =	vcvt.f32.s32 v10;
	v4 =	vshll.u32 v4, $0x7  }
0x690: {  	v5 =	vshll.u32 v5, $0x7;
	v14 =	vor.u32 v1, v4;
	v4 =	vshll.u32 v6, $0x7  }
0x691: {  	v15 =	vld [tilespmem:s12+$0xFFFFFF80];
	v6 =	vcvt.f32.s32 v8;
	v8 =	vtrunc.f32 v12;
	v12 =	vshll.u32 v13, $0x7  }
0x692: {  	v16 =	vld [tilespmem:s12+$0x50];
	v8 =	vcvt.f32.s32 v8;
	v13 =	vor.u32 v1, v4;
	v4 =	vshll.u32 v10, $0x7  }
0x693: {  	v17 =	vld [tilespmem:s12+$0x70];
	v12 =	vor.u32 v1, v12;
	v6 =	vshll.u32 v6, $0x7;
	v18 =	vtrunc.f32 v9  }
0x694: {  	v20 =	vld [tilespmem:s12+$0x40];
	v19 =	vor.u32 v1, v4;
	v9 =	vcvt.f32.s32 v11;
	v8 =	vshll.u32 v8, $0x7  }
0x695: {  	v10 =	vld [tilespmem:s12+$0x60];
	v11 =	vcvt.f32.s32 v7;
	v4 =	vor.u32 v1, v8;
	v8 =	vor.u32 v1, v6  }
0x696: {  	v7 =	vtrunc.f32 v15;
	v6 =	vshll.u32 v9, $0x7;
	v9 =	vor.u32 v1, v5;
	[tilespmem:v14+s5+$0x0] =	vst.idx.add.f32.msk $0xffff, v2  }
0x697: {  	v14 =	vcvt.f32.s32 v7;
	[tilespmem:v13+s5+$0x0] =	vst.idx.add.f32.msk $0xffff, v2  }
0x698: {  	v5 =	vshll.u32 v11, $0x7;
	v11 =	vtrunc.f32 v16;
	v7 =	vcvt.f32.s32 v18;
	[tilespmem:v12+s5+$0x0] =	vst.idx.add.f32.msk $0xffff, v2  }
0x699: {  	s13 =	simm.s32 $0x0;
	v13 =	vtrunc.f32 v20;
	v12 =	vshll.u32 v14, $0x7;
	[tilespmem:v19+s5+$0x0] =	vst.idx.add.f32.msk $0xffff, v2;
	v14 =	vtrunc.f32 v17  }
.LBB2_48:
0x69a: {  	s13 =	sadd.s32 $0x10, s13;
	v12 =	vor.u32 v1, v12;
	[tilespmem:v8+s5+$0x0] =	vst.idx.add.f32.msk $0xffff, v2;
	v8 =	vcvt.f32.s32 v11;
	v11 =	vcvt.f32.s32 v14;
	s12 =	sadd.s32 $0x100, s12  }
0x69b: {  	v7 =	vshll.u32 v7, $0x7;
	p0 =	slt.u32 s13, $0x3F0;
	[tilespmem:v9+s5+$0x0] =	vst.idx.add.f32.msk $0xffff, v2;
	v9 =	vcvt.f32.s32 v13;
	v10 =	vtrunc.f32 v10  }
0x69c: {  	v6 =	vor.u32 v1, v6;
	v13 =	vld [tilespmem:s12+$0xFFFFFFD0];
	v10 =	vcvt.f32.s32 v10;
	v11 =	vshll.u32 v11, $0x7  }
0x69d: {  	v8 =	vshll.u32 v8, $0x7;
	v14 =	vld [tilespmem:s12+$0xFFFFFF90];
	v9 =	vshll.u32 v9, $0x7;
	v11 =	vor.u32 v1, v11  }
0x69e: {  	v15 =	vld [tilespmem:s12+$0xFFFFFFA0];
	v10 =	vshll.u32 v10, $0x7  }
0x69f: {  	v16 =	vld [tilespmem:s12+$0xFFFFFFB0];
	v10 =	vor.u32 v1, v10  }
0x6a0: {  	v17 =	vld [tilespmem:s12+$0xFFFFFFC0]  }
0x6a1: {  	v3 =	vcvt.f32.s32 v3;
	v18 =	vld [tilespmem:s12+$0xFFFFFFE0]  }
0x6a2: {  	v19 =	vld [tilespmem:s12+$0xFFFFFFF0]  }
0x6a3: {  	v3 =	vshll.u32 v3, $0x7;
	[tilespmem:v4+s5+$0x0] =	vst.idx.add.f32.msk $0xffff, v2  }
0x6a4: {  	v20 =	vor.u32 v1, v3;
	v3 =	vor.u32 v1, v9;
	v4 =	vld [tilespmem:s12+$0x0]  }
0x6a5: {  	v9 =	vld [tilespmem:s12+$0x10]  }
0x6a6: {  	v5 =	vor.u32 v1, v5;
	v18 =	vtrunc.f32 v18;
	v21 =	vld [tilespmem:s12+$0x20]  }
0x6a7: {  	v22 =	vld [tilespmem:s12+$0x30]  }
0x6a8: {  	[tilespmem:v10+s5+$0x0] =	vst.idx.add.f32.msk $0xffff, v2  }
0x6a9: {  	v7 =	vor.u32 v1, v7;
	[tilespmem:v3+s5+$0x0] =	vst.idx.add.f32.msk $0xffff, v2  }
0x6aa: {  	v8 =	vor.u32 v1, v8;
	v3 =	vtrunc.f32 v4;
	v4 =	vtrunc.f32 v9;
	[tilespmem:v12+s5+$0x0] =	vst.idx.add.f32.msk $0xffff, v2  }
0x6ab: {  	v9 =	vtrunc.f32 v19;
	v4 =	vcvt.f32.s32 v4;
	[tilespmem:v5+s5+$0x0] =	vst.idx.add.f32.msk $0xffff, v2  }
0x6ac: {  	v5 =	vcvt.f32.s32 v9;
	v9 =	vtrunc.f32 v22;
	[tilespmem:v11+s5+$0x0] =	vst.idx.add.f32.msk $0xffff, v2  }
0x6ad: {  	v10 =	vcvt.f32.s32 v18;
	v11 =	vcvt.f32.s32 v3;
	v4 =	vshll.u32 v4, $0x7;
	[tilespmem:v6+s5+$0x0] =	vst.idx.add.f32.msk $0xffff, v2  }
0x6ae: {  	v3 =	vtrunc.f32 v17;
	v6 =	vtrunc.f32 v21;
	[tilespmem:v20+s5+$0x0] =	vst.idx.add.f32.msk $0xffff, v2  }
0x6af: {  	v12 =	vtrunc.f32 v16;
	v5 =	vshll.u32 v5, $0x7;
	v6 =	vcvt.f32.s32 v6;
	[tilespmem:v8+s5+$0x0] =	vst.idx.add.f32.msk $0xffff, v2  }
0x6b0: {  	v9 =	vcvt.f32.s32 v9;
	v5 =	vor.u32 v1, v5;
	v8 =	vtrunc.f32 v15;
	[tilespmem:v7+s5+$0x0] =	vst.idx.add.f32.msk $0xffff, v2  }
0x6b1: {  	v14 =	vtrunc.f32 v14;
	v10 =	vshll.u32 v10, $0x7;
	v6 =	vshll.u32 v6, $0x7;
	v7 =	vld [tilespmem:s12+$0xFFFFFF80]  }
0x6b2: {  	v14 =	vcvt.f32.s32 v14;
	v15 =	vor.u32 v1, v4;
	v9 =	vshll.u32 v9, $0x7;
	v16 =	vld [tilespmem:s12+$0x50]  }
0x6b3: {  	v13 =	vtrunc.f32 v13;
	v17 =	vor.u32 v1, v10;
	v10 =	vshll.u32 v11, $0x7;
	v18 =	vld [tilespmem:s12+$0x70]  }
0x6b4: {  	v4 =	vshll.u32 v14, $0x7;
	v11 =	vcvt.f32.s32 v8;
	v14 =	vor.u32 v1, v6;
	v19 =	vld [tilespmem:s12+$0x40]  }
.Ltmp23:
0x6b5: {  	v12 =	vcvt.f32.s32 v12;
	v4 =	vor.u32 v1, v4;
	v8 =	vor.u32 v1, v9;
	[tilespmem:v5+s5+$0x0] =	vst.idx.add.f32.msk $0xffff, v2;
	(pc) =	sbr.rel @p0 .LBB2_48-.Ltmp23, $4  }
0x6b6: {  	v9 =	vor.u32 v1, v10;
	v6 =	vshll.u32 v11, $0x7;
	v5 =	vtrunc.f32 v7;
	v10 =	vld [tilespmem:s12+$0x60]  }
0x6b7: {  	v7 =	vcvt.f32.s32 v13;
	v20 =	vcvt.f32.s32 v5;
	[tilespmem:v15+s5+$0x0] =	vst.idx.add.f32.msk $0xffff, v2  }
0x6b8: {  	v5 =	vshll.u32 v12, $0x7;
	v11 =	vtrunc.f32 v16;
	[tilespmem:v17+s5+$0x0] =	vst.idx.add.f32.msk $0xffff, v2  }
0x6b9: {  	v12 =	vshll.u32 v20, $0x7;
	[tilespmem:v14+s5+$0x0] =	vst.idx.add.f32.msk $0xffff, v2;
	v13 =	vtrunc.f32 v19;
	v14 =	vtrunc.f32 v18  }
0x6ba: {  	_ =	sdelay $0x1  }
0x6bb: {  	v12 =	vor.u32 v1, v12  }
0x6bc: {  	v13 =	vcvt.f32.s32 v13;
	v14 =	vcvt.f32.s32 v14;
	v5 =	vor.u32 v1, v5  }
0x6bd: {  	v3 =	vcvt.f32.s32 v3;
	[tilespmem:v4+s5+$0x0] =	vst.idx.add.f32.msk $0xffff, v2;
	v4 =	vor.u32 v1, v6;
	v7 =	vshll.u32 v7, $0x7  }
0x6be: {  	[tilespmem:v9+s5+$0x0] =	vst.idx.add.f32.msk $0xffff, v2;
	v9 =	vcvt.f32.s32 v11;
	v7 =	vor.u32 v1, v7;
	v13 =	vshll.u32 v13, $0x7  }
0x6bf: {  	[tilespmem:v8+s5+$0x0] =	vst.idx.add.f32.msk $0xffff, v2;
	v10 =	vtrunc.f32 v10;
	v8 =	vshll.u32 v14, $0x7;
	v13 =	vor.u32 v1, v13  }
0x6c0: {  	v10 =	vcvt.f32.s32 v10;
	v3 =	vshll.u32 v3, $0x7;
	v8 =	vor.u32 v1, v8;
	[tilespmem:v12+s5+$0x0] =	vst.idx.add.f32.msk $0xffff, v2  }
0x6c1: {  	v6 =	vshll.u32 v9, $0x7;
	v3 =	vor.u32 v1, v3;
	[tilespmem:v5+s5+$0x0] =	vst.idx.add.f32.msk $0xffff, v2  }
0x6c2: {  	v6 =	vor.u32 v1, v6;
	v10 =	vshll.u32 v10, $0x7;
	[tilespmem:v4+s5+$0x0] =	vst.idx.add.f32.msk $0xffff, v2  }
0x6c3: {  	v10 =	vor.u32 v1, v10;
	[tilespmem:v7+s5+$0x0] =	vst.idx.add.f32.msk $0xffff, v2  }
0x6c4: {  	[tilespmem:v13+s5+$0x0] =	vst.idx.add.f32.msk $0xffff, v2  }
0x6c5: {  	[tilespmem:v8+s5+$0x0] =	vst.idx.add.f32.msk $0xffff, v2  }
0x6c6: {  	[tilespmem:v3+s5+$0x0] =	vst.idx.add.f32.msk $0xffff, v2  }
0x6c7: {  	[tilespmem:v6+s5+$0x0] =	vst.idx.add.f32.msk $0xffff, v2  }
0x6c8: {  	[tilespmem:v10+s5+$0x0] =	vst.idx.add.f32.msk $0xffff, v2  }
0x6c9: {  	s12 =	simm.s32 $0x80;
	s13 =	rddreg [dreg:$0x13]  }
0x6ca: {  	[tilespmem:s3], [sflag:$0x2] =	stream.strided.gather [hbm4b:s13+s12], $0x4000, s2, s12, $0x38;
	[tilespmem:$0x18300] =	vst v63  }
0x6cb: {  	_ =	swait.ge [sflag:s4], $0x4000  }
0x6cc: {  	[sflag:s4] =	ssyncset.done $0x0  }
0x6cd: {  	[sflag:s4] =	ssyncadd.s32 $0xFFFFC000  }
0x6ce: {  	v3 =	vld [tilespmem:s12+$0xFFFFFFE0]  }
0x6cf: {  	v4 =	vld [tilespmem:s12+$0xFFFFFFF0]  }
0x6d0: {  	v5 =	vld [tilespmem:s12+$0x0]  }
0x6d1: {  	v6 =	vld [tilespmem:s12+$0x10]  }
0x6d2: {  	v8 =	vld [tilespmem:s12+$0x30]  }
0x6d3: {  	v10 =	vld [tilespmem:s12+$0x20]  }
0x6d4: {  	v7 =	vld [tilespmem:s12+$0xFFFFFFB0];
	_ =	sdelay $0x1  }
0x6d5: {  	v9 =	vld [tilespmem:s12+$0xFFFFFFC0];
	v3 =	vtrunc.f32 v3;
	v5 =	vtrunc.f32 v5  }
0x6d6: {  	v11 =	vld [tilespmem:s12+$0xFFFFFFA0];
	v6 =	vtrunc.f32 v6;
	v4 =	vtrunc.f32 v4  }
0x6d7: {  	v8 =	vtrunc.f32 v8;
	v10 =	vtrunc.f32 v10  }
0x6d8: {  	v12 =	vld [tilespmem:s12+$0xFFFFFF90];
	v7 =	vtrunc.f32 v7;
	v6 =	vcvt.f32.s32 v6  }
0x6d9: {  	v4 =	vcvt.f32.s32 v4;
	v13 =	vcvt.f32.s32 v3  }
0x6da: {  	v5 =	vcvt.f32.s32 v5;
	v3 =	vtrunc.f32 v9;
	v9 =	vld [tilespmem:s12+$0xFFFFFFD0]  }
0x6db: {  	v11 =	vtrunc.f32 v11;
	v10 =	vcvt.f32.s32 v10;
	v4 =	vshll.u32 v4, $0x7  }
0x6dc: {  	v5 =	vshll.u32 v5, $0x7;
	v14 =	vor.u32 v1, v4;
	v4 =	vshll.u32 v6, $0x7  }
0x6dd: {  	v15 =	vld [tilespmem:s12+$0xFFFFFF80];
	v6 =	vcvt.f32.s32 v8;
	v8 =	vtrunc.f32 v12;
	v12 =	vshll.u32 v13, $0x7  }
0x6de: {  	v16 =	vld [tilespmem:s12+$0x50];
	v8 =	vcvt.f32.s32 v8;
	v13 =	vor.u32 v1, v4;
	v4 =	vshll.u32 v10, $0x7  }
0x6df: {  	v17 =	vld [tilespmem:s12+$0x70];
	v12 =	vor.u32 v1, v12;
	v6 =	vshll.u32 v6, $0x7;
	v18 =	vtrunc.f32 v9  }
0x6e0: {  	v20 =	vld [tilespmem:s12+$0x40];
	v19 =	vor.u32 v1, v4;
	v9 =	vcvt.f32.s32 v11;
	v8 =	vshll.u32 v8, $0x7  }
0x6e1: {  	v10 =	vld [tilespmem:s12+$0x60];
	v11 =	vcvt.f32.s32 v7;
	v4 =	vor.u32 v1, v8;
	v8 =	vor.u32 v1, v6  }
0x6e2: {  	v7 =	vtrunc.f32 v15;
	v6 =	vshll.u32 v9, $0x7;
	v9 =	vor.u32 v1, v5;
	[tilespmem:v14+s5+$0x0] =	vst.idx.add.f32.msk $0xffff, v2  }
0x6e3: {  	v14 =	vcvt.f32.s32 v7;
	[tilespmem:v13+s5+$0x0] =	vst.idx.add.f32.msk $0xffff, v2  }
0x6e4: {  	v5 =	vshll.u32 v11, $0x7;
	v11 =	vtrunc.f32 v16;
	v7 =	vcvt.f32.s32 v18;
	[tilespmem:v12+s5+$0x0] =	vst.idx.add.f32.msk $0xffff, v2  }
0x6e5: {  	s13 =	simm.s32 $0x0;
	v13 =	vtrunc.f32 v20;
	v12 =	vshll.u32 v14, $0x7;
	[tilespmem:v19+s5+$0x0] =	vst.idx.add.f32.msk $0xffff, v2;
	v14 =	vtrunc.f32 v17  }
.LBB2_50:
0x6e6: {  	s13 =	sadd.s32 $0x10, s13;
	v12 =	vor.u32 v1, v12;
	[tilespmem:v8+s5+$0x0] =	vst.idx.add.f32.msk $0xffff, v2;
	v8 =	vcvt.f32.s32 v11;
	v11 =	vcvt.f32.s32 v14;
	s12 =	sadd.s32 $0x100, s12  }
0x6e7: {  	v7 =	vshll.u32 v7, $0x7;
	p0 =	slt.u32 s13, $0x3F0;
	[tilespmem:v9+s5+$0x0] =	vst.idx.add.f32.msk $0xffff, v2;
	v9 =	vcvt.f32.s32 v13;
	v10 =	vtrunc.f32 v10  }
0x6e8: {  	v6 =	vor.u32 v1, v6;
	v13 =	vld [tilespmem:s12+$0xFFFFFFD0];
	v10 =	vcvt.f32.s32 v10;
	v11 =	vshll.u32 v11, $0x7  }
0x6e9: {  	v8 =	vshll.u32 v8, $0x7;
	v14 =	vld [tilespmem:s12+$0xFFFFFF90];
	v9 =	vshll.u32 v9, $0x7;
	v11 =	vor.u32 v1, v11  }
0x6ea: {  	v15 =	vld [tilespmem:s12+$0xFFFFFFA0];
	v10 =	vshll.u32 v10, $0x7  }
0x6eb: {  	v16 =	vld [tilespmem:s12+$0xFFFFFFB0];
	v10 =	vor.u32 v1, v10  }
0x6ec: {  	v17 =	vld [tilespmem:s12+$0xFFFFFFC0]  }
0x6ed: {  	v3 =	vcvt.f32.s32 v3;
	v18 =	vld [tilespmem:s12+$0xFFFFFFE0]  }
0x6ee: {  	v19 =	vld [tilespmem:s12+$0xFFFFFFF0]  }
0x6ef: {  	v3 =	vshll.u32 v3, $0x7;
	[tilespmem:v4+s5+$0x0] =	vst.idx.add.f32.msk $0xffff, v2  }
0x6f0: {  	v20 =	vor.u32 v1, v3;
	v3 =	vor.u32 v1, v9;
	v4 =	vld [tilespmem:s12+$0x0]  }
0x6f1: {  	v9 =	vld [tilespmem:s12+$0x10]  }
0x6f2: {  	v5 =	vor.u32 v1, v5;
	v18 =	vtrunc.f32 v18;
	v21 =	vld [tilespmem:s12+$0x20]  }
0x6f3: {  	v22 =	vld [tilespmem:s12+$0x30]  }
0x6f4: {  	[tilespmem:v10+s5+$0x0] =	vst.idx.add.f32.msk $0xffff, v2  }
0x6f5: {  	v7 =	vor.u32 v1, v7;
	[tilespmem:v3+s5+$0x0] =	vst.idx.add.f32.msk $0xffff, v2  }
0x6f6: {  	v8 =	vor.u32 v1, v8;
	v3 =	vtrunc.f32 v4;
	v4 =	vtrunc.f32 v9;
	[tilespmem:v12+s5+$0x0] =	vst.idx.add.f32.msk $0xffff, v2  }
0x6f7: {  	v9 =	vtrunc.f32 v19;
	v4 =	vcvt.f32.s32 v4;
	[tilespmem:v5+s5+$0x0] =	vst.idx.add.f32.msk $0xffff, v2  }
0x6f8: {  	v5 =	vcvt.f32.s32 v9;
	v9 =	vtrunc.f32 v22;
	[tilespmem:v11+s5+$0x0] =	vst.idx.add.f32.msk $0xffff, v2  }
0x6f9: {  	v10 =	vcvt.f32.s32 v18;
	v11 =	vcvt.f32.s32 v3;
	v4 =	vshll.u32 v4, $0x7;
	[tilespmem:v6+s5+$0x0] =	vst.idx.add.f32.msk $0xffff, v2  }
0x6fa: {  	v3 =	vtrunc.f32 v17;
	v6 =	vtrunc.f32 v21;
	[tilespmem:v20+s5+$0x0] =	vst.idx.add.f32.msk $0xffff, v2  }
0x6fb: {  	v12 =	vtrunc.f32 v16;
	v5 =	vshll.u32 v5, $0x7;
	v6 =	vcvt.f32.s32 v6;
	[tilespmem:v8+s5+$0x0] =	vst.idx.add.f32.msk $0xffff, v2  }
0x6fc: {  	v9 =	vcvt.f32.s32 v9;
	v5 =	vor.u32 v1, v5;
	v8 =	vtrunc.f32 v15;
	[tilespmem:v7+s5+$0x0] =	vst.idx.add.f32.msk $0xffff, v2  }
0x6fd: {  	v14 =	vtrunc.f32 v14;
	v10 =	vshll.u32 v10, $0x7;
	v6 =	vshll.u32 v6, $0x7;
	v7 =	vld [tilespmem:s12+$0xFFFFFF80]  }
0x6fe: {  	v14 =	vcvt.f32.s32 v14;
	v15 =	vor.u32 v1, v4;
	v9 =	vshll.u32 v9, $0x7;
	v16 =	vld [tilespmem:s12+$0x50]  }
0x6ff: {  	v13 =	vtrunc.f32 v13;
	v17 =	vor.u32 v1, v10;
	v10 =	vshll.u32 v11, $0x7;
	v18 =	vld [tilespmem:s12+$0x70]  }
0x700: {  	v4 =	vshll.u32 v14, $0x7;
	v11 =	vcvt.f32.s32 v8;
	v14 =	vor.u32 v1, v6;
	v19 =	vld [tilespmem:s12+$0x40]  }
.Ltmp24:
0x701: {  	v12 =	vcvt.f32.s32 v12;
	v4 =	vor.u32 v1, v4;
	v8 =	vor.u32 v1, v9;
	[tilespmem:v5+s5+$0x0] =	vst.idx.add.f32.msk $0xffff, v2;
	(pc) =	sbr.rel @p0 .LBB2_50-.Ltmp24, $4  }
0x702: {  	v9 =	vor.u32 v1, v10;
	v6 =	vshll.u32 v11, $0x7;
	v5 =	vtrunc.f32 v7;
	v10 =	vld [tilespmem:s12+$0x60]  }
0x703: {  	v7 =	vcvt.f32.s32 v13;
	v20 =	vcvt.f32.s32 v5;
	[tilespmem:v15+s5+$0x0] =	vst.idx.add.f32.msk $0xffff, v2  }
0x704: {  	v5 =	vshll.u32 v12, $0x7;
	v11 =	vtrunc.f32 v16;
	[tilespmem:v17+s5+$0x0] =	vst.idx.add.f32.msk $0xffff, v2  }
0x705: {  	v12 =	vshll.u32 v20, $0x7;
	[tilespmem:v14+s5+$0x0] =	vst.idx.add.f32.msk $0xffff, v2;
	v13 =	vtrunc.f32 v19;
	v14 =	vtrunc.f32 v18  }
0x706: {  	_ =	sdelay $0x1  }
0x707: {  	v12 =	vor.u32 v1, v12  }
0x708: {  	v13 =	vcvt.f32.s32 v13;
	v14 =	vcvt.f32.s32 v14;
	v5 =	vor.u32 v1, v5  }
0x709: {  	v3 =	vcvt.f32.s32 v3;
	[tilespmem:v4+s5+$0x0] =	vst.idx.add.f32.msk $0xffff, v2;
	v4 =	vor.u32 v1, v6;
	v7 =	vshll.u32 v7, $0x7  }
0x70a: {  	[tilespmem:v9+s5+$0x0] =	vst.idx.add.f32.msk $0xffff, v2;
	v9 =	vcvt.f32.s32 v11;
	v7 =	vor.u32 v1, v7;
	v13 =	vshll.u32 v13, $0x7  }
0x70b: {  	[tilespmem:v8+s5+$0x0] =	vst.idx.add.f32.msk $0xffff, v2;
	v10 =	vtrunc.f32 v10;
	v8 =	vshll.u32 v14, $0x7;
	v13 =	vor.u32 v1, v13  }
0x70c: {  	v10 =	vcvt.f32.s32 v10;
	v3 =	vshll.u32 v3, $0x7;
	v8 =	vor.u32 v1, v8;
	[tilespmem:v12+s5+$0x0] =	vst.idx.add.f32.msk $0xffff, v2  }
0x70d: {  	v6 =	vshll.u32 v9, $0x7;
	v3 =	vor.u32 v1, v3;
	[tilespmem:v5+s5+$0x0] =	vst.idx.add.f32.msk $0xffff, v2  }
0x70e: {  	v6 =	vor.u32 v1, v6;
	v10 =	vshll.u32 v10, $0x7;
	[tilespmem:v4+s5+$0x0] =	vst.idx.add.f32.msk $0xffff, v2  }
0x70f: {  	v10 =	vor.u32 v1, v10;
	[tilespmem:v7+s5+$0x0] =	vst.idx.add.f32.msk $0xffff, v2  }
0x710: {  	[tilespmem:v13+s5+$0x0] =	vst.idx.add.f32.msk $0xffff, v2  }
0x711: {  	[tilespmem:v8+s5+$0x0] =	vst.idx.add.f32.msk $0xffff, v2  }
0x712: {  	[tilespmem:v3+s5+$0x0] =	vst.idx.add.f32.msk $0xffff, v2  }
0x713: {  	[tilespmem:v6+s5+$0x0] =	vst.idx.add.f32.msk $0xffff, v2  }
0x714: {  	[tilespmem:v10+s5+$0x0] =	vst.idx.add.f32.msk $0xffff, v2  }
0x715: {  	_ =	swait.ge [sflag:s7], $0x4000  }
0x716: {  	[sflag:s7] =	ssyncset.done $0x0  }
0x717: {  	s12 =	simm.s32 $0x4080;
	[sflag:s7] =	ssyncadd.s32 $0xFFFFC000  }
0x718: {  	v3 =	vld [tilespmem:s12+$0x30]  }
0x719: {  	v4 =	vld [tilespmem:s12+$0x50]  }
0x71a: {  	v5 =	vld [tilespmem:s12+$0xFFFFFFC0]  }
0x71b: {  	v6 =	vld [tilespmem:s12+$0xFFFFFFE0]  }
0x71c: {  	v8 =	vld [tilespmem:s12+$0xFFFFFF90]  }
0x71d: {  	v9 =	vld [tilespmem:s12+$0x40]  }
0x71e: {  	v11 =	vld [tilespmem:s12+$0xFFFFFFD0]  }
0x71f: {  	v7 =	vld [tilespmem:s12+$0xFFFFFFA0]  }
0x720: {  	v3 =	vtrunc.f32 v3;
	v10 =	vtrunc.f32 v4  }
0x721: {  	v4 =	vtrunc.f32 v5;
	v5 =	vtrunc.f32 v6  }
0x722: {  	v8 =	vtrunc.f32 v8;
	v9 =	vtrunc.f32 v9  }
0x723: {  	v11 =	vtrunc.f32 v11;
	v12 =	vcvt.f32.s32 v4  }
0x724: {  	v13 =	vld [tilespmem:s12+$0xFFFFFFB0];
	v4 =	vcvt.f32.s32 v3;
	v3 =	vtrunc.f32 v7  }
0x725: {  	v6 =	vld [tilespmem:s12+$0x20];
	v7 =	vcvt.f32.s32 v10;
	v8 =	vcvt.f32.s32 v8  }
0x726: {  	v5 =	vcvt.f32.s32 v5;
	v3 =	vcvt.f32.s32 v3  }
0x727: {  	v17 =	vld [tilespmem:s12+$0x70];
	v16 =	vcvt.f32.s32 v9;
	v10 =	vshll.u32 v12, $0x7;
	v8 =	vshll.u32 v8, $0x7  }
0x728: {  	v14 =	vld [tilespmem:s12+$0x0];
	v12 =	vor.u32 v1, v10;
	v9 =	vor.u32 v1, v8;
	v8 =	vshll.u32 v3, $0x7  }
0x729: {  	v10 =	vld [tilespmem:s12+$0x60];
	v3 =	vshll.u32 v5, $0x7;
	v5 =	vtrunc.f32 v13;
	v13 =	vcvt.f32.s32 v11  }
0x72a: {  	v15 =	vld [tilespmem:s12+$0x10];
	v6 =	vtrunc.f32 v6;
	v5 =	vcvt.f32.s32 v5  }
0x72b: {  	v16 =	vshll.u32 v16, $0x7;
	v11 =	vld [tilespmem:s12+$0xFFFFFF80];
	v8 =	vor.u32 v1, v8;
	v18 =	vcvt.f32.s32 v6  }
0x72c: {  	v6 =	vshll.u32 v7, $0x7;
	v7 =	vshll.u32 v5, $0x7;
	v5 =	vshll.u32 v13, $0x7;
	v13 =	vld [tilespmem:s12+$0xFFFFFFF0]  }
0x72d: {  	s13 =	simm.s32 $0x0;
	s14 =	simm.s32 $0x4180;
	v6 =	vor.u32 v1, v6;
	[tilespmem:v12+s5+$0x0] =	vst.idx.add.f32.msk $0xffff, v2;
	v12 =	vtrunc.f32 v17;
	v17 =	vshll.u32 v18, $0x7  }
.LBB2_52:
0x72e: {  	v18 =	vld [tilespmem:s14+$0x30];
	s13 =	sadd.s32 $0x10, s13;
	v14 =	vtrunc.f32 v14;
	v17 =	vor.u32 v1, v17;
	v10 =	vtrunc.f32 v10;
	s12 =	simm.s32 $0x8100  }
0x72f: {  	v16 =	vor.u32 v1, v16;
	v19 =	vld [tilespmem:s14+$0x50];
	p0 =	slt.u32 s13, $0x3F0;
	v15 =	vtrunc.f32 v15;
	v10 =	vcvt.f32.s32 v10  }
0x730: {  	v4 =	vshll.u32 v4, $0x7;
	v12 =	vcvt.f32.s32 v12;
	[tilespmem:v9+s5+$0x0] =	vst.idx.add.f32.msk $0xffff, v2;
	v9 =	vcvt.f32.s32 v15  }
0x731: {  	v4 =	vor.u32 v1, v4;
	v11 =	vtrunc.f32 v11;
	[tilespmem:v8+s5+$0x0] =	vst.idx.add.f32.msk $0xffff, v2;
	v8 =	vshll.u32 v10, $0x7  }
0x732: {  	v12 =	vshll.u32 v12, $0x7;
	v10 =	vld [tilespmem:s14+$0x40];
	v9 =	vshll.u32 v9, $0x7;
	v8 =	vor.u32 v1, v8  }
0x733: {  	v12 =	vor.u32 v1, v12;
	[tilespmem:v17+s5+$0x0] =	vst.idx.add.f32.msk $0xffff, v2  }
0x734: {  	v7 =	vor.u32 v1, v7;
	v11 =	vcvt.f32.s32 v11;
	v13 =	vtrunc.f32 v13;
	v15 =	vld [tilespmem:s14+$0xFFFFFFD0]  }
0x735: {  	v14 =	vcvt.f32.s32 v14;
	v13 =	vcvt.f32.s32 v13;
	v9 =	vor.u32 v1, v9;
	v17 =	vld [tilespmem:s14+$0xFFFFFF90]  }
0x736: {  	v11 =	vshll.u32 v11, $0x7;
	v20 =	vld [tilespmem:s14+$0xFFFFFFB0]  }
0x737: {  	v14 =	vshll.u32 v14, $0x7;
	v11 =	vor.u32 v1, v11;
	v13 =	vshll.u32 v13, $0x7;
	[tilespmem:v6+s5+$0x0] =	vst.idx.add.f32.msk $0xffff, v2  }
0x738: {  	[tilespmem:v16+s5+$0x0] =	vst.idx.add.f32.msk $0xffff, v2  }
0x739: {  	v5 =	vor.u32 v1, v5;
	v3 =	vor.u32 v1, v3;
	v13 =	vor.u32 v1, v13;
	v6 =	vld [tilespmem:s14+$0xFFFFFFA0]  }
0x73a: {  	v14 =	vor.u32 v1, v14;
	v16 =	vld [tilespmem:s14+$0xFFFFFFC0]  }
0x73b: {  	[tilespmem:v9+s5+$0x0] =	vst.idx.add.f32.msk $0xffff, v2  }
0x73c: {  	[tilespmem:v4+s5+$0x0] =	vst.idx.add.f32.msk $0xffff, v2  }
0x73d: {  	v4 =	vld [tilespmem:s14+$0xFFFFFFE0]  }
0x73e: {  	[tilespmem:v3+s5+$0x0] =	vst.idx.add.f32.msk $0xffff, v2  }
0x73f: {  	v3 =	vtrunc.f32 v18;
	[tilespmem:v13+s5+$0x0] =	vst.idx.add.f32.msk $0xffff, v2  }
0x740: {  	v9 =	vtrunc.f32 v19;
	[tilespmem:v11+s5+$0x0] =	vst.idx.add.f32.msk $0xffff, v2  }
0x741: {  	[tilespmem:v14+s5+$0x0] =	vst.idx.add.f32.msk $0xffff, v2  }
0x742: {  	v11 =	vtrunc.f32 v16;
	v13 =	vtrunc.f32 v4;
	v14 =	vld [tilespmem:s14+$0x20]  }
0x743: {  	v11 =	vcvt.f32.s32 v11;
	v4 =	vcvt.f32.s32 v3;
	[tilespmem:v12+s5+$0x0] =	vst.idx.add.f32.msk $0xffff, v2  }
0x744: {  	v3 =	vtrunc.f32 v6;
	v6 =	vcvt.f32.s32 v9;
	[tilespmem:v8+s5+$0x0] =	vst.idx.add.f32.msk $0xffff, v2  }
0x745: {  	v12 =	vcvt.f32.s32 v13;
	v8 =	vtrunc.f32 v17;
	[tilespmem:v7+s5+$0x0] =	vst.idx.add.f32.msk $0xffff, v2  }
0x746: {  	v9 =	vtrunc.f32 v10;
	v7 =	vcvt.f32.s32 v8;
	v8 =	vshll.u32 v11, $0x7;
	[tilespmem:v5+s5+$0x0] =	vst.idx.add.f32.msk $0xffff, v2  }
0x747: {  	v3 =	vcvt.f32.s32 v3;
	v13 =	vcvt.f32.s32 v9;
	v5 =	vor.u32 v1, v8;
	v17 =	vld [tilespmem:s14+$0x70]  }
0x748: {  	v11 =	vtrunc.f32 v15;
	v7 =	vshll.u32 v7, $0x7;
	v16 =	vtrunc.f32 v14;
	v10 =	vld [tilespmem:s14+$0x60]  }
.Ltmp25:
0x749: {  	v9 =	vor.u32 v1, v7;
	v7 =	vshll.u32 v3, $0x7;
	v3 =	vshll.u32 v12, $0x7;
	v14 =	vld [tilespmem:s14+$0x0];
	(pc) =	sbr.rel @p0 .LBB2_52-.Ltmp25, $4  }
0x74a: {  	v18 =	vcvt.f32.s32 v11;
	v8 =	vor.u32 v1, v7;
	v7 =	vtrunc.f32 v20;
	v15 =	vld [tilespmem:s14+$0x10]  }
0x74b: {  	v6 =	vshll.u32 v6, $0x7;
	v19 =	vcvt.f32.s32 v16;
	v7 =	vcvt.f32.s32 v7;
	v11 =	vld [tilespmem:s14+$0xFFFFFF80]  }
0x74c: {  	v6 =	vor.u32 v1, v6;
	v16 =	vshll.u32 v13, $0x7;
	[tilespmem:v5+s5+$0x0] =	vst.idx.add.f32.msk $0xffff, v2;
	v12 =	vtrunc.f32 v17  }
0x74d: {  	v7 =	vshll.u32 v7, $0x7;
	v5 =	vshll.u32 v18, $0x7;
	v17 =	vshll.u32 v19, $0x7;
	v13 =	vld [tilespmem:s14+$0xFFFFFFF0];
	s14 =	sadd.s32 $0x100, s14  }
0x74e: {  	_ =	sdelay $0x1  }
0x74f: {  	v17 =	vor.u32 v1, v17  }
0x750: {  	v14 =	vtrunc.f32 v14;
	v3 =	vor.u32 v1, v3;
	v15 =	vtrunc.f32 v15  }
0x751: {  	v16 =	vor.u32 v1, v16;
	v4 =	vshll.u32 v4, $0x7;
	[tilespmem:v9+s5+$0x0] =	vst.idx.add.f32.msk $0xffff, v2;
	v15 =	vcvt.f32.s32 v15  }
0x752: {  	v10 =	vtrunc.f32 v10;
	[tilespmem:v8+s5+$0x0] =	vst.idx.add.f32.msk $0xffff, v2;
	v5 =	vor.u32 v1, v5;
	v9 =	vtrunc.f32 v11  }
0x753: {  	[tilespmem:v6+s5+$0x0] =	vst.idx.add.f32.msk $0xffff, v2;
	v4 =	vor.u32 v1, v4;
	v8 =	vcvt.f32.s32 v9;
	v15 =	vshll.u32 v15, $0x7  }
0x754: {  	v10 =	vcvt.f32.s32 v10;
	v9 =	vcvt.f32.s32 v14;
	v63 =	vor.u32 v1, v15;
	[tilespmem:v17+s5+$0x0] =	vst.idx.add.f32.msk $0xffff, v2  }
0x755: {  	v13 =	vtrunc.f32 v13;
	v8 =	vshll.u32 v8, $0x7;
	[tilespmem:v3+s5+$0x0] =	vst.idx.add.f32.msk $0xffff, v2;
	v3 =	vor.u32 v1, v7  }
0x756: {  	v11 =	vcvt.f32.s32 v13;
	v9 =	vshll.u32 v9, $0x7;
	[tilespmem:v16+s5+$0x0] =	vst.idx.add.f32.msk $0xffff, v2;
	v8 =	vor.u32 v1, v8  }
0x757: {  	v12 =	vcvt.f32.s32 v12;
	v10 =	vshll.u32 v10, $0x7;
	[tilespmem:v5+s5+$0x0] =	vst.idx.add.f32.msk $0xffff, v2;
	v9 =	vor.u32 v1, v9  }
0x758: {  	[tilespmem:v4+s5+$0x0] =	vst.idx.add.f32.msk $0xffff, v2;
	v4 =	vor.u32 v1, v10;
	v11 =	vshll.u32 v11, $0x7  }
0x759: {  	v6 =	vor.u32 v1, v11;
	v11 =	vshll.u32 v12, $0x7;
	[tilespmem:v63+s5+$0x0] =	vst.idx.add.f32.msk $0xffff, v2  }
0x75a: {  	v11 =	vor.u32 v1, v11;
	[tilespmem:v3+s5+$0x0] =	vst.idx.add.f32.msk $0xffff, v2  }
0x75b: {  	[tilespmem:v8+s5+$0x0] =	vst.idx.add.f32.msk $0xffff, v2  }
0x75c: {  	s14 =	simm.s32 $0x2;
	[tilespmem:v9+s5+$0x0] =	vst.idx.add.f32.msk $0xffff, v2  }
0x75d: {  	s13 =	simm.s32 $0x0;
	v3 =	vmov s14;
	[tilespmem:v4+s5+$0x0] =	vst.idx.add.f32.msk $0xffff, v2  }
0x75e: {  	s18 =	simm.s32 $0x1;
	v4 =	vmov s13;
	v3 =	vand.u32 $0xFFFFFFFE, v3;
	[tilespmem:v6+s5+$0x0] =	vst.idx.add.f32.msk $0xffff, v2  }
0x75f: {  	v5 =	vmov s18;
	v7 =	vand.u32 $0xFFFFFFFC, v4;
	v9 =	vbroadcast v3, $0x0;
	[tilespmem:v11+s5+$0x0] =	vst.idx.add.f32.msk $0xffff, v2  }
0x760: {  	v3 =	vand.u32 $0xFFFFFFFD, v5;
	v7 =	vbroadcast v7, $0x0;
	v8 =	vld [tilespmem:s12+$0x0]  }
0x761: {  	v5 =	vbroadcast v3, $0x0;
	v6 =	vld [tilespmem:s12+$0xFFFFFF00]  }
0x762: {  	v4 =	vld [tilespmem:s12+$0xFFFFFF80]  }
0x763: {  	v3 =	vld [tilespmem:s12+$0x80]  }
0x764: {  	s16 =	simm.s32 $0x6;
	s15 =	simm.s32 $0x8;
	s14 =	simm.s32 $0x4  }
.LBB2_54:
0x765: {  	p0 =	slt.u32 s15, $0xFC;
	v10 =	vmov s16;
	[tilespmem:v9+s8+$0x0] =	vst.idx.add.f32.msk $0xffff, v8;
	s16 =	sadd.s32 $0x3, s13;
	s13 =	smov.u32 s14  }
0x766: {  	s14 =	smov.u32 s15;
	v8 =	vmov s13;
	s17 =	sadd.s32 $0x1, s13;
	v9 =	vand.u32 $0xFFFFFFFE, v10;
	[tilespmem:v7+s8+$0x0] =	vst.idx.add.f32.msk $0xffff, v6;
	v10 =	vmov s16  }
0x767: {  	s12 =	sadd.s32 $0x200, s12;
	v6 =	vand.u32 $0xFFFFFFFC, v8;
	v8 =	vmov s17;
	v9 =	vbroadcast v9, $0x0;
	[tilespmem:v5+s8+$0x0] =	vst.idx.add.f32.msk $0xffff, v4  }
.Ltmp26:
0x768: {  	v7 =	vbroadcast v6, $0x0;
	v4 =	vand.u32 $0xFFFFFFFD, v8;
	v8 =	vld [tilespmem:s12+$0x0];
	v11 =	vmov v3;
	(pc) =	sbr.rel @p0 .LBB2_54-.Ltmp26, $4  }
0x769: {  	v6 =	vld [tilespmem:s12+$0xFFFFFF00];
	v5 =	vbroadcast v4, $0x0  }
0x76a: {  	v4 =	vld [tilespmem:s12+$0xFFFFFF80]  }
0x76b: {  	v3 =	vld [tilespmem:s12+$0x80]  }
0x76c: {  	s15 =	sadd.s32 $0x4, s15;
	s16 =	sadd.s32 $0x2, s14;
	[tilespmem:v10+s8+$0x0] =	vst.idx.add.f32.msk $0xffff, v11  }
0x76d: {  	_ =	sdelay $0x3  }
0x76e: {  	[tilespmem:v9+s8+$0x0] =	vst.idx.add.f32.msk $0xffff, v8  }
0x76f: {  	v10 =	vmov s16;
	s13 =	sadd.s32 $0x3, s13;
	v8 =	vmov s14;
	s12 =	sadd.s32 $0x200, s12;
	[tilespmem:v7+s8+$0x0] =	vst.idx.add.f32.msk $0xffff, v6  }
0x770: {  	s15 =	sadd.s32 $0x1, s14;
	s16 =	sadd.s32 $0x3, s14;
	v9 =	vand.u32 $0xFFFFFFFE, v10;
	v6 =	vmov s13;
	v7 =	vand.u32 $0xFFFFFFFC, v8;
	v11 =	vld [tilespmem:s12+$0x80]  }
0x771: {  	v8 =	vmov s15;
	v12 =	vmov s16;
	v9 =	vbroadcast v9, $0x0;
	[tilespmem:v5+s8+$0x0] =	vst.idx.add.f32.msk $0xffff, v4  }
0x772: {  	v4 =	vbroadcast v7, $0x0;
	v5 =	vand.u32 $0xFFFFFFFD, v8;
	v7 =	vld [tilespmem:s12+$0x0]  }
0x773: {  	v8 =	vld [tilespmem:s12+$0xFFFFFF00];
	v5 =	vbroadcast v5, $0x0  }
0x774: {  	v10 =	vld [tilespmem:s12+$0xFFFFFF80]  }
0x775: {  	[tilespmem:v6+s8+$0x0] =	vst.idx.add.f32.msk $0xffff, v3  }
0x776: {  	[tilespmem:v12+s8+$0x0] =	vst.idx.add.f32.msk $0xffff, v11  }
0x777: {  	[tilespmem:v9+s8+$0x0] =	vst.idx.add.f32.msk $0xffff, v7  }
0x778: {  	[tilespmem:v4+s8+$0x0] =	vst.idx.add.f32.msk $0xffff, v8  }
0x779: {  	[tilespmem:v5+s8+$0x0] =	vst.idx.add.f32.msk $0xffff, v10  }
0x77a: {  	s17 =	rddreg [dreg:$0x14]  }
0x77b: {  	[spmem:s17] =	stream.strided.scatter [tilespmem:s8], [sflag:$0x4], $0x100, s2, s6, $0x38;
	[tilespmem:$0x18300] =	vst v63  }
0x77c: {  	_ =	swait.ge [sflag:s9], $0x100  }
0x77d: {  	[sflag:s9] =	ssyncset.done $0x0  }
0x77e: {  	[sflag:s9] =	ssyncadd.s32 $0xFFFFFF00  }
0x77f: {  	s18 =	simm.s32 $0x10100;
	[bflag:$0x0] =	sbarrier.arrive $0xFFFF  }
0x780: {  	[tilespmem:s18], [sflag:$0x4] =	stream.strided.gather [spmem:s21], $0x100, s2, s6, $0x38;
	[tilespmem:$0x18300] =	vst v63  }
0x781: {  	_ =	swait.ge [sflag:s9], $0x100  }
0x782: {  	[sflag:s9] =	ssyncset.done $0x0  }
0x783: {  	s13 =	simm.s32 $0x10020;
	[sflag:s9] =	ssyncadd.s32 $0xFFFFFF00  }
0x784: {  	s14 =	simm.s32 $0x10120;
	v8 =	vld [tilespmem:s13+$0x10]  }
0x785: {  	v9 =	vld [tilespmem:s14+$0x10]  }
0x786: {  	v5 =	vld [tilespmem:s14+$0xFFFFFFE0]  }
0x787: {  	v3 =	vld [tilespmem:s13+$0xFFFFFFF0]  }
0x788: {  	v7 =	vld [tilespmem:s14+$0xFFFFFFF0]  }
0x789: {  	v4 =	vld [tilespmem:s13+$0x0]  }
0x78a: {  	v6 =	vld [tilespmem:s14+$0x0];
	v9 =	vadd.f32 v9, v8  }
0x78b: {  	s15 =	simm.s32 $0x0;
	s16 =	simm.s32 $0x10060;
	v8 =	vld [tilespmem:s13+$0xFFFFFFE0]  }
.LBB2_56:
0x78c: {  	v10 =	vld [tilespmem:s16+$0x10];
	[tilespmem:s13+$0x10] =	vst v9;
	s14 =	sadd.s32 $0x40, s14  }
0x78d: {  	s15 =	sadd.s32 $0x4, s15;
	v9 =	vld [tilespmem:s14+$0x10];
	v7 =	vadd.f32 v7, v3  }
0x78e: {  	p0 =	slt.u32 s15, $0xC;
	v11 =	vld [tilespmem:s14+$0xFFFFFFE0]  }
.Ltmp27:
0x78f: {  	v3 =	vld [tilespmem:s16+$0xFFFFFFF0];
	[tilespmem:s13+$0xFFFFFFF0] =	vst v7;
	v6 =	vadd.f32 v6, v4;
	(pc) =	sbr.rel @p0 .LBB2_56-.Ltmp27, $4  }
0x790: {  	v7 =	vld [tilespmem:s14+$0xFFFFFFF0];
	v12 =	vadd.f32 v5, v8  }
0x791: {  	v4 =	vld [tilespmem:s16+$0x0];
	[tilespmem:s13+$0x0] =	vst v6  }
0x792: {  	v6 =	vld [tilespmem:s14+$0x0];
	v9 =	vadd.f32 v9, v10;
	[tilespmem:s13+$0xFFFFFFE0] =	vst v12;
	s13 =	smov.u32 s16  }
0x793: {  	s12 =	simm.s32 $0x0;
	s16 =	sadd.s32 $0x40, s16;
	v8 =	vld [tilespmem:s13+$0xFFFFFFE0];
	v5 =	vmov v11  }
0x794: {  	s14 =	sadd.s32 $0xFFFFFFFE, s24  }
0x795: {  	s15 =	sadd.s32 $0x2, s14  }
0x796: {  	v10 =	vmov s15  }
0x797: {  	v10 =	vand.u32 $0xFFFFFFFE, v10  }
0x798: {  	v10 =	vbroadcast v10, $0x0  }
0x799: {  	v3 =	vadd.f32 v7, v3  }
0x79a: {  	[tilespmem:s13+$0x10] =	vst v9;
	v4 =	vadd.f32 v6, v4  }
0x79b: {  	[tilespmem:s13+$0xFFFFFFF0] =	vst v3;
	v3 =	vadd.f32 v5, v8  }
0x79c: {  	[tilespmem:s13+$0x0] =	vst v4  }
0x79d: {  	[tilespmem:s13+$0xFFFFFFE0] =	vst v3  }
0x79e: {  	v4 =	vld.idx.msk [tilespmem:v10+s8+$0x0], $0xffff;
	_ =	sdelay $0x1  }
0x79f: {  	s17 =	sand.u32 $0x3800, s12;
	s18 =	simm.s32 $0x0  }
0x7a0: {  	s15 =	sand.u32 $0x300, s18;
	s13 =	sor.u32 $0x10200, s17  }
0x7a1: {  	s16 =	sadd.s32 s15, s13  }
0x7a2: {  	[tilespmem:s16+$0x470] =	vst v4  }
0x7a3: {  	[tilespmem:s16+$0x0] =	vst v4  }
0x7a4: {  	[tilespmem:s16+$0x10] =	vst v4  }
0x7a5: {  	[tilespmem:s16+$0x20] =	vst v4  }
0x7a6: {  	[tilespmem:s16+$0x30] =	vst v4  }
0x7a7: {  	s14 =	sadd.s32 $0x3, s14;
	[tilespmem:s16+$0x40] =	vst v4  }
0x7a8: {  	v3 =	vmov s14;
	[tilespmem:s16+$0x50] =	vst v4  }
0x7a9: {  	[tilespmem:s16+$0x60] =	vst v4  }
0x7aa: {  	[tilespmem:s16+$0x70] =	vst v4  }
0x7ab: {  	[tilespmem:s16+$0x400] =	vst v4  }
0x7ac: {  	[tilespmem:s16+$0x410] =	vst v4  }
0x7ad: {  	v3 =	vld.idx.msk [tilespmem:v3+s8+$0x0], $0xffff;
	[tilespmem:s16+$0x420] =	vst v4  }
0x7ae: {  	[tilespmem:s16+$0x430] =	vst v4  }
0x7af: {  	s14 =	simm.s32 $0x80;
	[tilespmem:s16+$0x440] =	vst v4  }
0x7b0: {  	s17 =	sand.u32 $0x380, s14;
	[tilespmem:s16+$0x450] =	vst v4  }
0x7b1: {  	s15 =	simm.s32 $0x0;
	s13 =	sadd.s32 s17, s13;
	[tilespmem:s16+$0x460] =	vst v4  }
.LBB2_58:
0x7b2: {  	s16 =	sadd.s32 s15, s24;
	s15 =	sadd.s32 $0x2, s15;
	[tilespmem:s13+$0x0] =	vst v3  }
0x7b3: {  	s17 =	sadd.s32 $0x2, s16;
	s16 =	sadd.s32 $0x3, s16;
	p0 =	slt.u32 s15, $0x3E;
	[tilespmem:s13+$0x10] =	vst v3  }
0x7b4: {  	v4 =	vmov s17;
	v5 =	vmov s16;
	[tilespmem:s13+$0x20] =	vst v3  }
0x7b5: {  	v4 =	vand.u32 $0xFFFFFFFE, v4;
	[tilespmem:s13+$0x30] =	vst v3  }
0x7b6: {  	v4 =	vbroadcast v4, $0x0;
	[tilespmem:s13+$0x40] =	vst v3  }
0x7b7: {  	[tilespmem:s13+$0x50] =	vst v3  }
0x7b8: {  	[tilespmem:s13+$0x60] =	vst v3  }
0x7b9: {  	v5 =	vld.idx.msk [tilespmem:v5+s8+$0x0], $0xffff;
	[tilespmem:s13+$0x70] =	vst v3  }
0x7ba: {  	[tilespmem:s13+$0x400] =	vst v3  }
0x7bb: {  	[tilespmem:s13+$0x410] =	vst v3  }
0x7bc: {  	v4 =	vld.idx.msk [tilespmem:v4+s8+$0x0], $0xffff;
	[tilespmem:s13+$0x420] =	vst v3  }
0x7bd: {  	[tilespmem:s13+$0x430] =	vst v3  }
0x7be: {  	s14 =	sadd.s32 $0x100, s14;
	s12 =	sadd.s32 $0x200, s12;
	[tilespmem:s13+$0x440] =	vst v3  }
0x7bf: {  	s18 =	sand.u32 $0x380, s14;
	s16 =	sand.u32 $0x3800, s12;
	s17 =	sadd.s32 $0xFFFFFF80, s14;
	[tilespmem:s13+$0x450] =	vst v3  }
0x7c0: {  	s17 =	sand.u32 $0x300, s17;
	s16 =	sor.u32 $0x10200, s16;
	[tilespmem:s13+$0x460] =	vst v3  }
0x7c1: {  	s17 =	sadd.s32 s17, s16;
	[tilespmem:s13+$0x470] =	vst v3;
	s13 =	sadd.s32 s18, s16;
	v3 =	vmov v5  }
0x7c2: {  	[tilespmem:s17+$0x470] =	vst v4  }
0x7c3: {  	[tilespmem:s17+$0x0] =	vst v4  }
0x7c4: {  	[tilespmem:s17+$0x10] =	vst v4  }
0x7c5: {  	[tilespmem:s17+$0x20] =	vst v4  }
0x7c6: {  	[tilespmem:s17+$0x30] =	vst v4  }
0x7c7: {  	[tilespmem:s17+$0x40] =	vst v4  }
0x7c8: {  	[tilespmem:s17+$0x50] =	vst v4  }
0x7c9: {  	[tilespmem:s17+$0x60] =	vst v4  }
0x7ca: {  	[tilespmem:s17+$0x70] =	vst v4  }
0x7cb: {  	[tilespmem:s17+$0x400] =	vst v4  }
0x7cc: {  	[tilespmem:s17+$0x410] =	vst v4  }
.Ltmp28:
0x7cd: {  	[tilespmem:s17+$0x420] =	vst v4;
	(pc) =	sbr.rel @p0 .LBB2_58-.Ltmp28, $4  }
0x7ce: {  	[tilespmem:s17+$0x430] =	vst v4  }
0x7cf: {  	[tilespmem:s17+$0x440] =	vst v4  }
0x7d0: {  	[tilespmem:s17+$0x450] =	vst v4  }
0x7d1: {  	[tilespmem:s17+$0x460] =	vst v4  }
0x7d2: {  	[tilespmem:s13+$0x0] =	vst v3  }
0x7d3: {  	[tilespmem:s13+$0x10] =	vst v3  }
0x7d4: {  	[tilespmem:s13+$0x20] =	vst v3  }
0x7d5: {  	[tilespmem:s13+$0x30] =	vst v3  }
0x7d6: {  	[tilespmem:s13+$0x40] =	vst v3  }
0x7d7: {  	[tilespmem:s13+$0x50] =	vst v3  }
0x7d8: {  	[tilespmem:s13+$0x60] =	vst v3  }
0x7d9: {  	[tilespmem:s13+$0x70] =	vst v3;
	s14 =	sadd.s32 $0xFFFFFFFE, s24  }
0x7da: {  	[tilespmem:s13+$0x400] =	vst v3;
	s12 =	sadd.s32 $0x42, s14  }
0x7db: {  	[tilespmem:s13+$0x410] =	vst v3;
	v4 =	vmov s12  }
0x7dc: {  	[tilespmem:s13+$0x420] =	vst v3;
	v4 =	vand.u32 $0xFFFFFFFE, v4  }
0x7dd: {  	[tilespmem:s13+$0x430] =	vst v3;
	v4 =	vbroadcast v4, $0x0  }
0x7de: {  	[tilespmem:s13+$0x440] =	vst v3  }
0x7df: {  	[tilespmem:s13+$0x450] =	vst v3  }
0x7e0: {  	[tilespmem:s13+$0x460] =	vst v3  }
0x7e1: {  	[tilespmem:s13+$0x470] =	vst v3;
	s17 =	simm.s32 $0x10200;
	s12 =	simm.s32 $0x0  }
0x7e2: {  	[hbm4b:s22+s12] =	stream.linear.scatter [tilespmem:s17], [sflag:$0x3], $0x4000, $0x38;
	[tilespmem:$0x18300] =	vst v63  }
0x7e3: {  	v4 =	vld.idx.msk [tilespmem:v4+s8+$0x0], $0xffff;
	_ =	sdelay $0x1  }
0x7e4: {  	s15 =	simm.s32 $0x0;
	s18 =	sand.u32 $0x3800, s12  }
0x7e5: {  	s15 =	sand.u32 $0x300, s15;
	s13 =	sor.u32 $0x14200, s18  }
0x7e6: {  	s16 =	sadd.s32 s15, s13  }
0x7e7: {  	[tilespmem:s16+$0x470] =	vst v4  }
0x7e8: {  	[tilespmem:s16+$0x0] =	vst v4  }
0x7e9: {  	[tilespmem:s16+$0x10] =	vst v4  }
0x7ea: {  	[tilespmem:s16+$0x20] =	vst v4  }
0x7eb: {  	[tilespmem:s16+$0x30] =	vst v4  }
0x7ec: {  	s14 =	sadd.s32 $0x43, s14;
	[tilespmem:s16+$0x40] =	vst v4  }
0x7ed: {  	v3 =	vmov s14;
	[tilespmem:s16+$0x50] =	vst v4  }
0x7ee: {  	[tilespmem:s16+$0x60] =	vst v4  }
0x7ef: {  	[tilespmem:s16+$0x70] =	vst v4  }
0x7f0: {  	[tilespmem:s16+$0x400] =	vst v4  }
0x7f1: {  	[tilespmem:s16+$0x410] =	vst v4  }
0x7f2: {  	v3 =	vld.idx.msk [tilespmem:v3+s8+$0x0], $0xffff;
	[tilespmem:s16+$0x420] =	vst v4  }
0x7f3: {  	[tilespmem:s16+$0x430] =	vst v4  }
0x7f4: {  	s14 =	simm.s32 $0x80;
	[tilespmem:s16+$0x440] =	vst v4  }
0x7f5: {  	s17 =	sand.u32 $0x380, s14;
	[tilespmem:s16+$0x450] =	vst v4  }
0x7f6: {  	s15 =	simm.s32 $0x0;
	s13 =	sadd.s32 s17, s13;
	[tilespmem:s16+$0x460] =	vst v4  }
.LBB2_60:
0x7f7: {  	s16 =	sadd.s32 s15, s24;
	s15 =	sadd.s32 $0x2, s15;
	[tilespmem:s13+$0x0] =	vst v3  }
0x7f8: {  	s17 =	sadd.s32 $0x42, s16;
	s16 =	sadd.s32 $0x43, s16;
	p0 =	slt.u32 s15, $0x3E;
	[tilespmem:s13+$0x10] =	vst v3  }
0x7f9: {  	v4 =	vmov s17;
	v5 =	vmov s16;
	[tilespmem:s13+$0x20] =	vst v3  }
0x7fa: {  	v4 =	vand.u32 $0xFFFFFFFE, v4;
	[tilespmem:s13+$0x30] =	vst v3  }
0x7fb: {  	v4 =	vbroadcast v4, $0x0;
	[tilespmem:s13+$0x40] =	vst v3  }
0x7fc: {  	[tilespmem:s13+$0x50] =	vst v3  }
0x7fd: {  	[tilespmem:s13+$0x60] =	vst v3  }
0x7fe: {  	v5 =	vld.idx.msk [tilespmem:v5+s8+$0x0], $0xffff;
	[tilespmem:s13+$0x70] =	vst v3  }
0x7ff: {  	[tilespmem:s13+$0x400] =	vst v3  }
0x800: {  	[tilespmem:s13+$0x410] =	vst v3  }
0x801: {  	v4 =	vld.idx.msk [tilespmem:v4+s8+$0x0], $0xffff;
	[tilespmem:s13+$0x420] =	vst v3  }
0x802: {  	[tilespmem:s13+$0x430] =	vst v3  }
0x803: {  	s14 =	sadd.s32 $0x100, s14;
	s12 =	sadd.s32 $0x200, s12;
	[tilespmem:s13+$0x440] =	vst v3  }
0x804: {  	s18 =	sand.u32 $0x380, s14;
	s16 =	sand.u32 $0x3800, s12;
	s17 =	sadd.s32 $0xFFFFFF80, s14;
	[tilespmem:s13+$0x450] =	vst v3  }
0x805: {  	s17 =	sand.u32 $0x300, s17;
	s16 =	sor.u32 $0x14200, s16;
	[tilespmem:s13+$0x460] =	vst v3  }
0x806: {  	s17 =	sadd.s32 s17, s16;
	[tilespmem:s13+$0x470] =	vst v3;
	s13 =	sadd.s32 s18, s16;
	v3 =	vmov v5  }
0x807: {  	[tilespmem:s17+$0x470] =	vst v4  }
0x808: {  	[tilespmem:s17+$0x0] =	vst v4  }
0x809: {  	[tilespmem:s17+$0x10] =	vst v4  }
0x80a: {  	[tilespmem:s17+$0x20] =	vst v4  }
0x80b: {  	[tilespmem:s17+$0x30] =	vst v4  }
0x80c: {  	[tilespmem:s17+$0x40] =	vst v4  }
0x80d: {  	[tilespmem:s17+$0x50] =	vst v4  }
0x80e: {  	[tilespmem:s17+$0x60] =	vst v4  }
0x80f: {  	[tilespmem:s17+$0x70] =	vst v4  }
0x810: {  	[tilespmem:s17+$0x400] =	vst v4  }
0x811: {  	[tilespmem:s17+$0x410] =	vst v4  }
.Ltmp29:
0x812: {  	[tilespmem:s17+$0x420] =	vst v4;
	(pc) =	sbr.rel @p0 .LBB2_60-.Ltmp29, $4  }
0x813: {  	[tilespmem:s17+$0x430] =	vst v4  }
0x814: {  	[tilespmem:s17+$0x440] =	vst v4  }
0x815: {  	[tilespmem:s17+$0x450] =	vst v4  }
0x816: {  	[tilespmem:s17+$0x460] =	vst v4  }
0x817: {  	[tilespmem:s13+$0x0] =	vst v3  }
0x818: {  	[tilespmem:s13+$0x10] =	vst v3  }
0x819: {  	[tilespmem:s13+$0x20] =	vst v3  }
0x81a: {  	[tilespmem:s13+$0x30] =	vst v3  }
0x81b: {  	[tilespmem:s13+$0x40] =	vst v3  }
0x81c: {  	[tilespmem:s13+$0x50] =	vst v3  }
0x81d: {  	[tilespmem:s13+$0x60] =	vst v3  }
0x81e: {  	[tilespmem:s13+$0x70] =	vst v3  }
0x81f: {  	[tilespmem:s13+$0x400] =	vst v3  }
0x820: {  	[tilespmem:s13+$0x410] =	vst v3  }
0x821: {  	[tilespmem:s13+$0x420] =	vst v3  }
0x822: {  	[tilespmem:s13+$0x430] =	vst v3  }
0x823: {  	[tilespmem:s13+$0x440] =	vst v3  }
0x824: {  	[tilespmem:s13+$0x450] =	vst v3  }
0x825: {  	[tilespmem:s13+$0x460] =	vst v3  }
0x826: {  	[tilespmem:s13+$0x470] =	vst v3;
	s12 =	simm.s32 $0x14200;
	s11 =	sadd.s32 $0x1, s11  }
0x827: {  	[hbm4b:s23+s19] =	stream.linear.scatter [tilespmem:s12], [sflag:$0x3], $0x4000, $0x38;
	[tilespmem:$0x18300] =	vst v63  }
0x828: {  	p0 =	sne.s32 s11, s25;
	_ =	swait.ge [sflag:s10], $0x4000  }
.Ltmp30:
0x829: {  	[sflag:s10] =	ssyncset.done $0x0;
	(pc) =	sbr.rel @p0 .LBB2_1-.Ltmp30, $4  }
0x82a: {  	[sflag:s10] =	ssyncadd.s32 $0xFFFFC000  }
0x82b: {  	_ =	swait.ge [sflag:s10], $0x4000  }
0x82c: {  	[sflag:s10] =	ssyncset.done $0x0  }
0x82d: {  	[sflag:s10] =	ssyncadd.s32 $0xFFFFC000  }
0x82e: {  	_ =	sfence.sel $0x180000  }
0x82f: {  	[bflag:$0x0] =	sbarrier.arrive $0xFFFF  }
0x830: {  	_ =	strace $0x90000047  }
0x831: {  	s0 =	stileid.u32;
	[bflag:$0x2] =	sbarrier.arrive $0xFFFF  }
0x832: {  	p0 =	sne.s32 s0, $0x0;
	s0 =	rddreg [dreg:$0x3]  }
0x833: {  	s0 =	sadd.s32 @!p0 $0x100000, s0  }
0x834: {  	[sflag:s0] =	ssyncadd.tile.s32 @!p0 $0x1;
	_ =	shalt  }
.Lfunc_end2:
_tile_overlayer_lowered:
.L_overlay_start_2:
0x835: {  	(tag) =	ssettag $0x2  }
0x836: {  	s0 =	rddreg [dreg:$0x0];
	s2 =	stileid.u32  }
0x837: {  	s1 =	rddreg [dreg:$0x1];
	p0 =	sne.s32 s2, $0x0  }
0x838: {  	s3 =	rddreg [dreg:$0x2];
	[bflag:$0x3] =	sbarrier.arrive $0xFFFF;
	s2 =	simm.s32 @!p0 $0x1C04  }
0x839: {  	[timem:s3], [sflag:s2] =	dma.local @!p0 [hbm:s0], s1  }
0x83a: {  	s0 =	simm.s32 @!p0 $0x4  }
0x83b: {  	_ =	swait.ge @!p0 [sflag:s0], s1  }
0x83c: {  	s1 =	ssub.s32 @!p0 $0x0, s1;
	[sflag:s0] =	ssyncset.done @!p0 $0x0  }
0x83d: {  	[sflag:s0] =	ssyncadd.s32 @!p0 s1  }
0x83e: {  	[bflag:$0x3] =	sbarrier.arrive $0xFFFF  }
0x83f: {  	_ =	shalt  }

</sc_bundles>
